<compile_context>
chip_gen: v7x
topology: tpu7x:2x2x1
jax: 0.10.2.dev20260603
libtpu: 0.0.44.dev20260713+nightly
codegen_flags: <defaults>
</compile_context>

<pallas_src>
import functools

import jax
import jax.numpy as jnp
from jax import lax
from jax.experimental import pallas as pl
from jax.experimental.pallas import tpu as pltpu
from jax.experimental.pallas import tpu_sc as plsc

B, L, V, D = 16384, 50, 1000000, 32
LP = 64

NC, NS, LANES = 2, 16, 16
NW = NC * NS
BPW = B // NW
CB = 32
NCHUNK = BPW // CB
MROWS = CB * L
IDXW = 100
NGATHER = MROWS // IDXW


def _body(midx_hbm, sidx_hbm, w_hbm, table_hbm, out_hbm,
          midx_a, midx_b, sidx_a, sidx_b, w_a, w_b,
          x_a, x_b, s_a, s_b, out_a, out_b, sem_a, sem_b):
    wid = lax.axis_index("s") * NC + lax.axis_index("c")
    wb0 = pl.multiple_of(wid * BPW, BPW)

    def stage(c, midx_v, sidx_v, w_v):
        gb0 = pl.multiple_of(wb0 + c * CB, CB)
        pltpu.sync_copy(
            midx_hbm.at[pl.ds(pl.multiple_of(gb0 // 2, CB // 2), NGATHER)],
            midx_v)
        pltpu.sync_copy(sidx_hbm.at[pl.ds(gb0, CB)], sidx_v)
        pltpu.sync_copy(w_hbm.at[pl.ds(gb0, CB)], w_v)

    def fire(midx_v, sidx_v, x_v, s_v, sem):
        for j in range(NGATHER):
            pltpu.make_async_copy(
                table_hbm.at[midx_v.at[j]],
                x_v.at[pl.ds(j * IDXW, IDXW)], sem).start()
        pltpu.make_async_copy(table_hbm.at[sidx_v], s_v, sem).start()

    def drain(midx_v, sidx_v, x_v, s_v, sem):
        for j in range(NGATHER):
            pltpu.make_async_copy(
                table_hbm.at[midx_v.at[j]],
                x_v.at[pl.ds(j * IDXW, IDXW)], sem).wait()
        pltpu.make_async_copy(table_hbm.at[sidx_v], s_v, sem).wait()

    def compute(c, w_v, x_v, s_v, out_v):
        def row(b, _):
            base = b * L
            cks = [w_v[b, pl.ds(k * LANES, LANES)] for k in range(4)]
            wsum = jnp.sum(cks[0] + cks[1] + cks[2] + cks[3])
            wsv = jnp.full((LANES,), wsum)
            a0 = jnp.zeros((LANES,), jnp.float32)
            a1 = jnp.zeros((LANES,), jnp.float32)
            b0 = jnp.zeros((LANES,), jnp.float32)
            b1 = jnp.zeros((LANES,), jnp.float32)
            for l in range(L):
                wv = cks[l // LANES].at[
                    jnp.full((LANES,), l % LANES, jnp.int32)
                ].get(mode="promise_in_bounds")
                x0 = x_v[base + l, pl.ds(0, LANES)]
                x1 = x_v[base + l, pl.ds(LANES, LANES)]
                if l % 2 == 0:
                    a0 = a0 + wv * x0
                    a1 = a1 + wv * x1
                else:
                    b0 = b0 + wv * x0
                    b1 = b1 + wv * x1
            out_v[b, pl.ds(0, LANES)] = s_v[b, pl.ds(0, LANES)]
            out_v[b, pl.ds(LANES, LANES)] = s_v[b, pl.ds(LANES, LANES)]
            out_v[b, pl.ds(2 * LANES, LANES)] = (a0 + b0) / wsv
            out_v[b, pl.ds(3 * LANES, LANES)] = (a1 + b1) / wsv
            return _

        lax.fori_loop(0, CB, row, 0)
        gb0 = pl.multiple_of(wb0 + c * CB, CB)
        pltpu.sync_copy(out_v, out_hbm.at[pl.ds(gb0, CB)])

    stage(0, midx_a, sidx_a, w_a)
    fire(midx_a, sidx_a, x_a, s_a, sem_a)

    def pair(i, _):
        ca = 2 * i
        stage(ca + 1, midx_b, sidx_b, w_b)
        fire(midx_b, sidx_b, x_b, s_b, sem_b)
        drain(midx_a, sidx_a, x_a, s_a, sem_a)
        compute(ca, w_a, x_a, s_a, out_a)

        @pl.when(i < NCHUNK // 2 - 1)
        def _prefetch():
            stage(ca + 2, midx_a, sidx_a, w_a)
            fire(midx_a, sidx_a, x_a, s_a, sem_a)

        drain(midx_b, sidx_b, x_b, s_b, sem_b)
        compute(ca + 1, w_b, x_b, s_b, out_b)
        return _

    lax.fori_loop(0, NCHUNK // 2, pair, 0)


@jax.jit
def _run(indices_single, indices_multi, weights_multi, table):
    midx = jnp.reshape(indices_multi, (B * L // IDXW, IDXW))
    wpad = jnp.pad(weights_multi, ((0, 0), (0, LP - L)))
    mesh = plsc.VectorSubcoreMesh(core_axis_name="c", subcore_axis_name="s")
    buf = lambda shape, dt: pltpu.VMEM(shape, dt)
    kern = functools.partial(
        pl.kernel,
        out_type=jax.ShapeDtypeStruct((B, 2 * D), jnp.float32),
        mesh=mesh,
        scratch_types=[
            buf((NGATHER, IDXW), jnp.int32), buf((NGATHER, IDXW), jnp.int32),
            buf((CB,), jnp.int32), buf((CB,), jnp.int32),
            buf((CB, LP), jnp.float32), buf((CB, LP), jnp.float32),
            buf((MROWS, D), jnp.float32), buf((MROWS, D), jnp.float32),
            buf((CB, D), jnp.float32), buf((CB, D), jnp.float32),
            buf((CB, 2 * D), jnp.float32), buf((CB, 2 * D), jnp.float32),
            pltpu.SemaphoreType.DMA, pltpu.SemaphoreType.DMA,
        ],
        compiler_params=pltpu.CompilerParams(
            needs_layout_passes=False, use_tc_tiling_on_sc=False),
    )(_body)
    return kern(midx, indices_single, wpad, table)


def kernel(indices_single, indices_multi, weights_multi, table):
    return _run(indices_single, indices_multi, weights_multi, table)

# --- scband reference (transcript-rebuilt; emitter-appended) ---
"""Pipeline reference for scband-embedding-layer-17892833755532 (READ-ONLY COPY).

The authoritative reference and input builder live on the scoring server;
editing this copy changes nothing except your own understanding.
"""

import jax, jax.numpy as jnp
import numpy as np

B, L, V, D = 16384, 50, 1000000, 32

def setup_inputs(seed: int = 0):
    key = jax.random.key(seed)
    k1, k2, k3, k4 = jax.random.split(key, 4)
    indices_single = jax.random.randint(k1, (B,), 0, V)
    indices_multi = jax.random.randint(k2, (B, L), 0, V)
    weights_multi = jax.random.uniform(k3, (B, L), dtype=jnp.float32)
    table = jax.random.normal(k4, (V, D), dtype=jnp.float32) * 0.02
    return {"indices_single": indices_single, "indices_multi": indices_multi, "weights_multi": weights_multi, "table": table}

def reference(indices_single, indices_multi, weights_multi, table):
    # Flatten all index fields and do a single gather, mirroring the keras layer
    flat_single = jnp.reshape(indices_single, (-1,))
    flat_multi = jnp.reshape(indices_multi, (-1,))
    all_indices = jnp.concatenate([flat_single, flat_multi], axis=0)
    all_embeddings = jnp.take(table, all_indices, axis=0)
    # Split back per-field
    n_single = flat_single.shape[0]
    emb_single = all_embeddings[:n_single]  # [B, D]
    emb_multi = jnp.reshape(all_embeddings[n_single:], (B, L, D))
    # combiner == 'weight': normalized weighted sum over the sequence axis
    sum_weights = jnp.sum(weights_multi, axis=1, keepdims=True)
    w = jnp.expand_dims(weights_multi / sum_weights, axis=-1)  # [B, L, 1]
    emb_multi_combined = jnp.sum(emb_multi * w, axis=1)  # [B, D]
    # do_concat=True: concat all field embeddings along last dim
    out = jnp.concatenate([emb_single, emb_multi_combined], axis=-1)  # [B, 2D]
    return out

if __name__ == "__main__":
    import jax
    _d = setup_inputs()
    print(jax.jit(kernel)(*tuple(_d.values())))

</pallas_src>

<mosaic_0001>
#map = affine_map<(d0, d1) -> (0, 0)>
#map1 = affine_map<(d0, d1) -> (0)>
module attributes {stable_mosaic.version = 14 : i64} {
  func.func @_body(%arg0: i32, %arg1: i32, %arg2: memref<8192x100xi32, #tpu.memory_space<hbm>>, %arg3: memref<16384xi32, #tpu.memory_space<hbm>>, %arg4: memref<16384x64xf32, #tpu.memory_space<hbm>>, %arg5: memref<1000000x32xf32, #tpu.memory_space<hbm>>, %arg6: memref<16384x64xf32, #tpu.memory_space<hbm>>, %arg7: memref<16x100xi32, #tpu.memory_space<vmem>>, %arg8: memref<16x100xi32, #tpu.memory_space<vmem>>, %arg9: memref<32xi32, #tpu.memory_space<vmem>>, %arg10: memref<32xi32, #tpu.memory_space<vmem>>, %arg11: memref<32x64xf32, #tpu.memory_space<vmem>>, %arg12: memref<32x64xf32, #tpu.memory_space<vmem>>, %arg13: memref<1600x32xf32, #tpu.memory_space<vmem>>, %arg14: memref<1600x32xf32, #tpu.memory_space<vmem>>, %arg15: memref<32x32xf32, #tpu.memory_space<vmem>>, %arg16: memref<32x32xf32, #tpu.memory_space<vmem>>, %arg17: memref<32x64xf32, #tpu.memory_space<vmem>>, %arg18: memref<32x64xf32, #tpu.memory_space<vmem>>, %arg19: memref<!tpu.dma_semaphore, #tpu.memory_space<semaphore_mem>>, %arg20: memref<!tpu.dma_semaphore, #tpu.memory_space<semaphore_mem>>) attributes {dimension_semantics = [#tpu.dimension_semantics<core_parallel>, #tpu.dimension_semantics<subcore_parallel>], iteration_bounds = array<i64: 2, 16>, scalar_prefetch = 0 : i64, scratch_operands = 14 : i64, tpu.core_type = #tpu.core_type<sc_vector_subcore>, window_params = [{transform_indices = #map}, {transform_indices = #map1}, {transform_indices = #map}, {transform_indices = #map}, {transform_indices = #map}]} {
    %mul3A = arith.constant 2 : i32
    %mul3A_0 = arith.muli %arg1, %mul3A : i32
    %add3A = arith.addi %mul3A_0, %arg0 : i32
    %mul3A_1 = arith.constant 512 : i32
    %mul3A_2 = arith.muli %add3A, %mul3A_1 : i32
    %multiple_of3A = tpu.assume_multiple %mul3A_2, 512 : i32
    %add3A_3 = arith.constant 0 : i32
    %add3A_4 = arith.addi %multiple_of3A, %add3A_3 : i32
    %multiple_of3A_5 = tpu.assume_multiple %add3A_4, 32 : i32
    %jit3A = arith.constant 2 : i32
    %div3A = arith.divsi %multiple_of3A_5, %jit3A : i32
    %sign3A = arith.constant 0 : i32
    %sign3A_6 = arith.cmpi sgt, %multiple_of3A_5, %sign3A : i32
    %sign3A_7 = arith.extui %sign3A_6 : i1 to i32
    %sign3A_8 = arith.constant 0 : i32
    %sign3A_9 = arith.cmpi slt, %multiple_of3A_5, %sign3A_8 : i32
    %sign3A_10 = arith.extui %sign3A_9 : i1 to i32
    %sign3A_11 = arith.subi %sign3A_7, %sign3A_10 : i32
    %sign3A_12 = arith.constant 0 : i32
    %sign3A_13 = arith.cmpi sgt, %jit3A, %sign3A_12 : i32
    %sign3A_14 = arith.extui %sign3A_13 : i1 to i32
    %sign3A_15 = arith.constant 0 : i32
    %sign3A_16 = arith.cmpi slt, %jit3A, %sign3A_15 : i32
    %sign3A_17 = arith.extui %sign3A_16 : i1 to i32
    %sign3A_18 = arith.subi %sign3A_14, %sign3A_17 : i32
    %ne3A = arith.cmpi ne, %sign3A_11, %sign3A_18 : i32
    %rem3A = arith.remsi %multiple_of3A_5, %jit3A : i32
    %ne3A_19 = arith.constant 0 : i32
    %ne3A_20 = arith.cmpi ne, %rem3A, %ne3A_19 : i32
    %and3A = arith.andi %ne3A, %ne3A_20 : i1
    %sub3A = arith.constant 1 : i32
    %sub3A_21 = arith.subi %div3A, %sub3A : i32
    %select_n3A = arith.select %and3A, %sub3A_21, %div3A : i32
    %multiple_of3A_22 = tpu.assume_multiple %select_n3A, 16 : i32
    "tpu.region"() ({
      %run_scoped3A = tpu.sem_alloc : memref<!tpu.dma_semaphore, #tpu.memory_space<semaphore_mem>>
      %dma_start3A_190 = arith.constant 0 : i32
      %dma_start3A_191 = tpu.memref_slice %arg2[%multiple_of3A_22, %dma_start3A_190] : memref<8192x100xi32, #tpu.memory_space<hbm>> -> memref<16x100xi32, #tpu.memory_space<hbm>>
      %dma_start3A_192 = arith.constant 0 : i32
      %dma_start3A_193 = tpu.memref_slice %arg2[%multiple_of3A_22, %dma_start3A_192] : memref<8192x100xi32, #tpu.memory_space<hbm>> -> memref<16x100xi32, #tpu.memory_space<hbm>>
      tpu.enqueue_dma source(%dma_start3A_193 : memref<16x100xi32, #tpu.memory_space<hbm>>) target(%arg7 : memref<16x100xi32, #tpu.memory_space<vmem>>) target_semaphore(%run_scoped3A : memref<!tpu.dma_semaphore, #tpu.memory_space<semaphore_mem>>)
      %dma_wait3A = arith.constant 0 : i32
      %dma_wait3A_194 = tpu.memref_slice %arg2[%multiple_of3A_22, %dma_wait3A] : memref<8192x100xi32, #tpu.memory_space<hbm>> -> memref<16x100xi32, #tpu.memory_space<hbm>>
      %dma_wait3A_195 = arith.constant 0 : i32
      %dma_wait3A_196 = tpu.memref_slice %arg2[%multiple_of3A_22, %dma_wait3A_195] : memref<8192x100xi32, #tpu.memory_space<hbm>> -> memref<16x100xi32, #tpu.memory_space<hbm>>
      tpu.wait_dma2 semaphore(%run_scoped3A : memref<!tpu.dma_semaphore, #tpu.memory_space<semaphore_mem>>) src(%dma_wait3A_196 : memref<16x100xi32, #tpu.memory_space<hbm>>) dst(%arg7 : memref<16x100xi32, #tpu.memory_space<vmem>>)
      tpu.yield
    }) : () -> ()
    "tpu.region"() ({
      %run_scoped3A = tpu.sem_alloc : memref<!tpu.dma_semaphore, #tpu.memory_space<semaphore_mem>>
      %dma_start3A_190 = tpu.memref_slice %arg3[%multiple_of3A_5] : memref<16384xi32, #tpu.memory_space<hbm>> -> memref<32xi32, #tpu.memory_space<hbm>>
      %dma_start3A_191 = tpu.memref_slice %arg3[%multiple_of3A_5] : memref<16384xi32, #tpu.memory_space<hbm>> -> memref<32xi32, #tpu.memory_space<hbm>>
      tpu.enqueue_dma source(%dma_start3A_191 : memref<32xi32, #tpu.memory_space<hbm>>) target(%arg9 : memref<32xi32, #tpu.memory_space<vmem>>) target_semaphore(%run_scoped3A : memref<!tpu.dma_semaphore, #tpu.memory_space<semaphore_mem>>)
      %dma_wait3A = tpu.memref_slice %arg3[%multiple_of3A_5] : memref<16384xi32, #tpu.memory_space<hbm>> -> memref<32xi32, #tpu.memory_space<hbm>>
      %dma_wait3A_192 = tpu.memref_slice %arg3[%multiple_of3A_5] : memref<16384xi32, #tpu.memory_space<hbm>> -> memref<32xi32, #tpu.memory_space<hbm>>
      tpu.wait_dma2 semaphore(%run_scoped3A : memref<!tpu.dma_semaphore, #tpu.memory_space<semaphore_mem>>) src(%dma_wait3A_192 : memref<32xi32, #tpu.memory_space<hbm>>) dst(%arg9 : memref<32xi32, #tpu.memory_space<vmem>>)
      tpu.yield
    }) : () -> ()
    "tpu.region"() ({
      %run_scoped3A = tpu.sem_alloc : memref<!tpu.dma_semaphore, #tpu.memory_space<semaphore_mem>>
      %dma_start3A_190 = arith.constant 0 : i32
      %dma_start3A_191 = tpu.memref_slice %arg4[%multiple_of3A_5, %dma_start3A_190] : memref<16384x64xf32, #tpu.memory_space<hbm>> -> memref<32x64xf32, #tpu.memory_space<hbm>>
      %dma_start3A_192 = arith.constant 0 : i32
      %dma_start3A_193 = tpu.memref_slice %arg4[%multiple_of3A_5, %dma_start3A_192] : memref<16384x64xf32, #tpu.memory_space<hbm>> -> memref<32x64xf32, #tpu.memory_space<hbm>>
      tpu.enqueue_dma source(%dma_start3A_193 : memref<32x64xf32, #tpu.memory_space<hbm>>) target(%arg11 : memref<32x64xf32, #tpu.memory_space<vmem>>) target_semaphore(%run_scoped3A : memref<!tpu.dma_semaphore, #tpu.memory_space<semaphore_mem>>)
      %dma_wait3A = arith.constant 0 : i32
      %dma_wait3A_194 = tpu.memref_slice %arg4[%multiple_of3A_5, %dma_wait3A] : memref<16384x64xf32, #tpu.memory_space<hbm>> -> memref<32x64xf32, #tpu.memory_space<hbm>>
      %dma_wait3A_195 = arith.constant 0 : i32
      %dma_wait3A_196 = tpu.memref_slice %arg4[%multiple_of3A_5, %dma_wait3A_195] : memref<16384x64xf32, #tpu.memory_space<hbm>> -> memref<32x64xf32, #tpu.memory_space<hbm>>
      tpu.wait_dma2 semaphore(%run_scoped3A : memref<!tpu.dma_semaphore, #tpu.memory_space<semaphore_mem>>) src(%dma_wait3A_196 : memref<32x64xf32, #tpu.memory_space<hbm>>) dst(%arg11 : memref<32x64xf32, #tpu.memory_space<vmem>>)
      tpu.yield
    }) : () -> ()
    %dma_start3A = arith.constant 0 : i32
    %dma_start3A_23 = arith.constant 0 : i32
    %dma_start3A_24 = arith.constant 0 : i32
    %dma_start3A_25 = tpu.memref_slice %arg13[%dma_start3A_23, %dma_start3A_24] : memref<1600x32xf32, #tpu.memory_space<vmem>> -> memref<100x32xf32, #tpu.memory_space<vmem>>
    %dma_start3A_26 = arith.constant 0 : i32
    %dma_start3A_27 = tpu.memref_slice %arg7[%dma_start3A, %dma_start3A_26] : memref<16x100xi32, #tpu.memory_space<vmem>> -> memref<1x100xi32, #tpu.memory_space<vmem>>
    %dma_start3A_28 = tpu.memref_squeeze %dma_start3A_27 : memref<1x100xi32, #tpu.memory_space<vmem>> -> memref<100xi32, #tpu.memory_space<vmem>>
    %dma_start3A_29 = arith.constant 0 : i32
    %dma_start3A_30 = arith.constant 0 : i32
    %dma_start3A_31 = tpu.memref_slice %arg5[%dma_start3A_29, %dma_start3A_30] : memref<1000000x32xf32, #tpu.memory_space<hbm>> -> memref<1000000x32xf32, #tpu.memory_space<hbm>>
    tpu.enqueue_indirect_dma source(%dma_start3A_31 : memref<1000000x32xf32, #tpu.memory_space<hbm>>) target(%dma_start3A_25 : memref<100x32xf32, #tpu.memory_space<vmem>>) offsets(%dma_start3A_28 : memref<100xi32, #tpu.memory_space<vmem>>) semaphore(%arg19 : memref<!tpu.dma_semaphore, #tpu.memory_space<semaphore_mem>>)
    %dma_start3A_32 = arith.constant 1 : i32
    %dma_start3A_33 = arith.constant 100 : i32
    %dma_start3A_34 = arith.constant 0 : i32
    %dma_start3A_35 = tpu.memref_slice %arg13[%dma_start3A_33, %dma_start3A_34] : memref<1600x32xf32, #tpu.memory_space<vmem>> -> memref<100x32xf32, #tpu.memory_space<vmem>>
    %dma_start3A_36 = arith.constant 0 : i32
    %dma_start3A_37 = tpu.memref_slice %arg7[%dma_start3A_32, %dma_start3A_36] : memref<16x100xi32, #tpu.memory_space<vmem>> -> memref<1x100xi32, #tpu.memory_space<vmem>>
    %dma_start3A_38 = tpu.memref_squeeze %dma_start3A_37 : memref<1x100xi32, #tpu.memory_space<vmem>> -> memref<100xi32, #tpu.memory_space<vmem>>
    %dma_start3A_39 = arith.constant 0 : i32
    %dma_start3A_40 = arith.constant 0 : i32
    %dma_start3A_41 = tpu.memref_slice %arg5[%dma_start3A_39, %dma_start3A_40] : memref<1000000x32xf32, #tpu.memory_space<hbm>> -> memref<1000000x32xf32, #tpu.memory_space<hbm>>
    tpu.enqueue_indirect_dma source(%dma_start3A_41 : memref<1000000x32xf32, #tpu.memory_space<hbm>>) target(%dma_start3A_35 : memref<100x32xf32, #tpu.memory_space<vmem>>) offsets(%dma_start3A_38 : memref<100xi32, #tpu.memory_space<vmem>>) semaphore(%arg19 : memref<!tpu.dma_semaphore, #tpu.memory_space<semaphore_mem>>)
    %dma_start3A_42 = arith.constant 2 : i32
    %dma_start3A_43 = arith.constant 200 : i32
    %dma_start3A_44 = arith.constant 0 : i32
    %dma_start3A_45 = tpu.memref_slice %arg13[%dma_start3A_43, %dma_start3A_44] : memref<1600x32xf32, #tpu.memory_space<vmem>> -> memref<100x32xf32, #tpu.memory_space<vmem>>
    %dma_start3A_46 = arith.constant 0 : i32
    %dma_start3A_47 = tpu.memref_slice %arg7[%dma_start3A_42, %dma_start3A_46] : memref<16x100xi32, #tpu.memory_space<vmem>> -> memref<1x100xi32, #tpu.memory_space<vmem>>
    %dma_start3A_48 = tpu.memref_squeeze %dma_start3A_47 : memref<1x100xi32, #tpu.memory_space<vmem>> -> memref<100xi32, #tpu.memory_space<vmem>>
    %dma_start3A_49 = arith.constant 0 : i32
    %dma_start3A_50 = arith.constant 0 : i32
    %dma_start3A_51 = tpu.memref_slice %arg5[%dma_start3A_49, %dma_start3A_50] : memref<1000000x32xf32, #tpu.memory_space<hbm>> -> memref<1000000x32xf32, #tpu.memory_space<hbm>>
    tpu.enqueue_indirect_dma source(%dma_start3A_51 : memref<1000000x32xf32, #tpu.memory_space<hbm>>) target(%dma_start3A_45 : memref<100x32xf32, #tpu.memory_space<vmem>>) offsets(%dma_start3A_48 : memref<100xi32, #tpu.memory_space<vmem>>) semaphore(%arg19 : memref<!tpu.dma_semaphore, #tpu.memory_space<semaphore_mem>>)
    %dma_start3A_52 = arith.constant 3 : i32
    %dma_start3A_53 = arith.constant 300 : i32
    %dma_start3A_54 = arith.constant 0 : i32
    %dma_start3A_55 = tpu.memref_slice %arg13[%dma_start3A_53, %dma_start3A_54] : memref<1600x32xf32, #tpu.memory_space<vmem>> -> memref<100x32xf32, #tpu.memory_space<vmem>>
    %dma_start3A_56 = arith.constant 0 : i32
    %dma_start3A_57 = tpu.memref_slice %arg7[%dma_start3A_52, %dma_start3A_56] : memref<16x100xi32, #tpu.memory_space<vmem>> -> memref<1x100xi32, #tpu.memory_space<vmem>>
    %dma_start3A_58 = tpu.memref_squeeze %dma_start3A_57 : memref<1x100xi32, #tpu.memory_space<vmem>> -> memref<100xi32, #tpu.memory_space<vmem>>
    %dma_start3A_59 = arith.constant 0 : i32
    %dma_start3A_60 = arith.constant 0 : i32
    %dma_start3A_61 = tpu.memref_slice %arg5[%dma_start3A_59, %dma_start3A_60] : memref<1000000x32xf32, #tpu.memory_space<hbm>> -> memref<1000000x32xf32, #tpu.memory_space<hbm>>
    tpu.enqueue_indirect_dma source(%dma_start3A_61 : memref<1000000x32xf32, #tpu.memory_space<hbm>>) target(%dma_start3A_55 : memref<100x32xf32, #tpu.memory_space<vmem>>) offsets(%dma_start3A_58 : memref<100xi32, #tpu.memory_space<vmem>>) semaphore(%arg19 : memref<!tpu.dma_semaphore, #tpu.memory_space<semaphore_mem>>)
    %dma_start3A_62 = arith.constant 4 : i32
    %dma_start3A_63 = arith.constant 400 : i32
    %dma_start3A_64 = arith.constant 0 : i32
    %dma_start3A_65 = tpu.memref_slice %arg13[%dma_start3A_63, %dma_start3A_64] : memref<1600x32xf32, #tpu.memory_space<vmem>> -> memref<100x32xf32, #tpu.memory_space<vmem>>
    %dma_start3A_66 = arith.constant 0 : i32
    %dma_start3A_67 = tpu.memref_slice %arg7[%dma_start3A_62, %dma_start3A_66] : memref<16x100xi32, #tpu.memory_space<vmem>> -> memref<1x100xi32, #tpu.memory_space<vmem>>
    %dma_start3A_68 = tpu.memref_squeeze %dma_start3A_67 : memref<1x100xi32, #tpu.memory_space<vmem>> -> memref<100xi32, #tpu.memory_space<vmem>>
    %dma_start3A_69 = arith.constant 0 : i32
    %dma_start3A_70 = arith.constant 0 : i32
    %dma_start3A_71 = tpu.memref_slice %arg5[%dma_start3A_69, %dma_start3A_70] : memref<1000000x32xf32, #tpu.memory_space<hbm>> -> memref<1000000x32xf32, #tpu.memory_space<hbm>>
    tpu.enqueue_indirect_dma source(%dma_start3A_71 : memref<1000000x32xf32, #tpu.memory_space<hbm>>) target(%dma_start3A_65 : memref<100x32xf32, #tpu.memory_space<vmem>>) offsets(%dma_start3A_68 : memref<100xi32, #tpu.memory_space<vmem>>) semaphore(%arg19 : memref<!tpu.dma_semaphore, #tpu.memory_space<semaphore_mem>>)
    %dma_start3A_72 = arith.constant 5 : i32
    %dma_start3A_73 = arith.constant 500 : i32
    %dma_start3A_74 = arith.constant 0 : i32
    %dma_start3A_75 = tpu.memref_slice %arg13[%dma_start3A_73, %dma_start3A_74] : memref<1600x32xf32, #tpu.memory_space<vmem>> -> memref<100x32xf32, #tpu.memory_space<vmem>>
    %dma_start3A_76 = arith.constant 0 : i32
    %dma_start3A_77 = tpu.memref_slice %arg7[%dma_start3A_72, %dma_start3A_76] : memref<16x100xi32, #tpu.memory_space<vmem>> -> memref<1x100xi32, #tpu.memory_space<vmem>>
    %dma_start3A_78 = tpu.memref_squeeze %dma_start3A_77 : memref<1x100xi32, #tpu.memory_space<vmem>> -> memref<100xi32, #tpu.memory_space<vmem>>
    %dma_start3A_79 = arith.constant 0 : i32
    %dma_start3A_80 = arith.constant 0 : i32
    %dma_start3A_81 = tpu.memref_slice %arg5[%dma_start3A_79, %dma_start3A_80] : memref<1000000x32xf32, #tpu.memory_space<hbm>> -> memref<1000000x32xf32, #tpu.memory_space<hbm>>
    tpu.enqueue_indirect_dma source(%dma_start3A_81 : memref<1000000x32xf32, #tpu.memory_space<hbm>>) target(%dma_start3A_75 : memref<100x32xf32, #tpu.memory_space<vmem>>) offsets(%dma_start3A_78 : memref<100xi32, #tpu.memory_space<vmem>>) semaphore(%arg19 : memref<!tpu.dma_semaphore, #tpu.memory_space<semaphore_mem>>)
    %dma_start3A_82 = arith.constant 6 : i32
    %dma_start3A_83 = arith.constant 600 : i32
    %dma_start3A_84 = arith.constant 0 : i32
    %dma_start3A_85 = tpu.memref_slice %arg13[%dma_start3A_83, %dma_start3A_84] : memref<1600x32xf32, #tpu.memory_space<vmem>> -> memref<100x32xf32, #tpu.memory_space<vmem>>
    %dma_start3A_86 = arith.constant 0 : i32
    %dma_start3A_87 = tpu.memref_slice %arg7[%dma_start3A_82, %dma_start3A_86] : memref<16x100xi32, #tpu.memory_space<vmem>> -> memref<1x100xi32, #tpu.memory_space<vmem>>
    %dma_start3A_88 = tpu.memref_squeeze %dma_start3A_87 : memref<1x100xi32, #tpu.memory_space<vmem>> -> memref<100xi32, #tpu.memory_space<vmem>>
    %dma_start3A_89 = arith.constant 0 : i32
    %dma_start3A_90 = arith.constant 0 : i32
    %dma_start3A_91 = tpu.memref_slice %arg5[%dma_start3A_89, %dma_start3A_90] : memref<1000000x32xf32, #tpu.memory_space<hbm>> -> memref<1000000x32xf32, #tpu.memory_space<hbm>>
    tpu.enqueue_indirect_dma source(%dma_start3A_91 : memref<1000000x32xf32, #tpu.memory_space<hbm>>) target(%dma_start3A_85 : memref<100x32xf32, #tpu.memory_space<vmem>>) offsets(%dma_start3A_88 : memref<100xi32, #tpu.memory_space<vmem>>) semaphore(%arg19 : memref<!tpu.dma_semaphore, #tpu.memory_space<semaphore_mem>>)
    %dma_start3A_92 = arith.constant 7 : i32
    %dma_start3A_93 = arith.constant 700 : i32
    %dma_start3A_94 = arith.constant 0 : i32
    %dma_start3A_95 = tpu.memref_slice %arg13[%dma_start3A_93, %dma_start3A_94] : memref<1600x32xf32, #tpu.memory_space<vmem>> -> memref<100x32xf32, #tpu.memory_space<vmem>>
    %dma_start3A_96 = arith.constant 0 : i32
    %dma_start3A_97 = tpu.memref_slice %arg7[%dma_start3A_92, %dma_start3A_96] : memref<16x100xi32, #tpu.memory_space<vmem>> -> memref<1x100xi32, #tpu.memory_space<vmem>>
    %dma_start3A_98 = tpu.memref_squeeze %dma_start3A_97 : memref<1x100xi32, #tpu.memory_space<vmem>> -> memref<100xi32, #tpu.memory_space<vmem>>
    %dma_start3A_99 = arith.constant 0 : i32
    %dma_start3A_100 = arith.constant 0 : i32
    %dma_start3A_101 = tpu.memref_slice %arg5[%dma_start3A_99, %dma_start3A_100] : memref<1000000x32xf32, #tpu.memory_space<hbm>> -> memref<1000000x32xf32, #tpu.memory_space<hbm>>
    tpu.enqueue_indirect_dma source(%dma_start3A_101 : memref<1000000x32xf32, #tpu.memory_space<hbm>>) target(%dma_start3A_95 : memref<100x32xf32, #tpu.memory_space<vmem>>) offsets(%dma_start3A_98 : memref<100xi32, #tpu.memory_space<vmem>>) semaphore(%arg19 : memref<!tpu.dma_semaphore, #tpu.memory_space<semaphore_mem>>)
    %dma_start3A_102 = arith.constant 8 : i32
    %dma_start3A_103 = arith.constant 800 : i32
    %dma_start3A_104 = arith.constant 0 : i32
    %dma_start3A_105 = tpu.memref_slice %arg13[%dma_start3A_103, %dma_start3A_104] : memref<1600x32xf32, #tpu.memory_space<vmem>> -> memref<100x32xf32, #tpu.memory_space<vmem>>
    %dma_start3A_106 = arith.constant 0 : i32
    %dma_start3A_107 = tpu.memref_slice %arg7[%dma_start3A_102, %dma_start3A_106] : memref<16x100xi32, #tpu.memory_space<vmem>> -> memref<1x100xi32, #tpu.memory_space<vmem>>
    %dma_start3A_108 = tpu.memref_squeeze %dma_start3A_107 : memref<1x100xi32, #tpu.memory_space<vmem>> -> memref<100xi32, #tpu.memory_space<vmem>>
    %dma_start3A_109 = arith.constant 0 : i32
    %dma_start3A_110 = arith.constant 0 : i32
    %dma_start3A_111 = tpu.memref_slice %arg5[%dma_start3A_109, %dma_start3A_110] : memref<1000000x32xf32, #tpu.memory_space<hbm>> -> memref<1000000x32xf32, #tpu.memory_space<hbm>>
    tpu.enqueue_indirect_dma source(%dma_start3A_111 : memref<1000000x32xf32, #tpu.memory_space<hbm>>) target(%dma_start3A_105 : memref<100x32xf32, #tpu.memory_space<vmem>>) offsets(%dma_start3A_108 : memref<100xi32, #tpu.memory_space<vmem>>) semaphore(%arg19 : memref<!tpu.dma_semaphore, #tpu.memory_space<semaphore_mem>>)
    %dma_start3A_112 = arith.constant 9 : i32
    %dma_start3A_113 = arith.constant 900 : i32
    %dma_start3A_114 = arith.constant 0 : i32
    %dma_start3A_115 = tpu.memref_slice %arg13[%dma_start3A_113, %dma_start3A_114] : memref<1600x32xf32, #tpu.memory_space<vmem>> -> memref<100x32xf32, #tpu.memory_space<vmem>>
    %dma_start3A_116 = arith.constant 0 : i32
    %dma_start3A_117 = tpu.memref_slice %arg7[%dma_start3A_112, %dma_start3A_116] : memref<16x100xi32, #tpu.memory_space<vmem>> -> memref<1x100xi32, #tpu.memory_space<vmem>>
    %dma_start3A_118 = tpu.memref_squeeze %dma_start3A_117 : memref<1x100xi32, #tpu.memory_space<vmem>> -> memref<100xi32, #tpu.memory_space<vmem>>
    %dma_start3A_119 = arith.constant 0 : i32
    %dma_start3A_120 = arith.constant 0 : i32
    %dma_start3A_121 = tpu.memref_slice %arg5[%dma_start3A_119, %dma_start3A_120] : memref<1000000x32xf32, #tpu.memory_space<hbm>> -> memref<1000000x32xf32, #tpu.memory_space<hbm>>
    tpu.enqueue_indirect_dma source(%dma_start3A_121 : memref<1000000x32xf32, #tpu.memory_space<hbm>>) target(%dma_start3A_115 : memref<100x32xf32, #tpu.memory_space<vmem>>) offsets(%dma_start3A_118 : memref<100xi32, #tpu.memory_space<vmem>>) semaphore(%arg19 : memref<!tpu.dma_semaphore, #tpu.memory_space<semaphore_mem>>)
    %dma_start3A_122 = arith.constant 10 : i32
    %dma_start3A_123 = arith.constant 1000 : i32
    %dma_start3A_124 = arith.constant 0 : i32
    %dma_start3A_125 = tpu.memref_slice %arg13[%dma_start3A_123, %dma_start3A_124] : memref<1600x32xf32, #tpu.memory_space<vmem>> -> memref<100x32xf32, #tpu.memory_space<vmem>>
    %dma_start3A_126 = arith.constant 0 : i32
    %dma_start3A_127 = tpu.memref_slice %arg7[%dma_start3A_122, %dma_start3A_126] : memref<16x100xi32, #tpu.memory_space<vmem>> -> memref<1x100xi32, #tpu.memory_space<vmem>>
    %dma_start3A_128 = tpu.memref_squeeze %dma_start3A_127 : memref<1x100xi32, #tpu.memory_space<vmem>> -> memref<100xi32, #tpu.memory_space<vmem>>
    %dma_start3A_129 = arith.constant 0 : i32
    %dma_start3A_130 = arith.constant 0 : i32
    %dma_start3A_131 = tpu.memref_slice %arg5[%dma_start3A_129, %dma_start3A_130] : memref<1000000x32xf32, #tpu.memory_space<hbm>> -> memref<1000000x32xf32, #tpu.memory_space<hbm>>
    tpu.enqueue_indirect_dma source(%dma_start3A_131 : memref<1000000x32xf32, #tpu.memory_space<hbm>>) target(%dma_start3A_125 : memref<100x32xf32, #tpu.memory_space<vmem>>) offsets(%dma_start3A_128 : memref<100xi32, #tpu.memory_space<vmem>>) semaphore(%arg19 : memref<!tpu.dma_semaphore, #tpu.memory_space<semaphore_mem>>)
    %dma_start3A_132 = arith.constant 11 : i32
    %dma_start3A_133 = arith.constant 1100 : i32
    %dma_start3A_134 = arith.constant 0 : i32
    %dma_start3A_135 = tpu.memref_slice %arg13[%dma_start3A_133, %dma_start3A_134] : memref<1600x32xf32, #tpu.memory_space<vmem>> -> memref<100x32xf32, #tpu.memory_space<vmem>>
    %dma_start3A_136 = arith.constant 0 : i32
    %dma_start3A_137 = tpu.memref_slice %arg7[%dma_start3A_132, %dma_start3A_136] : memref<16x100xi32, #tpu.memory_space<vmem>> -> memref<1x100xi32, #tpu.memory_space<vmem>>
    %dma_start3A_138 = tpu.memref_squeeze %dma_start3A_137 : memref<1x100xi32, #tpu.memory_space<vmem>> -> memref<100xi32, #tpu.memory_space<vmem>>
    %dma_start3A_139 = arith.constant 0 : i32
    %dma_start3A_140 = arith.constant 0 : i32
    %dma_start3A_141 = tpu.memref_slice %arg5[%dma_start3A_139, %dma_start3A_140] : memref<1000000x32xf32, #tpu.memory_space<hbm>> -> memref<1000000x32xf32, #tpu.memory_space<hbm>>
    tpu.enqueue_indirect_dma source(%dma_start3A_141 : memref<1000000x32xf32, #tpu.memory_space<hbm>>) target(%dma_start3A_135 : memref<100x32xf32, #tpu.memory_space<vmem>>) offsets(%dma_start3A_138 : memref<100xi32, #tpu.memory_space<vmem>>) semaphore(%arg19 : memref<!tpu.dma_semaphore, #tpu.memory_space<semaphore_mem>>)
    %dma_start3A_142 = arith.constant 12 : i32
    %dma_start3A_143 = arith.constant 1200 : i32
    %dma_start3A_144 = arith.constant 0 : i32
    %dma_start3A_145 = tpu.memref_slice %arg13[%dma_start3A_143, %dma_start3A_144] : memref<1600x32xf32, #tpu.memory_space<vmem>> -> memref<100x32xf32, #tpu.memory_space<vmem>>
    %dma_start3A_146 = arith.constant 0 : i32
    %dma_start3A_147 = tpu.memref_slice %arg7[%dma_start3A_142, %dma_start3A_146] : memref<16x100xi32, #tpu.memory_space<vmem>> -> memref<1x100xi32, #tpu.memory_space<vmem>>
    %dma_start3A_148 = tpu.memref_squeeze %dma_start3A_147 : memref<1x100xi32, #tpu.memory_space<vmem>> -> memref<100xi32, #tpu.memory_space<vmem>>
    %dma_start3A_149 = arith.constant 0 : i32
    %dma_start3A_150 = arith.constant 0 : i32
    %dma_start3A_151 = tpu.memref_slice %arg5[%dma_start3A_149, %dma_start3A_150] : memref<1000000x32xf32, #tpu.memory_space<hbm>> -> memref<1000000x32xf32, #tpu.memory_space<hbm>>
    tpu.enqueue_indirect_dma source(%dma_start3A_151 : memref<1000000x32xf32, #tpu.memory_space<hbm>>) target(%dma_start3A_145 : memref<100x32xf32, #tpu.memory_space<vmem>>) offsets(%dma_start3A_148 : memref<100xi32, #tpu.memory_space<vmem>>) semaphore(%arg19 : memref<!tpu.dma_semaphore, #tpu.memory_space<semaphore_mem>>)
    %dma_start3A_152 = arith.constant 13 : i32
    %dma_start3A_153 = arith.constant 1300 : i32
    %dma_start3A_154 = arith.constant 0 : i32
    %dma_start3A_155 = tpu.memref_slice %arg13[%dma_start3A_153, %dma_start3A_154] : memref<1600x32xf32, #tpu.memory_space<vmem>> -> memref<100x32xf32, #tpu.memory_space<vmem>>
    %dma_start3A_156 = arith.constant 0 : i32
    %dma_start3A_157 = tpu.memref_slice %arg7[%dma_start3A_152, %dma_start3A_156] : memref<16x100xi32, #tpu.memory_space<vmem>> -> memref<1x100xi32, #tpu.memory_space<vmem>>
    %dma_start3A_158 = tpu.memref_squeeze %dma_start3A_157 : memref<1x100xi32, #tpu.memory_space<vmem>> -> memref<100xi32, #tpu.memory_space<vmem>>
    %dma_start3A_159 = arith.constant 0 : i32
    %dma_start3A_160 = arith.constant 0 : i32
    %dma_start3A_161 = tpu.memref_slice %arg5[%dma_start3A_159, %dma_start3A_160] : memref<1000000x32xf32, #tpu.memory_space<hbm>> -> memref<1000000x32xf32, #tpu.memory_space<hbm>>
    tpu.enqueue_indirect_dma source(%dma_start3A_161 : memref<1000000x32xf32, #tpu.memory_space<hbm>>) target(%dma_start3A_155 : memref<100x32xf32, #tpu.memory_space<vmem>>) offsets(%dma_start3A_158 : memref<100xi32, #tpu.memory_space<vmem>>) semaphore(%arg19 : memref<!tpu.dma_semaphore, #tpu.memory_space<semaphore_mem>>)
    %dma_start3A_162 = arith.constant 14 : i32
    %dma_start3A_163 = arith.constant 1400 : i32
    %dma_start3A_164 = arith.constant 0 : i32
    %dma_start3A_165 = tpu.memref_slice %arg13[%dma_start3A_163, %dma_start3A_164] : memref<1600x32xf32, #tpu.memory_space<vmem>> -> memref<100x32xf32, #tpu.memory_space<vmem>>
    %dma_start3A_166 = arith.constant 0 : i32
    %dma_start3A_167 = tpu.memref_slice %arg7[%dma_start3A_162, %dma_start3A_166] : memref<16x100xi32, #tpu.memory_space<vmem>> -> memref<1x100xi32, #tpu.memory_space<vmem>>
    %dma_start3A_168 = tpu.memref_squeeze %dma_start3A_167 : memref<1x100xi32, #tpu.memory_space<vmem>> -> memref<100xi32, #tpu.memory_space<vmem>>
    %dma_start3A_169 = arith.constant 0 : i32
    %dma_start3A_170 = arith.constant 0 : i32
    %dma_start3A_171 = tpu.memref_slice %arg5[%dma_start3A_169, %dma_start3A_170] : memref<1000000x32xf32, #tpu.memory_space<hbm>> -> memref<1000000x32xf32, #tpu.memory_space<hbm>>
    tpu.enqueue_indirect_dma source(%dma_start3A_171 : memref<1000000x32xf32, #tpu.memory_space<hbm>>) target(%dma_start3A_165 : memref<100x32xf32, #tpu.memory_space<vmem>>) offsets(%dma_start3A_168 : memref<100xi32, #tpu.memory_space<vmem>>) semaphore(%arg19 : memref<!tpu.dma_semaphore, #tpu.memory_space<semaphore_mem>>)
    %dma_start3A_172 = arith.constant 15 : i32
    %dma_start3A_173 = arith.constant 1500 : i32
    %dma_start3A_174 = arith.constant 0 : i32
    %dma_start3A_175 = tpu.memref_slice %arg13[%dma_start3A_173, %dma_start3A_174] : memref<1600x32xf32, #tpu.memory_space<vmem>> -> memref<100x32xf32, #tpu.memory_space<vmem>>
    %dma_start3A_176 = arith.constant 0 : i32
    %dma_start3A_177 = tpu.memref_slice %arg7[%dma_start3A_172, %dma_start3A_176] : memref<16x100xi32, #tpu.memory_space<vmem>> -> memref<1x100xi32, #tpu.memory_space<vmem>>
    %dma_start3A_178 = tpu.memref_squeeze %dma_start3A_177 : memref<1x100xi32, #tpu.memory_space<vmem>> -> memref<100xi32, #tpu.memory_space<vmem>>
    %dma_start3A_179 = arith.constant 0 : i32
    %dma_start3A_180 = arith.constant 0 : i32
    %dma_start3A_181 = tpu.memref_slice %arg5[%dma_start3A_179, %dma_start3A_180] : memref<1000000x32xf32, #tpu.memory_space<hbm>> -> memref<1000000x32xf32, #tpu.memory_space<hbm>>
    tpu.enqueue_indirect_dma source(%dma_start3A_181 : memref<1000000x32xf32, #tpu.memory_space<hbm>>) target(%dma_start3A_175 : memref<100x32xf32, #tpu.memory_space<vmem>>) offsets(%dma_start3A_178 : memref<100xi32, #tpu.memory_space<vmem>>) semaphore(%arg19 : memref<!tpu.dma_semaphore, #tpu.memory_space<semaphore_mem>>)
    %dma_start3A_182 = arith.constant 0 : i32
    %dma_start3A_183 = arith.constant 0 : i32
    %dma_start3A_184 = tpu.memref_slice %arg5[%dma_start3A_182, %dma_start3A_183] : memref<1000000x32xf32, #tpu.memory_space<hbm>> -> memref<1000000x32xf32, #tpu.memory_space<hbm>>
    tpu.enqueue_indirect_dma source(%dma_start3A_184 : memref<1000000x32xf32, #tpu.memory_space<hbm>>) target(%arg15 : memref<32x32xf32, #tpu.memory_space<vmem>>) offsets(%arg9 : memref<32xi32, #tpu.memory_space<vmem>>) semaphore(%arg19 : memref<!tpu.dma_semaphore, #tpu.memory_space<semaphore_mem>>)
    %scan3A = arith.constant 0 : i32
    %scan3A_185 = arith.constant 0 : i32
    %scan3A_186 = arith.constant 8 : i32
    %scan3A_187 = arith.addi %scan3A_185, %scan3A_186 : i32
    %scan3A_188 = arith.constant 1 : i32
    scf.for %scan3A_190 = %scan3A_185 to %scan3A_187 step %scan3A_188  : i32 {
      %mul3A_191 = arith.constant 2 : i32
      %mul3A_192 = arith.muli %mul3A_191, %scan3A_190 : i32
      %add3A_193 = arith.constant 1 : i32
      %add3A_194 = arith.addi %mul3A_192, %add3A_193 : i32
      %mul3A_195 = arith.constant 32 : i32
      %mul3A_196 = arith.muli %add3A_194, %mul3A_195 : i32
      %add3A_197 = arith.addi %multiple_of3A, %mul3A_196 : i32
      %multiple_of3A_198 = tpu.assume_multiple %add3A_197, 32 : i32
      %jit3A_199 = arith.constant 2 : i32
      %div3A_200 = arith.divsi %multiple_of3A_198, %jit3A_199 : i32
      %sign3A_201 = arith.constant 0 : i32
      %sign3A_202 = arith.cmpi sgt, %multiple_of3A_198, %sign3A_201 : i32
      %sign3A_203 = arith.extui %sign3A_202 : i1 to i32
      %sign3A_204 = arith.constant 0 : i32
      %sign3A_205 = arith.cmpi slt, %multiple_of3A_198, %sign3A_204 : i32
      %sign3A_206 = arith.extui %sign3A_205 : i1 to i32
      %sign3A_207 = arith.subi %sign3A_203, %sign3A_206 : i32
      %sign3A_208 = arith.constant 0 : i32
      %sign3A_209 = arith.cmpi sgt, %jit3A_199, %sign3A_208 : i32
      %sign3A_210 = arith.extui %sign3A_209 : i1 to i32
      %sign3A_211 = arith.constant 0 : i32
      %sign3A_212 = arith.cmpi slt, %jit3A_199, %sign3A_211 : i32
      %sign3A_213 = arith.extui %sign3A_212 : i1 to i32
      %sign3A_214 = arith.subi %sign3A_210, %sign3A_213 : i32
      %ne3A_215 = arith.cmpi ne, %sign3A_207, %sign3A_214 : i32
      %rem3A_216 = arith.remsi %multiple_of3A_198, %jit3A_199 : i32
      %ne3A_217 = arith.constant 0 : i32
      %ne3A_218 = arith.cmpi ne, %rem3A_216, %ne3A_217 : i32
      %and3A_219 = arith.andi %ne3A_215, %ne3A_218 : i1
      %sub3A_220 = arith.constant 1 : i32
      %sub3A_221 = arith.subi %div3A_200, %sub3A_220 : i32
      %select_n3A_222 = arith.select %and3A_219, %sub3A_221, %div3A_200 : i32
      %multiple_of3A_223 = tpu.assume_multiple %select_n3A_222, 16 : i32
      "tpu.region"() ({
        %run_scoped3A = tpu.sem_alloc : memref<!tpu.dma_semaphore, #tpu.memory_space<semaphore_mem>>
        %dma_start3A_736 = arith.constant 0 : i32
        %dma_start3A_737 = tpu.memref_slice %arg2[%multiple_of3A_223, %dma_start3A_736] : memref<8192x100xi32, #tpu.memory_space<hbm>> -> memref<16x100xi32, #tpu.memory_space<hbm>>
        %dma_start3A_738 = arith.constant 0 : i32
        %dma_start3A_739 = tpu.memref_slice %arg2[%multiple_of3A_223, %dma_start3A_738] : memref<8192x100xi32, #tpu.memory_space<hbm>> -> memref<16x100xi32, #tpu.memory_space<hbm>>
        tpu.enqueue_dma source(%dma_start3A_739 : memref<16x100xi32, #tpu.memory_space<hbm>>) target(%arg8 : memref<16x100xi32, #tpu.memory_space<vmem>>) target_semaphore(%run_scoped3A : memref<!tpu.dma_semaphore, #tpu.memory_space<semaphore_mem>>)
        %dma_wait3A_740 = arith.constant 0 : i32
        %dma_wait3A_741 = tpu.memref_slice %arg2[%multiple_of3A_223, %dma_wait3A_740] : memref<8192x100xi32, #tpu.memory_space<hbm>> -> memref<16x100xi32, #tpu.memory_space<hbm>>
        %dma_wait3A_742 = arith.constant 0 : i32
        %dma_wait3A_743 = tpu.memref_slice %arg2[%multiple_of3A_223, %dma_wait3A_742] : memref<8192x100xi32, #tpu.memory_space<hbm>> -> memref<16x100xi32, #tpu.memory_space<hbm>>
        tpu.wait_dma2 semaphore(%run_scoped3A : memref<!tpu.dma_semaphore, #tpu.memory_space<semaphore_mem>>) src(%dma_wait3A_743 : memref<16x100xi32, #tpu.memory_space<hbm>>) dst(%arg8 : memref<16x100xi32, #tpu.memory_space<vmem>>)
        tpu.yield
      }) : () -> ()
      "tpu.region"() ({
        %run_scoped3A = tpu.sem_alloc : memref<!tpu.dma_semaphore, #tpu.memory_space<semaphore_mem>>
        %dma_start3A_736 = tpu.memref_slice %arg3[%multiple_of3A_198] : memref<16384xi32, #tpu.memory_space<hbm>> -> memref<32xi32, #tpu.memory_space<hbm>>
        %dma_start3A_737 = tpu.memref_slice %arg3[%multiple_of3A_198] : memref<16384xi32, #tpu.memory_space<hbm>> -> memref<32xi32, #tpu.memory_space<hbm>>
        tpu.enqueue_dma source(%dma_start3A_737 : memref<32xi32, #tpu.memory_space<hbm>>) target(%arg10 : memref<32xi32, #tpu.memory_space<vmem>>) target_semaphore(%run_scoped3A : memref<!tpu.dma_semaphore, #tpu.memory_space<semaphore_mem>>)
        %dma_wait3A_738 = tpu.memref_slice %arg3[%multiple_of3A_198] : memref<16384xi32, #tpu.memory_space<hbm>> -> memref<32xi32, #tpu.memory_space<hbm>>
        %dma_wait3A_739 = tpu.memref_slice %arg3[%multiple_of3A_198] : memref<16384xi32, #tpu.memory_space<hbm>> -> memref<32xi32, #tpu.memory_space<hbm>>
        tpu.wait_dma2 semaphore(%run_scoped3A : memref<!tpu.dma_semaphore, #tpu.memory_space<semaphore_mem>>) src(%dma_wait3A_739 : memref<32xi32, #tpu.memory_space<hbm>>) dst(%arg10 : memref<32xi32, #tpu.memory_space<vmem>>)
        tpu.yield
      }) : () -> ()
      "tpu.region"() ({
        %run_scoped3A = tpu.sem_alloc : memref<!tpu.dma_semaphore, #tpu.memory_space<semaphore_mem>>
        %dma_start3A_736 = arith.constant 0 : i32
        %dma_start3A_737 = tpu.memref_slice %arg4[%multiple_of3A_198, %dma_start3A_736] : memref<16384x64xf32, #tpu.memory_space<hbm>> -> memref<32x64xf32, #tpu.memory_space<hbm>>
        %dma_start3A_738 = arith.constant 0 : i32
        %dma_start3A_739 = tpu.memref_slice %arg4[%multiple_of3A_198, %dma_start3A_738] : memref<16384x64xf32, #tpu.memory_space<hbm>> -> memref<32x64xf32, #tpu.memory_space<hbm>>
        tpu.enqueue_dma source(%dma_start3A_739 : memref<32x64xf32, #tpu.memory_space<hbm>>) target(%arg12 : memref<32x64xf32, #tpu.memory_space<vmem>>) target_semaphore(%run_scoped3A : memref<!tpu.dma_semaphore, #tpu.memory_space<semaphore_mem>>)
        %dma_wait3A_740 = arith.constant 0 : i32
        %dma_wait3A_741 = tpu.memref_slice %arg4[%multiple_of3A_198, %dma_wait3A_740] : memref<16384x64xf32, #tpu.memory_space<hbm>> -> memref<32x64xf32, #tpu.memory_space<hbm>>
        %dma_wait3A_742 = arith.constant 0 : i32
        %dma_wait3A_743 = tpu.memref_slice %arg4[%multiple_of3A_198, %dma_wait3A_742] : memref<16384x64xf32, #tpu.memory_space<hbm>> -> memref<32x64xf32, #tpu.memory_space<hbm>>
        tpu.wait_dma2 semaphore(%run_scoped3A : memref<!tpu.dma_semaphore, #tpu.memory_space<semaphore_mem>>) src(%dma_wait3A_743 : memref<32x64xf32, #tpu.memory_space<hbm>>) dst(%arg12 : memref<32x64xf32, #tpu.memory_space<vmem>>)
        tpu.yield
      }) : () -> ()
      %dma_start3A_224 = arith.constant 0 : i32
      %dma_start3A_225 = arith.constant 0 : i32
      %dma_start3A_226 = arith.constant 0 : i32
      %dma_start3A_227 = tpu.memref_slice %arg14[%dma_start3A_225, %dma_start3A_226] : memref<1600x32xf32, #tpu.memory_space<vmem>> -> memref<100x32xf32, #tpu.memory_space<vmem>>
      %dma_start3A_228 = arith.constant 0 : i32
      %dma_start3A_229 = tpu.memref_slice %arg8[%dma_start3A_224, %dma_start3A_228] : memref<16x100xi32, #tpu.memory_space<vmem>> -> memref<1x100xi32, #tpu.memory_space<vmem>>
      %dma_start3A_230 = tpu.memref_squeeze %dma_start3A_229 : memref<1x100xi32, #tpu.memory_space<vmem>> -> memref<100xi32, #tpu.memory_space<vmem>>
      %dma_start3A_231 = arith.constant 0 : i32
      %dma_start3A_232 = arith.constant 0 : i32
      %dma_start3A_233 = tpu.memref_slice %arg5[%dma_start3A_231, %dma_start3A_232] : memref<1000000x32xf32, #tpu.memory_space<hbm>> -> memref<1000000x32xf32, #tpu.memory_space<hbm>>
      tpu.enqueue_indirect_dma source(%dma_start3A_233 : memref<1000000x32xf32, #tpu.memory_space<hbm>>) target(%dma_start3A_227 : memref<100x32xf32, #tpu.memory_space<vmem>>) offsets(%dma_start3A_230 : memref<100xi32, #tpu.memory_space<vmem>>) semaphore(%arg20 : memref<!tpu.dma_semaphore, #tpu.memory_space<semaphore_mem>>)
      %dma_start3A_234 = arith.constant 1 : i32
      %dma_start3A_235 = arith.constant 100 : i32
      %dma_start3A_236 = arith.constant 0 : i32
      %dma_start3A_237 = tpu.memref_slice %arg14[%dma_start3A_235, %dma_start3A_236] : memref<1600x32xf32, #tpu.memory_space<vmem>> -> memref<100x32xf32, #tpu.memory_space<vmem>>
      %dma_start3A_238 = arith.constant 0 : i32
      %dma_start3A_239 = tpu.memref_slice %arg8[%dma_start3A_234, %dma_start3A_238] : memref<16x100xi32, #tpu.memory_space<vmem>> -> memref<1x100xi32, #tpu.memory_space<vmem>>
      %dma_start3A_240 = tpu.memref_squeeze %dma_start3A_239 : memref<1x100xi32, #tpu.memory_space<vmem>> -> memref<100xi32, #tpu.memory_space<vmem>>
      %dma_start3A_241 = arith.constant 0 : i32
      %dma_start3A_242 = arith.constant 0 : i32
      %dma_start3A_243 = tpu.memref_slice %arg5[%dma_start3A_241, %dma_start3A_242] : memref<1000000x32xf32, #tpu.memory_space<hbm>> -> memref<1000000x32xf32, #tpu.memory_space<hbm>>
      tpu.enqueue_indirect_dma source(%dma_start3A_243 : memref<1000000x32xf32, #tpu.memory_space<hbm>>) target(%dma_start3A_237 : memref<100x32xf32, #tpu.memory_space<vmem>>) offsets(%dma_start3A_240 : memref<100xi32, #tpu.memory_space<vmem>>) semaphore(%arg20 : memref<!tpu.dma_semaphore, #tpu.memory_space<semaphore_mem>>)
      %dma_start3A_244 = arith.constant 2 : i32
      %dma_start3A_245 = arith.constant 200 : i32
      %dma_start3A_246 = arith.constant 0 : i32
      %dma_start3A_247 = tpu.memref_slice %arg14[%dma_start3A_245, %dma_start3A_246] : memref<1600x32xf32, #tpu.memory_space<vmem>> -> memref<100x32xf32, #tpu.memory_space<vmem>>
      %dma_start3A_248 = arith.constant 0 : i32
      %dma_start3A_249 = tpu.memref_slice %arg8[%dma_start3A_244, %dma_start3A_248] : memref<16x100xi32, #tpu.memory_space<vmem>> -> memref<1x100xi32, #tpu.memory_space<vmem>>
      %dma_start3A_250 = tpu.memref_squeeze %dma_start3A_249 : memref<1x100xi32, #tpu.memory_space<vmem>> -> memref<100xi32, #tpu.memory_space<vmem>>
      %dma_start3A_251 = arith.constant 0 : i32
      %dma_start3A_252 = arith.constant 0 : i32
      %dma_start3A_253 = tpu.memref_slice %arg5[%dma_start3A_251, %dma_start3A_252] : memref<1000000x32xf32, #tpu.memory_space<hbm>> -> memref<1000000x32xf32, #tpu.memory_space<hbm>>
      tpu.enqueue_indirect_dma source(%dma_start3A_253 : memref<1000000x32xf32, #tpu.memory_space<hbm>>) target(%dma_start3A_247 : memref<100x32xf32, #tpu.memory_space<vmem>>) offsets(%dma_start3A_250 : memref<100xi32, #tpu.memory_space<vmem>>) semaphore(%arg20 : memref<!tpu.dma_semaphore, #tpu.memory_space<semaphore_mem>>)
      %dma_start3A_254 = arith.constant 3 : i32
      %dma_start3A_255 = arith.constant 300 : i32
      %dma_start3A_256 = arith.constant 0 : i32
      %dma_start3A_257 = tpu.memref_slice %arg14[%dma_start3A_255, %dma_start3A_256] : memref<1600x32xf32, #tpu.memory_space<vmem>> -> memref<100x32xf32, #tpu.memory_space<vmem>>
      %dma_start3A_258 = arith.constant 0 : i32
      %dma_start3A_259 = tpu.memref_slice %arg8[%dma_start3A_254, %dma_start3A_258] : memref<16x100xi32, #tpu.memory_space<vmem>> -> memref<1x100xi32, #tpu.memory_space<vmem>>
      %dma_start3A_260 = tpu.memref_squeeze %dma_start3A_259 : memref<1x100xi32, #tpu.memory_space<vmem>> -> memref<100xi32, #tpu.memory_space<vmem>>
      %dma_start3A_261 = arith.constant 0 : i32
      %dma_start3A_262 = arith.constant 0 : i32
      %dma_start3A_263 = tpu.memref_slice %arg5[%dma_start3A_261, %dma_start3A_262] : memref<1000000x32xf32, #tpu.memory_space<hbm>> -> memref<1000000x32xf32, #tpu.memory_space<hbm>>
      tpu.enqueue_indirect_dma source(%dma_start3A_263 : memref<1000000x32xf32, #tpu.memory_space<hbm>>) target(%dma_start3A_257 : memref<100x32xf32, #tpu.memory_space<vmem>>) offsets(%dma_start3A_260 : memref<100xi32, #tpu.memory_space<vmem>>) semaphore(%arg20 : memref<!tpu.dma_semaphore, #tpu.memory_space<semaphore_mem>>)
      %dma_start3A_264 = arith.constant 4 : i32
      %dma_start3A_265 = arith.constant 400 : i32
      %dma_start3A_266 = arith.constant 0 : i32
      %dma_start3A_267 = tpu.memref_slice %arg14[%dma_start3A_265, %dma_start3A_266] : memref<1600x32xf32, #tpu.memory_space<vmem>> -> memref<100x32xf32, #tpu.memory_space<vmem>>
      %dma_start3A_268 = arith.constant 0 : i32
      %dma_start3A_269 = tpu.memref_slice %arg8[%dma_start3A_264, %dma_start3A_268] : memref<16x100xi32, #tpu.memory_space<vmem>> -> memref<1x100xi32, #tpu.memory_space<vmem>>
      %dma_start3A_270 = tpu.memref_squeeze %dma_start3A_269 : memref<1x100xi32, #tpu.memory_space<vmem>> -> memref<100xi32, #tpu.memory_space<vmem>>
      %dma_start3A_271 = arith.constant 0 : i32
      %dma_start3A_272 = arith.constant 0 : i32
      %dma_start3A_273 = tpu.memref_slice %arg5[%dma_start3A_271, %dma_start3A_272] : memref<1000000x32xf32, #tpu.memory_space<hbm>> -> memref<1000000x32xf32, #tpu.memory_space<hbm>>
      tpu.enqueue_indirect_dma source(%dma_start3A_273 : memref<1000000x32xf32, #tpu.memory_space<hbm>>) target(%dma_start3A_267 : memref<100x32xf32, #tpu.memory_space<vmem>>) offsets(%dma_start3A_270 : memref<100xi32, #tpu.memory_space<vmem>>) semaphore(%arg20 : memref<!tpu.dma_semaphore, #tpu.memory_space<semaphore_mem>>)
      %dma_start3A_274 = arith.constant 5 : i32
      %dma_start3A_275 = arith.constant 500 : i32
      %dma_start3A_276 = arith.constant 0 : i32
      %dma_start3A_277 = tpu.memref_slice %arg14[%dma_start3A_275, %dma_start3A_276] : memref<1600x32xf32, #tpu.memory_space<vmem>> -> memref<100x32xf32, #tpu.memory_space<vmem>>
      %dma_start3A_278 = arith.constant 0 : i32
      %dma_start3A_279 = tpu.memref_slice %arg8[%dma_start3A_274, %dma_start3A_278] : memref<16x100xi32, #tpu.memory_space<vmem>> -> memref<1x100xi32, #tpu.memory_space<vmem>>
      %dma_start3A_280 = tpu.memref_squeeze %dma_start3A_279 : memref<1x100xi32, #tpu.memory_space<vmem>> -> memref<100xi32, #tpu.memory_space<vmem>>
      %dma_start3A_281 = arith.constant 0 : i32
      %dma_start3A_282 = arith.constant 0 : i32
      %dma_start3A_283 = tpu.memref_slice %arg5[%dma_start3A_281, %dma_start3A_282] : memref<1000000x32xf32, #tpu.memory_space<hbm>> -> memref<1000000x32xf32, #tpu.memory_space<hbm>>
      tpu.enqueue_indirect_dma source(%dma_start3A_283 : memref<1000000x32xf32, #tpu.memory_space<hbm>>) target(%dma_start3A_277 : memref<100x32xf32, #tpu.memory_space<vmem>>) offsets(%dma_start3A_280 : memref<100xi32, #tpu.memory_space<vmem>>) semaphore(%arg20 : memref<!tpu.dma_semaphore, #tpu.memory_space<semaphore_mem>>)
      %dma_start3A_284 = arith.constant 6 : i32
      %dma_start3A_285 = arith.constant 600 : i32
      %dma_start3A_286 = arith.constant 0 : i32
      %dma_start3A_287 = tpu.memref_slice %arg14[%dma_start3A_285, %dma_start3A_286] : memref<1600x32xf32, #tpu.memory_space<vmem>> -> memref<100x32xf32, #tpu.memory_space<vmem>>
      %dma_start3A_288 = arith.constant 0 : i32
      %dma_start3A_289 = tpu.memref_slice %arg8[%dma_start3A_284, %dma_start3A_288] : memref<16x100xi32, #tpu.memory_space<vmem>> -> memref<1x100xi32, #tpu.memory_space<vmem>>
      %dma_start3A_290 = tpu.memref_squeeze %dma_start3A_289 : memref<1x100xi32, #tpu.memory_space<vmem>> -> memref<100xi32, #tpu.memory_space<vmem>>
      %dma_start3A_291 = arith.constant 0 : i32
      %dma_start3A_292 = arith.constant 0 : i32
      %dma_start3A_293 = tpu.memref_slice %arg5[%dma_start3A_291, %dma_start3A_292] : memref<1000000x32xf32, #tpu.memory_space<hbm>> -> memref<1000000x32xf32, #tpu.memory_space<hbm>>
      tpu.enqueue_indirect_dma source(%dma_start3A_293 : memref<1000000x32xf32, #tpu.memory_space<hbm>>) target(%dma_start3A_287 : memref<100x32xf32, #tpu.memory_space<vmem>>) offsets(%dma_start3A_290 : memref<100xi32, #tpu.memory_space<vmem>>) semaphore(%arg20 : memref<!tpu.dma_semaphore, #tpu.memory_space<semaphore_mem>>)
      %dma_start3A_294 = arith.constant 7 : i32
      %dma_start3A_295 = arith.constant 700 : i32
      %dma_start3A_296 = arith.constant 0 : i32
      %dma_start3A_297 = tpu.memref_slice %arg14[%dma_start3A_295, %dma_start3A_296] : memref<1600x32xf32, #tpu.memory_space<vmem>> -> memref<100x32xf32, #tpu.memory_space<vmem>>
      %dma_start3A_298 = arith.constant 0 : i32
      %dma_start3A_299 = tpu.memref_slice %arg8[%dma_start3A_294, %dma_start3A_298] : memref<16x100xi32, #tpu.memory_space<vmem>> -> memref<1x100xi32, #tpu.memory_space<vmem>>
      %dma_start3A_300 = tpu.memref_squeeze %dma_start3A_299 : memref<1x100xi32, #tpu.memory_space<vmem>> -> memref<100xi32, #tpu.memory_space<vmem>>
      %dma_start3A_301 = arith.constant 0 : i32
      %dma_start3A_302 = arith.constant 0 : i32
      %dma_start3A_303 = tpu.memref_slice %arg5[%dma_start3A_301, %dma_start3A_302] : memref<1000000x32xf32, #tpu.memory_space<hbm>> -> memref<1000000x32xf32, #tpu.memory_space<hbm>>
      tpu.enqueue_indirect_dma source(%dma_start3A_303 : memref<1000000x32xf32, #tpu.memory_space<hbm>>) target(%dma_start3A_297 : memref<100x32xf32, #tpu.memory_space<vmem>>) offsets(%dma_start3A_300 : memref<100xi32, #tpu.memory_space<vmem>>) semaphore(%arg20 : memref<!tpu.dma_semaphore, #tpu.memory_space<semaphore_mem>>)
      %dma_start3A_304 = arith.constant 8 : i32
      %dma_start3A_305 = arith.constant 800 : i32
      %dma_start3A_306 = arith.constant 0 : i32
      %dma_start3A_307 = tpu.memref_slice %arg14[%dma_start3A_305, %dma_start3A_306] : memref<1600x32xf32, #tpu.memory_space<vmem>> -> memref<100x32xf32, #tpu.memory_space<vmem>>
      %dma_start3A_308 = arith.constant 0 : i32
      %dma_start3A_309 = tpu.memref_slice %arg8[%dma_start3A_304, %dma_start3A_308] : memref<16x100xi32, #tpu.memory_space<vmem>> -> memref<1x100xi32, #tpu.memory_space<vmem>>
      %dma_start3A_310 = tpu.memref_squeeze %dma_start3A_309 : memref<1x100xi32, #tpu.memory_space<vmem>> -> memref<100xi32, #tpu.memory_space<vmem>>
      %dma_start3A_311 = arith.constant 0 : i32
      %dma_start3A_312 = arith.constant 0 : i32
      %dma_start3A_313 = tpu.memref_slice %arg5[%dma_start3A_311, %dma_start3A_312] : memref<1000000x32xf32, #tpu.memory_space<hbm>> -> memref<1000000x32xf32, #tpu.memory_space<hbm>>
      tpu.enqueue_indirect_dma source(%dma_start3A_313 : memref<1000000x32xf32, #tpu.memory_space<hbm>>) target(%dma_start3A_307 : memref<100x32xf32, #tpu.memory_space<vmem>>) offsets(%dma_start3A_310 : memref<100xi32, #tpu.memory_space<vmem>>) semaphore(%arg20 : memref<!tpu.dma_semaphore, #tpu.memory_space<semaphore_mem>>)
      %dma_start3A_314 = arith.constant 9 : i32
      %dma_start3A_315 = arith.constant 900 : i32
      %dma_start3A_316 = arith.constant 0 : i32
      %dma_start3A_317 = tpu.memref_slice %arg14[%dma_start3A_315, %dma_start3A_316] : memref<1600x32xf32, #tpu.memory_space<vmem>> -> memref<100x32xf32, #tpu.memory_space<vmem>>
      %dma_start3A_318 = arith.constant 0 : i32
      %dma_start3A_319 = tpu.memref_slice %arg8[%dma_start3A_314, %dma_start3A_318] : memref<16x100xi32, #tpu.memory_space<vmem>> -> memref<1x100xi32, #tpu.memory_space<vmem>>
      %dma_start3A_320 = tpu.memref_squeeze %dma_start3A_319 : memref<1x100xi32, #tpu.memory_space<vmem>> -> memref<100xi32, #tpu.memory_space<vmem>>
      %dma_start3A_321 = arith.constant 0 : i32
      %dma_start3A_322 = arith.constant 0 : i32
      %dma_start3A_323 = tpu.memref_slice %arg5[%dma_start3A_321, %dma_start3A_322] : memref<1000000x32xf32, #tpu.memory_space<hbm>> -> memref<1000000x32xf32, #tpu.memory_space<hbm>>
      tpu.enqueue_indirect_dma source(%dma_start3A_323 : memref<1000000x32xf32, #tpu.memory_space<hbm>>) target(%dma_start3A_317 : memref<100x32xf32, #tpu.memory_space<vmem>>) offsets(%dma_start3A_320 : memref<100xi32, #tpu.memory_space<vmem>>) semaphore(%arg20 : memref<!tpu.dma_semaphore, #tpu.memory_space<semaphore_mem>>)
      %dma_start3A_324 = arith.constant 10 : i32
      %dma_start3A_325 = arith.constant 1000 : i32
      %dma_start3A_326 = arith.constant 0 : i32
      %dma_start3A_327 = tpu.memref_slice %arg14[%dma_start3A_325, %dma_start3A_326] : memref<1600x32xf32, #tpu.memory_space<vmem>> -> memref<100x32xf32, #tpu.memory_space<vmem>>
      %dma_start3A_328 = arith.constant 0 : i32
      %dma_start3A_329 = tpu.memref_slice %arg8[%dma_start3A_324, %dma_start3A_328] : memref<16x100xi32, #tpu.memory_space<vmem>> -> memref<1x100xi32, #tpu.memory_space<vmem>>
      %dma_start3A_330 = tpu.memref_squeeze %dma_start3A_329 : memref<1x100xi32, #tpu.memory_space<vmem>> -> memref<100xi32, #tpu.memory_space<vmem>>
      %dma_start3A_331 = arith.constant 0 : i32
      %dma_start3A_332 = arith.constant 0 : i32
      %dma_start3A_333 = tpu.memref_slice %arg5[%dma_start3A_331, %dma_start3A_332] : memref<1000000x32xf32, #tpu.memory_space<hbm>> -> memref<1000000x32xf32, #tpu.memory_space<hbm>>
      tpu.enqueue_indirect_dma source(%dma_start3A_333 : memref<1000000x32xf32, #tpu.memory_space<hbm>>) target(%dma_start3A_327 : memref<100x32xf32, #tpu.memory_space<vmem>>) offsets(%dma_start3A_330 : memref<100xi32, #tpu.memory_space<vmem>>) semaphore(%arg20 : memref<!tpu.dma_semaphore, #tpu.memory_space<semaphore_mem>>)
      %dma_start3A_334 = arith.constant 11 : i32
      %dma_start3A_335 = arith.constant 1100 : i32
      %dma_start3A_336 = arith.constant 0 : i32
      %dma_start3A_337 = tpu.memref_slice %arg14[%dma_start3A_335, %dma_start3A_336] : memref<1600x32xf32, #tpu.memory_space<vmem>> -> memref<100x32xf32, #tpu.memory_space<vmem>>
      %dma_start3A_338 = arith.constant 0 : i32
      %dma_start3A_339 = tpu.memref_slice %arg8[%dma_start3A_334, %dma_start3A_338] : memref<16x100xi32, #tpu.memory_space<vmem>> -> memref<1x100xi32, #tpu.memory_space<vmem>>
      %dma_start3A_340 = tpu.memref_squeeze %dma_start3A_339 : memref<1x100xi32, #tpu.memory_space<vmem>> -> memref<100xi32, #tpu.memory_space<vmem>>
      %dma_start3A_341 = arith.constant 0 : i32
      %dma_start3A_342 = arith.constant 0 : i32
      %dma_start3A_343 = tpu.memref_slice %arg5[%dma_start3A_341, %dma_start3A_342] : memref<1000000x32xf32, #tpu.memory_space<hbm>> -> memref<1000000x32xf32, #tpu.memory_space<hbm>>
      tpu.enqueue_indirect_dma source(%dma_start3A_343 : memref<1000000x32xf32, #tpu.memory_space<hbm>>) target(%dma_start3A_337 : memref<100x32xf32, #tpu.memory_space<vmem>>) offsets(%dma_start3A_340 : memref<100xi32, #tpu.memory_space<vmem>>) semaphore(%arg20 : memref<!tpu.dma_semaphore, #tpu.memory_space<semaphore_mem>>)
      %dma_start3A_344 = arith.constant 12 : i32
      %dma_start3A_345 = arith.constant 1200 : i32
      %dma_start3A_346 = arith.constant 0 : i32
      %dma_start3A_347 = tpu.memref_slice %arg14[%dma_start3A_345, %dma_start3A_346] : memref<1600x32xf32, #tpu.memory_space<vmem>> -> memref<100x32xf32, #tpu.memory_space<vmem>>
      %dma_start3A_348 = arith.constant 0 : i32
      %dma_start3A_349 = tpu.memref_slice %arg8[%dma_start3A_344, %dma_start3A_348] : memref<16x100xi32, #tpu.memory_space<vmem>> -> memref<1x100xi32, #tpu.memory_space<vmem>>
      %dma_start3A_350 = tpu.memref_squeeze %dma_start3A_349 : memref<1x100xi32, #tpu.memory_space<vmem>> -> memref<100xi32, #tpu.memory_space<vmem>>
      %dma_start3A_351 = arith.constant 0 : i32
      %dma_start3A_352 = arith.constant 0 : i32
      %dma_start3A_353 = tpu.memref_slice %arg5[%dma_start3A_351, %dma_start3A_352] : memref<1000000x32xf32, #tpu.memory_space<hbm>> -> memref<1000000x32xf32, #tpu.memory_space<hbm>>
      tpu.enqueue_indirect_dma source(%dma_start3A_353 : memref<1000000x32xf32, #tpu.memory_space<hbm>>) target(%dma_start3A_347 : memref<100x32xf32, #tpu.memory_space<vmem>>) offsets(%dma_start3A_350 : memref<100xi32, #tpu.memory_space<vmem>>) semaphore(%arg20 : memref<!tpu.dma_semaphore, #tpu.memory_space<semaphore_mem>>)
      %dma_start3A_354 = arith.constant 13 : i32
      %dma_start3A_355 = arith.constant 1300 : i32
      %dma_start3A_356 = arith.constant 0 : i32
      %dma_start3A_357 = tpu.memref_slice %arg14[%dma_start3A_355, %dma_start3A_356] : memref<1600x32xf32, #tpu.memory_space<vmem>> -> memref<100x32xf32, #tpu.memory_space<vmem>>
      %dma_start3A_358 = arith.constant 0 : i32
      %dma_start3A_359 = tpu.memref_slice %arg8[%dma_start3A_354, %dma_start3A_358] : memref<16x100xi32, #tpu.memory_space<vmem>> -> memref<1x100xi32, #tpu.memory_space<vmem>>
      %dma_start3A_360 = tpu.memref_squeeze %dma_start3A_359 : memref<1x100xi32, #tpu.memory_space<vmem>> -> memref<100xi32, #tpu.memory_space<vmem>>
      %dma_start3A_361 = arith.constant 0 : i32
      %dma_start3A_362 = arith.constant 0 : i32
      %dma_start3A_363 = tpu.memref_slice %arg5[%dma_start3A_361, %dma_start3A_362] : memref<1000000x32xf32, #tpu.memory_space<hbm>> -> memref<1000000x32xf32, #tpu.memory_space<hbm>>
      tpu.enqueue_indirect_dma source(%dma_start3A_363 : memref<1000000x32xf32, #tpu.memory_space<hbm>>) target(%dma_start3A_357 : memref<100x32xf32, #tpu.memory_space<vmem>>) offsets(%dma_start3A_360 : memref<100xi32, #tpu.memory_space<vmem>>) semaphore(%arg20 : memref<!tpu.dma_semaphore, #tpu.memory_space<semaphore_mem>>)
      %dma_start3A_364 = arith.constant 14 : i32
      %dma_start3A_365 = arith.constant 1400 : i32
      %dma_start3A_366 = arith.constant 0 : i32
      %dma_start3A_367 = tpu.memref_slice %arg14[%dma_start3A_365, %dma_start3A_366] : memref<1600x32xf32, #tpu.memory_space<vmem>> -> memref<100x32xf32, #tpu.memory_space<vmem>>
      %dma_start3A_368 = arith.constant 0 : i32
      %dma_start3A_369 = tpu.memref_slice %arg8[%dma_start3A_364, %dma_start3A_368] : memref<16x100xi32, #tpu.memory_space<vmem>> -> memref<1x100xi32, #tpu.memory_space<vmem>>
      %dma_start3A_370 = tpu.memref_squeeze %dma_start3A_369 : memref<1x100xi32, #tpu.memory_space<vmem>> -> memref<100xi32, #tpu.memory_space<vmem>>
      %dma_start3A_371 = arith.constant 0 : i32
      %dma_start3A_372 = arith.constant 0 : i32
      %dma_start3A_373 = tpu.memref_slice %arg5[%dma_start3A_371, %dma_start3A_372] : memref<1000000x32xf32, #tpu.memory_space<hbm>> -> memref<1000000x32xf32, #tpu.memory_space<hbm>>
      tpu.enqueue_indirect_dma source(%dma_start3A_373 : memref<1000000x32xf32, #tpu.memory_space<hbm>>) target(%dma_start3A_367 : memref<100x32xf32, #tpu.memory_space<vmem>>) offsets(%dma_start3A_370 : memref<100xi32, #tpu.memory_space<vmem>>) semaphore(%arg20 : memref<!tpu.dma_semaphore, #tpu.memory_space<semaphore_mem>>)
      %dma_start3A_374 = arith.constant 15 : i32
      %dma_start3A_375 = arith.constant 1500 : i32
      %dma_start3A_376 = arith.constant 0 : i32
      %dma_start3A_377 = tpu.memref_slice %arg14[%dma_start3A_375, %dma_start3A_376] : memref<1600x32xf32, #tpu.memory_space<vmem>> -> memref<100x32xf32, #tpu.memory_space<vmem>>
      %dma_start3A_378 = arith.constant 0 : i32
      %dma_start3A_379 = tpu.memref_slice %arg8[%dma_start3A_374, %dma_start3A_378] : memref<16x100xi32, #tpu.memory_space<vmem>> -> memref<1x100xi32, #tpu.memory_space<vmem>>
      %dma_start3A_380 = tpu.memref_squeeze %dma_start3A_379 : memref<1x100xi32, #tpu.memory_space<vmem>> -> memref<100xi32, #tpu.memory_space<vmem>>
      %dma_start3A_381 = arith.constant 0 : i32
      %dma_start3A_382 = arith.constant 0 : i32
      %dma_start3A_383 = tpu.memref_slice %arg5[%dma_start3A_381, %dma_start3A_382] : memref<1000000x32xf32, #tpu.memory_space<hbm>> -> memref<1000000x32xf32, #tpu.memory_space<hbm>>
      tpu.enqueue_indirect_dma source(%dma_start3A_383 : memref<1000000x32xf32, #tpu.memory_space<hbm>>) target(%dma_start3A_377 : memref<100x32xf32, #tpu.memory_space<vmem>>) offsets(%dma_start3A_380 : memref<100xi32, #tpu.memory_space<vmem>>) semaphore(%arg20 : memref<!tpu.dma_semaphore, #tpu.memory_space<semaphore_mem>>)
      %dma_start3A_384 = arith.constant 0 : i32
      %dma_start3A_385 = arith.constant 0 : i32
      %dma_start3A_386 = tpu.memref_slice %arg5[%dma_start3A_384, %dma_start3A_385] : memref<1000000x32xf32, #tpu.memory_space<hbm>> -> memref<1000000x32xf32, #tpu.memory_space<hbm>>
      tpu.enqueue_indirect_dma source(%dma_start3A_386 : memref<1000000x32xf32, #tpu.memory_space<hbm>>) target(%arg16 : memref<32x32xf32, #tpu.memory_space<vmem>>) offsets(%arg10 : memref<32xi32, #tpu.memory_space<vmem>>) semaphore(%arg20 : memref<!tpu.dma_semaphore, #tpu.memory_space<semaphore_mem>>)
      %dma_wait3A = arith.constant 0 : i32
      %dma_wait3A_387 = arith.constant 0 : i32
      %dma_wait3A_388 = arith.constant 0 : i32
      %dma_wait3A_389 = tpu.memref_slice %arg13[%dma_wait3A_387, %dma_wait3A_388] : memref<1600x32xf32, #tpu.memory_space<vmem>> -> memref<100x32xf32, #tpu.memory_space<vmem>>
      %dma_wait3A_390 = arith.constant 0 : i32
      %dma_wait3A_391 = tpu.memref_slice %arg7[%dma_wait3A, %dma_wait3A_390] : memref<16x100xi32, #tpu.memory_space<vmem>> -> memref<1x100xi32, #tpu.memory_space<vmem>>
      %dma_wait3A_392 = tpu.memref_squeeze %dma_wait3A_391 : memref<1x100xi32, #tpu.memory_space<vmem>> -> memref<100xi32, #tpu.memory_space<vmem>>
      %dma_wait3A_393 = arith.constant 0 : i32
      %dma_wait3A_394 = arith.constant 0 : i32
      %dma_wait3A_395 = tpu.memref_slice %arg5[%dma_wait3A_393, %dma_wait3A_394] : memref<1000000x32xf32, #tpu.memory_space<hbm>> -> memref<1000000x32xf32, #tpu.memory_space<hbm>>
      tpu.wait_indirect_dma semaphore(%arg19 : memref<!tpu.dma_semaphore, #tpu.memory_space<semaphore_mem>>) src(%dma_wait3A_395 : memref<1000000x32xf32, #tpu.memory_space<hbm>>) dst(%dma_wait3A_389 : memref<100x32xf32, #tpu.memory_space<vmem>>)
      %dma_wait3A_396 = arith.constant 1 : i32
      %dma_wait3A_397 = arith.constant 100 : i32
      %dma_wait3A_398 = arith.constant 0 : i32
      %dma_wait3A_399 = tpu.memref_slice %arg13[%dma_wait3A_397, %dma_wait3A_398] : memref<1600x32xf32, #tpu.memory_space<vmem>> -> memref<100x32xf32, #tpu.memory_space<vmem>>
      %dma_wait3A_400 = arith.constant 0 : i32
      %dma_wait3A_401 = tpu.memref_slice %arg7[%dma_wait3A_396, %dma_wait3A_400] : memref<16x100xi32, #tpu.memory_space<vmem>> -> memref<1x100xi32, #tpu.memory_space<vmem>>
      %dma_wait3A_402 = tpu.memref_squeeze %dma_wait3A_401 : memref<1x100xi32, #tpu.memory_space<vmem>> -> memref<100xi32, #tpu.memory_space<vmem>>
      %dma_wait3A_403 = arith.constant 0 : i32
      %dma_wait3A_404 = arith.constant 0 : i32
      %dma_wait3A_405 = tpu.memref_slice %arg5[%dma_wait3A_403, %dma_wait3A_404] : memref<1000000x32xf32, #tpu.memory_space<hbm>> -> memref<1000000x32xf32, #tpu.memory_space<hbm>>
      tpu.wait_indirect_dma semaphore(%arg19 : memref<!tpu.dma_semaphore, #tpu.memory_space<semaphore_mem>>) src(%dma_wait3A_405 : memref<1000000x32xf32, #tpu.memory_space<hbm>>) dst(%dma_wait3A_399 : memref<100x32xf32, #tpu.memory_space<vmem>>)
      %dma_wait3A_406 = arith.constant 2 : i32
      %dma_wait3A_407 = arith.constant 200 : i32
      %dma_wait3A_408 = arith.constant 0 : i32
      %dma_wait3A_409 = tpu.memref_slice %arg13[%dma_wait3A_407, %dma_wait3A_408] : memref<1600x32xf32, #tpu.memory_space<vmem>> -> memref<100x32xf32, #tpu.memory_space<vmem>>
      %dma_wait3A_410 = arith.constant 0 : i32
      %dma_wait3A_411 = tpu.memref_slice %arg7[%dma_wait3A_406, %dma_wait3A_410] : memref<16x100xi32, #tpu.memory_space<vmem>> -> memref<1x100xi32, #tpu.memory_space<vmem>>
      %dma_wait3A_412 = tpu.memref_squeeze %dma_wait3A_411 : memref<1x100xi32, #tpu.memory_space<vmem>> -> memref<100xi32, #tpu.memory_space<vmem>>
      %dma_wait3A_413 = arith.constant 0 : i32
      %dma_wait3A_414 = arith.constant 0 : i32
      %dma_wait3A_415 = tpu.memref_slice %arg5[%dma_wait3A_413, %dma_wait3A_414] : memref<1000000x32xf32, #tpu.memory_space<hbm>> -> memref<1000000x32xf32, #tpu.memory_space<hbm>>
      tpu.wait_indirect_dma semaphore(%arg19 : memref<!tpu.dma_semaphore, #tpu.memory_space<semaphore_mem>>) src(%dma_wait3A_415 : memref<1000000x32xf32, #tpu.memory_space<hbm>>) dst(%dma_wait3A_409 : memref<100x32xf32, #tpu.memory_space<vmem>>)
      %dma_wait3A_416 = arith.constant 3 : i32
      %dma_wait3A_417 = arith.constant 300 : i32
      %dma_wait3A_418 = arith.constant 0 : i32
      %dma_wait3A_419 = tpu.memref_slice %arg13[%dma_wait3A_417, %dma_wait3A_418] : memref<1600x32xf32, #tpu.memory_space<vmem>> -> memref<100x32xf32, #tpu.memory_space<vmem>>
      %dma_wait3A_420 = arith.constant 0 : i32
      %dma_wait3A_421 = tpu.memref_slice %arg7[%dma_wait3A_416, %dma_wait3A_420] : memref<16x100xi32, #tpu.memory_space<vmem>> -> memref<1x100xi32, #tpu.memory_space<vmem>>
      %dma_wait3A_422 = tpu.memref_squeeze %dma_wait3A_421 : memref<1x100xi32, #tpu.memory_space<vmem>> -> memref<100xi32, #tpu.memory_space<vmem>>
      %dma_wait3A_423 = arith.constant 0 : i32
      %dma_wait3A_424 = arith.constant 0 : i32
      %dma_wait3A_425 = tpu.memref_slice %arg5[%dma_wait3A_423, %dma_wait3A_424] : memref<1000000x32xf32, #tpu.memory_space<hbm>> -> memref<1000000x32xf32, #tpu.memory_space<hbm>>
      tpu.wait_indirect_dma semaphore(%arg19 : memref<!tpu.dma_semaphore, #tpu.memory_space<semaphore_mem>>) src(%dma_wait3A_425 : memref<1000000x32xf32, #tpu.memory_space<hbm>>) dst(%dma_wait3A_419 : memref<100x32xf32, #tpu.memory_space<vmem>>)
      %dma_wait3A_426 = arith.constant 4 : i32
      %dma_wait3A_427 = arith.constant 400 : i32
      %dma_wait3A_428 = arith.constant 0 : i32
      %dma_wait3A_429 = tpu.memref_slice %arg13[%dma_wait3A_427, %dma_wait3A_428] : memref<1600x32xf32, #tpu.memory_space<vmem>> -> memref<100x32xf32, #tpu.memory_space<vmem>>
      %dma_wait3A_430 = arith.constant 0 : i32
      %dma_wait3A_431 = tpu.memref_slice %arg7[%dma_wait3A_426, %dma_wait3A_430] : memref<16x100xi32, #tpu.memory_space<vmem>> -> memref<1x100xi32, #tpu.memory_space<vmem>>
      %dma_wait3A_432 = tpu.memref_squeeze %dma_wait3A_431 : memref<1x100xi32, #tpu.memory_space<vmem>> -> memref<100xi32, #tpu.memory_space<vmem>>
      %dma_wait3A_433 = arith.constant 0 : i32
      %dma_wait3A_434 = arith.constant 0 : i32
      %dma_wait3A_435 = tpu.memref_slice %arg5[%dma_wait3A_433, %dma_wait3A_434] : memref<1000000x32xf32, #tpu.memory_space<hbm>> -> memref<1000000x32xf32, #tpu.memory_space<hbm>>
      tpu.wait_indirect_dma semaphore(%arg19 : memref<!tpu.dma_semaphore, #tpu.memory_space<semaphore_mem>>) src(%dma_wait3A_435 : memref<1000000x32xf32, #tpu.memory_space<hbm>>) dst(%dma_wait3A_429 : memref<100x32xf32, #tpu.memory_space<vmem>>)
      %dma_wait3A_436 = arith.constant 5 : i32
      %dma_wait3A_437 = arith.constant 500 : i32
      %dma_wait3A_438 = arith.constant 0 : i32
      %dma_wait3A_439 = tpu.memref_slice %arg13[%dma_wait3A_437, %dma_wait3A_438] : memref<1600x32xf32, #tpu.memory_space<vmem>> -> memref<100x32xf32, #tpu.memory_space<vmem>>
      %dma_wait3A_440 = arith.constant 0 : i32
      %dma_wait3A_441 = tpu.memref_slice %arg7[%dma_wait3A_436, %dma_wait3A_440] : memref<16x100xi32, #tpu.memory_space<vmem>> -> memref<1x100xi32, #tpu.memory_space<vmem>>
      %dma_wait3A_442 = tpu.memref_squeeze %dma_wait3A_441 : memref<1x100xi32, #tpu.memory_space<vmem>> -> memref<100xi32, #tpu.memory_space<vmem>>
      %dma_wait3A_443 = arith.constant 0 : i32
      %dma_wait3A_444 = arith.constant 0 : i32
      %dma_wait3A_445 = tpu.memref_slice %arg5[%dma_wait3A_443, %dma_wait3A_444] : memref<1000000x32xf32, #tpu.memory_space<hbm>> -> memref<1000000x32xf32, #tpu.memory_space<hbm>>
      tpu.wait_indirect_dma semaphore(%arg19 : memref<!tpu.dma_semaphore, #tpu.memory_space<semaphore_mem>>) src(%dma_wait3A_445 : memref<1000000x32xf32, #tpu.memory_space<hbm>>) dst(%dma_wait3A_439 : memref<100x32xf32, #tpu.memory_space<vmem>>)
      %dma_wait3A_446 = arith.constant 6 : i32
      %dma_wait3A_447 = arith.constant 600 : i32
      %dma_wait3A_448 = arith.constant 0 : i32
      %dma_wait3A_449 = tpu.memref_slice %arg13[%dma_wait3A_447, %dma_wait3A_448] : memref<1600x32xf32, #tpu.memory_space<vmem>> -> memref<100x32xf32, #tpu.memory_space<vmem>>
      %dma_wait3A_450 = arith.constant 0 : i32
      %dma_wait3A_451 = tpu.memref_slice %arg7[%dma_wait3A_446, %dma_wait3A_450] : memref<16x100xi32, #tpu.memory_space<vmem>> -> memref<1x100xi32, #tpu.memory_space<vmem>>
      %dma_wait3A_452 = tpu.memref_squeeze %dma_wait3A_451 : memref<1x100xi32, #tpu.memory_space<vmem>> -> memref<100xi32, #tpu.memory_space<vmem>>
      %dma_wait3A_453 = arith.constant 0 : i32
      %dma_wait3A_454 = arith.constant 0 : i32
      %dma_wait3A_455 = tpu.memref_slice %arg5[%dma_wait3A_453, %dma_wait3A_454] : memref<1000000x32xf32, #tpu.memory_space<hbm>> -> memref<1000000x32xf32, #tpu.memory_space<hbm>>
      tpu.wait_indirect_dma semaphore(%arg19 : memref<!tpu.dma_semaphore, #tpu.memory_space<semaphore_mem>>) src(%dma_wait3A_455 : memref<1000000x32xf32, #tpu.memory_space<hbm>>) dst(%dma_wait3A_449 : memref<100x32xf32, #tpu.memory_space<vmem>>)
      %dma_wait3A_456 = arith.constant 7 : i32
      %dma_wait3A_457 = arith.constant 700 : i32
      %dma_wait3A_458 = arith.constant 0 : i32
      %dma_wait3A_459 = tpu.memref_slice %arg13[%dma_wait3A_457, %dma_wait3A_458] : memref<1600x32xf32, #tpu.memory_space<vmem>> -> memref<100x32xf32, #tpu.memory_space<vmem>>
      %dma_wait3A_460 = arith.constant 0 : i32
      %dma_wait3A_461 = tpu.memref_slice %arg7[%dma_wait3A_456, %dma_wait3A_460] : memref<16x100xi32, #tpu.memory_space<vmem>> -> memref<1x100xi32, #tpu.memory_space<vmem>>
      %dma_wait3A_462 = tpu.memref_squeeze %dma_wait3A_461 : memref<1x100xi32, #tpu.memory_space<vmem>> -> memref<100xi32, #tpu.memory_space<vmem>>
      %dma_wait3A_463 = arith.constant 0 : i32
      %dma_wait3A_464 = arith.constant 0 : i32
      %dma_wait3A_465 = tpu.memref_slice %arg5[%dma_wait3A_463, %dma_wait3A_464] : memref<1000000x32xf32, #tpu.memory_space<hbm>> -> memref<1000000x32xf32, #tpu.memory_space<hbm>>
      tpu.wait_indirect_dma semaphore(%arg19 : memref<!tpu.dma_semaphore, #tpu.memory_space<semaphore_mem>>) src(%dma_wait3A_465 : memref<1000000x32xf32, #tpu.memory_space<hbm>>) dst(%dma_wait3A_459 : memref<100x32xf32, #tpu.memory_space<vmem>>)
      %dma_wait3A_466 = arith.constant 8 : i32
      %dma_wait3A_467 = arith.constant 800 : i32
      %dma_wait3A_468 = arith.constant 0 : i32
      %dma_wait3A_469 = tpu.memref_slice %arg13[%dma_wait3A_467, %dma_wait3A_468] : memref<1600x32xf32, #tpu.memory_space<vmem>> -> memref<100x32xf32, #tpu.memory_space<vmem>>
      %dma_wait3A_470 = arith.constant 0 : i32
      %dma_wait3A_471 = tpu.memref_slice %arg7[%dma_wait3A_466, %dma_wait3A_470] : memref<16x100xi32, #tpu.memory_space<vmem>> -> memref<1x100xi32, #tpu.memory_space<vmem>>
      %dma_wait3A_472 = tpu.memref_squeeze %dma_wait3A_471 : memref<1x100xi32, #tpu.memory_space<vmem>> -> memref<100xi32, #tpu.memory_space<vmem>>
      %dma_wait3A_473 = arith.constant 0 : i32
      %dma_wait3A_474 = arith.constant 0 : i32
      %dma_wait3A_475 = tpu.memref_slice %arg5[%dma_wait3A_473, %dma_wait3A_474] : memref<1000000x32xf32, #tpu.memory_space<hbm>> -> memref<1000000x32xf32, #tpu.memory_space<hbm>>
      tpu.wait_indirect_dma semaphore(%arg19 : memref<!tpu.dma_semaphore, #tpu.memory_space<semaphore_mem>>) src(%dma_wait3A_475 : memref<1000000x32xf32, #tpu.memory_space<hbm>>) dst(%dma_wait3A_469 : memref<100x32xf32, #tpu.memory_space<vmem>>)
      %dma_wait3A_476 = arith.constant 9 : i32
      %dma_wait3A_477 = arith.constant 900 : i32
      %dma_wait3A_478 = arith.constant 0 : i32
      %dma_wait3A_479 = tpu.memref_slice %arg13[%dma_wait3A_477, %dma_wait3A_478] : memref<1600x32xf32, #tpu.memory_space<vmem>> -> memref<100x32xf32, #tpu.memory_space<vmem>>
      %dma_wait3A_480 = arith.constant 0 : i32
      %dma_wait3A_481 = tpu.memref_slice %arg7[%dma_wait3A_476, %dma_wait3A_480] : memref<16x100xi32, #tpu.memory_space<vmem>> -> memref<1x100xi32, #tpu.memory_space<vmem>>
      %dma_wait3A_482 = tpu.memref_squeeze %dma_wait3A_481 : memref<1x100xi32, #tpu.memory_space<vmem>> -> memref<100xi32, #tpu.memory_space<vmem>>
      %dma_wait3A_483 = arith.constant 0 : i32
      %dma_wait3A_484 = arith.constant 0 : i32
      %dma_wait3A_485 = tpu.memref_slice %arg5[%dma_wait3A_483, %dma_wait3A_484] : memref<1000000x32xf32, #tpu.memory_space<hbm>> -> memref<1000000x32xf32, #tpu.memory_space<hbm>>
      tpu.wait_indirect_dma semaphore(%arg19 : memref<!tpu.dma_semaphore, #tpu.memory_space<semaphore_mem>>) src(%dma_wait3A_485 : memref<1000000x32xf32, #tpu.memory_space<hbm>>) dst(%dma_wait3A_479 : memref<100x32xf32, #tpu.memory_space<vmem>>)
      %dma_wait3A_486 = arith.constant 10 : i32
      %dma_wait3A_487 = arith.constant 1000 : i32
      %dma_wait3A_488 = arith.constant 0 : i32
      %dma_wait3A_489 = tpu.memref_slice %arg13[%dma_wait3A_487, %dma_wait3A_488] : memref<1600x32xf32, #tpu.memory_space<vmem>> -> memref<100x32xf32, #tpu.memory_space<vmem>>
      %dma_wait3A_490 = arith.constant 0 : i32
      %dma_wait3A_491 = tpu.memref_slice %arg7[%dma_wait3A_486, %dma_wait3A_490] : memref<16x100xi32, #tpu.memory_space<vmem>> -> memref<1x100xi32, #tpu.memory_space<vmem>>
      %dma_wait3A_492 = tpu.memref_squeeze %dma_wait3A_491 : memref<1x100xi32, #tpu.memory_space<vmem>> -> memref<100xi32, #tpu.memory_space<vmem>>
      %dma_wait3A_493 = arith.constant 0 : i32
      %dma_wait3A_494 = arith.constant 0 : i32
      %dma_wait3A_495 = tpu.memref_slice %arg5[%dma_wait3A_493, %dma_wait3A_494] : memref<1000000x32xf32, #tpu.memory_space<hbm>> -> memref<1000000x32xf32, #tpu.memory_space<hbm>>
      tpu.wait_indirect_dma semaphore(%arg19 : memref<!tpu.dma_semaphore, #tpu.memory_space<semaphore_mem>>) src(%dma_wait3A_495 : memref<1000000x32xf32, #tpu.memory_space<hbm>>) dst(%dma_wait3A_489 : memref<100x32xf32, #tpu.memory_space<vmem>>)
      %dma_wait3A_496 = arith.constant 11 : i32
      %dma_wait3A_497 = arith.constant 1100 : i32
      %dma_wait3A_498 = arith.constant 0 : i32
      %dma_wait3A_499 = tpu.memref_slice %arg13[%dma_wait3A_497, %dma_wait3A_498] : memref<1600x32xf32, #tpu.memory_space<vmem>> -> memref<100x32xf32, #tpu.memory_space<vmem>>
      %dma_wait3A_500 = arith.constant 0 : i32
      %dma_wait3A_501 = tpu.memref_slice %arg7[%dma_wait3A_496, %dma_wait3A_500] : memref<16x100xi32, #tpu.memory_space<vmem>> -> memref<1x100xi32, #tpu.memory_space<vmem>>
      %dma_wait3A_502 = tpu.memref_squeeze %dma_wait3A_501 : memref<1x100xi32, #tpu.memory_space<vmem>> -> memref<100xi32, #tpu.memory_space<vmem>>
      %dma_wait3A_503 = arith.constant 0 : i32
      %dma_wait3A_504 = arith.constant 0 : i32
      %dma_wait3A_505 = tpu.memref_slice %arg5[%dma_wait3A_503, %dma_wait3A_504] : memref<1000000x32xf32, #tpu.memory_space<hbm>> -> memref<1000000x32xf32, #tpu.memory_space<hbm>>
      tpu.wait_indirect_dma semaphore(%arg19 : memref<!tpu.dma_semaphore, #tpu.memory_space<semaphore_mem>>) src(%dma_wait3A_505 : memref<1000000x32xf32, #tpu.memory_space<hbm>>) dst(%dma_wait3A_499 : memref<100x32xf32, #tpu.memory_space<vmem>>)
      %dma_wait3A_506 = arith.constant 12 : i32
      %dma_wait3A_507 = arith.constant 1200 : i32
      %dma_wait3A_508 = arith.constant 0 : i32
      %dma_wait3A_509 = tpu.memref_slice %arg13[%dma_wait3A_507, %dma_wait3A_508] : memref<1600x32xf32, #tpu.memory_space<vmem>> -> memref<100x32xf32, #tpu.memory_space<vmem>>
      %dma_wait3A_510 = arith.constant 0 : i32
      %dma_wait3A_511 = tpu.memref_slice %arg7[%dma_wait3A_506, %dma_wait3A_510] : memref<16x100xi32, #tpu.memory_space<vmem>> -> memref<1x100xi32, #tpu.memory_space<vmem>>
      %dma_wait3A_512 = tpu.memref_squeeze %dma_wait3A_511 : memref<1x100xi32, #tpu.memory_space<vmem>> -> memref<100xi32, #tpu.memory_space<vmem>>
      %dma_wait3A_513 = arith.constant 0 : i32
      %dma_wait3A_514 = arith.constant 0 : i32
      %dma_wait3A_515 = tpu.memref_slice %arg5[%dma_wait3A_513, %dma_wait3A_514] : memref<1000000x32xf32, #tpu.memory_space<hbm>> -> memref<1000000x32xf32, #tpu.memory_space<hbm>>
      tpu.wait_indirect_dma semaphore(%arg19 : memref<!tpu.dma_semaphore, #tpu.memory_space<semaphore_mem>>) src(%dma_wait3A_515 : memref<1000000x32xf32, #tpu.memory_space<hbm>>) dst(%dma_wait3A_509 : memref<100x32xf32, #tpu.memory_space<vmem>>)
      %dma_wait3A_516 = arith.constant 13 : i32
      %dma_wait3A_517 = arith.constant 1300 : i32
      %dma_wait3A_518 = arith.constant 0 : i32
      %dma_wait3A_519 = tpu.memref_slice %arg13[%dma_wait3A_517, %dma_wait3A_518] : memref<1600x32xf32, #tpu.memory_space<vmem>> -> memref<100x32xf32, #tpu.memory_space<vmem>>
      %dma_wait3A_520 = arith.constant 0 : i32
      %dma_wait3A_521 = tpu.memref_slice %arg7[%dma_wait3A_516, %dma_wait3A_520] : memref<16x100xi32, #tpu.memory_space<vmem>> -> memref<1x100xi32, #tpu.memory_space<vmem>>
      %dma_wait3A_522 = tpu.memref_squeeze %dma_wait3A_521 : memref<1x100xi32, #tpu.memory_space<vmem>> -> memref<100xi32, #tpu.memory_space<vmem>>
      %dma_wait3A_523 = arith.constant 0 : i32
      %dma_wait3A_524 = arith.constant 0 : i32
      %dma_wait3A_525 = tpu.memref_slice %arg5[%dma_wait3A_523, %dma_wait3A_524] : memref<1000000x32xf32, #tpu.memory_space<hbm>> -> memref<1000000x32xf32, #tpu.memory_space<hbm>>
      tpu.wait_indirect_dma semaphore(%arg19 : memref<!tpu.dma_semaphore, #tpu.memory_space<semaphore_mem>>) src(%dma_wait3A_525 : memref<1000000x32xf32, #tpu.memory_space<hbm>>) dst(%dma_wait3A_519 : memref<100x32xf32, #tpu.memory_space<vmem>>)
      %dma_wait3A_526 = arith.constant 14 : i32
      %dma_wait3A_527 = arith.constant 1400 : i32
      %dma_wait3A_528 = arith.constant 0 : i32
      %dma_wait3A_529 = tpu.memref_slice %arg13[%dma_wait3A_527, %dma_wait3A_528] : memref<1600x32xf32, #tpu.memory_space<vmem>> -> memref<100x32xf32, #tpu.memory_space<vmem>>
      %dma_wait3A_530 = arith.constant 0 : i32
      %dma_wait3A_531 = tpu.memref_slice %arg7[%dma_wait3A_526, %dma_wait3A_530] : memref<16x100xi32, #tpu.memory_space<vmem>> -> memref<1x100xi32, #tpu.memory_space<vmem>>
      %dma_wait3A_532 = tpu.memref_squeeze %dma_wait3A_531 : memref<1x100xi32, #tpu.memory_space<vmem>> -> memref<100xi32, #tpu.memory_space<vmem>>
      %dma_wait3A_533 = arith.constant 0 : i32
      %dma_wait3A_534 = arith.constant 0 : i32
      %dma_wait3A_535 = tpu.memref_slice %arg5[%dma_wait3A_533, %dma_wait3A_534] : memref<1000000x32xf32, #tpu.memory_space<hbm>> -> memref<1000000x32xf32, #tpu.memory_space<hbm>>
      tpu.wait_indirect_dma semaphore(%arg19 : memref<!tpu.dma_semaphore, #tpu.memory_space<semaphore_mem>>) src(%dma_wait3A_535 : memref<1000000x32xf32, #tpu.memory_space<hbm>>) dst(%dma_wait3A_529 : memref<100x32xf32, #tpu.memory_space<vmem>>)
      %dma_wait3A_536 = arith.constant 15 : i32
      %dma_wait3A_537 = arith.constant 1500 : i32
      %dma_wait3A_538 = arith.constant 0 : i32
      %dma_wait3A_539 = tpu.memref_slice %arg13[%dma_wait3A_537, %dma_wait3A_538] : memref<1600x32xf32, #tpu.memory_space<vmem>> -> memref<100x32xf32, #tpu.memory_space<vmem>>
      %dma_wait3A_540 = arith.constant 0 : i32
      %dma_wait3A_541 = tpu.memref_slice %arg7[%dma_wait3A_536, %dma_wait3A_540] : memref<16x100xi32, #tpu.memory_space<vmem>> -> memref<1x100xi32, #tpu.memory_space<vmem>>
      %dma_wait3A_542 = tpu.memref_squeeze %dma_wait3A_541 : memref<1x100xi32, #tpu.memory_space<vmem>> -> memref<100xi32, #tpu.memory_space<vmem>>
      %dma_wait3A_543 = arith.constant 0 : i32
      %dma_wait3A_544 = arith.constant 0 : i32
      %dma_wait3A_545 = tpu.memref_slice %arg5[%dma_wait3A_543, %dma_wait3A_544] : memref<1000000x32xf32, #tpu.memory_space<hbm>> -> memref<1000000x32xf32, #tpu.memory_space<hbm>>
      tpu.wait_indirect_dma semaphore(%arg19 : memref<!tpu.dma_semaphore, #tpu.memory_space<semaphore_mem>>) src(%dma_wait3A_545 : memref<1000000x32xf32, #tpu.memory_space<hbm>>) dst(%dma_wait3A_539 : memref<100x32xf32, #tpu.memory_space<vmem>>)
      %dma_wait3A_546 = arith.constant 0 : i32
      %dma_wait3A_547 = arith.constant 0 : i32
      %dma_wait3A_548 = tpu.memref_slice %arg5[%dma_wait3A_546, %dma_wait3A_547] : memref<1000000x32xf32, #tpu.memory_space<hbm>> -> memref<1000000x32xf32, #tpu.memory_space<hbm>>
      tpu.wait_indirect_dma semaphore(%arg19 : memref<!tpu.dma_semaphore, #tpu.memory_space<semaphore_mem>>) src(%dma_wait3A_548 : memref<1000000x32xf32, #tpu.memory_space<hbm>>) dst(%arg15 : memref<32x32xf32, #tpu.memory_space<vmem>>)
      %scan3A_549 = arith.constant 0 : i32
      %scan3A_550 = arith.constant 0 : i32
      %scan3A_551 = arith.constant 32 : i32
      %scan3A_552 = arith.addi %scan3A_550, %scan3A_551 : i32
      %scan3A_553 = arith.constant 1 : i32
      scf.for %scan3A_736 = %scan3A_550 to %scan3A_552 step %scan3A_553  : i32 {
        %mul3A_737 = arith.constant 50 : i32
        %mul3A_738 = arith.muli %scan3A_736, %mul3A_737 : i32
        %get3A = arith.index_cast %scan3A_736 : i32 to index
        %get3A_739 = arith.constant 0 : index
        %get3A_740 = tpu.vector_load %arg11[%get3A, %get3A_739] {strides = array<i32>} : memref<32x64xf32, #tpu.memory_space<vmem>>, vector<16xf32>,
        %get3A_741 = arith.index_cast %scan3A_736 : i32 to index
        %get3A_742 = arith.constant 16 : index
        %get3A_743 = tpu.vector_load %arg11[%get3A_741, %get3A_742] {strides = array<i32>} : memref<32x64xf32, #tpu.memory_space<vmem>>, vector<16xf32>,
        %get3A_744 = arith.index_cast %scan3A_736 : i32 to index
        %get3A_745 = arith.constant 32 : index
        %get3A_746 = tpu.vector_load %arg11[%get3A_744, %get3A_745] {strides = array<i32>} : memref<32x64xf32, #tpu.memory_space<vmem>>, vector<16xf32>,
        %get3A_747 = arith.index_cast %scan3A_736 : i32 to index
        %get3A_748 = arith.constant 48 : index
        %get3A_749 = tpu.vector_load %arg11[%get3A_747, %get3A_748] {strides = array<i32>} : memref<32x64xf32, #tpu.memory_space<vmem>>, vector<16xf32>,
        %add3A_750 = arith.addf %get3A_740, %get3A_743 : vector<16xf32>
        %add3A_751 = arith.addf %add3A_750, %get3A_746 : vector<16xf32>
        %add3A_752 = arith.addf %add3A_751, %get3A_749 : vector<16xf32>
        %reduce_sum3A = arith.constant true
        %reduce_sum3A_753 = vector.broadcast %reduce_sum3A : i1 to vector<16xi1>
        %reduce_sum3A_754 = tpu.scan <sum>, %add3A_752 masked %reduce_sum3A_753 : vector<16xf32>, vector<16xi1> -> vector<16xf32>
        %reduce_sum3A_755 = vector.extract %reduce_sum3A_754[15] : f32 from vector<16xf32>
        %broadcast_in_dim3A = vector.broadcast %reduce_sum3A_755 : f32 to vector<16xf32>
        %broadcast_in_dim3A_756 = arith.constant 0.000000e+00 : f32
        %broadcast_in_dim3A_757 = vector.broadcast %broadcast_in_dim3A_756 : f32 to vector<16xf32>
        %broadcast_in_dim3A_758 = arith.constant 0.000000e+00 : f32
        %broadcast_in_dim3A_759 = vector.broadcast %broadcast_in_dim3A_758 : f32 to vector<16xf32>
        %broadcast_in_dim3A_760 = arith.constant 0.000000e+00 : f32
        %broadcast_in_dim3A_761 = vector.broadcast %broadcast_in_dim3A_760 : f32 to vector<16xf32>
        %broadcast_in_dim3A_762 = arith.constant 0.000000e+00 : f32
        %broadcast_in_dim3A_763 = vector.broadcast %broadcast_in_dim3A_762 : f32 to vector<16xf32>
        %broadcast_in_dim3A_764 = arith.constant 0 : i32
        %broadcast_in_dim3A_765 = vector.broadcast %broadcast_in_dim3A_764 : i32 to vector<16xi32>
        %lt3A_766 = arith.constant 0 : i32
        %lt3A_767 = vector.broadcast %lt3A_766 : i32 to vector<16xi32>
        %lt3A_768 = arith.cmpi slt, %broadcast_in_dim3A_765, %lt3A_767 : vector<16xi32>
        %add3A_769 = arith.constant 16 : i32
        %add3A_770 = vector.broadcast %add3A_769 : i32 to vector<16xi32>
        %add3A_771 = arith.addi %broadcast_in_dim3A_765, %add3A_770 : vector<16xi32>
        %select_n3A_772 = arith.select %lt3A_768, %add3A_771, %broadcast_in_dim3A_765 : vector<16xi1>, vector<16xi32>
        %broadcast_in_dim3A_773 = vector.shape_cast %select_n3A_772 : vector<16xi32> to vector<16x1xi32>
        %gather3A = vector.shape_cast %broadcast_in_dim3A_773 : vector<16x1xi32> to vector<16xi32>
        %gather3A_774 = tpu.dynamic_gather %get3A_740[%gather3A] in [0] : vector<16xf32>, vector<16xi32> -> vector<16xf32>
        %add3A_775 = arith.constant 0 : i32
        %add3A_776 = arith.addi %mul3A_738, %add3A_775 : i32
        %get3A_777 = arith.index_cast %add3A_776 : i32 to index
        %get3A_778 = arith.constant 0 : index
        %get3A_779 = tpu.vector_load %arg13[%get3A_777, %get3A_778] {strides = array<i32>} : memref<1600x32xf32, #tpu.memory_space<vmem>>, vector<16xf32>,
        %add3A_780 = arith.constant 0 : i32
        %add3A_781 = arith.addi %mul3A_738, %add3A_780 : i32
        %get3A_782 = arith.index_cast %add3A_781 : i32 to index
        %get3A_783 = arith.constant 16 : index
        %get3A_784 = tpu.vector_load %arg13[%get3A_782, %get3A_783] {strides = array<i32>} : memref<1600x32xf32, #tpu.memory_space<vmem>>, vector<16xf32>,
        %mul3A_785 = arith.mulf %gather3A_774, %get3A_779 : vector<16xf32>
        %add3A_786 = arith.addf %broadcast_in_dim3A_757, %mul3A_785 : vector<16xf32>
        %mul3A_787 = arith.mulf %gather3A_774, %get3A_784 : vector<16xf32>
        %add3A_788 = arith.addf %broadcast_in_dim3A_759, %mul3A_787 : vector<16xf32>
        %broadcast_in_dim3A_789 = arith.constant 1 : i32
        %broadcast_in_dim3A_790 = vector.broadcast %broadcast_in_dim3A_789 : i32 to vector<16xi32>
        %lt3A_791 = arith.constant 0 : i32
        %lt3A_792 = vector.broadcast %lt3A_791 : i32 to vector<16xi32>
        %lt3A_793 = arith.cmpi slt, %broadcast_in_dim3A_790, %lt3A_792 : vector<16xi32>
        %add3A_794 = arith.constant 16 : i32
        %add3A_795 = vector.broadcast %add3A_794 : i32 to vector<16xi32>
        %add3A_796 = arith.addi %broadcast_in_dim3A_790, %add3A_795 : vector<16xi32>
        %select_n3A_797 = arith.select %lt3A_793, %add3A_796, %broadcast_in_dim3A_790 : vector<16xi1>, vector<16xi32>
        %broadcast_in_dim3A_798 = vector.shape_cast %select_n3A_797 : vector<16xi32> to vector<16x1xi32>
        %gather3A_799 = vector.shape_cast %broadcast_in_dim3A_798 : vector<16x1xi32> to vector<16xi32>
        %gather3A_800 = tpu.dynamic_gather %get3A_740[%gather3A_799] in [0] : vector<16xf32>, vector<16xi32> -> vector<16xf32>
        %add3A_801 = arith.constant 1 : i32
        %add3A_802 = arith.addi %mul3A_738, %add3A_801 : i32
        %get3A_803 = arith.index_cast %add3A_802 : i32 to index
        %get3A_804 = arith.constant 0 : index
        %get3A_805 = tpu.vector_load %arg13[%get3A_803, %get3A_804] {strides = array<i32>} : memref<1600x32xf32, #tpu.memory_space<vmem>>, vector<16xf32>,
        %add3A_806 = arith.constant 1 : i32
        %add3A_807 = arith.addi %mul3A_738, %add3A_806 : i32
        %get3A_808 = arith.index_cast %add3A_807 : i32 to index
        %get3A_809 = arith.constant 16 : index
        %get3A_810 = tpu.vector_load %arg13[%get3A_808, %get3A_809] {strides = array<i32>} : memref<1600x32xf32, #tpu.memory_space<vmem>>, vector<16xf32>,
        %mul3A_811 = arith.mulf %gather3A_800, %get3A_805 : vector<16xf32>
        %add3A_812 = arith.addf %broadcast_in_dim3A_761, %mul3A_811 : vector<16xf32>
        %mul3A_813 = arith.mulf %gather3A_800, %get3A_810 : vector<16xf32>
        %add3A_814 = arith.addf %broadcast_in_dim3A_763, %mul3A_813 : vector<16xf32>
        %broadcast_in_dim3A_815 = arith.constant 2 : i32
        %broadcast_in_dim3A_816 = vector.broadcast %broadcast_in_dim3A_815 : i32 to vector<16xi32>
        %lt3A_817 = arith.constant 0 : i32
        %lt3A_818 = vector.broadcast %lt3A_817 : i32 to vector<16xi32>
        %lt3A_819 = arith.cmpi slt, %broadcast_in_dim3A_816, %lt3A_818 : vector<16xi32>
        %add3A_820 = arith.constant 16 : i32
        %add3A_821 = vector.broadcast %add3A_820 : i32 to vector<16xi32>
        %add3A_822 = arith.addi %broadcast_in_dim3A_816, %add3A_821 : vector<16xi32>
        %select_n3A_823 = arith.select %lt3A_819, %add3A_822, %broadcast_in_dim3A_816 : vector<16xi1>, vector<16xi32>
        %broadcast_in_dim3A_824 = vector.shape_cast %select_n3A_823 : vector<16xi32> to vector<16x1xi32>
        %gather3A_825 = vector.shape_cast %broadcast_in_dim3A_824 : vector<16x1xi32> to vector<16xi32>
        %gather3A_826 = tpu.dynamic_gather %get3A_740[%gather3A_825] in [0] : vector<16xf32>, vector<16xi32> -> vector<16xf32>
        %add3A_827 = arith.constant 2 : i32
        %add3A_828 = arith.addi %mul3A_738, %add3A_827 : i32
        %get3A_829 = arith.index_cast %add3A_828 : i32 to index
        %get3A_830 = arith.constant 0 : index
        %get3A_831 = tpu.vector_load %arg13[%get3A_829, %get3A_830] {strides = array<i32>} : memref<1600x32xf32, #tpu.memory_space<vmem>>, vector<16xf32>,
        %add3A_832 = arith.constant 2 : i32
        %add3A_833 = arith.addi %mul3A_738, %add3A_832 : i32
        %get3A_834 = arith.index_cast %add3A_833 : i32 to index
        %get3A_835 = arith.constant 16 : index
        %get3A_836 = tpu.vector_load %arg13[%get3A_834, %get3A_835] {strides = array<i32>} : memref<1600x32xf32, #tpu.memory_space<vmem>>, vector<16xf32>,
        %mul3A_837 = arith.mulf %gather3A_826, %get3A_831 : vector<16xf32>
        %add3A_838 = arith.addf %add3A_786, %mul3A_837 : vector<16xf32>
        %mul3A_839 = arith.mulf %gather3A_826, %get3A_836 : vector<16xf32>
        %add3A_840 = arith.addf %add3A_788, %mul3A_839 : vector<16xf32>
        %broadcast_in_dim3A_841 = arith.constant 3 : i32
        %broadcast_in_dim3A_842 = vector.broadcast %broadcast_in_dim3A_841 : i32 to vector<16xi32>
        %lt3A_843 = arith.constant 0 : i32
        %lt3A_844 = vector.broadcast %lt3A_843 : i32 to vector<16xi32>
        %lt3A_845 = arith.cmpi slt, %broadcast_in_dim3A_842, %lt3A_844 : vector<16xi32>
        %add3A_846 = arith.constant 16 : i32
        %add3A_847 = vector.broadcast %add3A_846 : i32 to vector<16xi32>
        %add3A_848 = arith.addi %broadcast_in_dim3A_842, %add3A_847 : vector<16xi32>
        %select_n3A_849 = arith.select %lt3A_845, %add3A_848, %broadcast_in_dim3A_842 : vector<16xi1>, vector<16xi32>
        %broadcast_in_dim3A_850 = vector.shape_cast %select_n3A_849 : vector<16xi32> to vector<16x1xi32>
        %gather3A_851 = vector.shape_cast %broadcast_in_dim3A_850 : vector<16x1xi32> to vector<16xi32>
        %gather3A_852 = tpu.dynamic_gather %get3A_740[%gather3A_851] in [0] : vector<16xf32>, vector<16xi32> -> vector<16xf32>
        %add3A_853 = arith.constant 3 : i32
        %add3A_854 = arith.addi %mul3A_738, %add3A_853 : i32
        %get3A_855 = arith.index_cast %add3A_854 : i32 to index
        %get3A_856 = arith.constant 0 : index
        %get3A_857 = tpu.vector_load %arg13[%get3A_855, %get3A_856] {strides = array<i32>} : memref<1600x32xf32, #tpu.memory_space<vmem>>, vector<16xf32>,
        %add3A_858 = arith.constant 3 : i32
        %add3A_859 = arith.addi %mul3A_738, %add3A_858 : i32
        %get3A_860 = arith.index_cast %add3A_859 : i32 to index
        %get3A_861 = arith.constant 16 : index
        %get3A_862 = tpu.vector_load %arg13[%get3A_860, %get3A_861] {strides = array<i32>} : memref<1600x32xf32, #tpu.memory_space<vmem>>, vector<16xf32>,
        %mul3A_863 = arith.mulf %gather3A_852, %get3A_857 : vector<16xf32>
        %add3A_864 = arith.addf %add3A_812, %mul3A_863 : vector<16xf32>
        %mul3A_865 = arith.mulf %gather3A_852, %get3A_862 : vector<16xf32>
        %add3A_866 = arith.addf %add3A_814, %mul3A_865 : vector<16xf32>
        %broadcast_in_dim3A_867 = arith.constant 4 : i32
        %broadcast_in_dim3A_868 = vector.broadcast %broadcast_in_dim3A_867 : i32 to vector<16xi32>
        %lt3A_869 = arith.constant 0 : i32
        %lt3A_870 = vector.broadcast %lt3A_869 : i32 to vector<16xi32>
        %lt3A_871 = arith.cmpi slt, %broadcast_in_dim3A_868, %lt3A_870 : vector<16xi32>
        %add3A_872 = arith.constant 16 : i32
        %add3A_873 = vector.broadcast %add3A_872 : i32 to vector<16xi32>
        %add3A_874 = arith.addi %broadcast_in_dim3A_868, %add3A_873 : vector<16xi32>
        %select_n3A_875 = arith.select %lt3A_871, %add3A_874, %broadcast_in_dim3A_868 : vector<16xi1>, vector<16xi32>
        %broadcast_in_dim3A_876 = vector.shape_cast %select_n3A_875 : vector<16xi32> to vector<16x1xi32>
        %gather3A_877 = vector.shape_cast %broadcast_in_dim3A_876 : vector<16x1xi32> to vector<16xi32>
        %gather3A_878 = tpu.dynamic_gather %get3A_740[%gather3A_877] in [0] : vector<16xf32>, vector<16xi32> -> vector<16xf32>
        %add3A_879 = arith.constant 4 : i32
        %add3A_880 = arith.addi %mul3A_738, %add3A_879 : i32
        %get3A_881 = arith.index_cast %add3A_880 : i32 to index
        %get3A_882 = arith.constant 0 : index
        %get3A_883 = tpu.vector_load %arg13[%get3A_881, %get3A_882] {strides = array<i32>} : memref<1600x32xf32, #tpu.memory_space<vmem>>, vector<16xf32>,
        %add3A_884 = arith.constant 4 : i32
        %add3A_885 = arith.addi %mul3A_738, %add3A_884 : i32
        %get3A_886 = arith.index_cast %add3A_885 : i32 to index
        %get3A_887 = arith.constant 16 : index
        %get3A_888 = tpu.vector_load %arg13[%get3A_886, %get3A_887] {strides = array<i32>} : memref<1600x32xf32, #tpu.memory_space<vmem>>, vector<16xf32>,
        %mul3A_889 = arith.mulf %gather3A_878, %get3A_883 : vector<16xf32>
        %add3A_890 = arith.addf %add3A_838, %mul3A_889 : vector<16xf32>
        %mul3A_891 = arith.mulf %gather3A_878, %get3A_888 : vector<16xf32>
        %add3A_892 = arith.addf %add3A_840, %mul3A_891 : vector<16xf32>
        %broadcast_in_dim3A_893 = arith.constant 5 : i32
        %broadcast_in_dim3A_894 = vector.broadcast %broadcast_in_dim3A_893 : i32 to vector<16xi32>
        %lt3A_895 = arith.constant 0 : i32
        %lt3A_896 = vector.broadcast %lt3A_895 : i32 to vector<16xi32>
        %lt3A_897 = arith.cmpi slt, %broadcast_in_dim3A_894, %lt3A_896 : vector<16xi32>
        %add3A_898 = arith.constant 16 : i32
        %add3A_899 = vector.broadcast %add3A_898 : i32 to vector<16xi32>
        %add3A_900 = arith.addi %broadcast_in_dim3A_894, %add3A_899 : vector<16xi32>
        %select_n3A_901 = arith.select %lt3A_897, %add3A_900, %broadcast_in_dim3A_894 : vector<16xi1>, vector<16xi32>
        %broadcast_in_dim3A_902 = vector.shape_cast %select_n3A_901 : vector<16xi32> to vector<16x1xi32>
        %gather3A_903 = vector.shape_cast %broadcast_in_dim3A_902 : vector<16x1xi32> to vector<16xi32>
        %gather3A_904 = tpu.dynamic_gather %get3A_740[%gather3A_903] in [0] : vector<16xf32>, vector<16xi32> -> vector<16xf32>
        %add3A_905 = arith.constant 5 : i32
        %add3A_906 = arith.addi %mul3A_738, %add3A_905 : i32
        %get3A_907 = arith.index_cast %add3A_906 : i32 to index
        %get3A_908 = arith.constant 0 : index
        %get3A_909 = tpu.vector_load %arg13[%get3A_907, %get3A_908] {strides = array<i32>} : memref<1600x32xf32, #tpu.memory_space<vmem>>, vector<16xf32>,
        %add3A_910 = arith.constant 5 : i32
        %add3A_911 = arith.addi %mul3A_738, %add3A_910 : i32
        %get3A_912 = arith.index_cast %add3A_911 : i32 to index
        %get3A_913 = arith.constant 16 : index
        %get3A_914 = tpu.vector_load %arg13[%get3A_912, %get3A_913] {strides = array<i32>} : memref<1600x32xf32, #tpu.memory_space<vmem>>, vector<16xf32>,
        %mul3A_915 = arith.mulf %gather3A_904, %get3A_909 : vector<16xf32>
        %add3A_916 = arith.addf %add3A_864, %mul3A_915 : vector<16xf32>
        %mul3A_917 = arith.mulf %gather3A_904, %get3A_914 : vector<16xf32>
        %add3A_918 = arith.addf %add3A_866, %mul3A_917 : vector<16xf32>
        %broadcast_in_dim3A_919 = arith.constant 6 : i32
        %broadcast_in_dim3A_920 = vector.broadcast %broadcast_in_dim3A_919 : i32 to vector<16xi32>
        %lt3A_921 = arith.constant 0 : i32
        %lt3A_922 = vector.broadcast %lt3A_921 : i32 to vector<16xi32>
        %lt3A_923 = arith.cmpi slt, %broadcast_in_dim3A_920, %lt3A_922 : vector<16xi32>
        %add3A_924 = arith.constant 16 : i32
        %add3A_925 = vector.broadcast %add3A_924 : i32 to vector<16xi32>
        %add3A_926 = arith.addi %broadcast_in_dim3A_920, %add3A_925 : vector<16xi32>
        %select_n3A_927 = arith.select %lt3A_923, %add3A_926, %broadcast_in_dim3A_920 : vector<16xi1>, vector<16xi32>
        %broadcast_in_dim3A_928 = vector.shape_cast %select_n3A_927 : vector<16xi32> to vector<16x1xi32>
        %gather3A_929 = vector.shape_cast %broadcast_in_dim3A_928 : vector<16x1xi32> to vector<16xi32>
        %gather3A_930 = tpu.dynamic_gather %get3A_740[%gather3A_929] in [0] : vector<16xf32>, vector<16xi32> -> vector<16xf32>
        %add3A_931 = arith.constant 6 : i32
        %add3A_932 = arith.addi %mul3A_738, %add3A_931 : i32
        %get3A_933 = arith.index_cast %add3A_932 : i32 to index
        %get3A_934 = arith.constant 0 : index
        %get3A_935 = tpu.vector_load %arg13[%get3A_933, %get3A_934] {strides = array<i32>} : memref<1600x32xf32, #tpu.memory_space<vmem>>, vector<16xf32>,
        %add3A_936 = arith.constant 6 : i32
        %add3A_937 = arith.addi %mul3A_738, %add3A_936 : i32
        %get3A_938 = arith.index_cast %add3A_937 : i32 to index
        %get3A_939 = arith.constant 16 : index
        %get3A_940 = tpu.vector_load %arg13[%get3A_938, %get3A_939] {strides = array<i32>} : memref<1600x32xf32, #tpu.memory_space<vmem>>, vector<16xf32>,
        %mul3A_941 = arith.mulf %gather3A_930, %get3A_935 : vector<16xf32>
        %add3A_942 = arith.addf %add3A_890, %mul3A_941 : vector<16xf32>
        %mul3A_943 = arith.mulf %gather3A_930, %get3A_940 : vector<16xf32>
        %add3A_944 = arith.addf %add3A_892, %mul3A_943 : vector<16xf32>
        %broadcast_in_dim3A_945 = arith.constant 7 : i32
        %broadcast_in_dim3A_946 = vector.broadcast %broadcast_in_dim3A_945 : i32 to vector<16xi32>
        %lt3A_947 = arith.constant 0 : i32
        %lt3A_948 = vector.broadcast %lt3A_947 : i32 to vector<16xi32>
        %lt3A_949 = arith.cmpi slt, %broadcast_in_dim3A_946, %lt3A_948 : vector<16xi32>
        %add3A_950 = arith.constant 16 : i32
        %add3A_951 = vector.broadcast %add3A_950 : i32 to vector<16xi32>
        %add3A_952 = arith.addi %broadcast_in_dim3A_946, %add3A_951 : vector<16xi32>
        %select_n3A_953 = arith.select %lt3A_949, %add3A_952, %broadcast_in_dim3A_946 : vector<16xi1>, vector<16xi32>
        %broadcast_in_dim3A_954 = vector.shape_cast %select_n3A_953 : vector<16xi32> to vector<16x1xi32>
        %gather3A_955 = vector.shape_cast %broadcast_in_dim3A_954 : vector<16x1xi32> to vector<16xi32>
        %gather3A_956 = tpu.dynamic_gather %get3A_740[%gather3A_955] in [0] : vector<16xf32>, vector<16xi32> -> vector<16xf32>
        %add3A_957 = arith.constant 7 : i32
        %add3A_958 = arith.addi %mul3A_738, %add3A_957 : i32
        %get3A_959 = arith.index_cast %add3A_958 : i32 to index
        %get3A_960 = arith.constant 0 : index
        %get3A_961 = tpu.vector_load %arg13[%get3A_959, %get3A_960] {strides = array<i32>} : memref<1600x32xf32, #tpu.memory_space<vmem>>, vector<16xf32>,
        %add3A_962 = arith.constant 7 : i32
        %add3A_963 = arith.addi %mul3A_738, %add3A_962 : i32
        %get3A_964 = arith.index_cast %add3A_963 : i32 to index
        %get3A_965 = arith.constant 16 : index
        %get3A_966 = tpu.vector_load %arg13[%get3A_964, %get3A_965] {strides = array<i32>} : memref<1600x32xf32, #tpu.memory_space<vmem>>, vector<16xf32>,
        %mul3A_967 = arith.mulf %gather3A_956, %get3A_961 : vector<16xf32>
        %add3A_968 = arith.addf %add3A_916, %mul3A_967 : vector<16xf32>
        %mul3A_969 = arith.mulf %gather3A_956, %get3A_966 : vector<16xf32>
        %add3A_970 = arith.addf %add3A_918, %mul3A_969 : vector<16xf32>
        %broadcast_in_dim3A_971 = arith.constant 8 : i32
        %broadcast_in_dim3A_972 = vector.broadcast %broadcast_in_dim3A_971 : i32 to vector<16xi32>
        %lt3A_973 = arith.constant 0 : i32
        %lt3A_974 = vector.broadcast %lt3A_973 : i32 to vector<16xi32>
        %lt3A_975 = arith.cmpi slt, %broadcast_in_dim3A_972, %lt3A_974 : vector<16xi32>
        %add3A_976 = arith.constant 16 : i32
        %add3A_977 = vector.broadcast %add3A_976 : i32 to vector<16xi32>
        %add3A_978 = arith.addi %broadcast_in_dim3A_972, %add3A_977 : vector<16xi32>
        %select_n3A_979 = arith.select %lt3A_975, %add3A_978, %broadcast_in_dim3A_972 : vector<16xi1>, vector<16xi32>
        %broadcast_in_dim3A_980 = vector.shape_cast %select_n3A_979 : vector<16xi32> to vector<16x1xi32>
        %gather3A_981 = vector.shape_cast %broadcast_in_dim3A_980 : vector<16x1xi32> to vector<16xi32>
        %gather3A_982 = tpu.dynamic_gather %get3A_740[%gather3A_981] in [0] : vector<16xf32>, vector<16xi32> -> vector<16xf32>
        %add3A_983 = arith.constant 8 : i32
        %add3A_984 = arith.addi %mul3A_738, %add3A_983 : i32
        %get3A_985 = arith.index_cast %add3A_984 : i32 to index
        %get3A_986 = arith.constant 0 : index
        %get3A_987 = tpu.vector_load %arg13[%get3A_985, %get3A_986] {strides = array<i32>} : memref<1600x32xf32, #tpu.memory_space<vmem>>, vector<16xf32>,
        %add3A_988 = arith.constant 8 : i32
        %add3A_989 = arith.addi %mul3A_738, %add3A_988 : i32
        %get3A_990 = arith.index_cast %add3A_989 : i32 to index
        %get3A_991 = arith.constant 16 : index
        %get3A_992 = tpu.vector_load %arg13[%get3A_990, %get3A_991] {strides = array<i32>} : memref<1600x32xf32, #tpu.memory_space<vmem>>, vector<16xf32>,
        %mul3A_993 = arith.mulf %gather3A_982, %get3A_987 : vector<16xf32>
        %add3A_994 = arith.addf %add3A_942, %mul3A_993 : vector<16xf32>
        %mul3A_995 = arith.mulf %gather3A_982, %get3A_992 : vector<16xf32>
        %add3A_996 = arith.addf %add3A_944, %mul3A_995 : vector<16xf32>
        %broadcast_in_dim3A_997 = arith.constant 9 : i32
        %broadcast_in_dim3A_998 = vector.broadcast %broadcast_in_dim3A_997 : i32 to vector<16xi32>
        %lt3A_999 = arith.constant 0 : i32
        %lt3A_1000 = vector.broadcast %lt3A_999 : i32 to vector<16xi32>
        %lt3A_1001 = arith.cmpi slt, %broadcast_in_dim3A_998, %lt3A_1000 : vector<16xi32>
        %add3A_1002 = arith.constant 16 : i32
        %add3A_1003 = vector.broadcast %add3A_1002 : i32 to vector<16xi32>
        %add3A_1004 = arith.addi %broadcast_in_dim3A_998, %add3A_1003 : vector<16xi32>
        %select_n3A_1005 = arith.select %lt3A_1001, %add3A_1004, %broadcast_in_dim3A_998 : vector<16xi1>, vector<16xi32>
        %broadcast_in_dim3A_1006 = vector.shape_cast %select_n3A_1005 : vector<16xi32> to vector<16x1xi32>
        %gather3A_1007 = vector.shape_cast %broadcast_in_dim3A_1006 : vector<16x1xi32> to vector<16xi32>
        %gather3A_1008 = tpu.dynamic_gather %get3A_740[%gather3A_1007] in [0] : vector<16xf32>, vector<16xi32> -> vector<16xf32>
        %add3A_1009 = arith.constant 9 : i32
        %add3A_1010 = arith.addi %mul3A_738, %add3A_1009 : i32
        %get3A_1011 = arith.index_cast %add3A_1010 : i32 to index
        %get3A_1012 = arith.constant 0 : index
        %get3A_1013 = tpu.vector_load %arg13[%get3A_1011, %get3A_1012] {strides = array<i32>} : memref<1600x32xf32, #tpu.memory_space<vmem>>, vector<16xf32>,
        %add3A_1014 = arith.constant 9 : i32
        %add3A_1015 = arith.addi %mul3A_738, %add3A_1014 : i32
        %get3A_1016 = arith.index_cast %add3A_1015 : i32 to index
        %get3A_1017 = arith.constant 16 : index
        %get3A_1018 = tpu.vector_load %arg13[%get3A_1016, %get3A_1017] {strides = array<i32>} : memref<1600x32xf32, #tpu.memory_space<vmem>>, vector<16xf32>,
        %mul3A_1019 = arith.mulf %gather3A_1008, %get3A_1013 : vector<16xf32>
        %add3A_1020 = arith.addf %add3A_968, %mul3A_1019 : vector<16xf32>
        %mul3A_1021 = arith.mulf %gather3A_1008, %get3A_1018 : vector<16xf32>
        %add3A_1022 = arith.addf %add3A_970, %mul3A_1021 : vector<16xf32>
        %broadcast_in_dim3A_1023 = arith.constant 10 : i32
        %broadcast_in_dim3A_1024 = vector.broadcast %broadcast_in_dim3A_1023 : i32 to vector<16xi32>
        %lt3A_1025 = arith.constant 0 : i32
        %lt3A_1026 = vector.broadcast %lt3A_1025 : i32 to vector<16xi32>
        %lt3A_1027 = arith.cmpi slt, %broadcast_in_dim3A_1024, %lt3A_1026 : vector<16xi32>
        %add3A_1028 = arith.constant 16 : i32
        %add3A_1029 = vector.broadcast %add3A_1028 : i32 to vector<16xi32>
        %add3A_1030 = arith.addi %broadcast_in_dim3A_1024, %add3A_1029 : vector<16xi32>
        %select_n3A_1031 = arith.select %lt3A_1027, %add3A_1030, %broadcast_in_dim3A_1024 : vector<16xi1>, vector<16xi32>
        %broadcast_in_dim3A_1032 = vector.shape_cast %select_n3A_1031 : vector<16xi32> to vector<16x1xi32>
        %gather3A_1033 = vector.shape_cast %broadcast_in_dim3A_1032 : vector<16x1xi32> to vector<16xi32>
        %gather3A_1034 = tpu.dynamic_gather %get3A_740[%gather3A_1033] in [0] : vector<16xf32>, vector<16xi32> -> vector<16xf32>
        %add3A_1035 = arith.constant 10 : i32
        %add3A_1036 = arith.addi %mul3A_738, %add3A_1035 : i32
        %get3A_1037 = arith.index_cast %add3A_1036 : i32 to index
        %get3A_1038 = arith.constant 0 : index
        %get3A_1039 = tpu.vector_load %arg13[%get3A_1037, %get3A_1038] {strides = array<i32>} : memref<1600x32xf32, #tpu.memory_space<vmem>>, vector<16xf32>,
        %add3A_1040 = arith.constant 10 : i32
        %add3A_1041 = arith.addi %mul3A_738, %add3A_1040 : i32
        %get3A_1042 = arith.index_cast %add3A_1041 : i32 to index
        %get3A_1043 = arith.constant 16 : index
        %get3A_1044 = tpu.vector_load %arg13[%get3A_1042, %get3A_1043] {strides = array<i32>} : memref<1600x32xf32, #tpu.memory_space<vmem>>, vector<16xf32>,
        %mul3A_1045 = arith.mulf %gather3A_1034, %get3A_1039 : vector<16xf32>
        %add3A_1046 = arith.addf %add3A_994, %mul3A_1045 : vector<16xf32>
        %mul3A_1047 = arith.mulf %gather3A_1034, %get3A_1044 : vector<16xf32>
        %add3A_1048 = arith.addf %add3A_996, %mul3A_1047 : vector<16xf32>
        %broadcast_in_dim3A_1049 = arith.constant 11 : i32
        %broadcast_in_dim3A_1050 = vector.broadcast %broadcast_in_dim3A_1049 : i32 to vector<16xi32>
        %lt3A_1051 = arith.constant 0 : i32
        %lt3A_1052 = vector.broadcast %lt3A_1051 : i32 to vector<16xi32>
        %lt3A_1053 = arith.cmpi slt, %broadcast_in_dim3A_1050, %lt3A_1052 : vector<16xi32>
        %add3A_1054 = arith.constant 16 : i32
        %add3A_1055 = vector.broadcast %add3A_1054 : i32 to vector<16xi32>
        %add3A_1056 = arith.addi %broadcast_in_dim3A_1050, %add3A_1055 : vector<16xi32>
        %select_n3A_1057 = arith.select %lt3A_1053, %add3A_1056, %broadcast_in_dim3A_1050 : vector<16xi1>, vector<16xi32>
        %broadcast_in_dim3A_1058 = vector.shape_cast %select_n3A_1057 : vector<16xi32> to vector<16x1xi32>
        %gather3A_1059 = vector.shape_cast %broadcast_in_dim3A_1058 : vector<16x1xi32> to vector<16xi32>
        %gather3A_1060 = tpu.dynamic_gather %get3A_740[%gather3A_1059] in [0] : vector<16xf32>, vector<16xi32> -> vector<16xf32>
        %add3A_1061 = arith.constant 11 : i32
        %add3A_1062 = arith.addi %mul3A_738, %add3A_1061 : i32
        %get3A_1063 = arith.index_cast %add3A_1062 : i32 to index
        %get3A_1064 = arith.constant 0 : index
        %get3A_1065 = tpu.vector_load %arg13[%get3A_1063, %get3A_1064] {strides = array<i32>} : memref<1600x32xf32, #tpu.memory_space<vmem>>, vector<16xf32>,
        %add3A_1066 = arith.constant 11 : i32
        %add3A_1067 = arith.addi %mul3A_738, %add3A_1066 : i32
        %get3A_1068 = arith.index_cast %add3A_1067 : i32 to index
        %get3A_1069 = arith.constant 16 : index
        %get3A_1070 = tpu.vector_load %arg13[%get3A_1068, %get3A_1069] {strides = array<i32>} : memref<1600x32xf32, #tpu.memory_space<vmem>>, vector<16xf32>,
        %mul3A_1071 = arith.mulf %gather3A_1060, %get3A_1065 : vector<16xf32>
        %add3A_1072 = arith.addf %add3A_1020, %mul3A_1071 : vector<16xf32>
        %mul3A_1073 = arith.mulf %gather3A_1060, %get3A_1070 : vector<16xf32>
        %add3A_1074 = arith.addf %add3A_1022, %mul3A_1073 : vector<16xf32>
        %broadcast_in_dim3A_1075 = arith.constant 12 : i32
        %broadcast_in_dim3A_1076 = vector.broadcast %broadcast_in_dim3A_1075 : i32 to vector<16xi32>
        %lt3A_1077 = arith.constant 0 : i32
        %lt3A_1078 = vector.broadcast %lt3A_1077 : i32 to vector<16xi32>
        %lt3A_1079 = arith.cmpi slt, %broadcast_in_dim3A_1076, %lt3A_1078 : vector<16xi32>
        %add3A_1080 = arith.constant 16 : i32
        %add3A_1081 = vector.broadcast %add3A_1080 : i32 to vector<16xi32>
        %add3A_1082 = arith.addi %broadcast_in_dim3A_1076, %add3A_1081 : vector<16xi32>
        %select_n3A_1083 = arith.select %lt3A_1079, %add3A_1082, %broadcast_in_dim3A_1076 : vector<16xi1>, vector<16xi32>
        %broadcast_in_dim3A_1084 = vector.shape_cast %select_n3A_1083 : vector<16xi32> to vector<16x1xi32>
        %gather3A_1085 = vector.shape_cast %broadcast_in_dim3A_1084 : vector<16x1xi32> to vector<16xi32>
        %gather3A_1086 = tpu.dynamic_gather %get3A_740[%gather3A_1085] in [0] : vector<16xf32>, vector<16xi32> -> vector<16xf32>
        %add3A_1087 = arith.constant 12 : i32
        %add3A_1088 = arith.addi %mul3A_738, %add3A_1087 : i32
        %get3A_1089 = arith.index_cast %add3A_1088 : i32 to index
        %get3A_1090 = arith.constant 0 : index
        %get3A_1091 = tpu.vector_load %arg13[%get3A_1089, %get3A_1090] {strides = array<i32>} : memref<1600x32xf32, #tpu.memory_space<vmem>>, vector<16xf32>,
        %add3A_1092 = arith.constant 12 : i32
        %add3A_1093 = arith.addi %mul3A_738, %add3A_1092 : i32
        %get3A_1094 = arith.index_cast %add3A_1093 : i32 to index
        %get3A_1095 = arith.constant 16 : index
        %get3A_1096 = tpu.vector_load %arg13[%get3A_1094, %get3A_1095] {strides = array<i32>} : memref<1600x32xf32, #tpu.memory_space<vmem>>, vector<16xf32>,
        %mul3A_1097 = arith.mulf %gather3A_1086, %get3A_1091 : vector<16xf32>
        %add3A_1098 = arith.addf %add3A_1046, %mul3A_1097 : vector<16xf32>
        %mul3A_1099 = arith.mulf %gather3A_1086, %get3A_1096 : vector<16xf32>
        %add3A_1100 = arith.addf %add3A_1048, %mul3A_1099 : vector<16xf32>
        %broadcast_in_dim3A_1101 = arith.constant 13 : i32
        %broadcast_in_dim3A_1102 = vector.broadcast %broadcast_in_dim3A_1101 : i32 to vector<16xi32>
        %lt3A_1103 = arith.constant 0 : i32
        %lt3A_1104 = vector.broadcast %lt3A_1103 : i32 to vector<16xi32>
        %lt3A_1105 = arith.cmpi slt, %broadcast_in_dim3A_1102, %lt3A_1104 : vector<16xi32>
        %add3A_1106 = arith.constant 16 : i32
        %add3A_1107 = vector.broadcast %add3A_1106 : i32 to vector<16xi32>
        %add3A_1108 = arith.addi %broadcast_in_dim3A_1102, %add3A_1107 : vector<16xi32>
        %select_n3A_1109 = arith.select %lt3A_1105, %add3A_1108, %broadcast_in_dim3A_1102 : vector<16xi1>, vector<16xi32>
        %broadcast_in_dim3A_1110 = vector.shape_cast %select_n3A_1109 : vector<16xi32> to vector<16x1xi32>
        %gather3A_1111 = vector.shape_cast %broadcast_in_dim3A_1110 : vector<16x1xi32> to vector<16xi32>
        %gather3A_1112 = tpu.dynamic_gather %get3A_740[%gather3A_1111] in [0] : vector<16xf32>, vector<16xi32> -> vector<16xf32>
        %add3A_1113 = arith.constant 13 : i32
        %add3A_1114 = arith.addi %mul3A_738, %add3A_1113 : i32
        %get3A_1115 = arith.index_cast %add3A_1114 : i32 to index
        %get3A_1116 = arith.constant 0 : index
        %get3A_1117 = tpu.vector_load %arg13[%get3A_1115, %get3A_1116] {strides = array<i32>} : memref<1600x32xf32, #tpu.memory_space<vmem>>, vector<16xf32>,
        %add3A_1118 = arith.constant 13 : i32
        %add3A_1119 = arith.addi %mul3A_738, %add3A_1118 : i32
        %get3A_1120 = arith.index_cast %add3A_1119 : i32 to index
        %get3A_1121 = arith.constant 16 : index
        %get3A_1122 = tpu.vector_load %arg13[%get3A_1120, %get3A_1121] {strides = array<i32>} : memref<1600x32xf32, #tpu.memory_space<vmem>>, vector<16xf32>,
        %mul3A_1123 = arith.mulf %gather3A_1112, %get3A_1117 : vector<16xf32>
        %add3A_1124 = arith.addf %add3A_1072, %mul3A_1123 : vector<16xf32>
        %mul3A_1125 = arith.mulf %gather3A_1112, %get3A_1122 : vector<16xf32>
        %add3A_1126 = arith.addf %add3A_1074, %mul3A_1125 : vector<16xf32>
        %broadcast_in_dim3A_1127 = arith.constant 14 : i32
        %broadcast_in_dim3A_1128 = vector.broadcast %broadcast_in_dim3A_1127 : i32 to vector<16xi32>
        %lt3A_1129 = arith.constant 0 : i32
        %lt3A_1130 = vector.broadcast %lt3A_1129 : i32 to vector<16xi32>
        %lt3A_1131 = arith.cmpi slt, %broadcast_in_dim3A_1128, %lt3A_1130 : vector<16xi32>
        %add3A_1132 = arith.constant 16 : i32
        %add3A_1133 = vector.broadcast %add3A_1132 : i32 to vector<16xi32>
        %add3A_1134 = arith.addi %broadcast_in_dim3A_1128, %add3A_1133 : vector<16xi32>
        %select_n3A_1135 = arith.select %lt3A_1131, %add3A_1134, %broadcast_in_dim3A_1128 : vector<16xi1>, vector<16xi32>
        %broadcast_in_dim3A_1136 = vector.shape_cast %select_n3A_1135 : vector<16xi32> to vector<16x1xi32>
        %gather3A_1137 = vector.shape_cast %broadcast_in_dim3A_1136 : vector<16x1xi32> to vector<16xi32>
        %gather3A_1138 = tpu.dynamic_gather %get3A_740[%gather3A_1137] in [0] : vector<16xf32>, vector<16xi32> -> vector<16xf32>
        %add3A_1139 = arith.constant 14 : i32
        %add3A_1140 = arith.addi %mul3A_738, %add3A_1139 : i32
        %get3A_1141 = arith.index_cast %add3A_1140 : i32 to index
        %get3A_1142 = arith.constant 0 : index
        %get3A_1143 = tpu.vector_load %arg13[%get3A_1141, %get3A_1142] {strides = array<i32>} : memref<1600x32xf32, #tpu.memory_space<vmem>>, vector<16xf32>,
        %add3A_1144 = arith.constant 14 : i32
        %add3A_1145 = arith.addi %mul3A_738, %add3A_1144 : i32
        %get3A_1146 = arith.index_cast %add3A_1145 : i32 to index
        %get3A_1147 = arith.constant 16 : index
        %get3A_1148 = tpu.vector_load %arg13[%get3A_1146, %get3A_1147] {strides = array<i32>} : memref<1600x32xf32, #tpu.memory_space<vmem>>, vector<16xf32>,
        %mul3A_1149 = arith.mulf %gather3A_1138, %get3A_1143 : vector<16xf32>
        %add3A_1150 = arith.addf %add3A_1098, %mul3A_1149 : vector<16xf32>
        %mul3A_1151 = arith.mulf %gather3A_1138, %get3A_1148 : vector<16xf32>
        %add3A_1152 = arith.addf %add3A_1100, %mul3A_1151 : vector<16xf32>
        %broadcast_in_dim3A_1153 = arith.constant 15 : i32
        %broadcast_in_dim3A_1154 = vector.broadcast %broadcast_in_dim3A_1153 : i32 to vector<16xi32>
        %lt3A_1155 = arith.constant 0 : i32
        %lt3A_1156 = vector.broadcast %lt3A_1155 : i32 to vector<16xi32>
        %lt3A_1157 = arith.cmpi slt, %broadcast_in_dim3A_1154, %lt3A_1156 : vector<16xi32>
        %add3A_1158 = arith.constant 16 : i32
        %add3A_1159 = vector.broadcast %add3A_1158 : i32 to vector<16xi32>
        %add3A_1160 = arith.addi %broadcast_in_dim3A_1154, %add3A_1159 : vector<16xi32>
        %select_n3A_1161 = arith.select %lt3A_1157, %add3A_1160, %broadcast_in_dim3A_1154 : vector<16xi1>, vector<16xi32>
        %broadcast_in_dim3A_1162 = vector.shape_cast %select_n3A_1161 : vector<16xi32> to vector<16x1xi32>
        %gather3A_1163 = vector.shape_cast %broadcast_in_dim3A_1162 : vector<16x1xi32> to vector<16xi32>
        %gather3A_1164 = tpu.dynamic_gather %get3A_740[%gather3A_1163] in [0] : vector<16xf32>, vector<16xi32> -> vector<16xf32>
        %add3A_1165 = arith.constant 15 : i32
        %add3A_1166 = arith.addi %mul3A_738, %add3A_1165 : i32
        %get3A_1167 = arith.index_cast %add3A_1166 : i32 to index
        %get3A_1168 = arith.constant 0 : index
        %get3A_1169 = tpu.vector_load %arg13[%get3A_1167, %get3A_1168] {strides = array<i32>} : memref<1600x32xf32, #tpu.memory_space<vmem>>, vector<16xf32>,
        %add3A_1170 = arith.constant 15 : i32
        %add3A_1171 = arith.addi %mul3A_738, %add3A_1170 : i32
        %get3A_1172 = arith.index_cast %add3A_1171 : i32 to index
        %get3A_1173 = arith.constant 16 : index
        %get3A_1174 = tpu.vector_load %arg13[%get3A_1172, %get3A_1173] {strides = array<i32>} : memref<1600x32xf32, #tpu.memory_space<vmem>>, vector<16xf32>,
        %mul3A_1175 = arith.mulf %gather3A_1164, %get3A_1169 : vector<16xf32>
        %add3A_1176 = arith.addf %add3A_1124, %mul3A_1175 : vector<16xf32>
        %mul3A_1177 = arith.mulf %gather3A_1164, %get3A_1174 : vector<16xf32>
        %add3A_1178 = arith.addf %add3A_1126, %mul3A_1177 : vector<16xf32>
        %broadcast_in_dim3A_1179 = arith.constant 0 : i32
        %broadcast_in_dim3A_1180 = vector.broadcast %broadcast_in_dim3A_1179 : i32 to vector<16xi32>
        %lt3A_1181 = arith.constant 0 : i32
        %lt3A_1182 = vector.broadcast %lt3A_1181 : i32 to vector<16xi32>
        %lt3A_1183 = arith.cmpi slt, %broadcast_in_dim3A_1180, %lt3A_1182 : vector<16xi32>
        %add3A_1184 = arith.constant 16 : i32
        %add3A_1185 = vector.broadcast %add3A_1184 : i32 to vector<16xi32>
        %add3A_1186 = arith.addi %broadcast_in_dim3A_1180, %add3A_1185 : vector<16xi32>
        %select_n3A_1187 = arith.select %lt3A_1183, %add3A_1186, %broadcast_in_dim3A_1180 : vector<16xi1>, vector<16xi32>
        %broadcast_in_dim3A_1188 = vector.shape_cast %select_n3A_1187 : vector<16xi32> to vector<16x1xi32>
        %gather3A_1189 = vector.shape_cast %broadcast_in_dim3A_1188 : vector<16x1xi32> to vector<16xi32>
        %gather3A_1190 = tpu.dynamic_gather %get3A_743[%gather3A_1189] in [0] : vector<16xf32>, vector<16xi32> -> vector<16xf32>
        %add3A_1191 = arith.constant 16 : i32
        %add3A_1192 = arith.addi %mul3A_738, %add3A_1191 : i32
        %get3A_1193 = arith.index_cast %add3A_1192 : i32 to index
        %get3A_1194 = arith.constant 0 : index
        %get3A_1195 = tpu.vector_load %arg13[%get3A_1193, %get3A_1194] {strides = array<i32>} : memref<1600x32xf32, #tpu.memory_space<vmem>>, vector<16xf32>,
        %add3A_1196 = arith.constant 16 : i32
        %add3A_1197 = arith.addi %mul3A_738, %add3A_1196 : i32
        %get3A_1198 = arith.index_cast %add3A_1197 : i32 to index
        %get3A_1199 = arith.constant 16 : index
        %get3A_1200 = tpu.vector_load %arg13[%get3A_1198, %get3A_1199] {strides = array<i32>} : memref<1600x32xf32, #tpu.memory_space<vmem>>, vector<16xf32>,
        %mul3A_1201 = arith.mulf %gather3A_1190, %get3A_1195 : vector<16xf32>
        %add3A_1202 = arith.addf %add3A_1150, %mul3A_1201 : vector<16xf32>
        %mul3A_1203 = arith.mulf %gather3A_1190, %get3A_1200 : vector<16xf32>
        %add3A_1204 = arith.addf %add3A_1152, %mul3A_1203 : vector<16xf32>
        %broadcast_in_dim3A_1205 = arith.constant 1 : i32
        %broadcast_in_dim3A_1206 = vector.broadcast %broadcast_in_dim3A_1205 : i32 to vector<16xi32>
        %lt3A_1207 = arith.constant 0 : i32
        %lt3A_1208 = vector.broadcast %lt3A_1207 : i32 to vector<16xi32>
        %lt3A_1209 = arith.cmpi slt, %broadcast_in_dim3A_1206, %lt3A_1208 : vector<16xi32>
        %add3A_1210 = arith.constant 16 : i32
        %add3A_1211 = vector.broadcast %add3A_1210 : i32 to vector<16xi32>
        %add3A_1212 = arith.addi %broadcast_in_dim3A_1206, %add3A_1211 : vector<16xi32>
        %select_n3A_1213 = arith.select %lt3A_1209, %add3A_1212, %broadcast_in_dim3A_1206 : vector<16xi1>, vector<16xi32>
        %broadcast_in_dim3A_1214 = vector.shape_cast %select_n3A_1213 : vector<16xi32> to vector<16x1xi32>
        %gather3A_1215 = vector.shape_cast %broadcast_in_dim3A_1214 : vector<16x1xi32> to vector<16xi32>
        %gather3A_1216 = tpu.dynamic_gather %get3A_743[%gather3A_1215] in [0] : vector<16xf32>, vector<16xi32> -> vector<16xf32>
        %add3A_1217 = arith.constant 17 : i32
        %add3A_1218 = arith.addi %mul3A_738, %add3A_1217 : i32
        %get3A_1219 = arith.index_cast %add3A_1218 : i32 to index
        %get3A_1220 = arith.constant 0 : index
        %get3A_1221 = tpu.vector_load %arg13[%get3A_1219, %get3A_1220] {strides = array<i32>} : memref<1600x32xf32, #tpu.memory_space<vmem>>, vector<16xf32>,
        %add3A_1222 = arith.constant 17 : i32
        %add3A_1223 = arith.addi %mul3A_738, %add3A_1222 : i32
        %get3A_1224 = arith.index_cast %add3A_1223 : i32 to index
        %get3A_1225 = arith.constant 16 : index
        %get3A_1226 = tpu.vector_load %arg13[%get3A_1224, %get3A_1225] {strides = array<i32>} : memref<1600x32xf32, #tpu.memory_space<vmem>>, vector<16xf32>,
        %mul3A_1227 = arith.mulf %gather3A_1216, %get3A_1221 : vector<16xf32>
        %add3A_1228 = arith.addf %add3A_1176, %mul3A_1227 : vector<16xf32>
        %mul3A_1229 = arith.mulf %gather3A_1216, %get3A_1226 : vector<16xf32>
        %add3A_1230 = arith.addf %add3A_1178, %mul3A_1229 : vector<16xf32>
        %broadcast_in_dim3A_1231 = arith.constant 2 : i32
        %broadcast_in_dim3A_1232 = vector.broadcast %broadcast_in_dim3A_1231 : i32 to vector<16xi32>
        %lt3A_1233 = arith.constant 0 : i32
        %lt3A_1234 = vector.broadcast %lt3A_1233 : i32 to vector<16xi32>
        %lt3A_1235 = arith.cmpi slt, %broadcast_in_dim3A_1232, %lt3A_1234 : vector<16xi32>
        %add3A_1236 = arith.constant 16 : i32
        %add3A_1237 = vector.broadcast %add3A_1236 : i32 to vector<16xi32>
        %add3A_1238 = arith.addi %broadcast_in_dim3A_1232, %add3A_1237 : vector<16xi32>
        %select_n3A_1239 = arith.select %lt3A_1235, %add3A_1238, %broadcast_in_dim3A_1232 : vector<16xi1>, vector<16xi32>
        %broadcast_in_dim3A_1240 = vector.shape_cast %select_n3A_1239 : vector<16xi32> to vector<16x1xi32>
        %gather3A_1241 = vector.shape_cast %broadcast_in_dim3A_1240 : vector<16x1xi32> to vector<16xi32>
        %gather3A_1242 = tpu.dynamic_gather %get3A_743[%gather3A_1241] in [0] : vector<16xf32>, vector<16xi32> -> vector<16xf32>
        %add3A_1243 = arith.constant 18 : i32
        %add3A_1244 = arith.addi %mul3A_738, %add3A_1243 : i32
        %get3A_1245 = arith.index_cast %add3A_1244 : i32 to index
        %get3A_1246 = arith.constant 0 : index
        %get3A_1247 = tpu.vector_load %arg13[%get3A_1245, %get3A_1246] {strides = array<i32>} : memref<1600x32xf32, #tpu.memory_space<vmem>>, vector<16xf32>,
        %add3A_1248 = arith.constant 18 : i32
        %add3A_1249 = arith.addi %mul3A_738, %add3A_1248 : i32
        %get3A_1250 = arith.index_cast %add3A_1249 : i32 to index
        %get3A_1251 = arith.constant 16 : index
        %get3A_1252 = tpu.vector_load %arg13[%get3A_1250, %get3A_1251] {strides = array<i32>} : memref<1600x32xf32, #tpu.memory_space<vmem>>, vector<16xf32>,
        %mul3A_1253 = arith.mulf %gather3A_1242, %get3A_1247 : vector<16xf32>
        %add3A_1254 = arith.addf %add3A_1202, %mul3A_1253 : vector<16xf32>
        %mul3A_1255 = arith.mulf %gather3A_1242, %get3A_1252 : vector<16xf32>
        %add3A_1256 = arith.addf %add3A_1204, %mul3A_1255 : vector<16xf32>
        %broadcast_in_dim3A_1257 = arith.constant 3 : i32
        %broadcast_in_dim3A_1258 = vector.broadcast %broadcast_in_dim3A_1257 : i32 to vector<16xi32>
        %lt3A_1259 = arith.constant 0 : i32
        %lt3A_1260 = vector.broadcast %lt3A_1259 : i32 to vector<16xi32>
        %lt3A_1261 = arith.cmpi slt, %broadcast_in_dim3A_1258, %lt3A_1260 : vector<16xi32>
        %add3A_1262 = arith.constant 16 : i32
        %add3A_1263 = vector.broadcast %add3A_1262 : i32 to vector<16xi32>
        %add3A_1264 = arith.addi %broadcast_in_dim3A_1258, %add3A_1263 : vector<16xi32>
        %select_n3A_1265 = arith.select %lt3A_1261, %add3A_1264, %broadcast_in_dim3A_1258 : vector<16xi1>, vector<16xi32>
        %broadcast_in_dim3A_1266 = vector.shape_cast %select_n3A_1265 : vector<16xi32> to vector<16x1xi32>
        %gather3A_1267 = vector.shape_cast %broadcast_in_dim3A_1266 : vector<16x1xi32> to vector<16xi32>
        %gather3A_1268 = tpu.dynamic_gather %get3A_743[%gather3A_1267] in [0] : vector<16xf32>, vector<16xi32> -> vector<16xf32>
        %add3A_1269 = arith.constant 19 : i32
        %add3A_1270 = arith.addi %mul3A_738, %add3A_1269 : i32
        %get3A_1271 = arith.index_cast %add3A_1270 : i32 to index
        %get3A_1272 = arith.constant 0 : index
        %get3A_1273 = tpu.vector_load %arg13[%get3A_1271, %get3A_1272] {strides = array<i32>} : memref<1600x32xf32, #tpu.memory_space<vmem>>, vector<16xf32>,
        %add3A_1274 = arith.constant 19 : i32
        %add3A_1275 = arith.addi %mul3A_738, %add3A_1274 : i32
        %get3A_1276 = arith.index_cast %add3A_1275 : i32 to index
        %get3A_1277 = arith.constant 16 : index
        %get3A_1278 = tpu.vector_load %arg13[%get3A_1276, %get3A_1277] {strides = array<i32>} : memref<1600x32xf32, #tpu.memory_space<vmem>>, vector<16xf32>,
        %mul3A_1279 = arith.mulf %gather3A_1268, %get3A_1273 : vector<16xf32>
        %add3A_1280 = arith.addf %add3A_1228, %mul3A_1279 : vector<16xf32>
        %mul3A_1281 = arith.mulf %gather3A_1268, %get3A_1278 : vector<16xf32>
        %add3A_1282 = arith.addf %add3A_1230, %mul3A_1281 : vector<16xf32>
        %broadcast_in_dim3A_1283 = arith.constant 4 : i32
        %broadcast_in_dim3A_1284 = vector.broadcast %broadcast_in_dim3A_1283 : i32 to vector<16xi32>
        %lt3A_1285 = arith.constant 0 : i32
        %lt3A_1286 = vector.broadcast %lt3A_1285 : i32 to vector<16xi32>
        %lt3A_1287 = arith.cmpi slt, %broadcast_in_dim3A_1284, %lt3A_1286 : vector<16xi32>
        %add3A_1288 = arith.constant 16 : i32
        %add3A_1289 = vector.broadcast %add3A_1288 : i32 to vector<16xi32>
        %add3A_1290 = arith.addi %broadcast_in_dim3A_1284, %add3A_1289 : vector<16xi32>
        %select_n3A_1291 = arith.select %lt3A_1287, %add3A_1290, %broadcast_in_dim3A_1284 : vector<16xi1>, vector<16xi32>
        %broadcast_in_dim3A_1292 = vector.shape_cast %select_n3A_1291 : vector<16xi32> to vector<16x1xi32>
        %gather3A_1293 = vector.shape_cast %broadcast_in_dim3A_1292 : vector<16x1xi32> to vector<16xi32>
        %gather3A_1294 = tpu.dynamic_gather %get3A_743[%gather3A_1293] in [0] : vector<16xf32>, vector<16xi32> -> vector<16xf32>
        %add3A_1295 = arith.constant 20 : i32
        %add3A_1296 = arith.addi %mul3A_738, %add3A_1295 : i32
        %get3A_1297 = arith.index_cast %add3A_1296 : i32 to index
        %get3A_1298 = arith.constant 0 : index
        %get3A_1299 = tpu.vector_load %arg13[%get3A_1297, %get3A_1298] {strides = array<i32>} : memref<1600x32xf32, #tpu.memory_space<vmem>>, vector<16xf32>,
        %add3A_1300 = arith.constant 20 : i32
        %add3A_1301 = arith.addi %mul3A_738, %add3A_1300 : i32
        %get3A_1302 = arith.index_cast %add3A_1301 : i32 to index
        %get3A_1303 = arith.constant 16 : index
        %get3A_1304 = tpu.vector_load %arg13[%get3A_1302, %get3A_1303] {strides = array<i32>} : memref<1600x32xf32, #tpu.memory_space<vmem>>, vector<16xf32>,
        %mul3A_1305 = arith.mulf %gather3A_1294, %get3A_1299 : vector<16xf32>
        %add3A_1306 = arith.addf %add3A_1254, %mul3A_1305 : vector<16xf32>
        %mul3A_1307 = arith.mulf %gather3A_1294, %get3A_1304 : vector<16xf32>
        %add3A_1308 = arith.addf %add3A_1256, %mul3A_1307 : vector<16xf32>
        %broadcast_in_dim3A_1309 = arith.constant 5 : i32
        %broadcast_in_dim3A_1310 = vector.broadcast %broadcast_in_dim3A_1309 : i32 to vector<16xi32>
        %lt3A_1311 = arith.constant 0 : i32
        %lt3A_1312 = vector.broadcast %lt3A_1311 : i32 to vector<16xi32>
        %lt3A_1313 = arith.cmpi slt, %broadcast_in_dim3A_1310, %lt3A_1312 : vector<16xi32>
        %add3A_1314 = arith.constant 16 : i32
        %add3A_1315 = vector.broadcast %add3A_1314 : i32 to vector<16xi32>
        %add3A_1316 = arith.addi %broadcast_in_dim3A_1310, %add3A_1315 : vector<16xi32>
        %select_n3A_1317 = arith.select %lt3A_1313, %add3A_1316, %broadcast_in_dim3A_1310 : vector<16xi1>, vector<16xi32>
        %broadcast_in_dim3A_1318 = vector.shape_cast %select_n3A_1317 : vector<16xi32> to vector<16x1xi32>
        %gather3A_1319 = vector.shape_cast %broadcast_in_dim3A_1318 : vector<16x1xi32> to vector<16xi32>
        %gather3A_1320 = tpu.dynamic_gather %get3A_743[%gather3A_1319] in [0] : vector<16xf32>, vector<16xi32> -> vector<16xf32>
        %add3A_1321 = arith.constant 21 : i32
        %add3A_1322 = arith.addi %mul3A_738, %add3A_1321 : i32
        %get3A_1323 = arith.index_cast %add3A_1322 : i32 to index
        %get3A_1324 = arith.constant 0 : index
        %get3A_1325 = tpu.vector_load %arg13[%get3A_1323, %get3A_1324] {strides = array<i32>} : memref<1600x32xf32, #tpu.memory_space<vmem>>, vector<16xf32>,
        %add3A_1326 = arith.constant 21 : i32
        %add3A_1327 = arith.addi %mul3A_738, %add3A_1326 : i32
        %get3A_1328 = arith.index_cast %add3A_1327 : i32 to index
        %get3A_1329 = arith.constant 16 : index
        %get3A_1330 = tpu.vector_load %arg13[%get3A_1328, %get3A_1329] {strides = array<i32>} : memref<1600x32xf32, #tpu.memory_space<vmem>>, vector<16xf32>,
        %mul3A_1331 = arith.mulf %gather3A_1320, %get3A_1325 : vector<16xf32>
        %add3A_1332 = arith.addf %add3A_1280, %mul3A_1331 : vector<16xf32>
        %mul3A_1333 = arith.mulf %gather3A_1320, %get3A_1330 : vector<16xf32>
        %add3A_1334 = arith.addf %add3A_1282, %mul3A_1333 : vector<16xf32>
        %broadcast_in_dim3A_1335 = arith.constant 6 : i32
        %broadcast_in_dim3A_1336 = vector.broadcast %broadcast_in_dim3A_1335 : i32 to vector<16xi32>
        %lt3A_1337 = arith.constant 0 : i32
        %lt3A_1338 = vector.broadcast %lt3A_1337 : i32 to vector<16xi32>
        %lt3A_1339 = arith.cmpi slt, %broadcast_in_dim3A_1336, %lt3A_1338 : vector<16xi32>
        %add3A_1340 = arith.constant 16 : i32
        %add3A_1341 = vector.broadcast %add3A_1340 : i32 to vector<16xi32>
        %add3A_1342 = arith.addi %broadcast_in_dim3A_1336, %add3A_1341 : vector<16xi32>
        %select_n3A_1343 = arith.select %lt3A_1339, %add3A_1342, %broadcast_in_dim3A_1336 : vector<16xi1>, vector<16xi32>
        %broadcast_in_dim3A_1344 = vector.shape_cast %select_n3A_1343 : vector<16xi32> to vector<16x1xi32>
        %gather3A_1345 = vector.shape_cast %broadcast_in_dim3A_1344 : vector<16x1xi32> to vector<16xi32>
        %gather3A_1346 = tpu.dynamic_gather %get3A_743[%gather3A_1345] in [0] : vector<16xf32>, vector<16xi32> -> vector<16xf32>
        %add3A_1347 = arith.constant 22 : i32
        %add3A_1348 = arith.addi %mul3A_738, %add3A_1347 : i32
        %get3A_1349 = arith.index_cast %add3A_1348 : i32 to index
        %get3A_1350 = arith.constant 0 : index
        %get3A_1351 = tpu.vector_load %arg13[%get3A_1349, %get3A_1350] {strides = array<i32>} : memref<1600x32xf32, #tpu.memory_space<vmem>>, vector<16xf32>,
        %add3A_1352 = arith.constant 22 : i32
        %add3A_1353 = arith.addi %mul3A_738, %add3A_1352 : i32
        %get3A_1354 = arith.index_cast %add3A_1353 : i32 to index
        %get3A_1355 = arith.constant 16 : index
        %get3A_1356 = tpu.vector_load %arg13[%get3A_1354, %get3A_1355] {strides = array<i32>} : memref<1600x32xf32, #tpu.memory_space<vmem>>, vector<16xf32>,
        %mul3A_1357 = arith.mulf %gather3A_1346, %get3A_1351 : vector<16xf32>
        %add3A_1358 = arith.addf %add3A_1306, %mul3A_1357 : vector<16xf32>
        %mul3A_1359 = arith.mulf %gather3A_1346, %get3A_1356 : vector<16xf32>
        %add3A_1360 = arith.addf %add3A_1308, %mul3A_1359 : vector<16xf32>
        %broadcast_in_dim3A_1361 = arith.constant 7 : i32
        %broadcast_in_dim3A_1362 = vector.broadcast %broadcast_in_dim3A_1361 : i32 to vector<16xi32>
        %lt3A_1363 = arith.constant 0 : i32
        %lt3A_1364 = vector.broadcast %lt3A_1363 : i32 to vector<16xi32>
        %lt3A_1365 = arith.cmpi slt, %broadcast_in_dim3A_1362, %lt3A_1364 : vector<16xi32>
        %add3A_1366 = arith.constant 16 : i32
        %add3A_1367 = vector.broadcast %add3A_1366 : i32 to vector<16xi32>
        %add3A_1368 = arith.addi %broadcast_in_dim3A_1362, %add3A_1367 : vector<16xi32>
        %select_n3A_1369 = arith.select %lt3A_1365, %add3A_1368, %broadcast_in_dim3A_1362 : vector<16xi1>, vector<16xi32>
        %broadcast_in_dim3A_1370 = vector.shape_cast %select_n3A_1369 : vector<16xi32> to vector<16x1xi32>
        %gather3A_1371 = vector.shape_cast %broadcast_in_dim3A_1370 : vector<16x1xi32> to vector<16xi32>
        %gather3A_1372 = tpu.dynamic_gather %get3A_743[%gather3A_1371] in [0] : vector<16xf32>, vector<16xi32> -> vector<16xf32>
        %add3A_1373 = arith.constant 23 : i32
        %add3A_1374 = arith.addi %mul3A_738, %add3A_1373 : i32
        %get3A_1375 = arith.index_cast %add3A_1374 : i32 to index
        %get3A_1376 = arith.constant 0 : index
        %get3A_1377 = tpu.vector_load %arg13[%get3A_1375, %get3A_1376] {strides = array<i32>} : memref<1600x32xf32, #tpu.memory_space<vmem>>, vector<16xf32>,
        %add3A_1378 = arith.constant 23 : i32
        %add3A_1379 = arith.addi %mul3A_738, %add3A_1378 : i32
        %get3A_1380 = arith.index_cast %add3A_1379 : i32 to index
        %get3A_1381 = arith.constant 16 : index
        %get3A_1382 = tpu.vector_load %arg13[%get3A_1380, %get3A_1381] {strides = array<i32>} : memref<1600x32xf32, #tpu.memory_space<vmem>>, vector<16xf32>,
        %mul3A_1383 = arith.mulf %gather3A_1372, %get3A_1377 : vector<16xf32>
        %add3A_1384 = arith.addf %add3A_1332, %mul3A_1383 : vector<16xf32>
        %mul3A_1385 = arith.mulf %gather3A_1372, %get3A_1382 : vector<16xf32>
        %add3A_1386 = arith.addf %add3A_1334, %mul3A_1385 : vector<16xf32>
        %broadcast_in_dim3A_1387 = arith.constant 8 : i32
        %broadcast_in_dim3A_1388 = vector.broadcast %broadcast_in_dim3A_1387 : i32 to vector<16xi32>
        %lt3A_1389 = arith.constant 0 : i32
        %lt3A_1390 = vector.broadcast %lt3A_1389 : i32 to vector<16xi32>
        %lt3A_1391 = arith.cmpi slt, %broadcast_in_dim3A_1388, %lt3A_1390 : vector<16xi32>
        %add3A_1392 = arith.constant 16 : i32
        %add3A_1393 = vector.broadcast %add3A_1392 : i32 to vector<16xi32>
        %add3A_1394 = arith.addi %broadcast_in_dim3A_1388, %add3A_1393 : vector<16xi32>
        %select_n3A_1395 = arith.select %lt3A_1391, %add3A_1394, %broadcast_in_dim3A_1388 : vector<16xi1>, vector<16xi32>
        %broadcast_in_dim3A_1396 = vector.shape_cast %select_n3A_1395 : vector<16xi32> to vector<16x1xi32>
        %gather3A_1397 = vector.shape_cast %broadcast_in_dim3A_1396 : vector<16x1xi32> to vector<16xi32>
        %gather3A_1398 = tpu.dynamic_gather %get3A_743[%gather3A_1397] in [0] : vector<16xf32>, vector<16xi32> -> vector<16xf32>
        %add3A_1399 = arith.constant 24 : i32
        %add3A_1400 = arith.addi %mul3A_738, %add3A_1399 : i32
        %get3A_1401 = arith.index_cast %add3A_1400 : i32 to index
        %get3A_1402 = arith.constant 0 : index
        %get3A_1403 = tpu.vector_load %arg13[%get3A_1401, %get3A_1402] {strides = array<i32>} : memref<1600x32xf32, #tpu.memory_space<vmem>>, vector<16xf32>,
        %add3A_1404 = arith.constant 24 : i32
        %add3A_1405 = arith.addi %mul3A_738, %add3A_1404 : i32
        %get3A_1406 = arith.index_cast %add3A_1405 : i32 to index
        %get3A_1407 = arith.constant 16 : index
        %get3A_1408 = tpu.vector_load %arg13[%get3A_1406, %get3A_1407] {strides = array<i32>} : memref<1600x32xf32, #tpu.memory_space<vmem>>, vector<16xf32>,
        %mul3A_1409 = arith.mulf %gather3A_1398, %get3A_1403 : vector<16xf32>
        %add3A_1410 = arith.addf %add3A_1358, %mul3A_1409 : vector<16xf32>
        %mul3A_1411 = arith.mulf %gather3A_1398, %get3A_1408 : vector<16xf32>
        %add3A_1412 = arith.addf %add3A_1360, %mul3A_1411 : vector<16xf32>
        %broadcast_in_dim3A_1413 = arith.constant 9 : i32
        %broadcast_in_dim3A_1414 = vector.broadcast %broadcast_in_dim3A_1413 : i32 to vector<16xi32>
        %lt3A_1415 = arith.constant 0 : i32
        %lt3A_1416 = vector.broadcast %lt3A_1415 : i32 to vector<16xi32>
        %lt3A_1417 = arith.cmpi slt, %broadcast_in_dim3A_1414, %lt3A_1416 : vector<16xi32>
        %add3A_1418 = arith.constant 16 : i32
        %add3A_1419 = vector.broadcast %add3A_1418 : i32 to vector<16xi32>
        %add3A_1420 = arith.addi %broadcast_in_dim3A_1414, %add3A_1419 : vector<16xi32>
        %select_n3A_1421 = arith.select %lt3A_1417, %add3A_1420, %broadcast_in_dim3A_1414 : vector<16xi1>, vector<16xi32>
        %broadcast_in_dim3A_1422 = vector.shape_cast %select_n3A_1421 : vector<16xi32> to vector<16x1xi32>
        %gather3A_1423 = vector.shape_cast %broadcast_in_dim3A_1422 : vector<16x1xi32> to vector<16xi32>
        %gather3A_1424 = tpu.dynamic_gather %get3A_743[%gather3A_1423] in [0] : vector<16xf32>, vector<16xi32> -> vector<16xf32>
        %add3A_1425 = arith.constant 25 : i32
        %add3A_1426 = arith.addi %mul3A_738, %add3A_1425 : i32
        %get3A_1427 = arith.index_cast %add3A_1426 : i32 to index
        %get3A_1428 = arith.constant 0 : index
        %get3A_1429 = tpu.vector_load %arg13[%get3A_1427, %get3A_1428] {strides = array<i32>} : memref<1600x32xf32, #tpu.memory_space<vmem>>, vector<16xf32>,
        %add3A_1430 = arith.constant 25 : i32
        %add3A_1431 = arith.addi %mul3A_738, %add3A_1430 : i32
        %get3A_1432 = arith.index_cast %add3A_1431 : i32 to index
        %get3A_1433 = arith.constant 16 : index
        %get3A_1434 = tpu.vector_load %arg13[%get3A_1432, %get3A_1433] {strides = array<i32>} : memref<1600x32xf32, #tpu.memory_space<vmem>>, vector<16xf32>,
        %mul3A_1435 = arith.mulf %gather3A_1424, %get3A_1429 : vector<16xf32>
        %add3A_1436 = arith.addf %add3A_1384, %mul3A_1435 : vector<16xf32>
        %mul3A_1437 = arith.mulf %gather3A_1424, %get3A_1434 : vector<16xf32>
        %add3A_1438 = arith.addf %add3A_1386, %mul3A_1437 : vector<16xf32>
        %broadcast_in_dim3A_1439 = arith.constant 10 : i32
        %broadcast_in_dim3A_1440 = vector.broadcast %broadcast_in_dim3A_1439 : i32 to vector<16xi32>
        %lt3A_1441 = arith.constant 0 : i32
        %lt3A_1442 = vector.broadcast %lt3A_1441 : i32 to vector<16xi32>
        %lt3A_1443 = arith.cmpi slt, %broadcast_in_dim3A_1440, %lt3A_1442 : vector<16xi32>
        %add3A_1444 = arith.constant 16 : i32
        %add3A_1445 = vector.broadcast %add3A_1444 : i32 to vector<16xi32>
        %add3A_1446 = arith.addi %broadcast_in_dim3A_1440, %add3A_1445 : vector<16xi32>
        %select_n3A_1447 = arith.select %lt3A_1443, %add3A_1446, %broadcast_in_dim3A_1440 : vector<16xi1>, vector<16xi32>
        %broadcast_in_dim3A_1448 = vector.shape_cast %select_n3A_1447 : vector<16xi32> to vector<16x1xi32>
        %gather3A_1449 = vector.shape_cast %broadcast_in_dim3A_1448 : vector<16x1xi32> to vector<16xi32>
        %gather3A_1450 = tpu.dynamic_gather %get3A_743[%gather3A_1449] in [0] : vector<16xf32>, vector<16xi32> -> vector<16xf32>
        %add3A_1451 = arith.constant 26 : i32
        %add3A_1452 = arith.addi %mul3A_738, %add3A_1451 : i32
        %get3A_1453 = arith.index_cast %add3A_1452 : i32 to index
        %get3A_1454 = arith.constant 0 : index
        %get3A_1455 = tpu.vector_load %arg13[%get3A_1453, %get3A_1454] {strides = array<i32>} : memref<1600x32xf32, #tpu.memory_space<vmem>>, vector<16xf32>,
        %add3A_1456 = arith.constant 26 : i32
        %add3A_1457 = arith.addi %mul3A_738, %add3A_1456 : i32
        %get3A_1458 = arith.index_cast %add3A_1457 : i32 to index
        %get3A_1459 = arith.constant 16 : index
        %get3A_1460 = tpu.vector_load %arg13[%get3A_1458, %get3A_1459] {strides = array<i32>} : memref<1600x32xf32, #tpu.memory_space<vmem>>, vector<16xf32>,
        %mul3A_1461 = arith.mulf %gather3A_1450, %get3A_1455 : vector<16xf32>
        %add3A_1462 = arith.addf %add3A_1410, %mul3A_1461 : vector<16xf32>
        %mul3A_1463 = arith.mulf %gather3A_1450, %get3A_1460 : vector<16xf32>
        %add3A_1464 = arith.addf %add3A_1412, %mul3A_1463 : vector<16xf32>
        %broadcast_in_dim3A_1465 = arith.constant 11 : i32
        %broadcast_in_dim3A_1466 = vector.broadcast %broadcast_in_dim3A_1465 : i32 to vector<16xi32>
        %lt3A_1467 = arith.constant 0 : i32
        %lt3A_1468 = vector.broadcast %lt3A_1467 : i32 to vector<16xi32>
        %lt3A_1469 = arith.cmpi slt, %broadcast_in_dim3A_1466, %lt3A_1468 : vector<16xi32>
        %add3A_1470 = arith.constant 16 : i32
        %add3A_1471 = vector.broadcast %add3A_1470 : i32 to vector<16xi32>
        %add3A_1472 = arith.addi %broadcast_in_dim3A_1466, %add3A_1471 : vector<16xi32>
        %select_n3A_1473 = arith.select %lt3A_1469, %add3A_1472, %broadcast_in_dim3A_1466 : vector<16xi1>, vector<16xi32>
        %broadcast_in_dim3A_1474 = vector.shape_cast %select_n3A_1473 : vector<16xi32> to vector<16x1xi32>
        %gather3A_1475 = vector.shape_cast %broadcast_in_dim3A_1474 : vector<16x1xi32> to vector<16xi32>
        %gather3A_1476 = tpu.dynamic_gather %get3A_743[%gather3A_1475] in [0] : vector<16xf32>, vector<16xi32> -> vector<16xf32>
        %add3A_1477 = arith.constant 27 : i32
        %add3A_1478 = arith.addi %mul3A_738, %add3A_1477 : i32
        %get3A_1479 = arith.index_cast %add3A_1478 : i32 to index
        %get3A_1480 = arith.constant 0 : index
        %get3A_1481 = tpu.vector_load %arg13[%get3A_1479, %get3A_1480] {strides = array<i32>} : memref<1600x32xf32, #tpu.memory_space<vmem>>, vector<16xf32>,
        %add3A_1482 = arith.constant 27 : i32
        %add3A_1483 = arith.addi %mul3A_738, %add3A_1482 : i32
        %get3A_1484 = arith.index_cast %add3A_1483 : i32 to index
        %get3A_1485 = arith.constant 16 : index
        %get3A_1486 = tpu.vector_load %arg13[%get3A_1484, %get3A_1485] {strides = array<i32>} : memref<1600x32xf32, #tpu.memory_space<vmem>>, vector<16xf32>,
        %mul3A_1487 = arith.mulf %gather3A_1476, %get3A_1481 : vector<16xf32>
        %add3A_1488 = arith.addf %add3A_1436, %mul3A_1487 : vector<16xf32>
        %mul3A_1489 = arith.mulf %gather3A_1476, %get3A_1486 : vector<16xf32>
        %add3A_1490 = arith.addf %add3A_1438, %mul3A_1489 : vector<16xf32>
        %broadcast_in_dim3A_1491 = arith.constant 12 : i32
        %broadcast_in_dim3A_1492 = vector.broadcast %broadcast_in_dim3A_1491 : i32 to vector<16xi32>
        %lt3A_1493 = arith.constant 0 : i32
        %lt3A_1494 = vector.broadcast %lt3A_1493 : i32 to vector<16xi32>
        %lt3A_1495 = arith.cmpi slt, %broadcast_in_dim3A_1492, %lt3A_1494 : vector<16xi32>
        %add3A_1496 = arith.constant 16 : i32
        %add3A_1497 = vector.broadcast %add3A_1496 : i32 to vector<16xi32>
        %add3A_1498 = arith.addi %broadcast_in_dim3A_1492, %add3A_1497 : vector<16xi32>
        %select_n3A_1499 = arith.select %lt3A_1495, %add3A_1498, %broadcast_in_dim3A_1492 : vector<16xi1>, vector<16xi32>
        %broadcast_in_dim3A_1500 = vector.shape_cast %select_n3A_1499 : vector<16xi32> to vector<16x1xi32>
        %gather3A_1501 = vector.shape_cast %broadcast_in_dim3A_1500 : vector<16x1xi32> to vector<16xi32>
        %gather3A_1502 = tpu.dynamic_gather %get3A_743[%gather3A_1501] in [0] : vector<16xf32>, vector<16xi32> -> vector<16xf32>
        %add3A_1503 = arith.constant 28 : i32
        %add3A_1504 = arith.addi %mul3A_738, %add3A_1503 : i32
        %get3A_1505 = arith.index_cast %add3A_1504 : i32 to index
        %get3A_1506 = arith.constant 0 : index
        %get3A_1507 = tpu.vector_load %arg13[%get3A_1505, %get3A_1506] {strides = array<i32>} : memref<1600x32xf32, #tpu.memory_space<vmem>>, vector<16xf32>,
        %add3A_1508 = arith.constant 28 : i32
        %add3A_1509 = arith.addi %mul3A_738, %add3A_1508 : i32
        %get3A_1510 = arith.index_cast %add3A_1509 : i32 to index
        %get3A_1511 = arith.constant 16 : index
        %get3A_1512 = tpu.vector_load %arg13[%get3A_1510, %get3A_1511] {strides = array<i32>} : memref<1600x32xf32, #tpu.memory_space<vmem>>, vector<16xf32>,
        %mul3A_1513 = arith.mulf %gather3A_1502, %get3A_1507 : vector<16xf32>
        %add3A_1514 = arith.addf %add3A_1462, %mul3A_1513 : vector<16xf32>
        %mul3A_1515 = arith.mulf %gather3A_1502, %get3A_1512 : vector<16xf32>
        %add3A_1516 = arith.addf %add3A_1464, %mul3A_1515 : vector<16xf32>
        %broadcast_in_dim3A_1517 = arith.constant 13 : i32
        %broadcast_in_dim3A_1518 = vector.broadcast %broadcast_in_dim3A_1517 : i32 to vector<16xi32>
        %lt3A_1519 = arith.constant 0 : i32
        %lt3A_1520 = vector.broadcast %lt3A_1519 : i32 to vector<16xi32>
        %lt3A_1521 = arith.cmpi slt, %broadcast_in_dim3A_1518, %lt3A_1520 : vector<16xi32>
        %add3A_1522 = arith.constant 16 : i32
        %add3A_1523 = vector.broadcast %add3A_1522 : i32 to vector<16xi32>
        %add3A_1524 = arith.addi %broadcast_in_dim3A_1518, %add3A_1523 : vector<16xi32>
        %select_n3A_1525 = arith.select %lt3A_1521, %add3A_1524, %broadcast_in_dim3A_1518 : vector<16xi1>, vector<16xi32>
        %broadcast_in_dim3A_1526 = vector.shape_cast %select_n3A_1525 : vector<16xi32> to vector<16x1xi32>
        %gather3A_1527 = vector.shape_cast %broadcast_in_dim3A_1526 : vector<16x1xi32> to vector<16xi32>
        %gather3A_1528 = tpu.dynamic_gather %get3A_743[%gather3A_1527] in [0] : vector<16xf32>, vector<16xi32> -> vector<16xf32>
        %add3A_1529 = arith.constant 29 : i32
        %add3A_1530 = arith.addi %mul3A_738, %add3A_1529 : i32
        %get3A_1531 = arith.index_cast %add3A_1530 : i32 to index
        %get3A_1532 = arith.constant 0 : index
        %get3A_1533 = tpu.vector_load %arg13[%get3A_1531, %get3A_1532] {strides = array<i32>} : memref<1600x32xf32, #tpu.memory_space<vmem>>, vector<16xf32>,
        %add3A_1534 = arith.constant 29 : i32
        %add3A_1535 = arith.addi %mul3A_738, %add3A_1534 : i32
        %get3A_1536 = arith.index_cast %add3A_1535 : i32 to index
        %get3A_1537 = arith.constant 16 : index
        %get3A_1538 = tpu.vector_load %arg13[%get3A_1536, %get3A_1537] {strides = array<i32>} : memref<1600x32xf32, #tpu.memory_space<vmem>>, vector<16xf32>,
        %mul3A_1539 = arith.mulf %gather3A_1528, %get3A_1533 : vector<16xf32>
        %add3A_1540 = arith.addf %add3A_1488, %mul3A_1539 : vector<16xf32>
        %mul3A_1541 = arith.mulf %gather3A_1528, %get3A_1538 : vector<16xf32>
        %add3A_1542 = arith.addf %add3A_1490, %mul3A_1541 : vector<16xf32>
        %broadcast_in_dim3A_1543 = arith.constant 14 : i32
        %broadcast_in_dim3A_1544 = vector.broadcast %broadcast_in_dim3A_1543 : i32 to vector<16xi32>
        %lt3A_1545 = arith.constant 0 : i32
        %lt3A_1546 = vector.broadcast %lt3A_1545 : i32 to vector<16xi32>
        %lt3A_1547 = arith.cmpi slt, %broadcast_in_dim3A_1544, %lt3A_1546 : vector<16xi32>
        %add3A_1548 = arith.constant 16 : i32
        %add3A_1549 = vector.broadcast %add3A_1548 : i32 to vector<16xi32>
        %add3A_1550 = arith.addi %broadcast_in_dim3A_1544, %add3A_1549 : vector<16xi32>
        %select_n3A_1551 = arith.select %lt3A_1547, %add3A_1550, %broadcast_in_dim3A_1544 : vector<16xi1>, vector<16xi32>
        %broadcast_in_dim3A_1552 = vector.shape_cast %select_n3A_1551 : vector<16xi32> to vector<16x1xi32>
        %gather3A_1553 = vector.shape_cast %broadcast_in_dim3A_1552 : vector<16x1xi32> to vector<16xi32>
        %gather3A_1554 = tpu.dynamic_gather %get3A_743[%gather3A_1553] in [0] : vector<16xf32>, vector<16xi32> -> vector<16xf32>
        %add3A_1555 = arith.constant 30 : i32
        %add3A_1556 = arith.addi %mul3A_738, %add3A_1555 : i32
        %get3A_1557 = arith.index_cast %add3A_1556 : i32 to index
        %get3A_1558 = arith.constant 0 : index
        %get3A_1559 = tpu.vector_load %arg13[%get3A_1557, %get3A_1558] {strides = array<i32>} : memref<1600x32xf32, #tpu.memory_space<vmem>>, vector<16xf32>,
        %add3A_1560 = arith.constant 30 : i32
        %add3A_1561 = arith.addi %mul3A_738, %add3A_1560 : i32
        %get3A_1562 = arith.index_cast %add3A_1561 : i32 to index
        %get3A_1563 = arith.constant 16 : index
        %get3A_1564 = tpu.vector_load %arg13[%get3A_1562, %get3A_1563] {strides = array<i32>} : memref<1600x32xf32, #tpu.memory_space<vmem>>, vector<16xf32>,
        %mul3A_1565 = arith.mulf %gather3A_1554, %get3A_1559 : vector<16xf32>
        %add3A_1566 = arith.addf %add3A_1514, %mul3A_1565 : vector<16xf32>
        %mul3A_1567 = arith.mulf %gather3A_1554, %get3A_1564 : vector<16xf32>
        %add3A_1568 = arith.addf %add3A_1516, %mul3A_1567 : vector<16xf32>
        %broadcast_in_dim3A_1569 = arith.constant 15 : i32
        %broadcast_in_dim3A_1570 = vector.broadcast %broadcast_in_dim3A_1569 : i32 to vector<16xi32>
        %lt3A_1571 = arith.constant 0 : i32
        %lt3A_1572 = vector.broadcast %lt3A_1571 : i32 to vector<16xi32>
        %lt3A_1573 = arith.cmpi slt, %broadcast_in_dim3A_1570, %lt3A_1572 : vector<16xi32>
        %add3A_1574 = arith.constant 16 : i32
        %add3A_1575 = vector.broadcast %add3A_1574 : i32 to vector<16xi32>
        %add3A_1576 = arith.addi %broadcast_in_dim3A_1570, %add3A_1575 : vector<16xi32>
        %select_n3A_1577 = arith.select %lt3A_1573, %add3A_1576, %broadcast_in_dim3A_1570 : vector<16xi1>, vector<16xi32>
        %broadcast_in_dim3A_1578 = vector.shape_cast %select_n3A_1577 : vector<16xi32> to vector<16x1xi32>
        %gather3A_1579 = vector.shape_cast %broadcast_in_dim3A_1578 : vector<16x1xi32> to vector<16xi32>
        %gather3A_1580 = tpu.dynamic_gather %get3A_743[%gather3A_1579] in [0] : vector<16xf32>, vector<16xi32> -> vector<16xf32>
        %add3A_1581 = arith.constant 31 : i32
        %add3A_1582 = arith.addi %mul3A_738, %add3A_1581 : i32
        %get3A_1583 = arith.index_cast %add3A_1582 : i32 to index
        %get3A_1584 = arith.constant 0 : index
        %get3A_1585 = tpu.vector_load %arg13[%get3A_1583, %get3A_1584] {strides = array<i32>} : memref<1600x32xf32, #tpu.memory_space<vmem>>, vector<16xf32>,
        %add3A_1586 = arith.constant 31 : i32
        %add3A_1587 = arith.addi %mul3A_738, %add3A_1586 : i32
        %get3A_1588 = arith.index_cast %add3A_1587 : i32 to index
        %get3A_1589 = arith.constant 16 : index
        %get3A_1590 = tpu.vector_load %arg13[%get3A_1588, %get3A_1589] {strides = array<i32>} : memref<1600x32xf32, #tpu.memory_space<vmem>>, vector<16xf32>,
        %mul3A_1591 = arith.mulf %gather3A_1580, %get3A_1585 : vector<16xf32>
        %add3A_1592 = arith.addf %add3A_1540, %mul3A_1591 : vector<16xf32>
        %mul3A_1593 = arith.mulf %gather3A_1580, %get3A_1590 : vector<16xf32>
        %add3A_1594 = arith.addf %add3A_1542, %mul3A_1593 : vector<16xf32>
        %broadcast_in_dim3A_1595 = arith.constant 0 : i32
        %broadcast_in_dim3A_1596 = vector.broadcast %broadcast_in_dim3A_1595 : i32 to vector<16xi32>
        %lt3A_1597 = arith.constant 0 : i32
        %lt3A_1598 = vector.broadcast %lt3A_1597 : i32 to vector<16xi32>
        %lt3A_1599 = arith.cmpi slt, %broadcast_in_dim3A_1596, %lt3A_1598 : vector<16xi32>
        %add3A_1600 = arith.constant 16 : i32
        %add3A_1601 = vector.broadcast %add3A_1600 : i32 to vector<16xi32>
        %add3A_1602 = arith.addi %broadcast_in_dim3A_1596, %add3A_1601 : vector<16xi32>
        %select_n3A_1603 = arith.select %lt3A_1599, %add3A_1602, %broadcast_in_dim3A_1596 : vector<16xi1>, vector<16xi32>
        %broadcast_in_dim3A_1604 = vector.shape_cast %select_n3A_1603 : vector<16xi32> to vector<16x1xi32>
        %gather3A_1605 = vector.shape_cast %broadcast_in_dim3A_1604 : vector<16x1xi32> to vector<16xi32>
        %gather3A_1606 = tpu.dynamic_gather %get3A_746[%gather3A_1605] in [0] : vector<16xf32>, vector<16xi32> -> vector<16xf32>
        %add3A_1607 = arith.constant 32 : i32
        %add3A_1608 = arith.addi %mul3A_738, %add3A_1607 : i32
        %get3A_1609 = arith.index_cast %add3A_1608 : i32 to index
        %get3A_1610 = arith.constant 0 : index
        %get3A_1611 = tpu.vector_load %arg13[%get3A_1609, %get3A_1610] {strides = array<i32>} : memref<1600x32xf32, #tpu.memory_space<vmem>>, vector<16xf32>,
        %add3A_1612 = arith.constant 32 : i32
        %add3A_1613 = arith.addi %mul3A_738, %add3A_1612 : i32
        %get3A_1614 = arith.index_cast %add3A_1613 : i32 to index
        %get3A_1615 = arith.constant 16 : index
        %get3A_1616 = tpu.vector_load %arg13[%get3A_1614, %get3A_1615] {strides = array<i32>} : memref<1600x32xf32, #tpu.memory_space<vmem>>, vector<16xf32>,
        %mul3A_1617 = arith.mulf %gather3A_1606, %get3A_1611 : vector<16xf32>
        %add3A_1618 = arith.addf %add3A_1566, %mul3A_1617 : vector<16xf32>
        %mul3A_1619 = arith.mulf %gather3A_1606, %get3A_1616 : vector<16xf32>
        %add3A_1620 = arith.addf %add3A_1568, %mul3A_1619 : vector<16xf32>
        %broadcast_in_dim3A_1621 = arith.constant 1 : i32
        %broadcast_in_dim3A_1622 = vector.broadcast %broadcast_in_dim3A_1621 : i32 to vector<16xi32>
        %lt3A_1623 = arith.constant 0 : i32
        %lt3A_1624 = vector.broadcast %lt3A_1623 : i32 to vector<16xi32>
        %lt3A_1625 = arith.cmpi slt, %broadcast_in_dim3A_1622, %lt3A_1624 : vector<16xi32>
        %add3A_1626 = arith.constant 16 : i32
        %add3A_1627 = vector.broadcast %add3A_1626 : i32 to vector<16xi32>
        %add3A_1628 = arith.addi %broadcast_in_dim3A_1622, %add3A_1627 : vector<16xi32>
        %select_n3A_1629 = arith.select %lt3A_1625, %add3A_1628, %broadcast_in_dim3A_1622 : vector<16xi1>, vector<16xi32>
        %broadcast_in_dim3A_1630 = vector.shape_cast %select_n3A_1629 : vector<16xi32> to vector<16x1xi32>
        %gather3A_1631 = vector.shape_cast %broadcast_in_dim3A_1630 : vector<16x1xi32> to vector<16xi32>
        %gather3A_1632 = tpu.dynamic_gather %get3A_746[%gather3A_1631] in [0] : vector<16xf32>, vector<16xi32> -> vector<16xf32>
        %add3A_1633 = arith.constant 33 : i32
        %add3A_1634 = arith.addi %mul3A_738, %add3A_1633 : i32
        %get3A_1635 = arith.index_cast %add3A_1634 : i32 to index
        %get3A_1636 = arith.constant 0 : index
        %get3A_1637 = tpu.vector_load %arg13[%get3A_1635, %get3A_1636] {strides = array<i32>} : memref<1600x32xf32, #tpu.memory_space<vmem>>, vector<16xf32>,
        %add3A_1638 = arith.constant 33 : i32
        %add3A_1639 = arith.addi %mul3A_738, %add3A_1638 : i32
        %get3A_1640 = arith.index_cast %add3A_1639 : i32 to index
        %get3A_1641 = arith.constant 16 : index
        %get3A_1642 = tpu.vector_load %arg13[%get3A_1640, %get3A_1641] {strides = array<i32>} : memref<1600x32xf32, #tpu.memory_space<vmem>>, vector<16xf32>,
        %mul3A_1643 = arith.mulf %gather3A_1632, %get3A_1637 : vector<16xf32>
        %add3A_1644 = arith.addf %add3A_1592, %mul3A_1643 : vector<16xf32>
        %mul3A_1645 = arith.mulf %gather3A_1632, %get3A_1642 : vector<16xf32>
        %add3A_1646 = arith.addf %add3A_1594, %mul3A_1645 : vector<16xf32>
        %broadcast_in_dim3A_1647 = arith.constant 2 : i32
        %broadcast_in_dim3A_1648 = vector.broadcast %broadcast_in_dim3A_1647 : i32 to vector<16xi32>
        %lt3A_1649 = arith.constant 0 : i32
        %lt3A_1650 = vector.broadcast %lt3A_1649 : i32 to vector<16xi32>
        %lt3A_1651 = arith.cmpi slt, %broadcast_in_dim3A_1648, %lt3A_1650 : vector<16xi32>
        %add3A_1652 = arith.constant 16 : i32
        %add3A_1653 = vector.broadcast %add3A_1652 : i32 to vector<16xi32>
        %add3A_1654 = arith.addi %broadcast_in_dim3A_1648, %add3A_1653 : vector<16xi32>
        %select_n3A_1655 = arith.select %lt3A_1651, %add3A_1654, %broadcast_in_dim3A_1648 : vector<16xi1>, vector<16xi32>
        %broadcast_in_dim3A_1656 = vector.shape_cast %select_n3A_1655 : vector<16xi32> to vector<16x1xi32>
        %gather3A_1657 = vector.shape_cast %broadcast_in_dim3A_1656 : vector<16x1xi32> to vector<16xi32>
        %gather3A_1658 = tpu.dynamic_gather %get3A_746[%gather3A_1657] in [0] : vector<16xf32>, vector<16xi32> -> vector<16xf32>
        %add3A_1659 = arith.constant 34 : i32
        %add3A_1660 = arith.addi %mul3A_738, %add3A_1659 : i32
        %get3A_1661 = arith.index_cast %add3A_1660 : i32 to index
        %get3A_1662 = arith.constant 0 : index
        %get3A_1663 = tpu.vector_load %arg13[%get3A_1661, %get3A_1662] {strides = array<i32>} : memref<1600x32xf32, #tpu.memory_space<vmem>>, vector<16xf32>,
        %add3A_1664 = arith.constant 34 : i32
        %add3A_1665 = arith.addi %mul3A_738, %add3A_1664 : i32
        %get3A_1666 = arith.index_cast %add3A_1665 : i32 to index
        %get3A_1667 = arith.constant 16 : index
        %get3A_1668 = tpu.vector_load %arg13[%get3A_1666, %get3A_1667] {strides = array<i32>} : memref<1600x32xf32, #tpu.memory_space<vmem>>, vector<16xf32>,
        %mul3A_1669 = arith.mulf %gather3A_1658, %get3A_1663 : vector<16xf32>
        %add3A_1670 = arith.addf %add3A_1618, %mul3A_1669 : vector<16xf32>
        %mul3A_1671 = arith.mulf %gather3A_1658, %get3A_1668 : vector<16xf32>
        %add3A_1672 = arith.addf %add3A_1620, %mul3A_1671 : vector<16xf32>
        %broadcast_in_dim3A_1673 = arith.constant 3 : i32
        %broadcast_in_dim3A_1674 = vector.broadcast %broadcast_in_dim3A_1673 : i32 to vector<16xi32>
        %lt3A_1675 = arith.constant 0 : i32
        %lt3A_1676 = vector.broadcast %lt3A_1675 : i32 to vector<16xi32>
        %lt3A_1677 = arith.cmpi slt, %broadcast_in_dim3A_1674, %lt3A_1676 : vector<16xi32>
        %add3A_1678 = arith.constant 16 : i32
        %add3A_1679 = vector.broadcast %add3A_1678 : i32 to vector<16xi32>
        %add3A_1680 = arith.addi %broadcast_in_dim3A_1674, %add3A_1679 : vector<16xi32>
        %select_n3A_1681 = arith.select %lt3A_1677, %add3A_1680, %broadcast_in_dim3A_1674 : vector<16xi1>, vector<16xi32>
        %broadcast_in_dim3A_1682 = vector.shape_cast %select_n3A_1681 : vector<16xi32> to vector<16x1xi32>
        %gather3A_1683 = vector.shape_cast %broadcast_in_dim3A_1682 : vector<16x1xi32> to vector<16xi32>
        %gather3A_1684 = tpu.dynamic_gather %get3A_746[%gather3A_1683] in [0] : vector<16xf32>, vector<16xi32> -> vector<16xf32>
        %add3A_1685 = arith.constant 35 : i32
        %add3A_1686 = arith.addi %mul3A_738, %add3A_1685 : i32
        %get3A_1687 = arith.index_cast %add3A_1686 : i32 to index
        %get3A_1688 = arith.constant 0 : index
        %get3A_1689 = tpu.vector_load %arg13[%get3A_1687, %get3A_1688] {strides = array<i32>} : memref<1600x32xf32, #tpu.memory_space<vmem>>, vector<16xf32>,
        %add3A_1690 = arith.constant 35 : i32
        %add3A_1691 = arith.addi %mul3A_738, %add3A_1690 : i32
        %get3A_1692 = arith.index_cast %add3A_1691 : i32 to index
        %get3A_1693 = arith.constant 16 : index
        %get3A_1694 = tpu.vector_load %arg13[%get3A_1692, %get3A_1693] {strides = array<i32>} : memref<1600x32xf32, #tpu.memory_space<vmem>>, vector<16xf32>,
        %mul3A_1695 = arith.mulf %gather3A_1684, %get3A_1689 : vector<16xf32>
        %add3A_1696 = arith.addf %add3A_1644, %mul3A_1695 : vector<16xf32>
        %mul3A_1697 = arith.mulf %gather3A_1684, %get3A_1694 : vector<16xf32>
        %add3A_1698 = arith.addf %add3A_1646, %mul3A_1697 : vector<16xf32>
        %broadcast_in_dim3A_1699 = arith.constant 4 : i32
        %broadcast_in_dim3A_1700 = vector.broadcast %broadcast_in_dim3A_1699 : i32 to vector<16xi32>
        %lt3A_1701 = arith.constant 0 : i32
        %lt3A_1702 = vector.broadcast %lt3A_1701 : i32 to vector<16xi32>
        %lt3A_1703 = arith.cmpi slt, %broadcast_in_dim3A_1700, %lt3A_1702 : vector<16xi32>
        %add3A_1704 = arith.constant 16 : i32
        %add3A_1705 = vector.broadcast %add3A_1704 : i32 to vector<16xi32>
        %add3A_1706 = arith.addi %broadcast_in_dim3A_1700, %add3A_1705 : vector<16xi32>
        %select_n3A_1707 = arith.select %lt3A_1703, %add3A_1706, %broadcast_in_dim3A_1700 : vector<16xi1>, vector<16xi32>
        %broadcast_in_dim3A_1708 = vector.shape_cast %select_n3A_1707 : vector<16xi32> to vector<16x1xi32>
        %gather3A_1709 = vector.shape_cast %broadcast_in_dim3A_1708 : vector<16x1xi32> to vector<16xi32>
        %gather3A_1710 = tpu.dynamic_gather %get3A_746[%gather3A_1709] in [0] : vector<16xf32>, vector<16xi32> -> vector<16xf32>
        %add3A_1711 = arith.constant 36 : i32
        %add3A_1712 = arith.addi %mul3A_738, %add3A_1711 : i32
        %get3A_1713 = arith.index_cast %add3A_1712 : i32 to index
        %get3A_1714 = arith.constant 0 : index
        %get3A_1715 = tpu.vector_load %arg13[%get3A_1713, %get3A_1714] {strides = array<i32>} : memref<1600x32xf32, #tpu.memory_space<vmem>>, vector<16xf32>,
        %add3A_1716 = arith.constant 36 : i32
        %add3A_1717 = arith.addi %mul3A_738, %add3A_1716 : i32
        %get3A_1718 = arith.index_cast %add3A_1717 : i32 to index
        %get3A_1719 = arith.constant 16 : index
        %get3A_1720 = tpu.vector_load %arg13[%get3A_1718, %get3A_1719] {strides = array<i32>} : memref<1600x32xf32, #tpu.memory_space<vmem>>, vector<16xf32>,
        %mul3A_1721 = arith.mulf %gather3A_1710, %get3A_1715 : vector<16xf32>
        %add3A_1722 = arith.addf %add3A_1670, %mul3A_1721 : vector<16xf32>
        %mul3A_1723 = arith.mulf %gather3A_1710, %get3A_1720 : vector<16xf32>
        %add3A_1724 = arith.addf %add3A_1672, %mul3A_1723 : vector<16xf32>
        %broadcast_in_dim3A_1725 = arith.constant 5 : i32
        %broadcast_in_dim3A_1726 = vector.broadcast %broadcast_in_dim3A_1725 : i32 to vector<16xi32>
        %lt3A_1727 = arith.constant 0 : i32
        %lt3A_1728 = vector.broadcast %lt3A_1727 : i32 to vector<16xi32>
        %lt3A_1729 = arith.cmpi slt, %broadcast_in_dim3A_1726, %lt3A_1728 : vector<16xi32>
        %add3A_1730 = arith.constant 16 : i32
        %add3A_1731 = vector.broadcast %add3A_1730 : i32 to vector<16xi32>
        %add3A_1732 = arith.addi %broadcast_in_dim3A_1726, %add3A_1731 : vector<16xi32>
        %select_n3A_1733 = arith.select %lt3A_1729, %add3A_1732, %broadcast_in_dim3A_1726 : vector<16xi1>, vector<16xi32>
        %broadcast_in_dim3A_1734 = vector.shape_cast %select_n3A_1733 : vector<16xi32> to vector<16x1xi32>
        %gather3A_1735 = vector.shape_cast %broadcast_in_dim3A_1734 : vector<16x1xi32> to vector<16xi32>
        %gather3A_1736 = tpu.dynamic_gather %get3A_746[%gather3A_1735] in [0] : vector<16xf32>, vector<16xi32> -> vector<16xf32>
        %add3A_1737 = arith.constant 37 : i32
        %add3A_1738 = arith.addi %mul3A_738, %add3A_1737 : i32
        %get3A_1739 = arith.index_cast %add3A_1738 : i32 to index
        %get3A_1740 = arith.constant 0 : index
        %get3A_1741 = tpu.vector_load %arg13[%get3A_1739, %get3A_1740] {strides = array<i32>} : memref<1600x32xf32, #tpu.memory_space<vmem>>, vector<16xf32>,
        %add3A_1742 = arith.constant 37 : i32
        %add3A_1743 = arith.addi %mul3A_738, %add3A_1742 : i32
        %get3A_1744 = arith.index_cast %add3A_1743 : i32 to index
        %get3A_1745 = arith.constant 16 : index
        %get3A_1746 = tpu.vector_load %arg13[%get3A_1744, %get3A_1745] {strides = array<i32>} : memref<1600x32xf32, #tpu.memory_space<vmem>>, vector<16xf32>,
        %mul3A_1747 = arith.mulf %gather3A_1736, %get3A_1741 : vector<16xf32>
        %add3A_1748 = arith.addf %add3A_1696, %mul3A_1747 : vector<16xf32>
        %mul3A_1749 = arith.mulf %gather3A_1736, %get3A_1746 : vector<16xf32>
        %add3A_1750 = arith.addf %add3A_1698, %mul3A_1749 : vector<16xf32>
        %broadcast_in_dim3A_1751 = arith.constant 6 : i32
        %broadcast_in_dim3A_1752 = vector.broadcast %broadcast_in_dim3A_1751 : i32 to vector<16xi32>
        %lt3A_1753 = arith.constant 0 : i32
        %lt3A_1754 = vector.broadcast %lt3A_1753 : i32 to vector<16xi32>
        %lt3A_1755 = arith.cmpi slt, %broadcast_in_dim3A_1752, %lt3A_1754 : vector<16xi32>
        %add3A_1756 = arith.constant 16 : i32
        %add3A_1757 = vector.broadcast %add3A_1756 : i32 to vector<16xi32>
        %add3A_1758 = arith.addi %broadcast_in_dim3A_1752, %add3A_1757 : vector<16xi32>
        %select_n3A_1759 = arith.select %lt3A_1755, %add3A_1758, %broadcast_in_dim3A_1752 : vector<16xi1>, vector<16xi32>
        %broadcast_in_dim3A_1760 = vector.shape_cast %select_n3A_1759 : vector<16xi32> to vector<16x1xi32>
        %gather3A_1761 = vector.shape_cast %broadcast_in_dim3A_1760 : vector<16x1xi32> to vector<16xi32>
        %gather3A_1762 = tpu.dynamic_gather %get3A_746[%gather3A_1761] in [0] : vector<16xf32>, vector<16xi32> -> vector<16xf32>
        %add3A_1763 = arith.constant 38 : i32
        %add3A_1764 = arith.addi %mul3A_738, %add3A_1763 : i32
        %get3A_1765 = arith.index_cast %add3A_1764 : i32 to index
        %get3A_1766 = arith.constant 0 : index
        %get3A_1767 = tpu.vector_load %arg13[%get3A_1765, %get3A_1766] {strides = array<i32>} : memref<1600x32xf32, #tpu.memory_space<vmem>>, vector<16xf32>,
        %add3A_1768 = arith.constant 38 : i32
        %add3A_1769 = arith.addi %mul3A_738, %add3A_1768 : i32
        %get3A_1770 = arith.index_cast %add3A_1769 : i32 to index
        %get3A_1771 = arith.constant 16 : index
        %get3A_1772 = tpu.vector_load %arg13[%get3A_1770, %get3A_1771] {strides = array<i32>} : memref<1600x32xf32, #tpu.memory_space<vmem>>, vector<16xf32>,
        %mul3A_1773 = arith.mulf %gather3A_1762, %get3A_1767 : vector<16xf32>
        %add3A_1774 = arith.addf %add3A_1722, %mul3A_1773 : vector<16xf32>
        %mul3A_1775 = arith.mulf %gather3A_1762, %get3A_1772 : vector<16xf32>
        %add3A_1776 = arith.addf %add3A_1724, %mul3A_1775 : vector<16xf32>
        %broadcast_in_dim3A_1777 = arith.constant 7 : i32
        %broadcast_in_dim3A_1778 = vector.broadcast %broadcast_in_dim3A_1777 : i32 to vector<16xi32>
        %lt3A_1779 = arith.constant 0 : i32
        %lt3A_1780 = vector.broadcast %lt3A_1779 : i32 to vector<16xi32>
        %lt3A_1781 = arith.cmpi slt, %broadcast_in_dim3A_1778, %lt3A_1780 : vector<16xi32>
        %add3A_1782 = arith.constant 16 : i32
        %add3A_1783 = vector.broadcast %add3A_1782 : i32 to vector<16xi32>
        %add3A_1784 = arith.addi %broadcast_in_dim3A_1778, %add3A_1783 : vector<16xi32>
        %select_n3A_1785 = arith.select %lt3A_1781, %add3A_1784, %broadcast_in_dim3A_1778 : vector<16xi1>, vector<16xi32>
        %broadcast_in_dim3A_1786 = vector.shape_cast %select_n3A_1785 : vector<16xi32> to vector<16x1xi32>
        %gather3A_1787 = vector.shape_cast %broadcast_in_dim3A_1786 : vector<16x1xi32> to vector<16xi32>
        %gather3A_1788 = tpu.dynamic_gather %get3A_746[%gather3A_1787] in [0] : vector<16xf32>, vector<16xi32> -> vector<16xf32>
        %add3A_1789 = arith.constant 39 : i32
        %add3A_1790 = arith.addi %mul3A_738, %add3A_1789 : i32
        %get3A_1791 = arith.index_cast %add3A_1790 : i32 to index
        %get3A_1792 = arith.constant 0 : index
        %get3A_1793 = tpu.vector_load %arg13[%get3A_1791, %get3A_1792] {strides = array<i32>} : memref<1600x32xf32, #tpu.memory_space<vmem>>, vector<16xf32>,
        %add3A_1794 = arith.constant 39 : i32
        %add3A_1795 = arith.addi %mul3A_738, %add3A_1794 : i32
        %get3A_1796 = arith.index_cast %add3A_1795 : i32 to index
        %get3A_1797 = arith.constant 16 : index
        %get3A_1798 = tpu.vector_load %arg13[%get3A_1796, %get3A_1797] {strides = array<i32>} : memref<1600x32xf32, #tpu.memory_space<vmem>>, vector<16xf32>,
        %mul3A_1799 = arith.mulf %gather3A_1788, %get3A_1793 : vector<16xf32>
        %add3A_1800 = arith.addf %add3A_1748, %mul3A_1799 : vector<16xf32>
        %mul3A_1801 = arith.mulf %gather3A_1788, %get3A_1798 : vector<16xf32>
        %add3A_1802 = arith.addf %add3A_1750, %mul3A_1801 : vector<16xf32>
        %broadcast_in_dim3A_1803 = arith.constant 8 : i32
        %broadcast_in_dim3A_1804 = vector.broadcast %broadcast_in_dim3A_1803 : i32 to vector<16xi32>
        %lt3A_1805 = arith.constant 0 : i32
        %lt3A_1806 = vector.broadcast %lt3A_1805 : i32 to vector<16xi32>
        %lt3A_1807 = arith.cmpi slt, %broadcast_in_dim3A_1804, %lt3A_1806 : vector<16xi32>
        %add3A_1808 = arith.constant 16 : i32
        %add3A_1809 = vector.broadcast %add3A_1808 : i32 to vector<16xi32>
        %add3A_1810 = arith.addi %broadcast_in_dim3A_1804, %add3A_1809 : vector<16xi32>
        %select_n3A_1811 = arith.select %lt3A_1807, %add3A_1810, %broadcast_in_dim3A_1804 : vector<16xi1>, vector<16xi32>
        %broadcast_in_dim3A_1812 = vector.shape_cast %select_n3A_1811 : vector<16xi32> to vector<16x1xi32>
        %gather3A_1813 = vector.shape_cast %broadcast_in_dim3A_1812 : vector<16x1xi32> to vector<16xi32>
        %gather3A_1814 = tpu.dynamic_gather %get3A_746[%gather3A_1813] in [0] : vector<16xf32>, vector<16xi32> -> vector<16xf32>
        %add3A_1815 = arith.constant 40 : i32
        %add3A_1816 = arith.addi %mul3A_738, %add3A_1815 : i32
        %get3A_1817 = arith.index_cast %add3A_1816 : i32 to index
        %get3A_1818 = arith.constant 0 : index
        %get3A_1819 = tpu.vector_load %arg13[%get3A_1817, %get3A_1818] {strides = array<i32>} : memref<1600x32xf32, #tpu.memory_space<vmem>>, vector<16xf32>,
        %add3A_1820 = arith.constant 40 : i32
        %add3A_1821 = arith.addi %mul3A_738, %add3A_1820 : i32
        %get3A_1822 = arith.index_cast %add3A_1821 : i32 to index
        %get3A_1823 = arith.constant 16 : index
        %get3A_1824 = tpu.vector_load %arg13[%get3A_1822, %get3A_1823] {strides = array<i32>} : memref<1600x32xf32, #tpu.memory_space<vmem>>, vector<16xf32>,
        %mul3A_1825 = arith.mulf %gather3A_1814, %get3A_1819 : vector<16xf32>
        %add3A_1826 = arith.addf %add3A_1774, %mul3A_1825 : vector<16xf32>
        %mul3A_1827 = arith.mulf %gather3A_1814, %get3A_1824 : vector<16xf32>
        %add3A_1828 = arith.addf %add3A_1776, %mul3A_1827 : vector<16xf32>
        %broadcast_in_dim3A_1829 = arith.constant 9 : i32
        %broadcast_in_dim3A_1830 = vector.broadcast %broadcast_in_dim3A_1829 : i32 to vector<16xi32>
        %lt3A_1831 = arith.constant 0 : i32
        %lt3A_1832 = vector.broadcast %lt3A_1831 : i32 to vector<16xi32>
        %lt3A_1833 = arith.cmpi slt, %broadcast_in_dim3A_1830, %lt3A_1832 : vector<16xi32>
        %add3A_1834 = arith.constant 16 : i32
        %add3A_1835 = vector.broadcast %add3A_1834 : i32 to vector<16xi32>
        %add3A_1836 = arith.addi %broadcast_in_dim3A_1830, %add3A_1835 : vector<16xi32>
        %select_n3A_1837 = arith.select %lt3A_1833, %add3A_1836, %broadcast_in_dim3A_1830 : vector<16xi1>, vector<16xi32>
        %broadcast_in_dim3A_1838 = vector.shape_cast %select_n3A_1837 : vector<16xi32> to vector<16x1xi32>
        %gather3A_1839 = vector.shape_cast %broadcast_in_dim3A_1838 : vector<16x1xi32> to vector<16xi32>
        %gather3A_1840 = tpu.dynamic_gather %get3A_746[%gather3A_1839] in [0] : vector<16xf32>, vector<16xi32> -> vector<16xf32>
        %add3A_1841 = arith.constant 41 : i32
        %add3A_1842 = arith.addi %mul3A_738, %add3A_1841 : i32
        %get3A_1843 = arith.index_cast %add3A_1842 : i32 to index
        %get3A_1844 = arith.constant 0 : index
        %get3A_1845 = tpu.vector_load %arg13[%get3A_1843, %get3A_1844] {strides = array<i32>} : memref<1600x32xf32, #tpu.memory_space<vmem>>, vector<16xf32>,
        %add3A_1846 = arith.constant 41 : i32
        %add3A_1847 = arith.addi %mul3A_738, %add3A_1846 : i32
        %get3A_1848 = arith.index_cast %add3A_1847 : i32 to index
        %get3A_1849 = arith.constant 16 : index
        %get3A_1850 = tpu.vector_load %arg13[%get3A_1848, %get3A_1849] {strides = array<i32>} : memref<1600x32xf32, #tpu.memory_space<vmem>>, vector<16xf32>,
        %mul3A_1851 = arith.mulf %gather3A_1840, %get3A_1845 : vector<16xf32>
        %add3A_1852 = arith.addf %add3A_1800, %mul3A_1851 : vector<16xf32>
        %mul3A_1853 = arith.mulf %gather3A_1840, %get3A_1850 : vector<16xf32>
        %add3A_1854 = arith.addf %add3A_1802, %mul3A_1853 : vector<16xf32>
        %broadcast_in_dim3A_1855 = arith.constant 10 : i32
        %broadcast_in_dim3A_1856 = vector.broadcast %broadcast_in_dim3A_1855 : i32 to vector<16xi32>
        %lt3A_1857 = arith.constant 0 : i32
        %lt3A_1858 = vector.broadcast %lt3A_1857 : i32 to vector<16xi32>
        %lt3A_1859 = arith.cmpi slt, %broadcast_in_dim3A_1856, %lt3A_1858 : vector<16xi32>
        %add3A_1860 = arith.constant 16 : i32
        %add3A_1861 = vector.broadcast %add3A_1860 : i32 to vector<16xi32>
        %add3A_1862 = arith.addi %broadcast_in_dim3A_1856, %add3A_1861 : vector<16xi32>
        %select_n3A_1863 = arith.select %lt3A_1859, %add3A_1862, %broadcast_in_dim3A_1856 : vector<16xi1>, vector<16xi32>
        %broadcast_in_dim3A_1864 = vector.shape_cast %select_n3A_1863 : vector<16xi32> to vector<16x1xi32>
        %gather3A_1865 = vector.shape_cast %broadcast_in_dim3A_1864 : vector<16x1xi32> to vector<16xi32>
        %gather3A_1866 = tpu.dynamic_gather %get3A_746[%gather3A_1865] in [0] : vector<16xf32>, vector<16xi32> -> vector<16xf32>
        %add3A_1867 = arith.constant 42 : i32
        %add3A_1868 = arith.addi %mul3A_738, %add3A_1867 : i32
        %get3A_1869 = arith.index_cast %add3A_1868 : i32 to index
        %get3A_1870 = arith.constant 0 : index
        %get3A_1871 = tpu.vector_load %arg13[%get3A_1869, %get3A_1870] {strides = array<i32>} : memref<1600x32xf32, #tpu.memory_space<vmem>>, vector<16xf32>,
        %add3A_1872 = arith.constant 42 : i32
        %add3A_1873 = arith.addi %mul3A_738, %add3A_1872 : i32
        %get3A_1874 = arith.index_cast %add3A_1873 : i32 to index
        %get3A_1875 = arith.constant 16 : index
        %get3A_1876 = tpu.vector_load %arg13[%get3A_1874, %get3A_1875] {strides = array<i32>} : memref<1600x32xf32, #tpu.memory_space<vmem>>, vector<16xf32>,
        %mul3A_1877 = arith.mulf %gather3A_1866, %get3A_1871 : vector<16xf32>
        %add3A_1878 = arith.addf %add3A_1826, %mul3A_1877 : vector<16xf32>
        %mul3A_1879 = arith.mulf %gather3A_1866, %get3A_1876 : vector<16xf32>
        %add3A_1880 = arith.addf %add3A_1828, %mul3A_1879 : vector<16xf32>
        %broadcast_in_dim3A_1881 = arith.constant 11 : i32
        %broadcast_in_dim3A_1882 = vector.broadcast %broadcast_in_dim3A_1881 : i32 to vector<16xi32>
        %lt3A_1883 = arith.constant 0 : i32
        %lt3A_1884 = vector.broadcast %lt3A_1883 : i32 to vector<16xi32>
        %lt3A_1885 = arith.cmpi slt, %broadcast_in_dim3A_1882, %lt3A_1884 : vector<16xi32>
        %add3A_1886 = arith.constant 16 : i32
        %add3A_1887 = vector.broadcast %add3A_1886 : i32 to vector<16xi32>
        %add3A_1888 = arith.addi %broadcast_in_dim3A_1882, %add3A_1887 : vector<16xi32>
        %select_n3A_1889 = arith.select %lt3A_1885, %add3A_1888, %broadcast_in_dim3A_1882 : vector<16xi1>, vector<16xi32>
        %broadcast_in_dim3A_1890 = vector.shape_cast %select_n3A_1889 : vector<16xi32> to vector<16x1xi32>
        %gather3A_1891 = vector.shape_cast %broadcast_in_dim3A_1890 : vector<16x1xi32> to vector<16xi32>
        %gather3A_1892 = tpu.dynamic_gather %get3A_746[%gather3A_1891] in [0] : vector<16xf32>, vector<16xi32> -> vector<16xf32>
        %add3A_1893 = arith.constant 43 : i32
        %add3A_1894 = arith.addi %mul3A_738, %add3A_1893 : i32
        %get3A_1895 = arith.index_cast %add3A_1894 : i32 to index
        %get3A_1896 = arith.constant 0 : index
        %get3A_1897 = tpu.vector_load %arg13[%get3A_1895, %get3A_1896] {strides = array<i32>} : memref<1600x32xf32, #tpu.memory_space<vmem>>, vector<16xf32>,
        %add3A_1898 = arith.constant 43 : i32
        %add3A_1899 = arith.addi %mul3A_738, %add3A_1898 : i32
        %get3A_1900 = arith.index_cast %add3A_1899 : i32 to index
        %get3A_1901 = arith.constant 16 : index
        %get3A_1902 = tpu.vector_load %arg13[%get3A_1900, %get3A_1901] {strides = array<i32>} : memref<1600x32xf32, #tpu.memory_space<vmem>>, vector<16xf32>,
        %mul3A_1903 = arith.mulf %gather3A_1892, %get3A_1897 : vector<16xf32>
        %add3A_1904 = arith.addf %add3A_1852, %mul3A_1903 : vector<16xf32>
        %mul3A_1905 = arith.mulf %gather3A_1892, %get3A_1902 : vector<16xf32>
        %add3A_1906 = arith.addf %add3A_1854, %mul3A_1905 : vector<16xf32>
        %broadcast_in_dim3A_1907 = arith.constant 12 : i32
        %broadcast_in_dim3A_1908 = vector.broadcast %broadcast_in_dim3A_1907 : i32 to vector<16xi32>
        %lt3A_1909 = arith.constant 0 : i32
        %lt3A_1910 = vector.broadcast %lt3A_1909 : i32 to vector<16xi32>
        %lt3A_1911 = arith.cmpi slt, %broadcast_in_dim3A_1908, %lt3A_1910 : vector<16xi32>
        %add3A_1912 = arith.constant 16 : i32
        %add3A_1913 = vector.broadcast %add3A_1912 : i32 to vector<16xi32>
        %add3A_1914 = arith.addi %broadcast_in_dim3A_1908, %add3A_1913 : vector<16xi32>
        %select_n3A_1915 = arith.select %lt3A_1911, %add3A_1914, %broadcast_in_dim3A_1908 : vector<16xi1>, vector<16xi32>
        %broadcast_in_dim3A_1916 = vector.shape_cast %select_n3A_1915 : vector<16xi32> to vector<16x1xi32>
        %gather3A_1917 = vector.shape_cast %broadcast_in_dim3A_1916 : vector<16x1xi32> to vector<16xi32>
        %gather3A_1918 = tpu.dynamic_gather %get3A_746[%gather3A_1917] in [0] : vector<16xf32>, vector<16xi32> -> vector<16xf32>
        %add3A_1919 = arith.constant 44 : i32
        %add3A_1920 = arith.addi %mul3A_738, %add3A_1919 : i32
        %get3A_1921 = arith.index_cast %add3A_1920 : i32 to index
        %get3A_1922 = arith.constant 0 : index
        %get3A_1923 = tpu.vector_load %arg13[%get3A_1921, %get3A_1922] {strides = array<i32>} : memref<1600x32xf32, #tpu.memory_space<vmem>>, vector<16xf32>,
        %add3A_1924 = arith.constant 44 : i32
        %add3A_1925 = arith.addi %mul3A_738, %add3A_1924 : i32
        %get3A_1926 = arith.index_cast %add3A_1925 : i32 to index
        %get3A_1927 = arith.constant 16 : index
        %get3A_1928 = tpu.vector_load %arg13[%get3A_1926, %get3A_1927] {strides = array<i32>} : memref<1600x32xf32, #tpu.memory_space<vmem>>, vector<16xf32>,
        %mul3A_1929 = arith.mulf %gather3A_1918, %get3A_1923 : vector<16xf32>
        %add3A_1930 = arith.addf %add3A_1878, %mul3A_1929 : vector<16xf32>
        %mul3A_1931 = arith.mulf %gather3A_1918, %get3A_1928 : vector<16xf32>
        %add3A_1932 = arith.addf %add3A_1880, %mul3A_1931 : vector<16xf32>
        %broadcast_in_dim3A_1933 = arith.constant 13 : i32
        %broadcast_in_dim3A_1934 = vector.broadcast %broadcast_in_dim3A_1933 : i32 to vector<16xi32>
        %lt3A_1935 = arith.constant 0 : i32
        %lt3A_1936 = vector.broadcast %lt3A_1935 : i32 to vector<16xi32>
        %lt3A_1937 = arith.cmpi slt, %broadcast_in_dim3A_1934, %lt3A_1936 : vector<16xi32>
        %add3A_1938 = arith.constant 16 : i32
        %add3A_1939 = vector.broadcast %add3A_1938 : i32 to vector<16xi32>
        %add3A_1940 = arith.addi %broadcast_in_dim3A_1934, %add3A_1939 : vector<16xi32>
        %select_n3A_1941 = arith.select %lt3A_1937, %add3A_1940, %broadcast_in_dim3A_1934 : vector<16xi1>, vector<16xi32>
        %broadcast_in_dim3A_1942 = vector.shape_cast %select_n3A_1941 : vector<16xi32> to vector<16x1xi32>
        %gather3A_1943 = vector.shape_cast %broadcast_in_dim3A_1942 : vector<16x1xi32> to vector<16xi32>
        %gather3A_1944 = tpu.dynamic_gather %get3A_746[%gather3A_1943] in [0] : vector<16xf32>, vector<16xi32> -> vector<16xf32>
        %add3A_1945 = arith.constant 45 : i32
        %add3A_1946 = arith.addi %mul3A_738, %add3A_1945 : i32
        %get3A_1947 = arith.index_cast %add3A_1946 : i32 to index
        %get3A_1948 = arith.constant 0 : index
        %get3A_1949 = tpu.vector_load %arg13[%get3A_1947, %get3A_1948] {strides = array<i32>} : memref<1600x32xf32, #tpu.memory_space<vmem>>, vector<16xf32>,
        %add3A_1950 = arith.constant 45 : i32
        %add3A_1951 = arith.addi %mul3A_738, %add3A_1950 : i32
        %get3A_1952 = arith.index_cast %add3A_1951 : i32 to index
        %get3A_1953 = arith.constant 16 : index
        %get3A_1954 = tpu.vector_load %arg13[%get3A_1952, %get3A_1953] {strides = array<i32>} : memref<1600x32xf32, #tpu.memory_space<vmem>>, vector<16xf32>,
        %mul3A_1955 = arith.mulf %gather3A_1944, %get3A_1949 : vector<16xf32>
        %add3A_1956 = arith.addf %add3A_1904, %mul3A_1955 : vector<16xf32>
        %mul3A_1957 = arith.mulf %gather3A_1944, %get3A_1954 : vector<16xf32>
        %add3A_1958 = arith.addf %add3A_1906, %mul3A_1957 : vector<16xf32>
        %broadcast_in_dim3A_1959 = arith.constant 14 : i32
        %broadcast_in_dim3A_1960 = vector.broadcast %broadcast_in_dim3A_1959 : i32 to vector<16xi32>
        %lt3A_1961 = arith.constant 0 : i32
        %lt3A_1962 = vector.broadcast %lt3A_1961 : i32 to vector<16xi32>
        %lt3A_1963 = arith.cmpi slt, %broadcast_in_dim3A_1960, %lt3A_1962 : vector<16xi32>
        %add3A_1964 = arith.constant 16 : i32
        %add3A_1965 = vector.broadcast %add3A_1964 : i32 to vector<16xi32>
        %add3A_1966 = arith.addi %broadcast_in_dim3A_1960, %add3A_1965 : vector<16xi32>
        %select_n3A_1967 = arith.select %lt3A_1963, %add3A_1966, %broadcast_in_dim3A_1960 : vector<16xi1>, vector<16xi32>
        %broadcast_in_dim3A_1968 = vector.shape_cast %select_n3A_1967 : vector<16xi32> to vector<16x1xi32>
        %gather3A_1969 = vector.shape_cast %broadcast_in_dim3A_1968 : vector<16x1xi32> to vector<16xi32>
        %gather3A_1970 = tpu.dynamic_gather %get3A_746[%gather3A_1969] in [0] : vector<16xf32>, vector<16xi32> -> vector<16xf32>
        %add3A_1971 = arith.constant 46 : i32
        %add3A_1972 = arith.addi %mul3A_738, %add3A_1971 : i32
        %get3A_1973 = arith.index_cast %add3A_1972 : i32 to index
        %get3A_1974 = arith.constant 0 : index
        %get3A_1975 = tpu.vector_load %arg13[%get3A_1973, %get3A_1974] {strides = array<i32>} : memref<1600x32xf32, #tpu.memory_space<vmem>>, vector<16xf32>,
        %add3A_1976 = arith.constant 46 : i32
        %add3A_1977 = arith.addi %mul3A_738, %add3A_1976 : i32
        %get3A_1978 = arith.index_cast %add3A_1977 : i32 to index
        %get3A_1979 = arith.constant 16 : index
        %get3A_1980 = tpu.vector_load %arg13[%get3A_1978, %get3A_1979] {strides = array<i32>} : memref<1600x32xf32, #tpu.memory_space<vmem>>, vector<16xf32>,
        %mul3A_1981 = arith.mulf %gather3A_1970, %get3A_1975 : vector<16xf32>
        %add3A_1982 = arith.addf %add3A_1930, %mul3A_1981 : vector<16xf32>
        %mul3A_1983 = arith.mulf %gather3A_1970, %get3A_1980 : vector<16xf32>
        %add3A_1984 = arith.addf %add3A_1932, %mul3A_1983 : vector<16xf32>
        %broadcast_in_dim3A_1985 = arith.constant 15 : i32
        %broadcast_in_dim3A_1986 = vector.broadcast %broadcast_in_dim3A_1985 : i32 to vector<16xi32>
        %lt3A_1987 = arith.constant 0 : i32
        %lt3A_1988 = vector.broadcast %lt3A_1987 : i32 to vector<16xi32>
        %lt3A_1989 = arith.cmpi slt, %broadcast_in_dim3A_1986, %lt3A_1988 : vector<16xi32>
        %add3A_1990 = arith.constant 16 : i32
        %add3A_1991 = vector.broadcast %add3A_1990 : i32 to vector<16xi32>
        %add3A_1992 = arith.addi %broadcast_in_dim3A_1986, %add3A_1991 : vector<16xi32>
        %select_n3A_1993 = arith.select %lt3A_1989, %add3A_1992, %broadcast_in_dim3A_1986 : vector<16xi1>, vector<16xi32>
        %broadcast_in_dim3A_1994 = vector.shape_cast %select_n3A_1993 : vector<16xi32> to vector<16x1xi32>
        %gather3A_1995 = vector.shape_cast %broadcast_in_dim3A_1994 : vector<16x1xi32> to vector<16xi32>
        %gather3A_1996 = tpu.dynamic_gather %get3A_746[%gather3A_1995] in [0] : vector<16xf32>, vector<16xi32> -> vector<16xf32>
        %add3A_1997 = arith.constant 47 : i32
        %add3A_1998 = arith.addi %mul3A_738, %add3A_1997 : i32
        %get3A_1999 = arith.index_cast %add3A_1998 : i32 to index
        %get3A_2000 = arith.constant 0 : index
        %get3A_2001 = tpu.vector_load %arg13[%get3A_1999, %get3A_2000] {strides = array<i32>} : memref<1600x32xf32, #tpu.memory_space<vmem>>, vector<16xf32>,
        %add3A_2002 = arith.constant 47 : i32
        %add3A_2003 = arith.addi %mul3A_738, %add3A_2002 : i32
        %get3A_2004 = arith.index_cast %add3A_2003 : i32 to index
        %get3A_2005 = arith.constant 16 : index
        %get3A_2006 = tpu.vector_load %arg13[%get3A_2004, %get3A_2005] {strides = array<i32>} : memref<1600x32xf32, #tpu.memory_space<vmem>>, vector<16xf32>,
        %mul3A_2007 = arith.mulf %gather3A_1996, %get3A_2001 : vector<16xf32>
        %add3A_2008 = arith.addf %add3A_1956, %mul3A_2007 : vector<16xf32>
        %mul3A_2009 = arith.mulf %gather3A_1996, %get3A_2006 : vector<16xf32>
        %add3A_2010 = arith.addf %add3A_1958, %mul3A_2009 : vector<16xf32>
        %broadcast_in_dim3A_2011 = arith.constant 0 : i32
        %broadcast_in_dim3A_2012 = vector.broadcast %broadcast_in_dim3A_2011 : i32 to vector<16xi32>
        %lt3A_2013 = arith.constant 0 : i32
        %lt3A_2014 = vector.broadcast %lt3A_2013 : i32 to vector<16xi32>
        %lt3A_2015 = arith.cmpi slt, %broadcast_in_dim3A_2012, %lt3A_2014 : vector<16xi32>
        %add3A_2016 = arith.constant 16 : i32
        %add3A_2017 = vector.broadcast %add3A_2016 : i32 to vector<16xi32>
        %add3A_2018 = arith.addi %broadcast_in_dim3A_2012, %add3A_2017 : vector<16xi32>
        %select_n3A_2019 = arith.select %lt3A_2015, %add3A_2018, %broadcast_in_dim3A_2012 : vector<16xi1>, vector<16xi32>
        %broadcast_in_dim3A_2020 = vector.shape_cast %select_n3A_2019 : vector<16xi32> to vector<16x1xi32>
        %gather3A_2021 = vector.shape_cast %broadcast_in_dim3A_2020 : vector<16x1xi32> to vector<16xi32>
        %gather3A_2022 = tpu.dynamic_gather %get3A_749[%gather3A_2021] in [0] : vector<16xf32>, vector<16xi32> -> vector<16xf32>
        %add3A_2023 = arith.constant 48 : i32
        %add3A_2024 = arith.addi %mul3A_738, %add3A_2023 : i32
        %get3A_2025 = arith.index_cast %add3A_2024 : i32 to index
        %get3A_2026 = arith.constant 0 : index
        %get3A_2027 = tpu.vector_load %arg13[%get3A_2025, %get3A_2026] {strides = array<i32>} : memref<1600x32xf32, #tpu.memory_space<vmem>>, vector<16xf32>,
        %add3A_2028 = arith.constant 48 : i32
        %add3A_2029 = arith.addi %mul3A_738, %add3A_2028 : i32
        %get3A_2030 = arith.index_cast %add3A_2029 : i32 to index
        %get3A_2031 = arith.constant 16 : index
        %get3A_2032 = tpu.vector_load %arg13[%get3A_2030, %get3A_2031] {strides = array<i32>} : memref<1600x32xf32, #tpu.memory_space<vmem>>, vector<16xf32>,
        %mul3A_2033 = arith.mulf %gather3A_2022, %get3A_2027 : vector<16xf32>
        %add3A_2034 = arith.addf %add3A_1982, %mul3A_2033 : vector<16xf32>
        %mul3A_2035 = arith.mulf %gather3A_2022, %get3A_2032 : vector<16xf32>
        %add3A_2036 = arith.addf %add3A_1984, %mul3A_2035 : vector<16xf32>
        %broadcast_in_dim3A_2037 = arith.constant 1 : i32
        %broadcast_in_dim3A_2038 = vector.broadcast %broadcast_in_dim3A_2037 : i32 to vector<16xi32>
        %lt3A_2039 = arith.constant 0 : i32
        %lt3A_2040 = vector.broadcast %lt3A_2039 : i32 to vector<16xi32>
        %lt3A_2041 = arith.cmpi slt, %broadcast_in_dim3A_2038, %lt3A_2040 : vector<16xi32>
        %add3A_2042 = arith.constant 16 : i32
        %add3A_2043 = vector.broadcast %add3A_2042 : i32 to vector<16xi32>
        %add3A_2044 = arith.addi %broadcast_in_dim3A_2038, %add3A_2043 : vector<16xi32>
        %select_n3A_2045 = arith.select %lt3A_2041, %add3A_2044, %broadcast_in_dim3A_2038 : vector<16xi1>, vector<16xi32>
        %broadcast_in_dim3A_2046 = vector.shape_cast %select_n3A_2045 : vector<16xi32> to vector<16x1xi32>
        %gather3A_2047 = vector.shape_cast %broadcast_in_dim3A_2046 : vector<16x1xi32> to vector<16xi32>
        %gather3A_2048 = tpu.dynamic_gather %get3A_749[%gather3A_2047] in [0] : vector<16xf32>, vector<16xi32> -> vector<16xf32>
        %add3A_2049 = arith.constant 49 : i32
        %add3A_2050 = arith.addi %mul3A_738, %add3A_2049 : i32
        %get3A_2051 = arith.index_cast %add3A_2050 : i32 to index
        %get3A_2052 = arith.constant 0 : index
        %get3A_2053 = tpu.vector_load %arg13[%get3A_2051, %get3A_2052] {strides = array<i32>} : memref<1600x32xf32, #tpu.memory_space<vmem>>, vector<16xf32>,
        %add3A_2054 = arith.constant 49 : i32
        %add3A_2055 = arith.addi %mul3A_738, %add3A_2054 : i32
        %get3A_2056 = arith.index_cast %add3A_2055 : i32 to index
        %get3A_2057 = arith.constant 16 : index
        %get3A_2058 = tpu.vector_load %arg13[%get3A_2056, %get3A_2057] {strides = array<i32>} : memref<1600x32xf32, #tpu.memory_space<vmem>>, vector<16xf32>,
        %mul3A_2059 = arith.mulf %gather3A_2048, %get3A_2053 : vector<16xf32>
        %add3A_2060 = arith.addf %add3A_2008, %mul3A_2059 : vector<16xf32>
        %mul3A_2061 = arith.mulf %gather3A_2048, %get3A_2058 : vector<16xf32>
        %add3A_2062 = arith.addf %add3A_2010, %mul3A_2061 : vector<16xf32>
        %get3A_2063 = arith.index_cast %scan3A_736 : i32 to index
        %get3A_2064 = arith.constant 0 : index
        %get3A_2065 = tpu.vector_load %arg15[%get3A_2063, %get3A_2064] {strides = array<i32>} : memref<32x32xf32, #tpu.memory_space<vmem>>, vector<16xf32>,
        %swap3A = arith.index_cast %scan3A_736 : i32 to index
        %swap3A_2066 = arith.constant 0 : index
        %swap3A_2067 = tpu.vector_load %arg17[%swap3A, %swap3A_2066] {strides = array<i32>} : memref<32x64xf32, #tpu.memory_space<vmem>>, vector<16xf32>,
        tpu.vector_store %arg17[%swap3A, %swap3A_2066], %get3A_2065 {strides = array<i32>} : memref<32x64xf32, #tpu.memory_space<vmem>>, vector<16xf32>,
        %get3A_2068 = arith.index_cast %scan3A_736 : i32 to index
        %get3A_2069 = arith.constant 16 : index
        %get3A_2070 = tpu.vector_load %arg15[%get3A_2068, %get3A_2069] {strides = array<i32>} : memref<32x32xf32, #tpu.memory_space<vmem>>, vector<16xf32>,
        %swap3A_2071 = arith.index_cast %scan3A_736 : i32 to index
        %swap3A_2072 = arith.constant 16 : index
        %swap3A_2073 = tpu.vector_load %arg17[%swap3A_2071, %swap3A_2072] {strides = array<i32>} : memref<32x64xf32, #tpu.memory_space<vmem>>, vector<16xf32>,
        tpu.vector_store %arg17[%swap3A_2071, %swap3A_2072], %get3A_2070 {strides = array<i32>} : memref<32x64xf32, #tpu.memory_space<vmem>>, vector<16xf32>,
        %add3A_2074 = arith.addf %add3A_2034, %add3A_2060 : vector<16xf32>
        %div3A_2075 = arith.divf %add3A_2074, %broadcast_in_dim3A : vector<16xf32>
        %swap3A_2076 = arith.index_cast %scan3A_736 : i32 to index
        %swap3A_2077 = arith.constant 32 : index
        %swap3A_2078 = tpu.vector_load %arg17[%swap3A_2076, %swap3A_2077] {strides = array<i32>} : memref<32x64xf32, #tpu.memory_space<vmem>>, vector<16xf32>,
        tpu.vector_store %arg17[%swap3A_2076, %swap3A_2077], %div3A_2075 {strides = array<i32>} : memref<32x64xf32, #tpu.memory_space<vmem>>, vector<16xf32>,
        %add3A_2079 = arith.addf %add3A_2036, %add3A_2062 : vector<16xf32>
        %div3A_2080 = arith.divf %add3A_2079, %broadcast_in_dim3A : vector<16xf32>
        %swap3A_2081 = arith.index_cast %scan3A_736 : i32 to index
        %swap3A_2082 = arith.constant 48 : index
        %swap3A_2083 = tpu.vector_load %arg17[%swap3A_2081, %swap3A_2082] {strides = array<i32>} : memref<32x64xf32, #tpu.memory_space<vmem>>, vector<16xf32>,
        tpu.vector_store %arg17[%swap3A_2081, %swap3A_2082], %div3A_2080 {strides = array<i32>} : memref<32x64xf32, #tpu.memory_space<vmem>>, vector<16xf32>,
      }
      %scan3A_554 = arith.constant 32 : i32
      %mul3A_555 = arith.constant 32 : i32
      %mul3A_556 = arith.muli %mul3A_192, %mul3A_555 : i32
      %add3A_557 = arith.addi %multiple_of3A, %mul3A_556 : i32
      %multiple_of3A_558 = tpu.assume_multiple %add3A_557, 32 : i32
      "tpu.region"() ({
        %run_scoped3A = tpu.sem_alloc : memref<!tpu.dma_semaphore, #tpu.memory_space<semaphore_mem>>
        %dma_start3A_736 = arith.constant 0 : i32
        %dma_start3A_737 = tpu.memref_slice %arg6[%multiple_of3A_558, %dma_start3A_736] : memref<16384x64xf32, #tpu.memory_space<hbm>> -> memref<32x64xf32, #tpu.memory_space<hbm>>
        %dma_start3A_738 = arith.constant 0 : i32
        %dma_start3A_739 = tpu.memref_slice %arg6[%multiple_of3A_558, %dma_start3A_738] : memref<16384x64xf32, #tpu.memory_space<hbm>> -> memref<32x64xf32, #tpu.memory_space<hbm>>
        tpu.enqueue_dma source(%arg17 : memref<32x64xf32, #tpu.memory_space<vmem>>) target(%dma_start3A_739 : memref<32x64xf32, #tpu.memory_space<hbm>>) target_semaphore(%run_scoped3A : memref<!tpu.dma_semaphore, #tpu.memory_space<semaphore_mem>>)
        %dma_wait3A_740 = arith.constant 0 : i32
        %dma_wait3A_741 = tpu.memref_slice %arg6[%multiple_of3A_558, %dma_wait3A_740] : memref<16384x64xf32, #tpu.memory_space<hbm>> -> memref<32x64xf32, #tpu.memory_space<hbm>>
        %dma_wait3A_742 = arith.constant 0 : i32
        %dma_wait3A_743 = tpu.memref_slice %arg6[%multiple_of3A_558, %dma_wait3A_742] : memref<16384x64xf32, #tpu.memory_space<hbm>> -> memref<32x64xf32, #tpu.memory_space<hbm>>
        tpu.wait_dma2 semaphore(%run_scoped3A : memref<!tpu.dma_semaphore, #tpu.memory_space<semaphore_mem>>) src(%arg17 : memref<32x64xf32, #tpu.memory_space<vmem>>) dst(%dma_wait3A_743 : memref<32x64xf32, #tpu.memory_space<hbm>>)
        tpu.yield
      }) : () -> ()
      %lt3A = arith.constant 7 : i32
      %lt3A_559 = arith.cmpi slt, %scan3A_190, %lt3A : i32
      %convert_element_type3A = arith.extui %lt3A_559 : i1 to i32
      %cond3A = arith.constant 0 : i32
      %cond3A_560 = arith.cmpi ne, %convert_element_type3A, %cond3A : i32
      scf.if %cond3A_560 {
        %add3A_736 = arith.constant 2 : i32
        %add3A_737 = arith.addi %mul3A_192, %add3A_736 : i32
        %mul3A_738 = arith.constant 32 : i32
        %mul3A_739 = arith.muli %add3A_737, %mul3A_738 : i32
        %add3A_740 = arith.addi %multiple_of3A, %mul3A_739 : i32
        %multiple_of3A_741 = tpu.assume_multiple %add3A_740, 32 : i32
        %jit3A_742 = arith.constant 2 : i32
        %div3A_743 = arith.divsi %multiple_of3A_741, %jit3A_742 : i32
        %sign3A_744 = arith.constant 0 : i32
        %sign3A_745 = arith.cmpi sgt, %multiple_of3A_741, %sign3A_744 : i32
        %sign3A_746 = arith.extui %sign3A_745 : i1 to i32
        %sign3A_747 = arith.constant 0 : i32
        %sign3A_748 = arith.cmpi slt, %multiple_of3A_741, %sign3A_747 : i32
        %sign3A_749 = arith.extui %sign3A_748 : i1 to i32
        %sign3A_750 = arith.subi %sign3A_746, %sign3A_749 : i32
        %sign3A_751 = arith.constant 0 : i32
        %sign3A_752 = arith.cmpi sgt, %jit3A_742, %sign3A_751 : i32
        %sign3A_753 = arith.extui %sign3A_752 : i1 to i32
        %sign3A_754 = arith.constant 0 : i32
        %sign3A_755 = arith.cmpi slt, %jit3A_742, %sign3A_754 : i32
        %sign3A_756 = arith.extui %sign3A_755 : i1 to i32
        %sign3A_757 = arith.subi %sign3A_753, %sign3A_756 : i32
        %ne3A_758 = arith.cmpi ne, %sign3A_750, %sign3A_757 : i32
        %rem3A_759 = arith.remsi %multiple_of3A_741, %jit3A_742 : i32
        %ne3A_760 = arith.constant 0 : i32
        %ne3A_761 = arith.cmpi ne, %rem3A_759, %ne3A_760 : i32
        %and3A_762 = arith.andi %ne3A_758, %ne3A_761 : i1
        %sub3A_763 = arith.constant 1 : i32
        %sub3A_764 = arith.subi %div3A_743, %sub3A_763 : i32
        %select_n3A_765 = arith.select %and3A_762, %sub3A_764, %div3A_743 : i32
        %multiple_of3A_766 = tpu.assume_multiple %select_n3A_765, 16 : i32
        "tpu.region"() ({
          %run_scoped3A = tpu.sem_alloc : memref<!tpu.dma_semaphore, #tpu.memory_space<semaphore_mem>>
          %dma_start3A_930 = arith.constant 0 : i32
          %dma_start3A_931 = tpu.memref_slice %arg2[%multiple_of3A_766, %dma_start3A_930] : memref<8192x100xi32, #tpu.memory_space<hbm>> -> memref<16x100xi32, #tpu.memory_space<hbm>>
          %dma_start3A_932 = arith.constant 0 : i32
          %dma_start3A_933 = tpu.memref_slice %arg2[%multiple_of3A_766, %dma_start3A_932] : memref<8192x100xi32, #tpu.memory_space<hbm>> -> memref<16x100xi32, #tpu.memory_space<hbm>>
          tpu.enqueue_dma source(%dma_start3A_933 : memref<16x100xi32, #tpu.memory_space<hbm>>) target(%arg7 : memref<16x100xi32, #tpu.memory_space<vmem>>) target_semaphore(%run_scoped3A : memref<!tpu.dma_semaphore, #tpu.memory_space<semaphore_mem>>)
          %dma_wait3A_934 = arith.constant 0 : i32
          %dma_wait3A_935 = tpu.memref_slice %arg2[%multiple_of3A_766, %dma_wait3A_934] : memref<8192x100xi32, #tpu.memory_space<hbm>> -> memref<16x100xi32, #tpu.memory_space<hbm>>
          %dma_wait3A_936 = arith.constant 0 : i32
          %dma_wait3A_937 = tpu.memref_slice %arg2[%multiple_of3A_766, %dma_wait3A_936] : memref<8192x100xi32, #tpu.memory_space<hbm>> -> memref<16x100xi32, #tpu.memory_space<hbm>>
          tpu.wait_dma2 semaphore(%run_scoped3A : memref<!tpu.dma_semaphore, #tpu.memory_space<semaphore_mem>>) src(%dma_wait3A_937 : memref<16x100xi32, #tpu.memory_space<hbm>>) dst(%arg7 : memref<16x100xi32, #tpu.memory_space<vmem>>)
          tpu.yield
        }) : () -> ()
        "tpu.region"() ({
          %run_scoped3A = tpu.sem_alloc : memref<!tpu.dma_semaphore, #tpu.memory_space<semaphore_mem>>
          %dma_start3A_930 = tpu.memref_slice %arg3[%multiple_of3A_741] : memref<16384xi32, #tpu.memory_space<hbm>> -> memref<32xi32, #tpu.memory_space<hbm>>
          %dma_start3A_931 = tpu.memref_slice %arg3[%multiple_of3A_741] : memref<16384xi32, #tpu.memory_space<hbm>> -> memref<32xi32, #tpu.memory_space<hbm>>
          tpu.enqueue_dma source(%dma_start3A_931 : memref<32xi32, #tpu.memory_space<hbm>>) target(%arg9 : memref<32xi32, #tpu.memory_space<vmem>>) target_semaphore(%run_scoped3A : memref<!tpu.dma_semaphore, #tpu.memory_space<semaphore_mem>>)
          %dma_wait3A_932 = tpu.memref_slice %arg3[%multiple_of3A_741] : memref<16384xi32, #tpu.memory_space<hbm>> -> memref<32xi32, #tpu.memory_space<hbm>>
          %dma_wait3A_933 = tpu.memref_slice %arg3[%multiple_of3A_741] : memref<16384xi32, #tpu.memory_space<hbm>> -> memref<32xi32, #tpu.memory_space<hbm>>
          tpu.wait_dma2 semaphore(%run_scoped3A : memref<!tpu.dma_semaphore, #tpu.memory_space<semaphore_mem>>) src(%dma_wait3A_933 : memref<32xi32, #tpu.memory_space<hbm>>) dst(%arg9 : memref<32xi32, #tpu.memory_space<vmem>>)
          tpu.yield
        }) : () -> ()
        "tpu.region"() ({
          %run_scoped3A = tpu.sem_alloc : memref<!tpu.dma_semaphore, #tpu.memory_space<semaphore_mem>>
          %dma_start3A_930 = arith.constant 0 : i32
          %dma_start3A_931 = tpu.memref_slice %arg4[%multiple_of3A_741, %dma_start3A_930] : memref<16384x64xf32, #tpu.memory_space<hbm>> -> memref<32x64xf32, #tpu.memory_space<hbm>>
          %dma_start3A_932 = arith.constant 0 : i32
          %dma_start3A_933 = tpu.memref_slice %arg4[%multiple_of3A_741, %dma_start3A_932] : memref<16384x64xf32, #tpu.memory_space<hbm>> -> memref<32x64xf32, #tpu.memory_space<hbm>>
          tpu.enqueue_dma source(%dma_start3A_933 : memref<32x64xf32, #tpu.memory_space<hbm>>) target(%arg11 : memref<32x64xf32, #tpu.memory_space<vmem>>) target_semaphore(%run_scoped3A : memref<!tpu.dma_semaphore, #tpu.memory_space<semaphore_mem>>)
          %dma_wait3A_934 = arith.constant 0 : i32
          %dma_wait3A_935 = tpu.memref_slice %arg4[%multiple_of3A_741, %dma_wait3A_934] : memref<16384x64xf32, #tpu.memory_space<hbm>> -> memref<32x64xf32, #tpu.memory_space<hbm>>
          %dma_wait3A_936 = arith.constant 0 : i32
          %dma_wait3A_937 = tpu.memref_slice %arg4[%multiple_of3A_741, %dma_wait3A_936] : memref<16384x64xf32, #tpu.memory_space<hbm>> -> memref<32x64xf32, #tpu.memory_space<hbm>>
          tpu.wait_dma2 semaphore(%run_scoped3A : memref<!tpu.dma_semaphore, #tpu.memory_space<semaphore_mem>>) src(%dma_wait3A_937 : memref<32x64xf32, #tpu.memory_space<hbm>>) dst(%arg11 : memref<32x64xf32, #tpu.memory_space<vmem>>)
          tpu.yield
        }) : () -> ()
        %dma_start3A_767 = arith.constant 0 : i32
        %dma_start3A_768 = arith.constant 0 : i32
        %dma_start3A_769 = arith.constant 0 : i32
        %dma_start3A_770 = tpu.memref_slice %arg13[%dma_start3A_768, %dma_start3A_769] : memref<1600x32xf32, #tpu.memory_space<vmem>> -> memref<100x32xf32, #tpu.memory_space<vmem>>
        %dma_start3A_771 = arith.constant 0 : i32
        %dma_start3A_772 = tpu.memref_slice %arg7[%dma_start3A_767, %dma_start3A_771] : memref<16x100xi32, #tpu.memory_space<vmem>> -> memref<1x100xi32, #tpu.memory_space<vmem>>
        %dma_start3A_773 = tpu.memref_squeeze %dma_start3A_772 : memref<1x100xi32, #tpu.memory_space<vmem>> -> memref<100xi32, #tpu.memory_space<vmem>>
        %dma_start3A_774 = arith.constant 0 : i32
        %dma_start3A_775 = arith.constant 0 : i32
        %dma_start3A_776 = tpu.memref_slice %arg5[%dma_start3A_774, %dma_start3A_775] : memref<1000000x32xf32, #tpu.memory_space<hbm>> -> memref<1000000x32xf32, #tpu.memory_space<hbm>>
        tpu.enqueue_indirect_dma source(%dma_start3A_776 : memref<1000000x32xf32, #tpu.memory_space<hbm>>) target(%dma_start3A_770 : memref<100x32xf32, #tpu.memory_space<vmem>>) offsets(%dma_start3A_773 : memref<100xi32, #tpu.memory_space<vmem>>) semaphore(%arg19 : memref<!tpu.dma_semaphore, #tpu.memory_space<semaphore_mem>>)
        %dma_start3A_777 = arith.constant 1 : i32
        %dma_start3A_778 = arith.constant 100 : i32
        %dma_start3A_779 = arith.constant 0 : i32
        %dma_start3A_780 = tpu.memref_slice %arg13[%dma_start3A_778, %dma_start3A_779] : memref<1600x32xf32, #tpu.memory_space<vmem>> -> memref<100x32xf32, #tpu.memory_space<vmem>>
        %dma_start3A_781 = arith.constant 0 : i32
        %dma_start3A_782 = tpu.memref_slice %arg7[%dma_start3A_777, %dma_start3A_781] : memref<16x100xi32, #tpu.memory_space<vmem>> -> memref<1x100xi32, #tpu.memory_space<vmem>>
        %dma_start3A_783 = tpu.memref_squeeze %dma_start3A_782 : memref<1x100xi32, #tpu.memory_space<vmem>> -> memref<100xi32, #tpu.memory_space<vmem>>
        %dma_start3A_784 = arith.constant 0 : i32
        %dma_start3A_785 = arith.constant 0 : i32
        %dma_start3A_786 = tpu.memref_slice %arg5[%dma_start3A_784, %dma_start3A_785] : memref<1000000x32xf32, #tpu.memory_space<hbm>> -> memref<1000000x32xf32, #tpu.memory_space<hbm>>
        tpu.enqueue_indirect_dma source(%dma_start3A_786 : memref<1000000x32xf32, #tpu.memory_space<hbm>>) target(%dma_start3A_780 : memref<100x32xf32, #tpu.memory_space<vmem>>) offsets(%dma_start3A_783 : memref<100xi32, #tpu.memory_space<vmem>>) semaphore(%arg19 : memref<!tpu.dma_semaphore, #tpu.memory_space<semaphore_mem>>)
        %dma_start3A_787 = arith.constant 2 : i32
        %dma_start3A_788 = arith.constant 200 : i32
        %dma_start3A_789 = arith.constant 0 : i32
        %dma_start3A_790 = tpu.memref_slice %arg13[%dma_start3A_788, %dma_start3A_789] : memref<1600x32xf32, #tpu.memory_space<vmem>> -> memref<100x32xf32, #tpu.memory_space<vmem>>
        %dma_start3A_791 = arith.constant 0 : i32
        %dma_start3A_792 = tpu.memref_slice %arg7[%dma_start3A_787, %dma_start3A_791] : memref<16x100xi32, #tpu.memory_space<vmem>> -> memref<1x100xi32, #tpu.memory_space<vmem>>
        %dma_start3A_793 = tpu.memref_squeeze %dma_start3A_792 : memref<1x100xi32, #tpu.memory_space<vmem>> -> memref<100xi32, #tpu.memory_space<vmem>>
        %dma_start3A_794 = arith.constant 0 : i32
        %dma_start3A_795 = arith.constant 0 : i32
        %dma_start3A_796 = tpu.memref_slice %arg5[%dma_start3A_794, %dma_start3A_795] : memref<1000000x32xf32, #tpu.memory_space<hbm>> -> memref<1000000x32xf32, #tpu.memory_space<hbm>>
        tpu.enqueue_indirect_dma source(%dma_start3A_796 : memref<1000000x32xf32, #tpu.memory_space<hbm>>) target(%dma_start3A_790 : memref<100x32xf32, #tpu.memory_space<vmem>>) offsets(%dma_start3A_793 : memref<100xi32, #tpu.memory_space<vmem>>) semaphore(%arg19 : memref<!tpu.dma_semaphore, #tpu.memory_space<semaphore_mem>>)
        %dma_start3A_797 = arith.constant 3 : i32
        %dma_start3A_798 = arith.constant 300 : i32
        %dma_start3A_799 = arith.constant 0 : i32
        %dma_start3A_800 = tpu.memref_slice %arg13[%dma_start3A_798, %dma_start3A_799] : memref<1600x32xf32, #tpu.memory_space<vmem>> -> memref<100x32xf32, #tpu.memory_space<vmem>>
        %dma_start3A_801 = arith.constant 0 : i32
        %dma_start3A_802 = tpu.memref_slice %arg7[%dma_start3A_797, %dma_start3A_801] : memref<16x100xi32, #tpu.memory_space<vmem>> -> memref<1x100xi32, #tpu.memory_space<vmem>>
        %dma_start3A_803 = tpu.memref_squeeze %dma_start3A_802 : memref<1x100xi32, #tpu.memory_space<vmem>> -> memref<100xi32, #tpu.memory_space<vmem>>
        %dma_start3A_804 = arith.constant 0 : i32
        %dma_start3A_805 = arith.constant 0 : i32
        %dma_start3A_806 = tpu.memref_slice %arg5[%dma_start3A_804, %dma_start3A_805] : memref<1000000x32xf32, #tpu.memory_space<hbm>> -> memref<1000000x32xf32, #tpu.memory_space<hbm>>
        tpu.enqueue_indirect_dma source(%dma_start3A_806 : memref<1000000x32xf32, #tpu.memory_space<hbm>>) target(%dma_start3A_800 : memref<100x32xf32, #tpu.memory_space<vmem>>) offsets(%dma_start3A_803 : memref<100xi32, #tpu.memory_space<vmem>>) semaphore(%arg19 : memref<!tpu.dma_semaphore, #tpu.memory_space<semaphore_mem>>)
        %dma_start3A_807 = arith.constant 4 : i32
        %dma_start3A_808 = arith.constant 400 : i32
        %dma_start3A_809 = arith.constant 0 : i32
        %dma_start3A_810 = tpu.memref_slice %arg13[%dma_start3A_808, %dma_start3A_809] : memref<1600x32xf32, #tpu.memory_space<vmem>> -> memref<100x32xf32, #tpu.memory_space<vmem>>
        %dma_start3A_811 = arith.constant 0 : i32
        %dma_start3A_812 = tpu.memref_slice %arg7[%dma_start3A_807, %dma_start3A_811] : memref<16x100xi32, #tpu.memory_space<vmem>> -> memref<1x100xi32, #tpu.memory_space<vmem>>
        %dma_start3A_813 = tpu.memref_squeeze %dma_start3A_812 : memref<1x100xi32, #tpu.memory_space<vmem>> -> memref<100xi32, #tpu.memory_space<vmem>>
        %dma_start3A_814 = arith.constant 0 : i32
        %dma_start3A_815 = arith.constant 0 : i32
        %dma_start3A_816 = tpu.memref_slice %arg5[%dma_start3A_814, %dma_start3A_815] : memref<1000000x32xf32, #tpu.memory_space<hbm>> -> memref<1000000x32xf32, #tpu.memory_space<hbm>>
        tpu.enqueue_indirect_dma source(%dma_start3A_816 : memref<1000000x32xf32, #tpu.memory_space<hbm>>) target(%dma_start3A_810 : memref<100x32xf32, #tpu.memory_space<vmem>>) offsets(%dma_start3A_813 : memref<100xi32, #tpu.memory_space<vmem>>) semaphore(%arg19 : memref<!tpu.dma_semaphore, #tpu.memory_space<semaphore_mem>>)
        %dma_start3A_817 = arith.constant 5 : i32
        %dma_start3A_818 = arith.constant 500 : i32
        %dma_start3A_819 = arith.constant 0 : i32
        %dma_start3A_820 = tpu.memref_slice %arg13[%dma_start3A_818, %dma_start3A_819] : memref<1600x32xf32, #tpu.memory_space<vmem>> -> memref<100x32xf32, #tpu.memory_space<vmem>>
        %dma_start3A_821 = arith.constant 0 : i32
        %dma_start3A_822 = tpu.memref_slice %arg7[%dma_start3A_817, %dma_start3A_821] : memref<16x100xi32, #tpu.memory_space<vmem>> -> memref<1x100xi32, #tpu.memory_space<vmem>>
        %dma_start3A_823 = tpu.memref_squeeze %dma_start3A_822 : memref<1x100xi32, #tpu.memory_space<vmem>> -> memref<100xi32, #tpu.memory_space<vmem>>
        %dma_start3A_824 = arith.constant 0 : i32
        %dma_start3A_825 = arith.constant 0 : i32
        %dma_start3A_826 = tpu.memref_slice %arg5[%dma_start3A_824, %dma_start3A_825] : memref<1000000x32xf32, #tpu.memory_space<hbm>> -> memref<1000000x32xf32, #tpu.memory_space<hbm>>
        tpu.enqueue_indirect_dma source(%dma_start3A_826 : memref<1000000x32xf32, #tpu.memory_space<hbm>>) target(%dma_start3A_820 : memref<100x32xf32, #tpu.memory_space<vmem>>) offsets(%dma_start3A_823 : memref<100xi32, #tpu.memory_space<vmem>>) semaphore(%arg19 : memref<!tpu.dma_semaphore, #tpu.memory_space<semaphore_mem>>)
        %dma_start3A_827 = arith.constant 6 : i32
        %dma_start3A_828 = arith.constant 600 : i32
        %dma_start3A_829 = arith.constant 0 : i32
        %dma_start3A_830 = tpu.memref_slice %arg13[%dma_start3A_828, %dma_start3A_829] : memref<1600x32xf32, #tpu.memory_space<vmem>> -> memref<100x32xf32, #tpu.memory_space<vmem>>
        %dma_start3A_831 = arith.constant 0 : i32
        %dma_start3A_832 = tpu.memref_slice %arg7[%dma_start3A_827, %dma_start3A_831] : memref<16x100xi32, #tpu.memory_space<vmem>> -> memref<1x100xi32, #tpu.memory_space<vmem>>
        %dma_start3A_833 = tpu.memref_squeeze %dma_start3A_832 : memref<1x100xi32, #tpu.memory_space<vmem>> -> memref<100xi32, #tpu.memory_space<vmem>>
        %dma_start3A_834 = arith.constant 0 : i32
        %dma_start3A_835 = arith.constant 0 : i32
        %dma_start3A_836 = tpu.memref_slice %arg5[%dma_start3A_834, %dma_start3A_835] : memref<1000000x32xf32, #tpu.memory_space<hbm>> -> memref<1000000x32xf32, #tpu.memory_space<hbm>>
        tpu.enqueue_indirect_dma source(%dma_start3A_836 : memref<1000000x32xf32, #tpu.memory_space<hbm>>) target(%dma_start3A_830 : memref<100x32xf32, #tpu.memory_space<vmem>>) offsets(%dma_start3A_833 : memref<100xi32, #tpu.memory_space<vmem>>) semaphore(%arg19 : memref<!tpu.dma_semaphore, #tpu.memory_space<semaphore_mem>>)
        %dma_start3A_837 = arith.constant 7 : i32
        %dma_start3A_838 = arith.constant 700 : i32
        %dma_start3A_839 = arith.constant 0 : i32
        %dma_start3A_840 = tpu.memref_slice %arg13[%dma_start3A_838, %dma_start3A_839] : memref<1600x32xf32, #tpu.memory_space<vmem>> -> memref<100x32xf32, #tpu.memory_space<vmem>>
        %dma_start3A_841 = arith.constant 0 : i32
        %dma_start3A_842 = tpu.memref_slice %arg7[%dma_start3A_837, %dma_start3A_841] : memref<16x100xi32, #tpu.memory_space<vmem>> -> memref<1x100xi32, #tpu.memory_space<vmem>>
        %dma_start3A_843 = tpu.memref_squeeze %dma_start3A_842 : memref<1x100xi32, #tpu.memory_space<vmem>> -> memref<100xi32, #tpu.memory_space<vmem>>
        %dma_start3A_844 = arith.constant 0 : i32
        %dma_start3A_845 = arith.constant 0 : i32
        %dma_start3A_846 = tpu.memref_slice %arg5[%dma_start3A_844, %dma_start3A_845] : memref<1000000x32xf32, #tpu.memory_space<hbm>> -> memref<1000000x32xf32, #tpu.memory_space<hbm>>
        tpu.enqueue_indirect_dma source(%dma_start3A_846 : memref<1000000x32xf32, #tpu.memory_space<hbm>>) target(%dma_start3A_840 : memref<100x32xf32, #tpu.memory_space<vmem>>) offsets(%dma_start3A_843 : memref<100xi32, #tpu.memory_space<vmem>>) semaphore(%arg19 : memref<!tpu.dma_semaphore, #tpu.memory_space<semaphore_mem>>)
        %dma_start3A_847 = arith.constant 8 : i32
        %dma_start3A_848 = arith.constant 800 : i32
        %dma_start3A_849 = arith.constant 0 : i32
        %dma_start3A_850 = tpu.memref_slice %arg13[%dma_start3A_848, %dma_start3A_849] : memref<1600x32xf32, #tpu.memory_space<vmem>> -> memref<100x32xf32, #tpu.memory_space<vmem>>
        %dma_start3A_851 = arith.constant 0 : i32
        %dma_start3A_852 = tpu.memref_slice %arg7[%dma_start3A_847, %dma_start3A_851] : memref<16x100xi32, #tpu.memory_space<vmem>> -> memref<1x100xi32, #tpu.memory_space<vmem>>
        %dma_start3A_853 = tpu.memref_squeeze %dma_start3A_852 : memref<1x100xi32, #tpu.memory_space<vmem>> -> memref<100xi32, #tpu.memory_space<vmem>>
        %dma_start3A_854 = arith.constant 0 : i32
        %dma_start3A_855 = arith.constant 0 : i32
        %dma_start3A_856 = tpu.memref_slice %arg5[%dma_start3A_854, %dma_start3A_855] : memref<1000000x32xf32, #tpu.memory_space<hbm>> -> memref<1000000x32xf32, #tpu.memory_space<hbm>>
        tpu.enqueue_indirect_dma source(%dma_start3A_856 : memref<1000000x32xf32, #tpu.memory_space<hbm>>) target(%dma_start3A_850 : memref<100x32xf32, #tpu.memory_space<vmem>>) offsets(%dma_start3A_853 : memref<100xi32, #tpu.memory_space<vmem>>) semaphore(%arg19 : memref<!tpu.dma_semaphore, #tpu.memory_space<semaphore_mem>>)
        %dma_start3A_857 = arith.constant 9 : i32
        %dma_start3A_858 = arith.constant 900 : i32
        %dma_start3A_859 = arith.constant 0 : i32
        %dma_start3A_860 = tpu.memref_slice %arg13[%dma_start3A_858, %dma_start3A_859] : memref<1600x32xf32, #tpu.memory_space<vmem>> -> memref<100x32xf32, #tpu.memory_space<vmem>>
        %dma_start3A_861 = arith.constant 0 : i32
        %dma_start3A_862 = tpu.memref_slice %arg7[%dma_start3A_857, %dma_start3A_861] : memref<16x100xi32, #tpu.memory_space<vmem>> -> memref<1x100xi32, #tpu.memory_space<vmem>>
        %dma_start3A_863 = tpu.memref_squeeze %dma_start3A_862 : memref<1x100xi32, #tpu.memory_space<vmem>> -> memref<100xi32, #tpu.memory_space<vmem>>
        %dma_start3A_864 = arith.constant 0 : i32
        %dma_start3A_865 = arith.constant 0 : i32
        %dma_start3A_866 = tpu.memref_slice %arg5[%dma_start3A_864, %dma_start3A_865] : memref<1000000x32xf32, #tpu.memory_space<hbm>> -> memref<1000000x32xf32, #tpu.memory_space<hbm>>
        tpu.enqueue_indirect_dma source(%dma_start3A_866 : memref<1000000x32xf32, #tpu.memory_space<hbm>>) target(%dma_start3A_860 : memref<100x32xf32, #tpu.memory_space<vmem>>) offsets(%dma_start3A_863 : memref<100xi32, #tpu.memory_space<vmem>>) semaphore(%arg19 : memref<!tpu.dma_semaphore, #tpu.memory_space<semaphore_mem>>)
        %dma_start3A_867 = arith.constant 10 : i32
        %dma_start3A_868 = arith.constant 1000 : i32
        %dma_start3A_869 = arith.constant 0 : i32
        %dma_start3A_870 = tpu.memref_slice %arg13[%dma_start3A_868, %dma_start3A_869] : memref<1600x32xf32, #tpu.memory_space<vmem>> -> memref<100x32xf32, #tpu.memory_space<vmem>>
        %dma_start3A_871 = arith.constant 0 : i32
        %dma_start3A_872 = tpu.memref_slice %arg7[%dma_start3A_867, %dma_start3A_871] : memref<16x100xi32, #tpu.memory_space<vmem>> -> memref<1x100xi32, #tpu.memory_space<vmem>>
        %dma_start3A_873 = tpu.memref_squeeze %dma_start3A_872 : memref<1x100xi32, #tpu.memory_space<vmem>> -> memref<100xi32, #tpu.memory_space<vmem>>
        %dma_start3A_874 = arith.constant 0 : i32
        %dma_start3A_875 = arith.constant 0 : i32
        %dma_start3A_876 = tpu.memref_slice %arg5[%dma_start3A_874, %dma_start3A_875] : memref<1000000x32xf32, #tpu.memory_space<hbm>> -> memref<1000000x32xf32, #tpu.memory_space<hbm>>
        tpu.enqueue_indirect_dma source(%dma_start3A_876 : memref<1000000x32xf32, #tpu.memory_space<hbm>>) target(%dma_start3A_870 : memref<100x32xf32, #tpu.memory_space<vmem>>) offsets(%dma_start3A_873 : memref<100xi32, #tpu.memory_space<vmem>>) semaphore(%arg19 : memref<!tpu.dma_semaphore, #tpu.memory_space<semaphore_mem>>)
        %dma_start3A_877 = arith.constant 11 : i32
        %dma_start3A_878 = arith.constant 1100 : i32
        %dma_start3A_879 = arith.constant 0 : i32
        %dma_start3A_880 = tpu.memref_slice %arg13[%dma_start3A_878, %dma_start3A_879] : memref<1600x32xf32, #tpu.memory_space<vmem>> -> memref<100x32xf32, #tpu.memory_space<vmem>>
        %dma_start3A_881 = arith.constant 0 : i32
        %dma_start3A_882 = tpu.memref_slice %arg7[%dma_start3A_877, %dma_start3A_881] : memref<16x100xi32, #tpu.memory_space<vmem>> -> memref<1x100xi32, #tpu.memory_space<vmem>>
        %dma_start3A_883 = tpu.memref_squeeze %dma_start3A_882 : memref<1x100xi32, #tpu.memory_space<vmem>> -> memref<100xi32, #tpu.memory_space<vmem>>
        %dma_start3A_884 = arith.constant 0 : i32
        %dma_start3A_885 = arith.constant 0 : i32
        %dma_start3A_886 = tpu.memref_slice %arg5[%dma_start3A_884, %dma_start3A_885] : memref<1000000x32xf32, #tpu.memory_space<hbm>> -> memref<1000000x32xf32, #tpu.memory_space<hbm>>
        tpu.enqueue_indirect_dma source(%dma_start3A_886 : memref<1000000x32xf32, #tpu.memory_space<hbm>>) target(%dma_start3A_880 : memref<100x32xf32, #tpu.memory_space<vmem>>) offsets(%dma_start3A_883 : memref<100xi32, #tpu.memory_space<vmem>>) semaphore(%arg19 : memref<!tpu.dma_semaphore, #tpu.memory_space<semaphore_mem>>)
        %dma_start3A_887 = arith.constant 12 : i32
        %dma_start3A_888 = arith.constant 1200 : i32
        %dma_start3A_889 = arith.constant 0 : i32
        %dma_start3A_890 = tpu.memref_slice %arg13[%dma_start3A_888, %dma_start3A_889] : memref<1600x32xf32, #tpu.memory_space<vmem>> -> memref<100x32xf32, #tpu.memory_space<vmem>>
        %dma_start3A_891 = arith.constant 0 : i32
        %dma_start3A_892 = tpu.memref_slice %arg7[%dma_start3A_887, %dma_start3A_891] : memref<16x100xi32, #tpu.memory_space<vmem>> -> memref<1x100xi32, #tpu.memory_space<vmem>>
        %dma_start3A_893 = tpu.memref_squeeze %dma_start3A_892 : memref<1x100xi32, #tpu.memory_space<vmem>> -> memref<100xi32, #tpu.memory_space<vmem>>
        %dma_start3A_894 = arith.constant 0 : i32
        %dma_start3A_895 = arith.constant 0 : i32
        %dma_start3A_896 = tpu.memref_slice %arg5[%dma_start3A_894, %dma_start3A_895] : memref<1000000x32xf32, #tpu.memory_space<hbm>> -> memref<1000000x32xf32, #tpu.memory_space<hbm>>
        tpu.enqueue_indirect_dma source(%dma_start3A_896 : memref<1000000x32xf32, #tpu.memory_space<hbm>>) target(%dma_start3A_890 : memref<100x32xf32, #tpu.memory_space<vmem>>) offsets(%dma_start3A_893 : memref<100xi32, #tpu.memory_space<vmem>>) semaphore(%arg19 : memref<!tpu.dma_semaphore, #tpu.memory_space<semaphore_mem>>)
        %dma_start3A_897 = arith.constant 13 : i32
        %dma_start3A_898 = arith.constant 1300 : i32
        %dma_start3A_899 = arith.constant 0 : i32
        %dma_start3A_900 = tpu.memref_slice %arg13[%dma_start3A_898, %dma_start3A_899] : memref<1600x32xf32, #tpu.memory_space<vmem>> -> memref<100x32xf32, #tpu.memory_space<vmem>>
        %dma_start3A_901 = arith.constant 0 : i32
        %dma_start3A_902 = tpu.memref_slice %arg7[%dma_start3A_897, %dma_start3A_901] : memref<16x100xi32, #tpu.memory_space<vmem>> -> memref<1x100xi32, #tpu.memory_space<vmem>>
        %dma_start3A_903 = tpu.memref_squeeze %dma_start3A_902 : memref<1x100xi32, #tpu.memory_space<vmem>> -> memref<100xi32, #tpu.memory_space<vmem>>
        %dma_start3A_904 = arith.constant 0 : i32
        %dma_start3A_905 = arith.constant 0 : i32
        %dma_start3A_906 = tpu.memref_slice %arg5[%dma_start3A_904, %dma_start3A_905] : memref<1000000x32xf32, #tpu.memory_space<hbm>> -> memref<1000000x32xf32, #tpu.memory_space<hbm>>
        tpu.enqueue_indirect_dma source(%dma_start3A_906 : memref<1000000x32xf32, #tpu.memory_space<hbm>>) target(%dma_start3A_900 : memref<100x32xf32, #tpu.memory_space<vmem>>) offsets(%dma_start3A_903 : memref<100xi32, #tpu.memory_space<vmem>>) semaphore(%arg19 : memref<!tpu.dma_semaphore, #tpu.memory_space<semaphore_mem>>)
        %dma_start3A_907 = arith.constant 14 : i32
        %dma_start3A_908 = arith.constant 1400 : i32
        %dma_start3A_909 = arith.constant 0 : i32
        %dma_start3A_910 = tpu.memref_slice %arg13[%dma_start3A_908, %dma_start3A_909] : memref<1600x32xf32, #tpu.memory_space<vmem>> -> memref<100x32xf32, #tpu.memory_space<vmem>>
        %dma_start3A_911 = arith.constant 0 : i32
        %dma_start3A_912 = tpu.memref_slice %arg7[%dma_start3A_907, %dma_start3A_911] : memref<16x100xi32, #tpu.memory_space<vmem>> -> memref<1x100xi32, #tpu.memory_space<vmem>>
        %dma_start3A_913 = tpu.memref_squeeze %dma_start3A_912 : memref<1x100xi32, #tpu.memory_space<vmem>> -> memref<100xi32, #tpu.memory_space<vmem>>
        %dma_start3A_914 = arith.constant 0 : i32
        %dma_start3A_915 = arith.constant 0 : i32
        %dma_start3A_916 = tpu.memref_slice %arg5[%dma_start3A_914, %dma_start3A_915] : memref<1000000x32xf32, #tpu.memory_space<hbm>> -> memref<1000000x32xf32, #tpu.memory_space<hbm>>
        tpu.enqueue_indirect_dma source(%dma_start3A_916 : memref<1000000x32xf32, #tpu.memory_space<hbm>>) target(%dma_start3A_910 : memref<100x32xf32, #tpu.memory_space<vmem>>) offsets(%dma_start3A_913 : memref<100xi32, #tpu.memory_space<vmem>>) semaphore(%arg19 : memref<!tpu.dma_semaphore, #tpu.memory_space<semaphore_mem>>)
        %dma_start3A_917 = arith.constant 15 : i32
        %dma_start3A_918 = arith.constant 1500 : i32
        %dma_start3A_919 = arith.constant 0 : i32
        %dma_start3A_920 = tpu.memref_slice %arg13[%dma_start3A_918, %dma_start3A_919] : memref<1600x32xf32, #tpu.memory_space<vmem>> -> memref<100x32xf32, #tpu.memory_space<vmem>>
        %dma_start3A_921 = arith.constant 0 : i32
        %dma_start3A_922 = tpu.memref_slice %arg7[%dma_start3A_917, %dma_start3A_921] : memref<16x100xi32, #tpu.memory_space<vmem>> -> memref<1x100xi32, #tpu.memory_space<vmem>>
        %dma_start3A_923 = tpu.memref_squeeze %dma_start3A_922 : memref<1x100xi32, #tpu.memory_space<vmem>> -> memref<100xi32, #tpu.memory_space<vmem>>
        %dma_start3A_924 = arith.constant 0 : i32
        %dma_start3A_925 = arith.constant 0 : i32
        %dma_start3A_926 = tpu.memref_slice %arg5[%dma_start3A_924, %dma_start3A_925] : memref<1000000x32xf32, #tpu.memory_space<hbm>> -> memref<1000000x32xf32, #tpu.memory_space<hbm>>
        tpu.enqueue_indirect_dma source(%dma_start3A_926 : memref<1000000x32xf32, #tpu.memory_space<hbm>>) target(%dma_start3A_920 : memref<100x32xf32, #tpu.memory_space<vmem>>) offsets(%dma_start3A_923 : memref<100xi32, #tpu.memory_space<vmem>>) semaphore(%arg19 : memref<!tpu.dma_semaphore, #tpu.memory_space<semaphore_mem>>)
        %dma_start3A_927 = arith.constant 0 : i32
        %dma_start3A_928 = arith.constant 0 : i32
        %dma_start3A_929 = tpu.memref_slice %arg5[%dma_start3A_927, %dma_start3A_928] : memref<1000000x32xf32, #tpu.memory_space<hbm>> -> memref<1000000x32xf32, #tpu.memory_space<hbm>>
        tpu.enqueue_indirect_dma source(%dma_start3A_929 : memref<1000000x32xf32, #tpu.memory_space<hbm>>) target(%arg15 : memref<32x32xf32, #tpu.memory_space<vmem>>) offsets(%arg9 : memref<32xi32, #tpu.memory_space<vmem>>) semaphore(%arg19 : memref<!tpu.dma_semaphore, #tpu.memory_space<semaphore_mem>>)
      } else {
      }
      %dma_wait3A_561 = arith.constant 0 : i32
      %dma_wait3A_562 = arith.constant 0 : i32
      %dma_wait3A_563 = arith.constant 0 : i32
      %dma_wait3A_564 = tpu.memref_slice %arg14[%dma_wait3A_562, %dma_wait3A_563] : memref<1600x32xf32, #tpu.memory_space<vmem>> -> memref<100x32xf32, #tpu.memory_space<vmem>>
      %dma_wait3A_565 = arith.constant 0 : i32
      %dma_wait3A_566 = tpu.memref_slice %arg8[%dma_wait3A_561, %dma_wait3A_565] : memref<16x100xi32, #tpu.memory_space<vmem>> -> memref<1x100xi32, #tpu.memory_space<vmem>>
      %dma_wait3A_567 = tpu.memref_squeeze %dma_wait3A_566 : memref<1x100xi32, #tpu.memory_space<vmem>> -> memref<100xi32, #tpu.memory_space<vmem>>
      %dma_wait3A_568 = arith.constant 0 : i32
      %dma_wait3A_569 = arith.constant 0 : i32
      %dma_wait3A_570 = tpu.memref_slice %arg5[%dma_wait3A_568, %dma_wait3A_569] : memref<1000000x32xf32, #tpu.memory_space<hbm>> -> memref<1000000x32xf32, #tpu.memory_space<hbm>>
      tpu.wait_indirect_dma semaphore(%arg20 : memref<!tpu.dma_semaphore, #tpu.memory_space<semaphore_mem>>) src(%dma_wait3A_570 : memref<1000000x32xf32, #tpu.memory_space<hbm>>) dst(%dma_wait3A_564 : memref<100x32xf32, #tpu.memory_space<vmem>>)
      %dma_wait3A_571 = arith.constant 1 : i32
      %dma_wait3A_572 = arith.constant 100 : i32
      %dma_wait3A_573 = arith.constant 0 : i32
      %dma_wait3A_574 = tpu.memref_slice %arg14[%dma_wait3A_572, %dma_wait3A_573] : memref<1600x32xf32, #tpu.memory_space<vmem>> -> memref<100x32xf32, #tpu.memory_space<vmem>>
      %dma_wait3A_575 = arith.constant 0 : i32
      %dma_wait3A_576 = tpu.memref_slice %arg8[%dma_wait3A_571, %dma_wait3A_575] : memref<16x100xi32, #tpu.memory_space<vmem>> -> memref<1x100xi32, #tpu.memory_space<vmem>>
      %dma_wait3A_577 = tpu.memref_squeeze %dma_wait3A_576 : memref<1x100xi32, #tpu.memory_space<vmem>> -> memref<100xi32, #tpu.memory_space<vmem>>
      %dma_wait3A_578 = arith.constant 0 : i32
      %dma_wait3A_579 = arith.constant 0 : i32
      %dma_wait3A_580 = tpu.memref_slice %arg5[%dma_wait3A_578, %dma_wait3A_579] : memref<1000000x32xf32, #tpu.memory_space<hbm>> -> memref<1000000x32xf32, #tpu.memory_space<hbm>>
      tpu.wait_indirect_dma semaphore(%arg20 : memref<!tpu.dma_semaphore, #tpu.memory_space<semaphore_mem>>) src(%dma_wait3A_580 : memref<1000000x32xf32, #tpu.memory_space<hbm>>) dst(%dma_wait3A_574 : memref<100x32xf32, #tpu.memory_space<vmem>>)
      %dma_wait3A_581 = arith.constant 2 : i32
      %dma_wait3A_582 = arith.constant 200 : i32
      %dma_wait3A_583 = arith.constant 0 : i32
      %dma_wait3A_584 = tpu.memref_slice %arg14[%dma_wait3A_582, %dma_wait3A_583] : memref<1600x32xf32, #tpu.memory_space<vmem>> -> memref<100x32xf32, #tpu.memory_space<vmem>>
      %dma_wait3A_585 = arith.constant 0 : i32
      %dma_wait3A_586 = tpu.memref_slice %arg8[%dma_wait3A_581, %dma_wait3A_585] : memref<16x100xi32, #tpu.memory_space<vmem>> -> memref<1x100xi32, #tpu.memory_space<vmem>>
      %dma_wait3A_587 = tpu.memref_squeeze %dma_wait3A_586 : memref<1x100xi32, #tpu.memory_space<vmem>> -> memref<100xi32, #tpu.memory_space<vmem>>
      %dma_wait3A_588 = arith.constant 0 : i32
      %dma_wait3A_589 = arith.constant 0 : i32
      %dma_wait3A_590 = tpu.memref_slice %arg5[%dma_wait3A_588, %dma_wait3A_589] : memref<1000000x32xf32, #tpu.memory_space<hbm>> -> memref<1000000x32xf32, #tpu.memory_space<hbm>>
      tpu.wait_indirect_dma semaphore(%arg20 : memref<!tpu.dma_semaphore, #tpu.memory_space<semaphore_mem>>) src(%dma_wait3A_590 : memref<1000000x32xf32, #tpu.memory_space<hbm>>) dst(%dma_wait3A_584 : memref<100x32xf32, #tpu.memory_space<vmem>>)
      %dma_wait3A_591 = arith.constant 3 : i32
      %dma_wait3A_592 = arith.constant 300 : i32
      %dma_wait3A_593 = arith.constant 0 : i32
      %dma_wait3A_594 = tpu.memref_slice %arg14[%dma_wait3A_592, %dma_wait3A_593] : memref<1600x32xf32, #tpu.memory_space<vmem>> -> memref<100x32xf32, #tpu.memory_space<vmem>>
      %dma_wait3A_595 = arith.constant 0 : i32
      %dma_wait3A_596 = tpu.memref_slice %arg8[%dma_wait3A_591, %dma_wait3A_595] : memref<16x100xi32, #tpu.memory_space<vmem>> -> memref<1x100xi32, #tpu.memory_space<vmem>>
      %dma_wait3A_597 = tpu.memref_squeeze %dma_wait3A_596 : memref<1x100xi32, #tpu.memory_space<vmem>> -> memref<100xi32, #tpu.memory_space<vmem>>
      %dma_wait3A_598 = arith.constant 0 : i32
      %dma_wait3A_599 = arith.constant 0 : i32
      %dma_wait3A_600 = tpu.memref_slice %arg5[%dma_wait3A_598, %dma_wait3A_599] : memref<1000000x32xf32, #tpu.memory_space<hbm>> -> memref<1000000x32xf32, #tpu.memory_space<hbm>>
      tpu.wait_indirect_dma semaphore(%arg20 : memref<!tpu.dma_semaphore, #tpu.memory_space<semaphore_mem>>) src(%dma_wait3A_600 : memref<1000000x32xf32, #tpu.memory_space<hbm>>) dst(%dma_wait3A_594 : memref<100x32xf32, #tpu.memory_space<vmem>>)
      %dma_wait3A_601 = arith.constant 4 : i32
      %dma_wait3A_602 = arith.constant 400 : i32
      %dma_wait3A_603 = arith.constant 0 : i32
      %dma_wait3A_604 = tpu.memref_slice %arg14[%dma_wait3A_602, %dma_wait3A_603] : memref<1600x32xf32, #tpu.memory_space<vmem>> -> memref<100x32xf32, #tpu.memory_space<vmem>>
      %dma_wait3A_605 = arith.constant 0 : i32
      %dma_wait3A_606 = tpu.memref_slice %arg8[%dma_wait3A_601, %dma_wait3A_605] : memref<16x100xi32, #tpu.memory_space<vmem>> -> memref<1x100xi32, #tpu.memory_space<vmem>>
      %dma_wait3A_607 = tpu.memref_squeeze %dma_wait3A_606 : memref<1x100xi32, #tpu.memory_space<vmem>> -> memref<100xi32, #tpu.memory_space<vmem>>
      %dma_wait3A_608 = arith.constant 0 : i32
      %dma_wait3A_609 = arith.constant 0 : i32
      %dma_wait3A_610 = tpu.memref_slice %arg5[%dma_wait3A_608, %dma_wait3A_609] : memref<1000000x32xf32, #tpu.memory_space<hbm>> -> memref<1000000x32xf32, #tpu.memory_space<hbm>>
      tpu.wait_indirect_dma semaphore(%arg20 : memref<!tpu.dma_semaphore, #tpu.memory_space<semaphore_mem>>) src(%dma_wait3A_610 : memref<1000000x32xf32, #tpu.memory_space<hbm>>) dst(%dma_wait3A_604 : memref<100x32xf32, #tpu.memory_space<vmem>>)
      %dma_wait3A_611 = arith.constant 5 : i32
      %dma_wait3A_612 = arith.constant 500 : i32
      %dma_wait3A_613 = arith.constant 0 : i32
      %dma_wait3A_614 = tpu.memref_slice %arg14[%dma_wait3A_612, %dma_wait3A_613] : memref<1600x32xf32, #tpu.memory_space<vmem>> -> memref<100x32xf32, #tpu.memory_space<vmem>>
      %dma_wait3A_615 = arith.constant 0 : i32
      %dma_wait3A_616 = tpu.memref_slice %arg8[%dma_wait3A_611, %dma_wait3A_615] : memref<16x100xi32, #tpu.memory_space<vmem>> -> memref<1x100xi32, #tpu.memory_space<vmem>>
      %dma_wait3A_617 = tpu.memref_squeeze %dma_wait3A_616 : memref<1x100xi32, #tpu.memory_space<vmem>> -> memref<100xi32, #tpu.memory_space<vmem>>
      %dma_wait3A_618 = arith.constant 0 : i32
      %dma_wait3A_619 = arith.constant 0 : i32
      %dma_wait3A_620 = tpu.memref_slice %arg5[%dma_wait3A_618, %dma_wait3A_619] : memref<1000000x32xf32, #tpu.memory_space<hbm>> -> memref<1000000x32xf32, #tpu.memory_space<hbm>>
      tpu.wait_indirect_dma semaphore(%arg20 : memref<!tpu.dma_semaphore, #tpu.memory_space<semaphore_mem>>) src(%dma_wait3A_620 : memref<1000000x32xf32, #tpu.memory_space<hbm>>) dst(%dma_wait3A_614 : memref<100x32xf32, #tpu.memory_space<vmem>>)
      %dma_wait3A_621 = arith.constant 6 : i32
      %dma_wait3A_622 = arith.constant 600 : i32
      %dma_wait3A_623 = arith.constant 0 : i32
      %dma_wait3A_624 = tpu.memref_slice %arg14[%dma_wait3A_622, %dma_wait3A_623] : memref<1600x32xf32, #tpu.memory_space<vmem>> -> memref<100x32xf32, #tpu.memory_space<vmem>>
      %dma_wait3A_625 = arith.constant 0 : i32
      %dma_wait3A_626 = tpu.memref_slice %arg8[%dma_wait3A_621, %dma_wait3A_625] : memref<16x100xi32, #tpu.memory_space<vmem>> -> memref<1x100xi32, #tpu.memory_space<vmem>>
      %dma_wait3A_627 = tpu.memref_squeeze %dma_wait3A_626 : memref<1x100xi32, #tpu.memory_space<vmem>> -> memref<100xi32, #tpu.memory_space<vmem>>
      %dma_wait3A_628 = arith.constant 0 : i32
      %dma_wait3A_629 = arith.constant 0 : i32
      %dma_wait3A_630 = tpu.memref_slice %arg5[%dma_wait3A_628, %dma_wait3A_629] : memref<1000000x32xf32, #tpu.memory_space<hbm>> -> memref<1000000x32xf32, #tpu.memory_space<hbm>>
      tpu.wait_indirect_dma semaphore(%arg20 : memref<!tpu.dma_semaphore, #tpu.memory_space<semaphore_mem>>) src(%dma_wait3A_630 : memref<1000000x32xf32, #tpu.memory_space<hbm>>) dst(%dma_wait3A_624 : memref<100x32xf32, #tpu.memory_space<vmem>>)
      %dma_wait3A_631 = arith.constant 7 : i32
      %dma_wait3A_632 = arith.constant 700 : i32
      %dma_wait3A_633 = arith.constant 0 : i32
      %dma_wait3A_634 = tpu.memref_slice %arg14[%dma_wait3A_632, %dma_wait3A_633] : memref<1600x32xf32, #tpu.memory_space<vmem>> -> memref<100x32xf32, #tpu.memory_space<vmem>>
      %dma_wait3A_635 = arith.constant 0 : i32
      %dma_wait3A_636 = tpu.memref_slice %arg8[%dma_wait3A_631, %dma_wait3A_635] : memref<16x100xi32, #tpu.memory_space<vmem>> -> memref<1x100xi32, #tpu.memory_space<vmem>>
      %dma_wait3A_637 = tpu.memref_squeeze %dma_wait3A_636 : memref<1x100xi32, #tpu.memory_space<vmem>> -> memref<100xi32, #tpu.memory_space<vmem>>
      %dma_wait3A_638 = arith.constant 0 : i32
      %dma_wait3A_639 = arith.constant 0 : i32
      %dma_wait3A_640 = tpu.memref_slice %arg5[%dma_wait3A_638, %dma_wait3A_639] : memref<1000000x32xf32, #tpu.memory_space<hbm>> -> memref<1000000x32xf32, #tpu.memory_space<hbm>>
      tpu.wait_indirect_dma semaphore(%arg20 : memref<!tpu.dma_semaphore, #tpu.memory_space<semaphore_mem>>) src(%dma_wait3A_640 : memref<1000000x32xf32, #tpu.memory_space<hbm>>) dst(%dma_wait3A_634 : memref<100x32xf32, #tpu.memory_space<vmem>>)
      %dma_wait3A_641 = arith.constant 8 : i32
      %dma_wait3A_642 = arith.constant 800 : i32
      %dma_wait3A_643 = arith.constant 0 : i32
      %dma_wait3A_644 = tpu.memref_slice %arg14[%dma_wait3A_642, %dma_wait3A_643] : memref<1600x32xf32, #tpu.memory_space<vmem>> -> memref<100x32xf32, #tpu.memory_space<vmem>>
      %dma_wait3A_645 = arith.constant 0 : i32
      %dma_wait3A_646 = tpu.memref_slice %arg8[%dma_wait3A_641, %dma_wait3A_645] : memref<16x100xi32, #tpu.memory_space<vmem>> -> memref<1x100xi32, #tpu.memory_space<vmem>>
      %dma_wait3A_647 = tpu.memref_squeeze %dma_wait3A_646 : memref<1x100xi32, #tpu.memory_space<vmem>> -> memref<100xi32, #tpu.memory_space<vmem>>
      %dma_wait3A_648 = arith.constant 0 : i32
      %dma_wait3A_649 = arith.constant 0 : i32
      %dma_wait3A_650 = tpu.memref_slice %arg5[%dma_wait3A_648, %dma_wait3A_649] : memref<1000000x32xf32, #tpu.memory_space<hbm>> -> memref<1000000x32xf32, #tpu.memory_space<hbm>>
      tpu.wait_indirect_dma semaphore(%arg20 : memref<!tpu.dma_semaphore, #tpu.memory_space<semaphore_mem>>) src(%dma_wait3A_650 : memref<1000000x32xf32, #tpu.memory_space<hbm>>) dst(%dma_wait3A_644 : memref<100x32xf32, #tpu.memory_space<vmem>>)
      %dma_wait3A_651 = arith.constant 9 : i32
      %dma_wait3A_652 = arith.constant 900 : i32
      %dma_wait3A_653 = arith.constant 0 : i32
      %dma_wait3A_654 = tpu.memref_slice %arg14[%dma_wait3A_652, %dma_wait3A_653] : memref<1600x32xf32, #tpu.memory_space<vmem>> -> memref<100x32xf32, #tpu.memory_space<vmem>>
      %dma_wait3A_655 = arith.constant 0 : i32
      %dma_wait3A_656 = tpu.memref_slice %arg8[%dma_wait3A_651, %dma_wait3A_655] : memref<16x100xi32, #tpu.memory_space<vmem>> -> memref<1x100xi32, #tpu.memory_space<vmem>>
      %dma_wait3A_657 = tpu.memref_squeeze %dma_wait3A_656 : memref<1x100xi32, #tpu.memory_space<vmem>> -> memref<100xi32, #tpu.memory_space<vmem>>
      %dma_wait3A_658 = arith.constant 0 : i32
      %dma_wait3A_659 = arith.constant 0 : i32
      %dma_wait3A_660 = tpu.memref_slice %arg5[%dma_wait3A_658, %dma_wait3A_659] : memref<1000000x32xf32, #tpu.memory_space<hbm>> -> memref<1000000x32xf32, #tpu.memory_space<hbm>>
      tpu.wait_indirect_dma semaphore(%arg20 : memref<!tpu.dma_semaphore, #tpu.memory_space<semaphore_mem>>) src(%dma_wait3A_660 : memref<1000000x32xf32, #tpu.memory_space<hbm>>) dst(%dma_wait3A_654 : memref<100x32xf32, #tpu.memory_space<vmem>>)
      %dma_wait3A_661 = arith.constant 10 : i32
      %dma_wait3A_662 = arith.constant 1000 : i32
      %dma_wait3A_663 = arith.constant 0 : i32
      %dma_wait3A_664 = tpu.memref_slice %arg14[%dma_wait3A_662, %dma_wait3A_663] : memref<1600x32xf32, #tpu.memory_space<vmem>> -> memref<100x32xf32, #tpu.memory_space<vmem>>
      %dma_wait3A_665 = arith.constant 0 : i32
      %dma_wait3A_666 = tpu.memref_slice %arg8[%dma_wait3A_661, %dma_wait3A_665] : memref<16x100xi32, #tpu.memory_space<vmem>> -> memref<1x100xi32, #tpu.memory_space<vmem>>
      %dma_wait3A_667 = tpu.memref_squeeze %dma_wait3A_666 : memref<1x100xi32, #tpu.memory_space<vmem>> -> memref<100xi32, #tpu.memory_space<vmem>>
      %dma_wait3A_668 = arith.constant 0 : i32
      %dma_wait3A_669 = arith.constant 0 : i32
      %dma_wait3A_670 = tpu.memref_slice %arg5[%dma_wait3A_668, %dma_wait3A_669] : memref<1000000x32xf32, #tpu.memory_space<hbm>> -> memref<1000000x32xf32, #tpu.memory_space<hbm>>
      tpu.wait_indirect_dma semaphore(%arg20 : memref<!tpu.dma_semaphore, #tpu.memory_space<semaphore_mem>>) src(%dma_wait3A_670 : memref<1000000x32xf32, #tpu.memory_space<hbm>>) dst(%dma_wait3A_664 : memref<100x32xf32, #tpu.memory_space<vmem>>)
      %dma_wait3A_671 = arith.constant 11 : i32
      %dma_wait3A_672 = arith.constant 1100 : i32
      %dma_wait3A_673 = arith.constant 0 : i32
      %dma_wait3A_674 = tpu.memref_slice %arg14[%dma_wait3A_672, %dma_wait3A_673] : memref<1600x32xf32, #tpu.memory_space<vmem>> -> memref<100x32xf32, #tpu.memory_space<vmem>>
      %dma_wait3A_675 = arith.constant 0 : i32
      %dma_wait3A_676 = tpu.memref_slice %arg8[%dma_wait3A_671, %dma_wait3A_675] : memref<16x100xi32, #tpu.memory_space<vmem>> -> memref<1x100xi32, #tpu.memory_space<vmem>>
      %dma_wait3A_677 = tpu.memref_squeeze %dma_wait3A_676 : memref<1x100xi32, #tpu.memory_space<vmem>> -> memref<100xi32, #tpu.memory_space<vmem>>
      %dma_wait3A_678 = arith.constant 0 : i32
      %dma_wait3A_679 = arith.constant 0 : i32
      %dma_wait3A_680 = tpu.memref_slice %arg5[%dma_wait3A_678, %dma_wait3A_679] : memref<1000000x32xf32, #tpu.memory_space<hbm>> -> memref<1000000x32xf32, #tpu.memory_space<hbm>>
      tpu.wait_indirect_dma semaphore(%arg20 : memref<!tpu.dma_semaphore, #tpu.memory_space<semaphore_mem>>) src(%dma_wait3A_680 : memref<1000000x32xf32, #tpu.memory_space<hbm>>) dst(%dma_wait3A_674 : memref<100x32xf32, #tpu.memory_space<vmem>>)
      %dma_wait3A_681 = arith.constant 12 : i32
      %dma_wait3A_682 = arith.constant 1200 : i32
      %dma_wait3A_683 = arith.constant 0 : i32
      %dma_wait3A_684 = tpu.memref_slice %arg14[%dma_wait3A_682, %dma_wait3A_683] : memref<1600x32xf32, #tpu.memory_space<vmem>> -> memref<100x32xf32, #tpu.memory_space<vmem>>
      %dma_wait3A_685 = arith.constant 0 : i32
      %dma_wait3A_686 = tpu.memref_slice %arg8[%dma_wait3A_681, %dma_wait3A_685] : memref<16x100xi32, #tpu.memory_space<vmem>> -> memref<1x100xi32, #tpu.memory_space<vmem>>
      %dma_wait3A_687 = tpu.memref_squeeze %dma_wait3A_686 : memref<1x100xi32, #tpu.memory_space<vmem>> -> memref<100xi32, #tpu.memory_space<vmem>>
      %dma_wait3A_688 = arith.constant 0 : i32
      %dma_wait3A_689 = arith.constant 0 : i32
      %dma_wait3A_690 = tpu.memref_slice %arg5[%dma_wait3A_688, %dma_wait3A_689] : memref<1000000x32xf32, #tpu.memory_space<hbm>> -> memref<1000000x32xf32, #tpu.memory_space<hbm>>
      tpu.wait_indirect_dma semaphore(%arg20 : memref<!tpu.dma_semaphore, #tpu.memory_space<semaphore_mem>>) src(%dma_wait3A_690 : memref<1000000x32xf32, #tpu.memory_space<hbm>>) dst(%dma_wait3A_684 : memref<100x32xf32, #tpu.memory_space<vmem>>)
      %dma_wait3A_691 = arith.constant 13 : i32
      %dma_wait3A_692 = arith.constant 1300 : i32
      %dma_wait3A_693 = arith.constant 0 : i32
      %dma_wait3A_694 = tpu.memref_slice %arg14[%dma_wait3A_692, %dma_wait3A_693] : memref<1600x32xf32, #tpu.memory_space<vmem>> -> memref<100x32xf32, #tpu.memory_space<vmem>>
      %dma_wait3A_695 = arith.constant 0 : i32
      %dma_wait3A_696 = tpu.memref_slice %arg8[%dma_wait3A_691, %dma_wait3A_695] : memref<16x100xi32, #tpu.memory_space<vmem>> -> memref<1x100xi32, #tpu.memory_space<vmem>>
      %dma_wait3A_697 = tpu.memref_squeeze %dma_wait3A_696 : memref<1x100xi32, #tpu.memory_space<vmem>> -> memref<100xi32, #tpu.memory_space<vmem>>
      %dma_wait3A_698 = arith.constant 0 : i32
      %dma_wait3A_699 = arith.constant 0 : i32
      %dma_wait3A_700 = tpu.memref_slice %arg5[%dma_wait3A_698, %dma_wait3A_699] : memref<1000000x32xf32, #tpu.memory_space<hbm>> -> memref<1000000x32xf32, #tpu.memory_space<hbm>>
      tpu.wait_indirect_dma semaphore(%arg20 : memref<!tpu.dma_semaphore, #tpu.memory_space<semaphore_mem>>) src(%dma_wait3A_700 : memref<1000000x32xf32, #tpu.memory_space<hbm>>) dst(%dma_wait3A_694 : memref<100x32xf32, #tpu.memory_space<vmem>>)
      %dma_wait3A_701 = arith.constant 14 : i32
      %dma_wait3A_702 = arith.constant 1400 : i32
      %dma_wait3A_703 = arith.constant 0 : i32
      %dma_wait3A_704 = tpu.memref_slice %arg14[%dma_wait3A_702, %dma_wait3A_703] : memref<1600x32xf32, #tpu.memory_space<vmem>> -> memref<100x32xf32, #tpu.memory_space<vmem>>
      %dma_wait3A_705 = arith.constant 0 : i32
      %dma_wait3A_706 = tpu.memref_slice %arg8[%dma_wait3A_701, %dma_wait3A_705] : memref<16x100xi32, #tpu.memory_space<vmem>> -> memref<1x100xi32, #tpu.memory_space<vmem>>
      %dma_wait3A_707 = tpu.memref_squeeze %dma_wait3A_706 : memref<1x100xi32, #tpu.memory_space<vmem>> -> memref<100xi32, #tpu.memory_space<vmem>>
      %dma_wait3A_708 = arith.constant 0 : i32
      %dma_wait3A_709 = arith.constant 0 : i32
      %dma_wait3A_710 = tpu.memref_slice %arg5[%dma_wait3A_708, %dma_wait3A_709] : memref<1000000x32xf32, #tpu.memory_space<hbm>> -> memref<1000000x32xf32, #tpu.memory_space<hbm>>
      tpu.wait_indirect_dma semaphore(%arg20 : memref<!tpu.dma_semaphore, #tpu.memory_space<semaphore_mem>>) src(%dma_wait3A_710 : memref<1000000x32xf32, #tpu.memory_space<hbm>>) dst(%dma_wait3A_704 : memref<100x32xf32, #tpu.memory_space<vmem>>)
      %dma_wait3A_711 = arith.constant 15 : i32
      %dma_wait3A_712 = arith.constant 1500 : i32
      %dma_wait3A_713 = arith.constant 0 : i32
      %dma_wait3A_714 = tpu.memref_slice %arg14[%dma_wait3A_712, %dma_wait3A_713] : memref<1600x32xf32, #tpu.memory_space<vmem>> -> memref<100x32xf32, #tpu.memory_space<vmem>>
      %dma_wait3A_715 = arith.constant 0 : i32
      %dma_wait3A_716 = tpu.memref_slice %arg8[%dma_wait3A_711, %dma_wait3A_715] : memref<16x100xi32, #tpu.memory_space<vmem>> -> memref<1x100xi32, #tpu.memory_space<vmem>>
      %dma_wait3A_717 = tpu.memref_squeeze %dma_wait3A_716 : memref<1x100xi32, #tpu.memory_space<vmem>> -> memref<100xi32, #tpu.memory_space<vmem>>
      %dma_wait3A_718 = arith.constant 0 : i32
      %dma_wait3A_719 = arith.constant 0 : i32
      %dma_wait3A_720 = tpu.memref_slice %arg5[%dma_wait3A_718, %dma_wait3A_719] : memref<1000000x32xf32, #tpu.memory_space<hbm>> -> memref<1000000x32xf32, #tpu.memory_space<hbm>>
      tpu.wait_indirect_dma semaphore(%arg20 : memref<!tpu.dma_semaphore, #tpu.memory_space<semaphore_mem>>) src(%dma_wait3A_720 : memref<1000000x32xf32, #tpu.memory_space<hbm>>) dst(%dma_wait3A_714 : memref<100x32xf32, #tpu.memory_space<vmem>>)
      %dma_wait3A_721 = arith.constant 0 : i32
      %dma_wait3A_722 = arith.constant 0 : i32
      %dma_wait3A_723 = tpu.memref_slice %arg5[%dma_wait3A_721, %dma_wait3A_722] : memref<1000000x32xf32, #tpu.memory_space<hbm>> -> memref<1000000x32xf32, #tpu.memory_space<hbm>>
      tpu.wait_indirect_dma semaphore(%arg20 : memref<!tpu.dma_semaphore, #tpu.memory_space<semaphore_mem>>) src(%dma_wait3A_723 : memref<1000000x32xf32, #tpu.memory_space<hbm>>) dst(%arg16 : memref<32x32xf32, #tpu.memory_space<vmem>>)
      %add3A_724 = arith.constant 1 : i32
      %add3A_725 = arith.addi %mul3A_192, %add3A_724 : i32
      %scan3A_726 = arith.constant 0 : i32
      %scan3A_727 = arith.constant 0 : i32
      %scan3A_728 = arith.constant 32 : i32
      %scan3A_729 = arith.addi %scan3A_727, %scan3A_728 : i32
      %scan3A_730 = arith.constant 1 : i32
      scf.for %scan3A_736 = %scan3A_727 to %scan3A_729 step %scan3A_730  : i32 {
        %mul3A_737 = arith.constant 50 : i32
        %mul3A_738 = arith.muli %scan3A_736, %mul3A_737 : i32
        %get3A = arith.index_cast %scan3A_736 : i32 to index
        %get3A_739 = arith.constant 0 : index
        %get3A_740 = tpu.vector_load %arg12[%get3A, %get3A_739] {strides = array<i32>} : memref<32x64xf32, #tpu.memory_space<vmem>>, vector<16xf32>,
        %get3A_741 = arith.index_cast %scan3A_736 : i32 to index
        %get3A_742 = arith.constant 16 : index
        %get3A_743 = tpu.vector_load %arg12[%get3A_741, %get3A_742] {strides = array<i32>} : memref<32x64xf32, #tpu.memory_space<vmem>>, vector<16xf32>,
        %get3A_744 = arith.index_cast %scan3A_736 : i32 to index
        %get3A_745 = arith.constant 32 : index
        %get3A_746 = tpu.vector_load %arg12[%get3A_744, %get3A_745] {strides = array<i32>} : memref<32x64xf32, #tpu.memory_space<vmem>>, vector<16xf32>,
        %get3A_747 = arith.index_cast %scan3A_736 : i32 to index
        %get3A_748 = arith.constant 48 : index
        %get3A_749 = tpu.vector_load %arg12[%get3A_747, %get3A_748] {strides = array<i32>} : memref<32x64xf32, #tpu.memory_space<vmem>>, vector<16xf32>,
        %add3A_750 = arith.addf %get3A_740, %get3A_743 : vector<16xf32>
        %add3A_751 = arith.addf %add3A_750, %get3A_746 : vector<16xf32>
        %add3A_752 = arith.addf %add3A_751, %get3A_749 : vector<16xf32>
        %reduce_sum3A = arith.constant true
        %reduce_sum3A_753 = vector.broadcast %reduce_sum3A : i1 to vector<16xi1>
        %reduce_sum3A_754 = tpu.scan <sum>, %add3A_752 masked %reduce_sum3A_753 : vector<16xf32>, vector<16xi1> -> vector<16xf32>
        %reduce_sum3A_755 = vector.extract %reduce_sum3A_754[15] : f32 from vector<16xf32>
        %broadcast_in_dim3A = vector.broadcast %reduce_sum3A_755 : f32 to vector<16xf32>
        %broadcast_in_dim3A_756 = arith.constant 0.000000e+00 : f32
        %broadcast_in_dim3A_757 = vector.broadcast %broadcast_in_dim3A_756 : f32 to vector<16xf32>
        %broadcast_in_dim3A_758 = arith.constant 0.000000e+00 : f32
        %broadcast_in_dim3A_759 = vector.broadcast %broadcast_in_dim3A_758 : f32 to vector<16xf32>
        %broadcast_in_dim3A_760 = arith.constant 0.000000e+00 : f32
        %broadcast_in_dim3A_761 = vector.broadcast %broadcast_in_dim3A_760 : f32 to vector<16xf32>
        %broadcast_in_dim3A_762 = arith.constant 0.000000e+00 : f32
        %broadcast_in_dim3A_763 = vector.broadcast %broadcast_in_dim3A_762 : f32 to vector<16xf32>
        %broadcast_in_dim3A_764 = arith.constant 0 : i32
        %broadcast_in_dim3A_765 = vector.broadcast %broadcast_in_dim3A_764 : i32 to vector<16xi32>
        %lt3A_766 = arith.constant 0 : i32
        %lt3A_767 = vector.broadcast %lt3A_766 : i32 to vector<16xi32>
        %lt3A_768 = arith.cmpi slt, %broadcast_in_dim3A_765, %lt3A_767 : vector<16xi32>
        %add3A_769 = arith.constant 16 : i32
        %add3A_770 = vector.broadcast %add3A_769 : i32 to vector<16xi32>
        %add3A_771 = arith.addi %broadcast_in_dim3A_765, %add3A_770 : vector<16xi32>
        %select_n3A_772 = arith.select %lt3A_768, %add3A_771, %broadcast_in_dim3A_765 : vector<16xi1>, vector<16xi32>
        %broadcast_in_dim3A_773 = vector.shape_cast %select_n3A_772 : vector<16xi32> to vector<16x1xi32>
        %gather3A = vector.shape_cast %broadcast_in_dim3A_773 : vector<16x1xi32> to vector<16xi32>
        %gather3A_774 = tpu.dynamic_gather %get3A_740[%gather3A] in [0] : vector<16xf32>, vector<16xi32> -> vector<16xf32>
        %add3A_775 = arith.constant 0 : i32
        %add3A_776 = arith.addi %mul3A_738, %add3A_775 : i32
        %get3A_777 = arith.index_cast %add3A_776 : i32 to index
        %get3A_778 = arith.constant 0 : index
        %get3A_779 = tpu.vector_load %arg14[%get3A_777, %get3A_778] {strides = array<i32>} : memref<1600x32xf32, #tpu.memory_space<vmem>>, vector<16xf32>,
        %add3A_780 = arith.constant 0 : i32
        %add3A_781 = arith.addi %mul3A_738, %add3A_780 : i32
        %get3A_782 = arith.index_cast %add3A_781 : i32 to index
        %get3A_783 = arith.constant 16 : index
        %get3A_784 = tpu.vector_load %arg14[%get3A_782, %get3A_783] {strides = array<i32>} : memref<1600x32xf32, #tpu.memory_space<vmem>>, vector<16xf32>,
        %mul3A_785 = arith.mulf %gather3A_774, %get3A_779 : vector<16xf32>
        %add3A_786 = arith.addf %broadcast_in_dim3A_757, %mul3A_785 : vector<16xf32>
        %mul3A_787 = arith.mulf %gather3A_774, %get3A_784 : vector<16xf32>
        %add3A_788 = arith.addf %broadcast_in_dim3A_759, %mul3A_787 : vector<16xf32>
        %broadcast_in_dim3A_789 = arith.constant 1 : i32
        %broadcast_in_dim3A_790 = vector.broadcast %broadcast_in_dim3A_789 : i32 to vector<16xi32>
        %lt3A_791 = arith.constant 0 : i32
        %lt3A_792 = vector.broadcast %lt3A_791 : i32 to vector<16xi32>
        %lt3A_793 = arith.cmpi slt, %broadcast_in_dim3A_790, %lt3A_792 : vector<16xi32>
        %add3A_794 = arith.constant 16 : i32
        %add3A_795 = vector.broadcast %add3A_794 : i32 to vector<16xi32>
        %add3A_796 = arith.addi %broadcast_in_dim3A_790, %add3A_795 : vector<16xi32>
        %select_n3A_797 = arith.select %lt3A_793, %add3A_796, %broadcast_in_dim3A_790 : vector<16xi1>, vector<16xi32>
        %broadcast_in_dim3A_798 = vector.shape_cast %select_n3A_797 : vector<16xi32> to vector<16x1xi32>
        %gather3A_799 = vector.shape_cast %broadcast_in_dim3A_798 : vector<16x1xi32> to vector<16xi32>
        %gather3A_800 = tpu.dynamic_gather %get3A_740[%gather3A_799] in [0] : vector<16xf32>, vector<16xi32> -> vector<16xf32>
        %add3A_801 = arith.constant 1 : i32
        %add3A_802 = arith.addi %mul3A_738, %add3A_801 : i32
        %get3A_803 = arith.index_cast %add3A_802 : i32 to index
        %get3A_804 = arith.constant 0 : index
        %get3A_805 = tpu.vector_load %arg14[%get3A_803, %get3A_804] {strides = array<i32>} : memref<1600x32xf32, #tpu.memory_space<vmem>>, vector<16xf32>,
        %add3A_806 = arith.constant 1 : i32
        %add3A_807 = arith.addi %mul3A_738, %add3A_806 : i32
        %get3A_808 = arith.index_cast %add3A_807 : i32 to index
        %get3A_809 = arith.constant 16 : index
        %get3A_810 = tpu.vector_load %arg14[%get3A_808, %get3A_809] {strides = array<i32>} : memref<1600x32xf32, #tpu.memory_space<vmem>>, vector<16xf32>,
        %mul3A_811 = arith.mulf %gather3A_800, %get3A_805 : vector<16xf32>
        %add3A_812 = arith.addf %broadcast_in_dim3A_761, %mul3A_811 : vector<16xf32>
        %mul3A_813 = arith.mulf %gather3A_800, %get3A_810 : vector<16xf32>
        %add3A_814 = arith.addf %broadcast_in_dim3A_763, %mul3A_813 : vector<16xf32>
        %broadcast_in_dim3A_815 = arith.constant 2 : i32
        %broadcast_in_dim3A_816 = vector.broadcast %broadcast_in_dim3A_815 : i32 to vector<16xi32>
        %lt3A_817 = arith.constant 0 : i32
        %lt3A_818 = vector.broadcast %lt3A_817 : i32 to vector<16xi32>
        %lt3A_819 = arith.cmpi slt, %broadcast_in_dim3A_816, %lt3A_818 : vector<16xi32>
        %add3A_820 = arith.constant 16 : i32
        %add3A_821 = vector.broadcast %add3A_820 : i32 to vector<16xi32>
        %add3A_822 = arith.addi %broadcast_in_dim3A_816, %add3A_821 : vector<16xi32>
        %select_n3A_823 = arith.select %lt3A_819, %add3A_822, %broadcast_in_dim3A_816 : vector<16xi1>, vector<16xi32>
        %broadcast_in_dim3A_824 = vector.shape_cast %select_n3A_823 : vector<16xi32> to vector<16x1xi32>
        %gather3A_825 = vector.shape_cast %broadcast_in_dim3A_824 : vector<16x1xi32> to vector<16xi32>
        %gather3A_826 = tpu.dynamic_gather %get3A_740[%gather3A_825] in [0] : vector<16xf32>, vector<16xi32> -> vector<16xf32>
        %add3A_827 = arith.constant 2 : i32
        %add3A_828 = arith.addi %mul3A_738, %add3A_827 : i32
        %get3A_829 = arith.index_cast %add3A_828 : i32 to index
        %get3A_830 = arith.constant 0 : index
        %get3A_831 = tpu.vector_load %arg14[%get3A_829, %get3A_830] {strides = array<i32>} : memref<1600x32xf32, #tpu.memory_space<vmem>>, vector<16xf32>,
        %add3A_832 = arith.constant 2 : i32
        %add3A_833 = arith.addi %mul3A_738, %add3A_832 : i32
        %get3A_834 = arith.index_cast %add3A_833 : i32 to index
        %get3A_835 = arith.constant 16 : index
        %get3A_836 = tpu.vector_load %arg14[%get3A_834, %get3A_835] {strides = array<i32>} : memref<1600x32xf32, #tpu.memory_space<vmem>>, vector<16xf32>,
        %mul3A_837 = arith.mulf %gather3A_826, %get3A_831 : vector<16xf32>
        %add3A_838 = arith.addf %add3A_786, %mul3A_837 : vector<16xf32>
        %mul3A_839 = arith.mulf %gather3A_826, %get3A_836 : vector<16xf32>
        %add3A_840 = arith.addf %add3A_788, %mul3A_839 : vector<16xf32>
        %broadcast_in_dim3A_841 = arith.constant 3 : i32
        %broadcast_in_dim3A_842 = vector.broadcast %broadcast_in_dim3A_841 : i32 to vector<16xi32>
        %lt3A_843 = arith.constant 0 : i32
        %lt3A_844 = vector.broadcast %lt3A_843 : i32 to vector<16xi32>
        %lt3A_845 = arith.cmpi slt, %broadcast_in_dim3A_842, %lt3A_844 : vector<16xi32>
        %add3A_846 = arith.constant 16 : i32
        %add3A_847 = vector.broadcast %add3A_846 : i32 to vector<16xi32>
        %add3A_848 = arith.addi %broadcast_in_dim3A_842, %add3A_847 : vector<16xi32>
        %select_n3A_849 = arith.select %lt3A_845, %add3A_848, %broadcast_in_dim3A_842 : vector<16xi1>, vector<16xi32>
        %broadcast_in_dim3A_850 = vector.shape_cast %select_n3A_849 : vector<16xi32> to vector<16x1xi32>
        %gather3A_851 = vector.shape_cast %broadcast_in_dim3A_850 : vector<16x1xi32> to vector<16xi32>
        %gather3A_852 = tpu.dynamic_gather %get3A_740[%gather3A_851] in [0] : vector<16xf32>, vector<16xi32> -> vector<16xf32>
        %add3A_853 = arith.constant 3 : i32
        %add3A_854 = arith.addi %mul3A_738, %add3A_853 : i32
        %get3A_855 = arith.index_cast %add3A_854 : i32 to index
        %get3A_856 = arith.constant 0 : index
        %get3A_857 = tpu.vector_load %arg14[%get3A_855, %get3A_856] {strides = array<i32>} : memref<1600x32xf32, #tpu.memory_space<vmem>>, vector<16xf32>,
        %add3A_858 = arith.constant 3 : i32
        %add3A_859 = arith.addi %mul3A_738, %add3A_858 : i32
        %get3A_860 = arith.index_cast %add3A_859 : i32 to index
        %get3A_861 = arith.constant 16 : index
        %get3A_862 = tpu.vector_load %arg14[%get3A_860, %get3A_861] {strides = array<i32>} : memref<1600x32xf32, #tpu.memory_space<vmem>>, vector<16xf32>,
        %mul3A_863 = arith.mulf %gather3A_852, %get3A_857 : vector<16xf32>
        %add3A_864 = arith.addf %add3A_812, %mul3A_863 : vector<16xf32>
        %mul3A_865 = arith.mulf %gather3A_852, %get3A_862 : vector<16xf32>
        %add3A_866 = arith.addf %add3A_814, %mul3A_865 : vector<16xf32>
        %broadcast_in_dim3A_867 = arith.constant 4 : i32
        %broadcast_in_dim3A_868 = vector.broadcast %broadcast_in_dim3A_867 : i32 to vector<16xi32>
        %lt3A_869 = arith.constant 0 : i32
        %lt3A_870 = vector.broadcast %lt3A_869 : i32 to vector<16xi32>
        %lt3A_871 = arith.cmpi slt, %broadcast_in_dim3A_868, %lt3A_870 : vector<16xi32>
        %add3A_872 = arith.constant 16 : i32
        %add3A_873 = vector.broadcast %add3A_872 : i32 to vector<16xi32>
        %add3A_874 = arith.addi %broadcast_in_dim3A_868, %add3A_873 : vector<16xi32>
        %select_n3A_875 = arith.select %lt3A_871, %add3A_874, %broadcast_in_dim3A_868 : vector<16xi1>, vector<16xi32>
        %broadcast_in_dim3A_876 = vector.shape_cast %select_n3A_875 : vector<16xi32> to vector<16x1xi32>
        %gather3A_877 = vector.shape_cast %broadcast_in_dim3A_876 : vector<16x1xi32> to vector<16xi32>
        %gather3A_878 = tpu.dynamic_gather %get3A_740[%gather3A_877] in [0] : vector<16xf32>, vector<16xi32> -> vector<16xf32>
        %add3A_879 = arith.constant 4 : i32
        %add3A_880 = arith.addi %mul3A_738, %add3A_879 : i32
        %get3A_881 = arith.index_cast %add3A_880 : i32 to index
        %get3A_882 = arith.constant 0 : index
        %get3A_883 = tpu.vector_load %arg14[%get3A_881, %get3A_882] {strides = array<i32>} : memref<1600x32xf32, #tpu.memory_space<vmem>>, vector<16xf32>,
        %add3A_884 = arith.constant 4 : i32
        %add3A_885 = arith.addi %mul3A_738, %add3A_884 : i32
        %get3A_886 = arith.index_cast %add3A_885 : i32 to index
        %get3A_887 = arith.constant 16 : index
        %get3A_888 = tpu.vector_load %arg14[%get3A_886, %get3A_887] {strides = array<i32>} : memref<1600x32xf32, #tpu.memory_space<vmem>>, vector<16xf32>,
        %mul3A_889 = arith.mulf %gather3A_878, %get3A_883 : vector<16xf32>
        %add3A_890 = arith.addf %add3A_838, %mul3A_889 : vector<16xf32>
        %mul3A_891 = arith.mulf %gather3A_878, %get3A_888 : vector<16xf32>
        %add3A_892 = arith.addf %add3A_840, %mul3A_891 : vector<16xf32>
        %broadcast_in_dim3A_893 = arith.constant 5 : i32
        %broadcast_in_dim3A_894 = vector.broadcast %broadcast_in_dim3A_893 : i32 to vector<16xi32>
        %lt3A_895 = arith.constant 0 : i32
        %lt3A_896 = vector.broadcast %lt3A_895 : i32 to vector<16xi32>
        %lt3A_897 = arith.cmpi slt, %broadcast_in_dim3A_894, %lt3A_896 : vector<16xi32>
        %add3A_898 = arith.constant 16 : i32
        %add3A_899 = vector.broadcast %add3A_898 : i32 to vector<16xi32>
        %add3A_900 = arith.addi %broadcast_in_dim3A_894, %add3A_899 : vector<16xi32>
        %select_n3A_901 = arith.select %lt3A_897, %add3A_900, %broadcast_in_dim3A_894 : vector<16xi1>, vector<16xi32>
        %broadcast_in_dim3A_902 = vector.shape_cast %select_n3A_901 : vector<16xi32> to vector<16x1xi32>
        %gather3A_903 = vector.shape_cast %broadcast_in_dim3A_902 : vector<16x1xi32> to vector<16xi32>
        %gather3A_904 = tpu.dynamic_gather %get3A_740[%gather3A_903] in [0] : vector<16xf32>, vector<16xi32> -> vector<16xf32>
        %add3A_905 = arith.constant 5 : i32
        %add3A_906 = arith.addi %mul3A_738, %add3A_905 : i32
        %get3A_907 = arith.index_cast %add3A_906 : i32 to index
        %get3A_908 = arith.constant 0 : index
        %get3A_909 = tpu.vector_load %arg14[%get3A_907, %get3A_908] {strides = array<i32>} : memref<1600x32xf32, #tpu.memory_space<vmem>>, vector<16xf32>,
        %add3A_910 = arith.constant 5 : i32
        %add3A_911 = arith.addi %mul3A_738, %add3A_910 : i32
        %get3A_912 = arith.index_cast %add3A_911 : i32 to index
        %get3A_913 = arith.constant 16 : index
        %get3A_914 = tpu.vector_load %arg14[%get3A_912, %get3A_913] {strides = array<i32>} : memref<1600x32xf32, #tpu.memory_space<vmem>>, vector<16xf32>,
        %mul3A_915 = arith.mulf %gather3A_904, %get3A_909 : vector<16xf32>
        %add3A_916 = arith.addf %add3A_864, %mul3A_915 : vector<16xf32>
        %mul3A_917 = arith.mulf %gather3A_904, %get3A_914 : vector<16xf32>
        %add3A_918 = arith.addf %add3A_866, %mul3A_917 : vector<16xf32>
        %broadcast_in_dim3A_919 = arith.constant 6 : i32
        %broadcast_in_dim3A_920 = vector.broadcast %broadcast_in_dim3A_919 : i32 to vector<16xi32>
        %lt3A_921 = arith.constant 0 : i32
        %lt3A_922 = vector.broadcast %lt3A_921 : i32 to vector<16xi32>
        %lt3A_923 = arith.cmpi slt, %broadcast_in_dim3A_920, %lt3A_922 : vector<16xi32>
        %add3A_924 = arith.constant 16 : i32
        %add3A_925 = vector.broadcast %add3A_924 : i32 to vector<16xi32>
        %add3A_926 = arith.addi %broadcast_in_dim3A_920, %add3A_925 : vector<16xi32>
        %select_n3A_927 = arith.select %lt3A_923, %add3A_926, %broadcast_in_dim3A_920 : vector<16xi1>, vector<16xi32>
        %broadcast_in_dim3A_928 = vector.shape_cast %select_n3A_927 : vector<16xi32> to vector<16x1xi32>
        %gather3A_929 = vector.shape_cast %broadcast_in_dim3A_928 : vector<16x1xi32> to vector<16xi32>
        %gather3A_930 = tpu.dynamic_gather %get3A_740[%gather3A_929] in [0] : vector<16xf32>, vector<16xi32> -> vector<16xf32>
        %add3A_931 = arith.constant 6 : i32
        %add3A_932 = arith.addi %mul3A_738, %add3A_931 : i32
        %get3A_933 = arith.index_cast %add3A_932 : i32 to index
        %get3A_934 = arith.constant 0 : index
        %get3A_935 = tpu.vector_load %arg14[%get3A_933, %get3A_934] {strides = array<i32>} : memref<1600x32xf32, #tpu.memory_space<vmem>>, vector<16xf32>,
        %add3A_936 = arith.constant 6 : i32
        %add3A_937 = arith.addi %mul3A_738, %add3A_936 : i32
        %get3A_938 = arith.index_cast %add3A_937 : i32 to index
        %get3A_939 = arith.constant 16 : index
        %get3A_940 = tpu.vector_load %arg14[%get3A_938, %get3A_939] {strides = array<i32>} : memref<1600x32xf32, #tpu.memory_space<vmem>>, vector<16xf32>,
        %mul3A_941 = arith.mulf %gather3A_930, %get3A_935 : vector<16xf32>
        %add3A_942 = arith.addf %add3A_890, %mul3A_941 : vector<16xf32>
        %mul3A_943 = arith.mulf %gather3A_930, %get3A_940 : vector<16xf32>
        %add3A_944 = arith.addf %add3A_892, %mul3A_943 : vector<16xf32>
        %broadcast_in_dim3A_945 = arith.constant 7 : i32
        %broadcast_in_dim3A_946 = vector.broadcast %broadcast_in_dim3A_945 : i32 to vector<16xi32>
        %lt3A_947 = arith.constant 0 : i32
        %lt3A_948 = vector.broadcast %lt3A_947 : i32 to vector<16xi32>
        %lt3A_949 = arith.cmpi slt, %broadcast_in_dim3A_946, %lt3A_948 : vector<16xi32>
        %add3A_950 = arith.constant 16 : i32
        %add3A_951 = vector.broadcast %add3A_950 : i32 to vector<16xi32>
        %add3A_952 = arith.addi %broadcast_in_dim3A_946, %add3A_951 : vector<16xi32>
        %select_n3A_953 = arith.select %lt3A_949, %add3A_952, %broadcast_in_dim3A_946 : vector<16xi1>, vector<16xi32>
        %broadcast_in_dim3A_954 = vector.shape_cast %select_n3A_953 : vector<16xi32> to vector<16x1xi32>
        %gather3A_955 = vector.shape_cast %broadcast_in_dim3A_954 : vector<16x1xi32> to vector<16xi32>
        %gather3A_956 = tpu.dynamic_gather %get3A_740[%gather3A_955] in [0] : vector<16xf32>, vector<16xi32> -> vector<16xf32>
        %add3A_957 = arith.constant 7 : i32
        %add3A_958 = arith.addi %mul3A_738, %add3A_957 : i32
        %get3A_959 = arith.index_cast %add3A_958 : i32 to index
        %get3A_960 = arith.constant 0 : index
        %get3A_961 = tpu.vector_load %arg14[%get3A_959, %get3A_960] {strides = array<i32>} : memref<1600x32xf32, #tpu.memory_space<vmem>>, vector<16xf32>,
        %add3A_962 = arith.constant 7 : i32
        %add3A_963 = arith.addi %mul3A_738, %add3A_962 : i32
        %get3A_964 = arith.index_cast %add3A_963 : i32 to index
        %get3A_965 = arith.constant 16 : index
        %get3A_966 = tpu.vector_load %arg14[%get3A_964, %get3A_965] {strides = array<i32>} : memref<1600x32xf32, #tpu.memory_space<vmem>>, vector<16xf32>,
        %mul3A_967 = arith.mulf %gather3A_956, %get3A_961 : vector<16xf32>
        %add3A_968 = arith.addf %add3A_916, %mul3A_967 : vector<16xf32>
        %mul3A_969 = arith.mulf %gather3A_956, %get3A_966 : vector<16xf32>
        %add3A_970 = arith.addf %add3A_918, %mul3A_969 : vector<16xf32>
        %broadcast_in_dim3A_971 = arith.constant 8 : i32
        %broadcast_in_dim3A_972 = vector.broadcast %broadcast_in_dim3A_971 : i32 to vector<16xi32>
        %lt3A_973 = arith.constant 0 : i32
        %lt3A_974 = vector.broadcast %lt3A_973 : i32 to vector<16xi32>
        %lt3A_975 = arith.cmpi slt, %broadcast_in_dim3A_972, %lt3A_974 : vector<16xi32>
        %add3A_976 = arith.constant 16 : i32
        %add3A_977 = vector.broadcast %add3A_976 : i32 to vector<16xi32>
        %add3A_978 = arith.addi %broadcast_in_dim3A_972, %add3A_977 : vector<16xi32>
        %select_n3A_979 = arith.select %lt3A_975, %add3A_978, %broadcast_in_dim3A_972 : vector<16xi1>, vector<16xi32>
        %broadcast_in_dim3A_980 = vector.shape_cast %select_n3A_979 : vector<16xi32> to vector<16x1xi32>
        %gather3A_981 = vector.shape_cast %broadcast_in_dim3A_980 : vector<16x1xi32> to vector<16xi32>
        %gather3A_982 = tpu.dynamic_gather %get3A_740[%gather3A_981] in [0] : vector<16xf32>, vector<16xi32> -> vector<16xf32>
        %add3A_983 = arith.constant 8 : i32
        %add3A_984 = arith.addi %mul3A_738, %add3A_983 : i32
        %get3A_985 = arith.index_cast %add3A_984 : i32 to index
        %get3A_986 = arith.constant 0 : index
        %get3A_987 = tpu.vector_load %arg14[%get3A_985, %get3A_986] {strides = array<i32>} : memref<1600x32xf32, #tpu.memory_space<vmem>>, vector<16xf32>,
        %add3A_988 = arith.constant 8 : i32
        %add3A_989 = arith.addi %mul3A_738, %add3A_988 : i32
        %get3A_990 = arith.index_cast %add3A_989 : i32 to index
        %get3A_991 = arith.constant 16 : index
        %get3A_992 = tpu.vector_load %arg14[%get3A_990, %get3A_991] {strides = array<i32>} : memref<1600x32xf32, #tpu.memory_space<vmem>>, vector<16xf32>,
        %mul3A_993 = arith.mulf %gather3A_982, %get3A_987 : vector<16xf32>
        %add3A_994 = arith.addf %add3A_942, %mul3A_993 : vector<16xf32>
        %mul3A_995 = arith.mulf %gather3A_982, %get3A_992 : vector<16xf32>
        %add3A_996 = arith.addf %add3A_944, %mul3A_995 : vector<16xf32>
        %broadcast_in_dim3A_997 = arith.constant 9 : i32
        %broadcast_in_dim3A_998 = vector.broadcast %broadcast_in_dim3A_997 : i32 to vector<16xi32>
        %lt3A_999 = arith.constant 0 : i32
        %lt3A_1000 = vector.broadcast %lt3A_999 : i32 to vector<16xi32>
        %lt3A_1001 = arith.cmpi slt, %broadcast_in_dim3A_998, %lt3A_1000 : vector<16xi32>
        %add3A_1002 = arith.constant 16 : i32
        %add3A_1003 = vector.broadcast %add3A_1002 : i32 to vector<16xi32>
        %add3A_1004 = arith.addi %broadcast_in_dim3A_998, %add3A_1003 : vector<16xi32>
        %select_n3A_1005 = arith.select %lt3A_1001, %add3A_1004, %broadcast_in_dim3A_998 : vector<16xi1>, vector<16xi32>
        %broadcast_in_dim3A_1006 = vector.shape_cast %select_n3A_1005 : vector<16xi32> to vector<16x1xi32>
        %gather3A_1007 = vector.shape_cast %broadcast_in_dim3A_1006 : vector<16x1xi32> to vector<16xi32>
        %gather3A_1008 = tpu.dynamic_gather %get3A_740[%gather3A_1007] in [0] : vector<16xf32>, vector<16xi32> -> vector<16xf32>
        %add3A_1009 = arith.constant 9 : i32
        %add3A_1010 = arith.addi %mul3A_738, %add3A_1009 : i32
        %get3A_1011 = arith.index_cast %add3A_1010 : i32 to index
        %get3A_1012 = arith.constant 0 : index
        %get3A_1013 = tpu.vector_load %arg14[%get3A_1011, %get3A_1012] {strides = array<i32>} : memref<1600x32xf32, #tpu.memory_space<vmem>>, vector<16xf32>,
        %add3A_1014 = arith.constant 9 : i32
        %add3A_1015 = arith.addi %mul3A_738, %add3A_1014 : i32
        %get3A_1016 = arith.index_cast %add3A_1015 : i32 to index
        %get3A_1017 = arith.constant 16 : index
        %get3A_1018 = tpu.vector_load %arg14[%get3A_1016, %get3A_1017] {strides = array<i32>} : memref<1600x32xf32, #tpu.memory_space<vmem>>, vector<16xf32>,
        %mul3A_1019 = arith.mulf %gather3A_1008, %get3A_1013 : vector<16xf32>
        %add3A_1020 = arith.addf %add3A_968, %mul3A_1019 : vector<16xf32>
        %mul3A_1021 = arith.mulf %gather3A_1008, %get3A_1018 : vector<16xf32>
        %add3A_1022 = arith.addf %add3A_970, %mul3A_1021 : vector<16xf32>
        %broadcast_in_dim3A_1023 = arith.constant 10 : i32
        %broadcast_in_dim3A_1024 = vector.broadcast %broadcast_in_dim3A_1023 : i32 to vector<16xi32>
        %lt3A_1025 = arith.constant 0 : i32
        %lt3A_1026 = vector.broadcast %lt3A_1025 : i32 to vector<16xi32>
        %lt3A_1027 = arith.cmpi slt, %broadcast_in_dim3A_1024, %lt3A_1026 : vector<16xi32>
        %add3A_1028 = arith.constant 16 : i32
        %add3A_1029 = vector.broadcast %add3A_1028 : i32 to vector<16xi32>
        %add3A_1030 = arith.addi %broadcast_in_dim3A_1024, %add3A_1029 : vector<16xi32>
        %select_n3A_1031 = arith.select %lt3A_1027, %add3A_1030, %broadcast_in_dim3A_1024 : vector<16xi1>, vector<16xi32>
        %broadcast_in_dim3A_1032 = vector.shape_cast %select_n3A_1031 : vector<16xi32> to vector<16x1xi32>
        %gather3A_1033 = vector.shape_cast %broadcast_in_dim3A_1032 : vector<16x1xi32> to vector<16xi32>
        %gather3A_1034 = tpu.dynamic_gather %get3A_740[%gather3A_1033] in [0] : vector<16xf32>, vector<16xi32> -> vector<16xf32>
        %add3A_1035 = arith.constant 10 : i32
        %add3A_1036 = arith.addi %mul3A_738, %add3A_1035 : i32
        %get3A_1037 = arith.index_cast %add3A_1036 : i32 to index
        %get3A_1038 = arith.constant 0 : index
        %get3A_1039 = tpu.vector_load %arg14[%get3A_1037, %get3A_1038] {strides = array<i32>} : memref<1600x32xf32, #tpu.memory_space<vmem>>, vector<16xf32>,
        %add3A_1040 = arith.constant 10 : i32
        %add3A_1041 = arith.addi %mul3A_738, %add3A_1040 : i32
        %get3A_1042 = arith.index_cast %add3A_1041 : i32 to index
        %get3A_1043 = arith.constant 16 : index
        %get3A_1044 = tpu.vector_load %arg14[%get3A_1042, %get3A_1043] {strides = array<i32>} : memref<1600x32xf32, #tpu.memory_space<vmem>>, vector<16xf32>,
        %mul3A_1045 = arith.mulf %gather3A_1034, %get3A_1039 : vector<16xf32>
        %add3A_1046 = arith.addf %add3A_994, %mul3A_1045 : vector<16xf32>
        %mul3A_1047 = arith.mulf %gather3A_1034, %get3A_1044 : vector<16xf32>
        %add3A_1048 = arith.addf %add3A_996, %mul3A_1047 : vector<16xf32>
        %broadcast_in_dim3A_1049 = arith.constant 11 : i32
        %broadcast_in_dim3A_1050 = vector.broadcast %broadcast_in_dim3A_1049 : i32 to vector<16xi32>
        %lt3A_1051 = arith.constant 0 : i32
        %lt3A_1052 = vector.broadcast %lt3A_1051 : i32 to vector<16xi32>
        %lt3A_1053 = arith.cmpi slt, %broadcast_in_dim3A_1050, %lt3A_1052 : vector<16xi32>
        %add3A_1054 = arith.constant 16 : i32
        %add3A_1055 = vector.broadcast %add3A_1054 : i32 to vector<16xi32>
        %add3A_1056 = arith.addi %broadcast_in_dim3A_1050, %add3A_1055 : vector<16xi32>
        %select_n3A_1057 = arith.select %lt3A_1053, %add3A_1056, %broadcast_in_dim3A_1050 : vector<16xi1>, vector<16xi32>
        %broadcast_in_dim3A_1058 = vector.shape_cast %select_n3A_1057 : vector<16xi32> to vector<16x1xi32>
        %gather3A_1059 = vector.shape_cast %broadcast_in_dim3A_1058 : vector<16x1xi32> to vector<16xi32>
        %gather3A_1060 = tpu.dynamic_gather %get3A_740[%gather3A_1059] in [0] : vector<16xf32>, vector<16xi32> -> vector<16xf32>
        %add3A_1061 = arith.constant 11 : i32
        %add3A_1062 = arith.addi %mul3A_738, %add3A_1061 : i32
        %get3A_1063 = arith.index_cast %add3A_1062 : i32 to index
        %get3A_1064 = arith.constant 0 : index
        %get3A_1065 = tpu.vector_load %arg14[%get3A_1063, %get3A_1064] {strides = array<i32>} : memref<1600x32xf32, #tpu.memory_space<vmem>>, vector<16xf32>,
        %add3A_1066 = arith.constant 11 : i32
        %add3A_1067 = arith.addi %mul3A_738, %add3A_1066 : i32
        %get3A_1068 = arith.index_cast %add3A_1067 : i32 to index
        %get3A_1069 = arith.constant 16 : index
        %get3A_1070 = tpu.vector_load %arg14[%get3A_1068, %get3A_1069] {strides = array<i32>} : memref<1600x32xf32, #tpu.memory_space<vmem>>, vector<16xf32>,
        %mul3A_1071 = arith.mulf %gather3A_1060, %get3A_1065 : vector<16xf32>
        %add3A_1072 = arith.addf %add3A_1020, %mul3A_1071 : vector<16xf32>
        %mul3A_1073 = arith.mulf %gather3A_1060, %get3A_1070 : vector<16xf32>
        %add3A_1074 = arith.addf %add3A_1022, %mul3A_1073 : vector<16xf32>
        %broadcast_in_dim3A_1075 = arith.constant 12 : i32
        %broadcast_in_dim3A_1076 = vector.broadcast %broadcast_in_dim3A_1075 : i32 to vector<16xi32>
        %lt3A_1077 = arith.constant 0 : i32
        %lt3A_1078 = vector.broadcast %lt3A_1077 : i32 to vector<16xi32>
        %lt3A_1079 = arith.cmpi slt, %broadcast_in_dim3A_1076, %lt3A_1078 : vector<16xi32>
        %add3A_1080 = arith.constant 16 : i32
        %add3A_1081 = vector.broadcast %add3A_1080 : i32 to vector<16xi32>
        %add3A_1082 = arith.addi %broadcast_in_dim3A_1076, %add3A_1081 : vector<16xi32>
        %select_n3A_1083 = arith.select %lt3A_1079, %add3A_1082, %broadcast_in_dim3A_1076 : vector<16xi1>, vector<16xi32>
        %broadcast_in_dim3A_1084 = vector.shape_cast %select_n3A_1083 : vector<16xi32> to vector<16x1xi32>
        %gather3A_1085 = vector.shape_cast %broadcast_in_dim3A_1084 : vector<16x1xi32> to vector<16xi32>
        %gather3A_1086 = tpu.dynamic_gather %get3A_740[%gather3A_1085] in [0] : vector<16xf32>, vector<16xi32> -> vector<16xf32>
        %add3A_1087 = arith.constant 12 : i32
        %add3A_1088 = arith.addi %mul3A_738, %add3A_1087 : i32
        %get3A_1089 = arith.index_cast %add3A_1088 : i32 to index
        %get3A_1090 = arith.constant 0 : index
        %get3A_1091 = tpu.vector_load %arg14[%get3A_1089, %get3A_1090] {strides = array<i32>} : memref<1600x32xf32, #tpu.memory_space<vmem>>, vector<16xf32>,
        %add3A_1092 = arith.constant 12 : i32
        %add3A_1093 = arith.addi %mul3A_738, %add3A_1092 : i32
        %get3A_1094 = arith.index_cast %add3A_1093 : i32 to index
        %get3A_1095 = arith.constant 16 : index
        %get3A_1096 = tpu.vector_load %arg14[%get3A_1094, %get3A_1095] {strides = array<i32>} : memref<1600x32xf32, #tpu.memory_space<vmem>>, vector<16xf32>,
        %mul3A_1097 = arith.mulf %gather3A_1086, %get3A_1091 : vector<16xf32>
        %add3A_1098 = arith.addf %add3A_1046, %mul3A_1097 : vector<16xf32>
        %mul3A_1099 = arith.mulf %gather3A_1086, %get3A_1096 : vector<16xf32>
        %add3A_1100 = arith.addf %add3A_1048, %mul3A_1099 : vector<16xf32>
        %broadcast_in_dim3A_1101 = arith.constant 13 : i32
        %broadcast_in_dim3A_1102 = vector.broadcast %broadcast_in_dim3A_1101 : i32 to vector<16xi32>
        %lt3A_1103 = arith.constant 0 : i32
        %lt3A_1104 = vector.broadcast %lt3A_1103 : i32 to vector<16xi32>
        %lt3A_1105 = arith.cmpi slt, %broadcast_in_dim3A_1102, %lt3A_1104 : vector<16xi32>
        %add3A_1106 = arith.constant 16 : i32
        %add3A_1107 = vector.broadcast %add3A_1106 : i32 to vector<16xi32>
        %add3A_1108 = arith.addi %broadcast_in_dim3A_1102, %add3A_1107 : vector<16xi32>
        %select_n3A_1109 = arith.select %lt3A_1105, %add3A_1108, %broadcast_in_dim3A_1102 : vector<16xi1>, vector<16xi32>
        %broadcast_in_dim3A_1110 = vector.shape_cast %select_n3A_1109 : vector<16xi32> to vector<16x1xi32>
        %gather3A_1111 = vector.shape_cast %broadcast_in_dim3A_1110 : vector<16x1xi32> to vector<16xi32>
        %gather3A_1112 = tpu.dynamic_gather %get3A_740[%gather3A_1111] in [0] : vector<16xf32>, vector<16xi32> -> vector<16xf32>
        %add3A_1113 = arith.constant 13 : i32
        %add3A_1114 = arith.addi %mul3A_738, %add3A_1113 : i32
        %get3A_1115 = arith.index_cast %add3A_1114 : i32 to index
        %get3A_1116 = arith.constant 0 : index
        %get3A_1117 = tpu.vector_load %arg14[%get3A_1115, %get3A_1116] {strides = array<i32>} : memref<1600x32xf32, #tpu.memory_space<vmem>>, vector<16xf32>,
        %add3A_1118 = arith.constant 13 : i32
        %add3A_1119 = arith.addi %mul3A_738, %add3A_1118 : i32
        %get3A_1120 = arith.index_cast %add3A_1119 : i32 to index
        %get3A_1121 = arith.constant 16 : index
        %get3A_1122 = tpu.vector_load %arg14[%get3A_1120, %get3A_1121] {strides = array<i32>} : memref<1600x32xf32, #tpu.memory_space<vmem>>, vector<16xf32>,
        %mul3A_1123 = arith.mulf %gather3A_1112, %get3A_1117 : vector<16xf32>
        %add3A_1124 = arith.addf %add3A_1072, %mul3A_1123 : vector<16xf32>
        %mul3A_1125 = arith.mulf %gather3A_1112, %get3A_1122 : vector<16xf32>
        %add3A_1126 = arith.addf %add3A_1074, %mul3A_1125 : vector<16xf32>
        %broadcast_in_dim3A_1127 = arith.constant 14 : i32
        %broadcast_in_dim3A_1128 = vector.broadcast %broadcast_in_dim3A_1127 : i32 to vector<16xi32>
        %lt3A_1129 = arith.constant 0 : i32
        %lt3A_1130 = vector.broadcast %lt3A_1129 : i32 to vector<16xi32>
        %lt3A_1131 = arith.cmpi slt, %broadcast_in_dim3A_1128, %lt3A_1130 : vector<16xi32>
        %add3A_1132 = arith.constant 16 : i32
        %add3A_1133 = vector.broadcast %add3A_1132 : i32 to vector<16xi32>
        %add3A_1134 = arith.addi %broadcast_in_dim3A_1128, %add3A_1133 : vector<16xi32>
        %select_n3A_1135 = arith.select %lt3A_1131, %add3A_1134, %broadcast_in_dim3A_1128 : vector<16xi1>, vector<16xi32>
        %broadcast_in_dim3A_1136 = vector.shape_cast %select_n3A_1135 : vector<16xi32> to vector<16x1xi32>
        %gather3A_1137 = vector.shape_cast %broadcast_in_dim3A_1136 : vector<16x1xi32> to vector<16xi32>
        %gather3A_1138 = tpu.dynamic_gather %get3A_740[%gather3A_1137] in [0] : vector<16xf32>, vector<16xi32> -> vector<16xf32>
        %add3A_1139 = arith.constant 14 : i32
        %add3A_1140 = arith.addi %mul3A_738, %add3A_1139 : i32
        %get3A_1141 = arith.index_cast %add3A_1140 : i32 to index
        %get3A_1142 = arith.constant 0 : index
        %get3A_1143 = tpu.vector_load %arg14[%get3A_1141, %get3A_1142] {strides = array<i32>} : memref<1600x32xf32, #tpu.memory_space<vmem>>, vector<16xf32>,
        %add3A_1144 = arith.constant 14 : i32
        %add3A_1145 = arith.addi %mul3A_738, %add3A_1144 : i32
        %get3A_1146 = arith.index_cast %add3A_1145 : i32 to index
        %get3A_1147 = arith.constant 16 : index
        %get3A_1148 = tpu.vector_load %arg14[%get3A_1146, %get3A_1147] {strides = array<i32>} : memref<1600x32xf32, #tpu.memory_space<vmem>>, vector<16xf32>,
        %mul3A_1149 = arith.mulf %gather3A_1138, %get3A_1143 : vector<16xf32>
        %add3A_1150 = arith.addf %add3A_1098, %mul3A_1149 : vector<16xf32>
        %mul3A_1151 = arith.mulf %gather3A_1138, %get3A_1148 : vector<16xf32>
        %add3A_1152 = arith.addf %add3A_1100, %mul3A_1151 : vector<16xf32>
        %broadcast_in_dim3A_1153 = arith.constant 15 : i32
        %broadcast_in_dim3A_1154 = vector.broadcast %broadcast_in_dim3A_1153 : i32 to vector<16xi32>
        %lt3A_1155 = arith.constant 0 : i32
        %lt3A_1156 = vector.broadcast %lt3A_1155 : i32 to vector<16xi32>
        %lt3A_1157 = arith.cmpi slt, %broadcast_in_dim3A_1154, %lt3A_1156 : vector<16xi32>
        %add3A_1158 = arith.constant 16 : i32
        %add3A_1159 = vector.broadcast %add3A_1158 : i32 to vector<16xi32>
        %add3A_1160 = arith.addi %broadcast_in_dim3A_1154, %add3A_1159 : vector<16xi32>
        %select_n3A_1161 = arith.select %lt3A_1157, %add3A_1160, %broadcast_in_dim3A_1154 : vector<16xi1>, vector<16xi32>
        %broadcast_in_dim3A_1162 = vector.shape_cast %select_n3A_1161 : vector<16xi32> to vector<16x1xi32>
        %gather3A_1163 = vector.shape_cast %broadcast_in_dim3A_1162 : vector<16x1xi32> to vector<16xi32>
        %gather3A_1164 = tpu.dynamic_gather %get3A_740[%gather3A_1163] in [0] : vector<16xf32>, vector<16xi32> -> vector<16xf32>
        %add3A_1165 = arith.constant 15 : i32
        %add3A_1166 = arith.addi %mul3A_738, %add3A_1165 : i32
        %get3A_1167 = arith.index_cast %add3A_1166 : i32 to index
        %get3A_1168 = arith.constant 0 : index
        %get3A_1169 = tpu.vector_load %arg14[%get3A_1167, %get3A_1168] {strides = array<i32>} : memref<1600x32xf32, #tpu.memory_space<vmem>>, vector<16xf32>,
        %add3A_1170 = arith.constant 15 : i32
        %add3A_1171 = arith.addi %mul3A_738, %add3A_1170 : i32
        %get3A_1172 = arith.index_cast %add3A_1171 : i32 to index
        %get3A_1173 = arith.constant 16 : index
        %get3A_1174 = tpu.vector_load %arg14[%get3A_1172, %get3A_1173] {strides = array<i32>} : memref<1600x32xf32, #tpu.memory_space<vmem>>, vector<16xf32>,
        %mul3A_1175 = arith.mulf %gather3A_1164, %get3A_1169 : vector<16xf32>
        %add3A_1176 = arith.addf %add3A_1124, %mul3A_1175 : vector<16xf32>
        %mul3A_1177 = arith.mulf %gather3A_1164, %get3A_1174 : vector<16xf32>
        %add3A_1178 = arith.addf %add3A_1126, %mul3A_1177 : vector<16xf32>
        %broadcast_in_dim3A_1179 = arith.constant 0 : i32
        %broadcast_in_dim3A_1180 = vector.broadcast %broadcast_in_dim3A_1179 : i32 to vector<16xi32>
        %lt3A_1181 = arith.constant 0 : i32
        %lt3A_1182 = vector.broadcast %lt3A_1181 : i32 to vector<16xi32>
        %lt3A_1183 = arith.cmpi slt, %broadcast_in_dim3A_1180, %lt3A_1182 : vector<16xi32>
        %add3A_1184 = arith.constant 16 : i32
        %add3A_1185 = vector.broadcast %add3A_1184 : i32 to vector<16xi32>
        %add3A_1186 = arith.addi %broadcast_in_dim3A_1180, %add3A_1185 : vector<16xi32>
        %select_n3A_1187 = arith.select %lt3A_1183, %add3A_1186, %broadcast_in_dim3A_1180 : vector<16xi1>, vector<16xi32>
        %broadcast_in_dim3A_1188 = vector.shape_cast %select_n3A_1187 : vector<16xi32> to vector<16x1xi32>
        %gather3A_1189 = vector.shape_cast %broadcast_in_dim3A_1188 : vector<16x1xi32> to vector<16xi32>
        %gather3A_1190 = tpu.dynamic_gather %get3A_743[%gather3A_1189] in [0] : vector<16xf32>, vector<16xi32> -> vector<16xf32>
        %add3A_1191 = arith.constant 16 : i32
        %add3A_1192 = arith.addi %mul3A_738, %add3A_1191 : i32
        %get3A_1193 = arith.index_cast %add3A_1192 : i32 to index
        %get3A_1194 = arith.constant 0 : index
        %get3A_1195 = tpu.vector_load %arg14[%get3A_1193, %get3A_1194] {strides = array<i32>} : memref<1600x32xf32, #tpu.memory_space<vmem>>, vector<16xf32>,
        %add3A_1196 = arith.constant 16 : i32
        %add3A_1197 = arith.addi %mul3A_738, %add3A_1196 : i32
        %get3A_1198 = arith.index_cast %add3A_1197 : i32 to index
        %get3A_1199 = arith.constant 16 : index
        %get3A_1200 = tpu.vector_load %arg14[%get3A_1198, %get3A_1199] {strides = array<i32>} : memref<1600x32xf32, #tpu.memory_space<vmem>>, vector<16xf32>,
        %mul3A_1201 = arith.mulf %gather3A_1190, %get3A_1195 : vector<16xf32>
        %add3A_1202 = arith.addf %add3A_1150, %mul3A_1201 : vector<16xf32>
        %mul3A_1203 = arith.mulf %gather3A_1190, %get3A_1200 : vector<16xf32>
        %add3A_1204 = arith.addf %add3A_1152, %mul3A_1203 : vector<16xf32>
        %broadcast_in_dim3A_1205 = arith.constant 1 : i32
        %broadcast_in_dim3A_1206 = vector.broadcast %broadcast_in_dim3A_1205 : i32 to vector<16xi32>
        %lt3A_1207 = arith.constant 0 : i32
        %lt3A_1208 = vector.broadcast %lt3A_1207 : i32 to vector<16xi32>
        %lt3A_1209 = arith.cmpi slt, %broadcast_in_dim3A_1206, %lt3A_1208 : vector<16xi32>
        %add3A_1210 = arith.constant 16 : i32
        %add3A_1211 = vector.broadcast %add3A_1210 : i32 to vector<16xi32>
        %add3A_1212 = arith.addi %broadcast_in_dim3A_1206, %add3A_1211 : vector<16xi32>
        %select_n3A_1213 = arith.select %lt3A_1209, %add3A_1212, %broadcast_in_dim3A_1206 : vector<16xi1>, vector<16xi32>
        %broadcast_in_dim3A_1214 = vector.shape_cast %select_n3A_1213 : vector<16xi32> to vector<16x1xi32>
        %gather3A_1215 = vector.shape_cast %broadcast_in_dim3A_1214 : vector<16x1xi32> to vector<16xi32>
        %gather3A_1216 = tpu.dynamic_gather %get3A_743[%gather3A_1215] in [0] : vector<16xf32>, vector<16xi32> -> vector<16xf32>
        %add3A_1217 = arith.constant 17 : i32
        %add3A_1218 = arith.addi %mul3A_738, %add3A_1217 : i32
        %get3A_1219 = arith.index_cast %add3A_1218 : i32 to index
        %get3A_1220 = arith.constant 0 : index
        %get3A_1221 = tpu.vector_load %arg14[%get3A_1219, %get3A_1220] {strides = array<i32>} : memref<1600x32xf32, #tpu.memory_space<vmem>>, vector<16xf32>,
        %add3A_1222 = arith.constant 17 : i32
        %add3A_1223 = arith.addi %mul3A_738, %add3A_1222 : i32
        %get3A_1224 = arith.index_cast %add3A_1223 : i32 to index
        %get3A_1225 = arith.constant 16 : index
        %get3A_1226 = tpu.vector_load %arg14[%get3A_1224, %get3A_1225] {strides = array<i32>} : memref<1600x32xf32, #tpu.memory_space<vmem>>, vector<16xf32>,
        %mul3A_1227 = arith.mulf %gather3A_1216, %get3A_1221 : vector<16xf32>
        %add3A_1228 = arith.addf %add3A_1176, %mul3A_1227 : vector<16xf32>
        %mul3A_1229 = arith.mulf %gather3A_1216, %get3A_1226 : vector<16xf32>
        %add3A_1230 = arith.addf %add3A_1178, %mul3A_1229 : vector<16xf32>
        %broadcast_in_dim3A_1231 = arith.constant 2 : i32
        %broadcast_in_dim3A_1232 = vector.broadcast %broadcast_in_dim3A_1231 : i32 to vector<16xi32>
        %lt3A_1233 = arith.constant 0 : i32
        %lt3A_1234 = vector.broadcast %lt3A_1233 : i32 to vector<16xi32>
        %lt3A_1235 = arith.cmpi slt, %broadcast_in_dim3A_1232, %lt3A_1234 : vector<16xi32>
        %add3A_1236 = arith.constant 16 : i32
        %add3A_1237 = vector.broadcast %add3A_1236 : i32 to vector<16xi32>
        %add3A_1238 = arith.addi %broadcast_in_dim3A_1232, %add3A_1237 : vector<16xi32>
        %select_n3A_1239 = arith.select %lt3A_1235, %add3A_1238, %broadcast_in_dim3A_1232 : vector<16xi1>, vector<16xi32>
        %broadcast_in_dim3A_1240 = vector.shape_cast %select_n3A_1239 : vector<16xi32> to vector<16x1xi32>
        %gather3A_1241 = vector.shape_cast %broadcast_in_dim3A_1240 : vector<16x1xi32> to vector<16xi32>
        %gather3A_1242 = tpu.dynamic_gather %get3A_743[%gather3A_1241] in [0] : vector<16xf32>, vector<16xi32> -> vector<16xf32>
        %add3A_1243 = arith.constant 18 : i32
        %add3A_1244 = arith.addi %mul3A_738, %add3A_1243 : i32
        %get3A_1245 = arith.index_cast %add3A_1244 : i32 to index
        %get3A_1246 = arith.constant 0 : index
        %get3A_1247 = tpu.vector_load %arg14[%get3A_1245, %get3A_1246] {strides = array<i32>} : memref<1600x32xf32, #tpu.memory_space<vmem>>, vector<16xf32>,
        %add3A_1248 = arith.constant 18 : i32
        %add3A_1249 = arith.addi %mul3A_738, %add3A_1248 : i32
        %get3A_1250 = arith.index_cast %add3A_1249 : i32 to index
        %get3A_1251 = arith.constant 16 : index
        %get3A_1252 = tpu.vector_load %arg14[%get3A_1250, %get3A_1251] {strides = array<i32>} : memref<1600x32xf32, #tpu.memory_space<vmem>>, vector<16xf32>,
        %mul3A_1253 = arith.mulf %gather3A_1242, %get3A_1247 : vector<16xf32>
        %add3A_1254 = arith.addf %add3A_1202, %mul3A_1253 : vector<16xf32>
        %mul3A_1255 = arith.mulf %gather3A_1242, %get3A_1252 : vector<16xf32>
        %add3A_1256 = arith.addf %add3A_1204, %mul3A_1255 : vector<16xf32>
        %broadcast_in_dim3A_1257 = arith.constant 3 : i32
        %broadcast_in_dim3A_1258 = vector.broadcast %broadcast_in_dim3A_1257 : i32 to vector<16xi32>
        %lt3A_1259 = arith.constant 0 : i32
        %lt3A_1260 = vector.broadcast %lt3A_1259 : i32 to vector<16xi32>
        %lt3A_1261 = arith.cmpi slt, %broadcast_in_dim3A_1258, %lt3A_1260 : vector<16xi32>
        %add3A_1262 = arith.constant 16 : i32
        %add3A_1263 = vector.broadcast %add3A_1262 : i32 to vector<16xi32>
        %add3A_1264 = arith.addi %broadcast_in_dim3A_1258, %add3A_1263 : vector<16xi32>
        %select_n3A_1265 = arith.select %lt3A_1261, %add3A_1264, %broadcast_in_dim3A_1258 : vector<16xi1>, vector<16xi32>
        %broadcast_in_dim3A_1266 = vector.shape_cast %select_n3A_1265 : vector<16xi32> to vector<16x1xi32>
        %gather3A_1267 = vector.shape_cast %broadcast_in_dim3A_1266 : vector<16x1xi32> to vector<16xi32>
        %gather3A_1268 = tpu.dynamic_gather %get3A_743[%gather3A_1267] in [0] : vector<16xf32>, vector<16xi32> -> vector<16xf32>
        %add3A_1269 = arith.constant 19 : i32
        %add3A_1270 = arith.addi %mul3A_738, %add3A_1269 : i32
        %get3A_1271 = arith.index_cast %add3A_1270 : i32 to index
        %get3A_1272 = arith.constant 0 : index
        %get3A_1273 = tpu.vector_load %arg14[%get3A_1271, %get3A_1272] {strides = array<i32>} : memref<1600x32xf32, #tpu.memory_space<vmem>>, vector<16xf32>,
        %add3A_1274 = arith.constant 19 : i32
        %add3A_1275 = arith.addi %mul3A_738, %add3A_1274 : i32
        %get3A_1276 = arith.index_cast %add3A_1275 : i32 to index
        %get3A_1277 = arith.constant 16 : index
        %get3A_1278 = tpu.vector_load %arg14[%get3A_1276, %get3A_1277] {strides = array<i32>} : memref<1600x32xf32, #tpu.memory_space<vmem>>, vector<16xf32>,
        %mul3A_1279 = arith.mulf %gather3A_1268, %get3A_1273 : vector<16xf32>
        %add3A_1280 = arith.addf %add3A_1228, %mul3A_1279 : vector<16xf32>
        %mul3A_1281 = arith.mulf %gather3A_1268, %get3A_1278 : vector<16xf32>
        %add3A_1282 = arith.addf %add3A_1230, %mul3A_1281 : vector<16xf32>
        %broadcast_in_dim3A_1283 = arith.constant 4 : i32
        %broadcast_in_dim3A_1284 = vector.broadcast %broadcast_in_dim3A_1283 : i32 to vector<16xi32>
        %lt3A_1285 = arith.constant 0 : i32
        %lt3A_1286 = vector.broadcast %lt3A_1285 : i32 to vector<16xi32>
        %lt3A_1287 = arith.cmpi slt, %broadcast_in_dim3A_1284, %lt3A_1286 : vector<16xi32>
        %add3A_1288 = arith.constant 16 : i32
        %add3A_1289 = vector.broadcast %add3A_1288 : i32 to vector<16xi32>
        %add3A_1290 = arith.addi %broadcast_in_dim3A_1284, %add3A_1289 : vector<16xi32>
        %select_n3A_1291 = arith.select %lt3A_1287, %add3A_1290, %broadcast_in_dim3A_1284 : vector<16xi1>, vector<16xi32>
        %broadcast_in_dim3A_1292 = vector.shape_cast %select_n3A_1291 : vector<16xi32> to vector<16x1xi32>
        %gather3A_1293 = vector.shape_cast %broadcast_in_dim3A_1292 : vector<16x1xi32> to vector<16xi32>
        %gather3A_1294 = tpu.dynamic_gather %get3A_743[%gather3A_1293] in [0] : vector<16xf32>, vector<16xi32> -> vector<16xf32>
        %add3A_1295 = arith.constant 20 : i32
        %add3A_1296 = arith.addi %mul3A_738, %add3A_1295 : i32
        %get3A_1297 = arith.index_cast %add3A_1296 : i32 to index
        %get3A_1298 = arith.constant 0 : index
        %get3A_1299 = tpu.vector_load %arg14[%get3A_1297, %get3A_1298] {strides = array<i32>} : memref<1600x32xf32, #tpu.memory_space<vmem>>, vector<16xf32>,
        %add3A_1300 = arith.constant 20 : i32
        %add3A_1301 = arith.addi %mul3A_738, %add3A_1300 : i32
        %get3A_1302 = arith.index_cast %add3A_1301 : i32 to index
        %get3A_1303 = arith.constant 16 : index
        %get3A_1304 = tpu.vector_load %arg14[%get3A_1302, %get3A_1303] {strides = array<i32>} : memref<1600x32xf32, #tpu.memory_space<vmem>>, vector<16xf32>,
        %mul3A_1305 = arith.mulf %gather3A_1294, %get3A_1299 : vector<16xf32>
        %add3A_1306 = arith.addf %add3A_1254, %mul3A_1305 : vector<16xf32>
        %mul3A_1307 = arith.mulf %gather3A_1294, %get3A_1304 : vector<16xf32>
        %add3A_1308 = arith.addf %add3A_1256, %mul3A_1307 : vector<16xf32>
        %broadcast_in_dim3A_1309 = arith.constant 5 : i32
        %broadcast_in_dim3A_1310 = vector.broadcast %broadcast_in_dim3A_1309 : i32 to vector<16xi32>
        %lt3A_1311 = arith.constant 0 : i32
        %lt3A_1312 = vector.broadcast %lt3A_1311 : i32 to vector<16xi32>
        %lt3A_1313 = arith.cmpi slt, %broadcast_in_dim3A_1310, %lt3A_1312 : vector<16xi32>
        %add3A_1314 = arith.constant 16 : i32
        %add3A_1315 = vector.broadcast %add3A_1314 : i32 to vector<16xi32>
        %add3A_1316 = arith.addi %broadcast_in_dim3A_1310, %add3A_1315 : vector<16xi32>
        %select_n3A_1317 = arith.select %lt3A_1313, %add3A_1316, %broadcast_in_dim3A_1310 : vector<16xi1>, vector<16xi32>
        %broadcast_in_dim3A_1318 = vector.shape_cast %select_n3A_1317 : vector<16xi32> to vector<16x1xi32>
        %gather3A_1319 = vector.shape_cast %broadcast_in_dim3A_1318 : vector<16x1xi32> to vector<16xi32>
        %gather3A_1320 = tpu.dynamic_gather %get3A_743[%gather3A_1319] in [0] : vector<16xf32>, vector<16xi32> -> vector<16xf32>
        %add3A_1321 = arith.constant 21 : i32
        %add3A_1322 = arith.addi %mul3A_738, %add3A_1321 : i32
        %get3A_1323 = arith.index_cast %add3A_1322 : i32 to index
        %get3A_1324 = arith.constant 0 : index
        %get3A_1325 = tpu.vector_load %arg14[%get3A_1323, %get3A_1324] {strides = array<i32>} : memref<1600x32xf32, #tpu.memory_space<vmem>>, vector<16xf32>,
        %add3A_1326 = arith.constant 21 : i32
        %add3A_1327 = arith.addi %mul3A_738, %add3A_1326 : i32
        %get3A_1328 = arith.index_cast %add3A_1327 : i32 to index
        %get3A_1329 = arith.constant 16 : index
        %get3A_1330 = tpu.vector_load %arg14[%get3A_1328, %get3A_1329] {strides = array<i32>} : memref<1600x32xf32, #tpu.memory_space<vmem>>, vector<16xf32>,
        %mul3A_1331 = arith.mulf %gather3A_1320, %get3A_1325 : vector<16xf32>
        %add3A_1332 = arith.addf %add3A_1280, %mul3A_1331 : vector<16xf32>
        %mul3A_1333 = arith.mulf %gather3A_1320, %get3A_1330 : vector<16xf32>
        %add3A_1334 = arith.addf %add3A_1282, %mul3A_1333 : vector<16xf32>
        %broadcast_in_dim3A_1335 = arith.constant 6 : i32
        %broadcast_in_dim3A_1336 = vector.broadcast %broadcast_in_dim3A_1335 : i32 to vector<16xi32>
        %lt3A_1337 = arith.constant 0 : i32
        %lt3A_1338 = vector.broadcast %lt3A_1337 : i32 to vector<16xi32>
        %lt3A_1339 = arith.cmpi slt, %broadcast_in_dim3A_1336, %lt3A_1338 : vector<16xi32>
        %add3A_1340 = arith.constant 16 : i32
        %add3A_1341 = vector.broadcast %add3A_1340 : i32 to vector<16xi32>
        %add3A_1342 = arith.addi %broadcast_in_dim3A_1336, %add3A_1341 : vector<16xi32>
        %select_n3A_1343 = arith.select %lt3A_1339, %add3A_1342, %broadcast_in_dim3A_1336 : vector<16xi1>, vector<16xi32>
        %broadcast_in_dim3A_1344 = vector.shape_cast %select_n3A_1343 : vector<16xi32> to vector<16x1xi32>
        %gather3A_1345 = vector.shape_cast %broadcast_in_dim3A_1344 : vector<16x1xi32> to vector<16xi32>
        %gather3A_1346 = tpu.dynamic_gather %get3A_743[%gather3A_1345] in [0] : vector<16xf32>, vector<16xi32> -> vector<16xf32>
        %add3A_1347 = arith.constant 22 : i32
        %add3A_1348 = arith.addi %mul3A_738, %add3A_1347 : i32
        %get3A_1349 = arith.index_cast %add3A_1348 : i32 to index
        %get3A_1350 = arith.constant 0 : index
        %get3A_1351 = tpu.vector_load %arg14[%get3A_1349, %get3A_1350] {strides = array<i32>} : memref<1600x32xf32, #tpu.memory_space<vmem>>, vector<16xf32>,
        %add3A_1352 = arith.constant 22 : i32
        %add3A_1353 = arith.addi %mul3A_738, %add3A_1352 : i32
        %get3A_1354 = arith.index_cast %add3A_1353 : i32 to index
        %get3A_1355 = arith.constant 16 : index
        %get3A_1356 = tpu.vector_load %arg14[%get3A_1354, %get3A_1355] {strides = array<i32>} : memref<1600x32xf32, #tpu.memory_space<vmem>>, vector<16xf32>,
        %mul3A_1357 = arith.mulf %gather3A_1346, %get3A_1351 : vector<16xf32>
        %add3A_1358 = arith.addf %add3A_1306, %mul3A_1357 : vector<16xf32>
        %mul3A_1359 = arith.mulf %gather3A_1346, %get3A_1356 : vector<16xf32>
        %add3A_1360 = arith.addf %add3A_1308, %mul3A_1359 : vector<16xf32>
        %broadcast_in_dim3A_1361 = arith.constant 7 : i32
        %broadcast_in_dim3A_1362 = vector.broadcast %broadcast_in_dim3A_1361 : i32 to vector<16xi32>
        %lt3A_1363 = arith.constant 0 : i32
        %lt3A_1364 = vector.broadcast %lt3A_1363 : i32 to vector<16xi32>
        %lt3A_1365 = arith.cmpi slt, %broadcast_in_dim3A_1362, %lt3A_1364 : vector<16xi32>
        %add3A_1366 = arith.constant 16 : i32
        %add3A_1367 = vector.broadcast %add3A_1366 : i32 to vector<16xi32>
        %add3A_1368 = arith.addi %broadcast_in_dim3A_1362, %add3A_1367 : vector<16xi32>
        %select_n3A_1369 = arith.select %lt3A_1365, %add3A_1368, %broadcast_in_dim3A_1362 : vector<16xi1>, vector<16xi32>
        %broadcast_in_dim3A_1370 = vector.shape_cast %select_n3A_1369 : vector<16xi32> to vector<16x1xi32>
        %gather3A_1371 = vector.shape_cast %broadcast_in_dim3A_1370 : vector<16x1xi32> to vector<16xi32>
        %gather3A_1372 = tpu.dynamic_gather %get3A_743[%gather3A_1371] in [0] : vector<16xf32>, vector<16xi32> -> vector<16xf32>
        %add3A_1373 = arith.constant 23 : i32
        %add3A_1374 = arith.addi %mul3A_738, %add3A_1373 : i32
        %get3A_1375 = arith.index_cast %add3A_1374 : i32 to index
        %get3A_1376 = arith.constant 0 : index
        %get3A_1377 = tpu.vector_load %arg14[%get3A_1375, %get3A_1376] {strides = array<i32>} : memref<1600x32xf32, #tpu.memory_space<vmem>>, vector<16xf32>,
        %add3A_1378 = arith.constant 23 : i32
        %add3A_1379 = arith.addi %mul3A_738, %add3A_1378 : i32
        %get3A_1380 = arith.index_cast %add3A_1379 : i32 to index
        %get3A_1381 = arith.constant 16 : index
        %get3A_1382 = tpu.vector_load %arg14[%get3A_1380, %get3A_1381] {strides = array<i32>} : memref<1600x32xf32, #tpu.memory_space<vmem>>, vector<16xf32>,
        %mul3A_1383 = arith.mulf %gather3A_1372, %get3A_1377 : vector<16xf32>
        %add3A_1384 = arith.addf %add3A_1332, %mul3A_1383 : vector<16xf32>
        %mul3A_1385 = arith.mulf %gather3A_1372, %get3A_1382 : vector<16xf32>
        %add3A_1386 = arith.addf %add3A_1334, %mul3A_1385 : vector<16xf32>
        %broadcast_in_dim3A_1387 = arith.constant 8 : i32
        %broadcast_in_dim3A_1388 = vector.broadcast %broadcast_in_dim3A_1387 : i32 to vector<16xi32>
        %lt3A_1389 = arith.constant 0 : i32
        %lt3A_1390 = vector.broadcast %lt3A_1389 : i32 to vector<16xi32>
        %lt3A_1391 = arith.cmpi slt, %broadcast_in_dim3A_1388, %lt3A_1390 : vector<16xi32>
        %add3A_1392 = arith.constant 16 : i32
        %add3A_1393 = vector.broadcast %add3A_1392 : i32 to vector<16xi32>
        %add3A_1394 = arith.addi %broadcast_in_dim3A_1388, %add3A_1393 : vector<16xi32>
        %select_n3A_1395 = arith.select %lt3A_1391, %add3A_1394, %broadcast_in_dim3A_1388 : vector<16xi1>, vector<16xi32>
        %broadcast_in_dim3A_1396 = vector.shape_cast %select_n3A_1395 : vector<16xi32> to vector<16x1xi32>
        %gather3A_1397 = vector.shape_cast %broadcast_in_dim3A_1396 : vector<16x1xi32> to vector<16xi32>
        %gather3A_1398 = tpu.dynamic_gather %get3A_743[%gather3A_1397] in [0] : vector<16xf32>, vector<16xi32> -> vector<16xf32>
        %add3A_1399 = arith.constant 24 : i32
        %add3A_1400 = arith.addi %mul3A_738, %add3A_1399 : i32
        %get3A_1401 = arith.index_cast %add3A_1400 : i32 to index
        %get3A_1402 = arith.constant 0 : index
        %get3A_1403 = tpu.vector_load %arg14[%get3A_1401, %get3A_1402] {strides = array<i32>} : memref<1600x32xf32, #tpu.memory_space<vmem>>, vector<16xf32>,
        %add3A_1404 = arith.constant 24 : i32
        %add3A_1405 = arith.addi %mul3A_738, %add3A_1404 : i32
        %get3A_1406 = arith.index_cast %add3A_1405 : i32 to index
        %get3A_1407 = arith.constant 16 : index
        %get3A_1408 = tpu.vector_load %arg14[%get3A_1406, %get3A_1407] {strides = array<i32>} : memref<1600x32xf32, #tpu.memory_space<vmem>>, vector<16xf32>,
        %mul3A_1409 = arith.mulf %gather3A_1398, %get3A_1403 : vector<16xf32>
        %add3A_1410 = arith.addf %add3A_1358, %mul3A_1409 : vector<16xf32>
        %mul3A_1411 = arith.mulf %gather3A_1398, %get3A_1408 : vector<16xf32>
        %add3A_1412 = arith.addf %add3A_1360, %mul3A_1411 : vector<16xf32>
        %broadcast_in_dim3A_1413 = arith.constant 9 : i32
        %broadcast_in_dim3A_1414 = vector.broadcast %broadcast_in_dim3A_1413 : i32 to vector<16xi32>
        %lt3A_1415 = arith.constant 0 : i32
        %lt3A_1416 = vector.broadcast %lt3A_1415 : i32 to vector<16xi32>
        %lt3A_1417 = arith.cmpi slt, %broadcast_in_dim3A_1414, %lt3A_1416 : vector<16xi32>
        %add3A_1418 = arith.constant 16 : i32
        %add3A_1419 = vector.broadcast %add3A_1418 : i32 to vector<16xi32>
        %add3A_1420 = arith.addi %broadcast_in_dim3A_1414, %add3A_1419 : vector<16xi32>
        %select_n3A_1421 = arith.select %lt3A_1417, %add3A_1420, %broadcast_in_dim3A_1414 : vector<16xi1>, vector<16xi32>
        %broadcast_in_dim3A_1422 = vector.shape_cast %select_n3A_1421 : vector<16xi32> to vector<16x1xi32>
        %gather3A_1423 = vector.shape_cast %broadcast_in_dim3A_1422 : vector<16x1xi32> to vector<16xi32>
        %gather3A_1424 = tpu.dynamic_gather %get3A_743[%gather3A_1423] in [0] : vector<16xf32>, vector<16xi32> -> vector<16xf32>
        %add3A_1425 = arith.constant 25 : i32
        %add3A_1426 = arith.addi %mul3A_738, %add3A_1425 : i32
        %get3A_1427 = arith.index_cast %add3A_1426 : i32 to index
        %get3A_1428 = arith.constant 0 : index
        %get3A_1429 = tpu.vector_load %arg14[%get3A_1427, %get3A_1428] {strides = array<i32>} : memref<1600x32xf32, #tpu.memory_space<vmem>>, vector<16xf32>,
        %add3A_1430 = arith.constant 25 : i32
        %add3A_1431 = arith.addi %mul3A_738, %add3A_1430 : i32
        %get3A_1432 = arith.index_cast %add3A_1431 : i32 to index
        %get3A_1433 = arith.constant 16 : index
        %get3A_1434 = tpu.vector_load %arg14[%get3A_1432, %get3A_1433] {strides = array<i32>} : memref<1600x32xf32, #tpu.memory_space<vmem>>, vector<16xf32>,
        %mul3A_1435 = arith.mulf %gather3A_1424, %get3A_1429 : vector<16xf32>
        %add3A_1436 = arith.addf %add3A_1384, %mul3A_1435 : vector<16xf32>
        %mul3A_1437 = arith.mulf %gather3A_1424, %get3A_1434 : vector<16xf32>
        %add3A_1438 = arith.addf %add3A_1386, %mul3A_1437 : vector<16xf32>
        %broadcast_in_dim3A_1439 = arith.constant 10 : i32
        %broadcast_in_dim3A_1440 = vector.broadcast %broadcast_in_dim3A_1439 : i32 to vector<16xi32>
        %lt3A_1441 = arith.constant 0 : i32
        %lt3A_1442 = vector.broadcast %lt3A_1441 : i32 to vector<16xi32>
        %lt3A_1443 = arith.cmpi slt, %broadcast_in_dim3A_1440, %lt3A_1442 : vector<16xi32>
        %add3A_1444 = arith.constant 16 : i32
        %add3A_1445 = vector.broadcast %add3A_1444 : i32 to vector<16xi32>
        %add3A_1446 = arith.addi %broadcast_in_dim3A_1440, %add3A_1445 : vector<16xi32>
        %select_n3A_1447 = arith.select %lt3A_1443, %add3A_1446, %broadcast_in_dim3A_1440 : vector<16xi1>, vector<16xi32>
        %broadcast_in_dim3A_1448 = vector.shape_cast %select_n3A_1447 : vector<16xi32> to vector<16x1xi32>
        %gather3A_1449 = vector.shape_cast %broadcast_in_dim3A_1448 : vector<16x1xi32> to vector<16xi32>
        %gather3A_1450 = tpu.dynamic_gather %get3A_743[%gather3A_1449] in [0] : vector<16xf32>, vector<16xi32> -> vector<16xf32>
        %add3A_1451 = arith.constant 26 : i32
        %add3A_1452 = arith.addi %mul3A_738, %add3A_1451 : i32
        %get3A_1453 = arith.index_cast %add3A_1452 : i32 to index
        %get3A_1454 = arith.constant 0 : index
        %get3A_1455 = tpu.vector_load %arg14[%get3A_1453, %get3A_1454] {strides = array<i32>} : memref<1600x32xf32, #tpu.memory_space<vmem>>, vector<16xf32>,
        %add3A_1456 = arith.constant 26 : i32
        %add3A_1457 = arith.addi %mul3A_738, %add3A_1456 : i32
        %get3A_1458 = arith.index_cast %add3A_1457 : i32 to index
        %get3A_1459 = arith.constant 16 : index
        %get3A_1460 = tpu.vector_load %arg14[%get3A_1458, %get3A_1459] {strides = array<i32>} : memref<1600x32xf32, #tpu.memory_space<vmem>>, vector<16xf32>,
        %mul3A_1461 = arith.mulf %gather3A_1450, %get3A_1455 : vector<16xf32>
        %add3A_1462 = arith.addf %add3A_1410, %mul3A_1461 : vector<16xf32>
        %mul3A_1463 = arith.mulf %gather3A_1450, %get3A_1460 : vector<16xf32>
        %add3A_1464 = arith.addf %add3A_1412, %mul3A_1463 : vector<16xf32>
        %broadcast_in_dim3A_1465 = arith.constant 11 : i32
        %broadcast_in_dim3A_1466 = vector.broadcast %broadcast_in_dim3A_1465 : i32 to vector<16xi32>
        %lt3A_1467 = arith.constant 0 : i32
        %lt3A_1468 = vector.broadcast %lt3A_1467 : i32 to vector<16xi32>
        %lt3A_1469 = arith.cmpi slt, %broadcast_in_dim3A_1466, %lt3A_1468 : vector<16xi32>
        %add3A_1470 = arith.constant 16 : i32
        %add3A_1471 = vector.broadcast %add3A_1470 : i32 to vector<16xi32>
        %add3A_1472 = arith.addi %broadcast_in_dim3A_1466, %add3A_1471 : vector<16xi32>
        %select_n3A_1473 = arith.select %lt3A_1469, %add3A_1472, %broadcast_in_dim3A_1466 : vector<16xi1>, vector<16xi32>
        %broadcast_in_dim3A_1474 = vector.shape_cast %select_n3A_1473 : vector<16xi32> to vector<16x1xi32>
        %gather3A_1475 = vector.shape_cast %broadcast_in_dim3A_1474 : vector<16x1xi32> to vector<16xi32>
        %gather3A_1476 = tpu.dynamic_gather %get3A_743[%gather3A_1475] in [0] : vector<16xf32>, vector<16xi32> -> vector<16xf32>
        %add3A_1477 = arith.constant 27 : i32
        %add3A_1478 = arith.addi %mul3A_738, %add3A_1477 : i32
        %get3A_1479 = arith.index_cast %add3A_1478 : i32 to index
        %get3A_1480 = arith.constant 0 : index
        %get3A_1481 = tpu.vector_load %arg14[%get3A_1479, %get3A_1480] {strides = array<i32>} : memref<1600x32xf32, #tpu.memory_space<vmem>>, vector<16xf32>,
        %add3A_1482 = arith.constant 27 : i32
        %add3A_1483 = arith.addi %mul3A_738, %add3A_1482 : i32
        %get3A_1484 = arith.index_cast %add3A_1483 : i32 to index
        %get3A_1485 = arith.constant 16 : index
        %get3A_1486 = tpu.vector_load %arg14[%get3A_1484, %get3A_1485] {strides = array<i32>} : memref<1600x32xf32, #tpu.memory_space<vmem>>, vector<16xf32>,
        %mul3A_1487 = arith.mulf %gather3A_1476, %get3A_1481 : vector<16xf32>
        %add3A_1488 = arith.addf %add3A_1436, %mul3A_1487 : vector<16xf32>
        %mul3A_1489 = arith.mulf %gather3A_1476, %get3A_1486 : vector<16xf32>
        %add3A_1490 = arith.addf %add3A_1438, %mul3A_1489 : vector<16xf32>
        %broadcast_in_dim3A_1491 = arith.constant 12 : i32
        %broadcast_in_dim3A_1492 = vector.broadcast %broadcast_in_dim3A_1491 : i32 to vector<16xi32>
        %lt3A_1493 = arith.constant 0 : i32
        %lt3A_1494 = vector.broadcast %lt3A_1493 : i32 to vector<16xi32>
        %lt3A_1495 = arith.cmpi slt, %broadcast_in_dim3A_1492, %lt3A_1494 : vector<16xi32>
        %add3A_1496 = arith.constant 16 : i32
        %add3A_1497 = vector.broadcast %add3A_1496 : i32 to vector<16xi32>
        %add3A_1498 = arith.addi %broadcast_in_dim3A_1492, %add3A_1497 : vector<16xi32>
        %select_n3A_1499 = arith.select %lt3A_1495, %add3A_1498, %broadcast_in_dim3A_1492 : vector<16xi1>, vector<16xi32>
        %broadcast_in_dim3A_1500 = vector.shape_cast %select_n3A_1499 : vector<16xi32> to vector<16x1xi32>
        %gather3A_1501 = vector.shape_cast %broadcast_in_dim3A_1500 : vector<16x1xi32> to vector<16xi32>
        %gather3A_1502 = tpu.dynamic_gather %get3A_743[%gather3A_1501] in [0] : vector<16xf32>, vector<16xi32> -> vector<16xf32>
        %add3A_1503 = arith.constant 28 : i32
        %add3A_1504 = arith.addi %mul3A_738, %add3A_1503 : i32
        %get3A_1505 = arith.index_cast %add3A_1504 : i32 to index
        %get3A_1506 = arith.constant 0 : index
        %get3A_1507 = tpu.vector_load %arg14[%get3A_1505, %get3A_1506] {strides = array<i32>} : memref<1600x32xf32, #tpu.memory_space<vmem>>, vector<16xf32>,
        %add3A_1508 = arith.constant 28 : i32
        %add3A_1509 = arith.addi %mul3A_738, %add3A_1508 : i32
        %get3A_1510 = arith.index_cast %add3A_1509 : i32 to index
        %get3A_1511 = arith.constant 16 : index
        %get3A_1512 = tpu.vector_load %arg14[%get3A_1510, %get3A_1511] {strides = array<i32>} : memref<1600x32xf32, #tpu.memory_space<vmem>>, vector<16xf32>,
        %mul3A_1513 = arith.mulf %gather3A_1502, %get3A_1507 : vector<16xf32>
        %add3A_1514 = arith.addf %add3A_1462, %mul3A_1513 : vector<16xf32>
        %mul3A_1515 = arith.mulf %gather3A_1502, %get3A_1512 : vector<16xf32>
        %add3A_1516 = arith.addf %add3A_1464, %mul3A_1515 : vector<16xf32>
        %broadcast_in_dim3A_1517 = arith.constant 13 : i32
        %broadcast_in_dim3A_1518 = vector.broadcast %broadcast_in_dim3A_1517 : i32 to vector<16xi32>
        %lt3A_1519 = arith.constant 0 : i32
        %lt3A_1520 = vector.broadcast %lt3A_1519 : i32 to vector<16xi32>
        %lt3A_1521 = arith.cmpi slt, %broadcast_in_dim3A_1518, %lt3A_1520 : vector<16xi32>
        %add3A_1522 = arith.constant 16 : i32
        %add3A_1523 = vector.broadcast %add3A_1522 : i32 to vector<16xi32>
        %add3A_1524 = arith.addi %broadcast_in_dim3A_1518, %add3A_1523 : vector<16xi32>
        %select_n3A_1525 = arith.select %lt3A_1521, %add3A_1524, %broadcast_in_dim3A_1518 : vector<16xi1>, vector<16xi32>
        %broadcast_in_dim3A_1526 = vector.shape_cast %select_n3A_1525 : vector<16xi32> to vector<16x1xi32>
        %gather3A_1527 = vector.shape_cast %broadcast_in_dim3A_1526 : vector<16x1xi32> to vector<16xi32>
        %gather3A_1528 = tpu.dynamic_gather %get3A_743[%gather3A_1527] in [0] : vector<16xf32>, vector<16xi32> -> vector<16xf32>
        %add3A_1529 = arith.constant 29 : i32
        %add3A_1530 = arith.addi %mul3A_738, %add3A_1529 : i32
        %get3A_1531 = arith.index_cast %add3A_1530 : i32 to index
        %get3A_1532 = arith.constant 0 : index
        %get3A_1533 = tpu.vector_load %arg14[%get3A_1531, %get3A_1532] {strides = array<i32>} : memref<1600x32xf32, #tpu.memory_space<vmem>>, vector<16xf32>,
        %add3A_1534 = arith.constant 29 : i32
        %add3A_1535 = arith.addi %mul3A_738, %add3A_1534 : i32
        %get3A_1536 = arith.index_cast %add3A_1535 : i32 to index
        %get3A_1537 = arith.constant 16 : index
        %get3A_1538 = tpu.vector_load %arg14[%get3A_1536, %get3A_1537] {strides = array<i32>} : memref<1600x32xf32, #tpu.memory_space<vmem>>, vector<16xf32>,
        %mul3A_1539 = arith.mulf %gather3A_1528, %get3A_1533 : vector<16xf32>
        %add3A_1540 = arith.addf %add3A_1488, %mul3A_1539 : vector<16xf32>
        %mul3A_1541 = arith.mulf %gather3A_1528, %get3A_1538 : vector<16xf32>
        %add3A_1542 = arith.addf %add3A_1490, %mul3A_1541 : vector<16xf32>
        %broadcast_in_dim3A_1543 = arith.constant 14 : i32
        %broadcast_in_dim3A_1544 = vector.broadcast %broadcast_in_dim3A_1543 : i32 to vector<16xi32>
        %lt3A_1545 = arith.constant 0 : i32
        %lt3A_1546 = vector.broadcast %lt3A_1545 : i32 to vector<16xi32>
        %lt3A_1547 = arith.cmpi slt, %broadcast_in_dim3A_1544, %lt3A_1546 : vector<16xi32>
        %add3A_1548 = arith.constant 16 : i32
        %add3A_1549 = vector.broadcast %add3A_1548 : i32 to vector<16xi32>
        %add3A_1550 = arith.addi %broadcast_in_dim3A_1544, %add3A_1549 : vector<16xi32>
        %select_n3A_1551 = arith.select %lt3A_1547, %add3A_1550, %broadcast_in_dim3A_1544 : vector<16xi1>, vector<16xi32>
        %broadcast_in_dim3A_1552 = vector.shape_cast %select_n3A_1551 : vector<16xi32> to vector<16x1xi32>
        %gather3A_1553 = vector.shape_cast %broadcast_in_dim3A_1552 : vector<16x1xi32> to vector<16xi32>
        %gather3A_1554 = tpu.dynamic_gather %get3A_743[%gather3A_1553] in [0] : vector<16xf32>, vector<16xi32> -> vector<16xf32>
        %add3A_1555 = arith.constant 30 : i32
        %add3A_1556 = arith.addi %mul3A_738, %add3A_1555 : i32
        %get3A_1557 = arith.index_cast %add3A_1556 : i32 to index
        %get3A_1558 = arith.constant 0 : index
        %get3A_1559 = tpu.vector_load %arg14[%get3A_1557, %get3A_1558] {strides = array<i32>} : memref<1600x32xf32, #tpu.memory_space<vmem>>, vector<16xf32>,
        %add3A_1560 = arith.constant 30 : i32
        %add3A_1561 = arith.addi %mul3A_738, %add3A_1560 : i32
        %get3A_1562 = arith.index_cast %add3A_1561 : i32 to index
        %get3A_1563 = arith.constant 16 : index
        %get3A_1564 = tpu.vector_load %arg14[%get3A_1562, %get3A_1563] {strides = array<i32>} : memref<1600x32xf32, #tpu.memory_space<vmem>>, vector<16xf32>,
        %mul3A_1565 = arith.mulf %gather3A_1554, %get3A_1559 : vector<16xf32>
        %add3A_1566 = arith.addf %add3A_1514, %mul3A_1565 : vector<16xf32>
        %mul3A_1567 = arith.mulf %gather3A_1554, %get3A_1564 : vector<16xf32>
        %add3A_1568 = arith.addf %add3A_1516, %mul3A_1567 : vector<16xf32>
        %broadcast_in_dim3A_1569 = arith.constant 15 : i32
        %broadcast_in_dim3A_1570 = vector.broadcast %broadcast_in_dim3A_1569 : i32 to vector<16xi32>
        %lt3A_1571 = arith.constant 0 : i32
        %lt3A_1572 = vector.broadcast %lt3A_1571 : i32 to vector<16xi32>
        %lt3A_1573 = arith.cmpi slt, %broadcast_in_dim3A_1570, %lt3A_1572 : vector<16xi32>
        %add3A_1574 = arith.constant 16 : i32
        %add3A_1575 = vector.broadcast %add3A_1574 : i32 to vector<16xi32>
        %add3A_1576 = arith.addi %broadcast_in_dim3A_1570, %add3A_1575 : vector<16xi32>
        %select_n3A_1577 = arith.select %lt3A_1573, %add3A_1576, %broadcast_in_dim3A_1570 : vector<16xi1>, vector<16xi32>
        %broadcast_in_dim3A_1578 = vector.shape_cast %select_n3A_1577 : vector<16xi32> to vector<16x1xi32>
        %gather3A_1579 = vector.shape_cast %broadcast_in_dim3A_1578 : vector<16x1xi32> to vector<16xi32>
        %gather3A_1580 = tpu.dynamic_gather %get3A_743[%gather3A_1579] in [0] : vector<16xf32>, vector<16xi32> -> vector<16xf32>
        %add3A_1581 = arith.constant 31 : i32
        %add3A_1582 = arith.addi %mul3A_738, %add3A_1581 : i32
        %get3A_1583 = arith.index_cast %add3A_1582 : i32 to index
        %get3A_1584 = arith.constant 0 : index
        %get3A_1585 = tpu.vector_load %arg14[%get3A_1583, %get3A_1584] {strides = array<i32>} : memref<1600x32xf32, #tpu.memory_space<vmem>>, vector<16xf32>,
        %add3A_1586 = arith.constant 31 : i32
        %add3A_1587 = arith.addi %mul3A_738, %add3A_1586 : i32
        %get3A_1588 = arith.index_cast %add3A_1587 : i32 to index
        %get3A_1589 = arith.constant 16 : index
        %get3A_1590 = tpu.vector_load %arg14[%get3A_1588, %get3A_1589] {strides = array<i32>} : memref<1600x32xf32, #tpu.memory_space<vmem>>, vector<16xf32>,
        %mul3A_1591 = arith.mulf %gather3A_1580, %get3A_1585 : vector<16xf32>
        %add3A_1592 = arith.addf %add3A_1540, %mul3A_1591 : vector<16xf32>
        %mul3A_1593 = arith.mulf %gather3A_1580, %get3A_1590 : vector<16xf32>
        %add3A_1594 = arith.addf %add3A_1542, %mul3A_1593 : vector<16xf32>
        %broadcast_in_dim3A_1595 = arith.constant 0 : i32
        %broadcast_in_dim3A_1596 = vector.broadcast %broadcast_in_dim3A_1595 : i32 to vector<16xi32>
        %lt3A_1597 = arith.constant 0 : i32
        %lt3A_1598 = vector.broadcast %lt3A_1597 : i32 to vector<16xi32>
        %lt3A_1599 = arith.cmpi slt, %broadcast_in_dim3A_1596, %lt3A_1598 : vector<16xi32>
        %add3A_1600 = arith.constant 16 : i32
        %add3A_1601 = vector.broadcast %add3A_1600 : i32 to vector<16xi32>
        %add3A_1602 = arith.addi %broadcast_in_dim3A_1596, %add3A_1601 : vector<16xi32>
        %select_n3A_1603 = arith.select %lt3A_1599, %add3A_1602, %broadcast_in_dim3A_1596 : vector<16xi1>, vector<16xi32>
        %broadcast_in_dim3A_1604 = vector.shape_cast %select_n3A_1603 : vector<16xi32> to vector<16x1xi32>
        %gather3A_1605 = vector.shape_cast %broadcast_in_dim3A_1604 : vector<16x1xi32> to vector<16xi32>
        %gather3A_1606 = tpu.dynamic_gather %get3A_746[%gather3A_1605] in [0] : vector<16xf32>, vector<16xi32> -> vector<16xf32>
        %add3A_1607 = arith.constant 32 : i32
        %add3A_1608 = arith.addi %mul3A_738, %add3A_1607 : i32
        %get3A_1609 = arith.index_cast %add3A_1608 : i32 to index
        %get3A_1610 = arith.constant 0 : index
        %get3A_1611 = tpu.vector_load %arg14[%get3A_1609, %get3A_1610] {strides = array<i32>} : memref<1600x32xf32, #tpu.memory_space<vmem>>, vector<16xf32>,
        %add3A_1612 = arith.constant 32 : i32
        %add3A_1613 = arith.addi %mul3A_738, %add3A_1612 : i32
        %get3A_1614 = arith.index_cast %add3A_1613 : i32 to index
        %get3A_1615 = arith.constant 16 : index
        %get3A_1616 = tpu.vector_load %arg14[%get3A_1614, %get3A_1615] {strides = array<i32>} : memref<1600x32xf32, #tpu.memory_space<vmem>>, vector<16xf32>,
        %mul3A_1617 = arith.mulf %gather3A_1606, %get3A_1611 : vector<16xf32>
        %add3A_1618 = arith.addf %add3A_1566, %mul3A_1617 : vector<16xf32>
        %mul3A_1619 = arith.mulf %gather3A_1606, %get3A_1616 : vector<16xf32>
        %add3A_1620 = arith.addf %add3A_1568, %mul3A_1619 : vector<16xf32>
        %broadcast_in_dim3A_1621 = arith.constant 1 : i32
        %broadcast_in_dim3A_1622 = vector.broadcast %broadcast_in_dim3A_1621 : i32 to vector<16xi32>
        %lt3A_1623 = arith.constant 0 : i32
        %lt3A_1624 = vector.broadcast %lt3A_1623 : i32 to vector<16xi32>
        %lt3A_1625 = arith.cmpi slt, %broadcast_in_dim3A_1622, %lt3A_1624 : vector<16xi32>
        %add3A_1626 = arith.constant 16 : i32
        %add3A_1627 = vector.broadcast %add3A_1626 : i32 to vector<16xi32>
        %add3A_1628 = arith.addi %broadcast_in_dim3A_1622, %add3A_1627 : vector<16xi32>
        %select_n3A_1629 = arith.select %lt3A_1625, %add3A_1628, %broadcast_in_dim3A_1622 : vector<16xi1>, vector<16xi32>
        %broadcast_in_dim3A_1630 = vector.shape_cast %select_n3A_1629 : vector<16xi32> to vector<16x1xi32>
        %gather3A_1631 = vector.shape_cast %broadcast_in_dim3A_1630 : vector<16x1xi32> to vector<16xi32>
        %gather3A_1632 = tpu.dynamic_gather %get3A_746[%gather3A_1631] in [0] : vector<16xf32>, vector<16xi32> -> vector<16xf32>
        %add3A_1633 = arith.constant 33 : i32
        %add3A_1634 = arith.addi %mul3A_738, %add3A_1633 : i32
        %get3A_1635 = arith.index_cast %add3A_1634 : i32 to index
        %get3A_1636 = arith.constant 0 : index
        %get3A_1637 = tpu.vector_load %arg14[%get3A_1635, %get3A_1636] {strides = array<i32>} : memref<1600x32xf32, #tpu.memory_space<vmem>>, vector<16xf32>,
        %add3A_1638 = arith.constant 33 : i32
        %add3A_1639 = arith.addi %mul3A_738, %add3A_1638 : i32
        %get3A_1640 = arith.index_cast %add3A_1639 : i32 to index
        %get3A_1641 = arith.constant 16 : index
        %get3A_1642 = tpu.vector_load %arg14[%get3A_1640, %get3A_1641] {strides = array<i32>} : memref<1600x32xf32, #tpu.memory_space<vmem>>, vector<16xf32>,
        %mul3A_1643 = arith.mulf %gather3A_1632, %get3A_1637 : vector<16xf32>
        %add3A_1644 = arith.addf %add3A_1592, %mul3A_1643 : vector<16xf32>
        %mul3A_1645 = arith.mulf %gather3A_1632, %get3A_1642 : vector<16xf32>
        %add3A_1646 = arith.addf %add3A_1594, %mul3A_1645 : vector<16xf32>
        %broadcast_in_dim3A_1647 = arith.constant 2 : i32
        %broadcast_in_dim3A_1648 = vector.broadcast %broadcast_in_dim3A_1647 : i32 to vector<16xi32>
        %lt3A_1649 = arith.constant 0 : i32
        %lt3A_1650 = vector.broadcast %lt3A_1649 : i32 to vector<16xi32>
        %lt3A_1651 = arith.cmpi slt, %broadcast_in_dim3A_1648, %lt3A_1650 : vector<16xi32>
        %add3A_1652 = arith.constant 16 : i32
        %add3A_1653 = vector.broadcast %add3A_1652 : i32 to vector<16xi32>
        %add3A_1654 = arith.addi %broadcast_in_dim3A_1648, %add3A_1653 : vector<16xi32>
        %select_n3A_1655 = arith.select %lt3A_1651, %add3A_1654, %broadcast_in_dim3A_1648 : vector<16xi1>, vector<16xi32>
        %broadcast_in_dim3A_1656 = vector.shape_cast %select_n3A_1655 : vector<16xi32> to vector<16x1xi32>
        %gather3A_1657 = vector.shape_cast %broadcast_in_dim3A_1656 : vector<16x1xi32> to vector<16xi32>
        %gather3A_1658 = tpu.dynamic_gather %get3A_746[%gather3A_1657] in [0] : vector<16xf32>, vector<16xi32> -> vector<16xf32>
        %add3A_1659 = arith.constant 34 : i32
        %add3A_1660 = arith.addi %mul3A_738, %add3A_1659 : i32
        %get3A_1661 = arith.index_cast %add3A_1660 : i32 to index
        %get3A_1662 = arith.constant 0 : index
        %get3A_1663 = tpu.vector_load %arg14[%get3A_1661, %get3A_1662] {strides = array<i32>} : memref<1600x32xf32, #tpu.memory_space<vmem>>, vector<16xf32>,
        %add3A_1664 = arith.constant 34 : i32
        %add3A_1665 = arith.addi %mul3A_738, %add3A_1664 : i32
        %get3A_1666 = arith.index_cast %add3A_1665 : i32 to index
        %get3A_1667 = arith.constant 16 : index
        %get3A_1668 = tpu.vector_load %arg14[%get3A_1666, %get3A_1667] {strides = array<i32>} : memref<1600x32xf32, #tpu.memory_space<vmem>>, vector<16xf32>,
        %mul3A_1669 = arith.mulf %gather3A_1658, %get3A_1663 : vector<16xf32>
        %add3A_1670 = arith.addf %add3A_1618, %mul3A_1669 : vector<16xf32>
        %mul3A_1671 = arith.mulf %gather3A_1658, %get3A_1668 : vector<16xf32>
        %add3A_1672 = arith.addf %add3A_1620, %mul3A_1671 : vector<16xf32>
        %broadcast_in_dim3A_1673 = arith.constant 3 : i32
        %broadcast_in_dim3A_1674 = vector.broadcast %broadcast_in_dim3A_1673 : i32 to vector<16xi32>
        %lt3A_1675 = arith.constant 0 : i32
        %lt3A_1676 = vector.broadcast %lt3A_1675 : i32 to vector<16xi32>
        %lt3A_1677 = arith.cmpi slt, %broadcast_in_dim3A_1674, %lt3A_1676 : vector<16xi32>
        %add3A_1678 = arith.constant 16 : i32
        %add3A_1679 = vector.broadcast %add3A_1678 : i32 to vector<16xi32>
        %add3A_1680 = arith.addi %broadcast_in_dim3A_1674, %add3A_1679 : vector<16xi32>
        %select_n3A_1681 = arith.select %lt3A_1677, %add3A_1680, %broadcast_in_dim3A_1674 : vector<16xi1>, vector<16xi32>
        %broadcast_in_dim3A_1682 = vector.shape_cast %select_n3A_1681 : vector<16xi32> to vector<16x1xi32>
        %gather3A_1683 = vector.shape_cast %broadcast_in_dim3A_1682 : vector<16x1xi32> to vector<16xi32>
        %gather3A_1684 = tpu.dynamic_gather %get3A_746[%gather3A_1683] in [0] : vector<16xf32>, vector<16xi32> -> vector<16xf32>
        %add3A_1685 = arith.constant 35 : i32
        %add3A_1686 = arith.addi %mul3A_738, %add3A_1685 : i32
        %get3A_1687 = arith.index_cast %add3A_1686 : i32 to index
        %get3A_1688 = arith.constant 0 : index
        %get3A_1689 = tpu.vector_load %arg14[%get3A_1687, %get3A_1688] {strides = array<i32>} : memref<1600x32xf32, #tpu.memory_space<vmem>>, vector<16xf32>,
        %add3A_1690 = arith.constant 35 : i32
        %add3A_1691 = arith.addi %mul3A_738, %add3A_1690 : i32
        %get3A_1692 = arith.index_cast %add3A_1691 : i32 to index
        %get3A_1693 = arith.constant 16 : index
        %get3A_1694 = tpu.vector_load %arg14[%get3A_1692, %get3A_1693] {strides = array<i32>} : memref<1600x32xf32, #tpu.memory_space<vmem>>, vector<16xf32>,
        %mul3A_1695 = arith.mulf %gather3A_1684, %get3A_1689 : vector<16xf32>
        %add3A_1696 = arith.addf %add3A_1644, %mul3A_1695 : vector<16xf32>
        %mul3A_1697 = arith.mulf %gather3A_1684, %get3A_1694 : vector<16xf32>
        %add3A_1698 = arith.addf %add3A_1646, %mul3A_1697 : vector<16xf32>
        %broadcast_in_dim3A_1699 = arith.constant 4 : i32
        %broadcast_in_dim3A_1700 = vector.broadcast %broadcast_in_dim3A_1699 : i32 to vector<16xi32>
        %lt3A_1701 = arith.constant 0 : i32
        %lt3A_1702 = vector.broadcast %lt3A_1701 : i32 to vector<16xi32>
        %lt3A_1703 = arith.cmpi slt, %broadcast_in_dim3A_1700, %lt3A_1702 : vector<16xi32>
        %add3A_1704 = arith.constant 16 : i32
        %add3A_1705 = vector.broadcast %add3A_1704 : i32 to vector<16xi32>
        %add3A_1706 = arith.addi %broadcast_in_dim3A_1700, %add3A_1705 : vector<16xi32>
        %select_n3A_1707 = arith.select %lt3A_1703, %add3A_1706, %broadcast_in_dim3A_1700 : vector<16xi1>, vector<16xi32>
        %broadcast_in_dim3A_1708 = vector.shape_cast %select_n3A_1707 : vector<16xi32> to vector<16x1xi32>
        %gather3A_1709 = vector.shape_cast %broadcast_in_dim3A_1708 : vector<16x1xi32> to vector<16xi32>
        %gather3A_1710 = tpu.dynamic_gather %get3A_746[%gather3A_1709] in [0] : vector<16xf32>, vector<16xi32> -> vector<16xf32>
        %add3A_1711 = arith.constant 36 : i32
        %add3A_1712 = arith.addi %mul3A_738, %add3A_1711 : i32
        %get3A_1713 = arith.index_cast %add3A_1712 : i32 to index
        %get3A_1714 = arith.constant 0 : index
        %get3A_1715 = tpu.vector_load %arg14[%get3A_1713, %get3A_1714] {strides = array<i32>} : memref<1600x32xf32, #tpu.memory_space<vmem>>, vector<16xf32>,
        %add3A_1716 = arith.constant 36 : i32
        %add3A_1717 = arith.addi %mul3A_738, %add3A_1716 : i32
        %get3A_1718 = arith.index_cast %add3A_1717 : i32 to index
        %get3A_1719 = arith.constant 16 : index
        %get3A_1720 = tpu.vector_load %arg14[%get3A_1718, %get3A_1719] {strides = array<i32>} : memref<1600x32xf32, #tpu.memory_space<vmem>>, vector<16xf32>,
        %mul3A_1721 = arith.mulf %gather3A_1710, %get3A_1715 : vector<16xf32>
        %add3A_1722 = arith.addf %add3A_1670, %mul3A_1721 : vector<16xf32>
        %mul3A_1723 = arith.mulf %gather3A_1710, %get3A_1720 : vector<16xf32>
        %add3A_1724 = arith.addf %add3A_1672, %mul3A_1723 : vector<16xf32>
        %broadcast_in_dim3A_1725 = arith.constant 5 : i32
        %broadcast_in_dim3A_1726 = vector.broadcast %broadcast_in_dim3A_1725 : i32 to vector<16xi32>
        %lt3A_1727 = arith.constant 0 : i32
        %lt3A_1728 = vector.broadcast %lt3A_1727 : i32 to vector<16xi32>
        %lt3A_1729 = arith.cmpi slt, %broadcast_in_dim3A_1726, %lt3A_1728 : vector<16xi32>
        %add3A_1730 = arith.constant 16 : i32
        %add3A_1731 = vector.broadcast %add3A_1730 : i32 to vector<16xi32>
        %add3A_1732 = arith.addi %broadcast_in_dim3A_1726, %add3A_1731 : vector<16xi32>
        %select_n3A_1733 = arith.select %lt3A_1729, %add3A_1732, %broadcast_in_dim3A_1726 : vector<16xi1>, vector<16xi32>
        %broadcast_in_dim3A_1734 = vector.shape_cast %select_n3A_1733 : vector<16xi32> to vector<16x1xi32>
        %gather3A_1735 = vector.shape_cast %broadcast_in_dim3A_1734 : vector<16x1xi32> to vector<16xi32>
        %gather3A_1736 = tpu.dynamic_gather %get3A_746[%gather3A_1735] in [0] : vector<16xf32>, vector<16xi32> -> vector<16xf32>
        %add3A_1737 = arith.constant 37 : i32
        %add3A_1738 = arith.addi %mul3A_738, %add3A_1737 : i32
        %get3A_1739 = arith.index_cast %add3A_1738 : i32 to index
        %get3A_1740 = arith.constant 0 : index
        %get3A_1741 = tpu.vector_load %arg14[%get3A_1739, %get3A_1740] {strides = array<i32>} : memref<1600x32xf32, #tpu.memory_space<vmem>>, vector<16xf32>,
        %add3A_1742 = arith.constant 37 : i32
        %add3A_1743 = arith.addi %mul3A_738, %add3A_1742 : i32
        %get3A_1744 = arith.index_cast %add3A_1743 : i32 to index
        %get3A_1745 = arith.constant 16 : index
        %get3A_1746 = tpu.vector_load %arg14[%get3A_1744, %get3A_1745] {strides = array<i32>} : memref<1600x32xf32, #tpu.memory_space<vmem>>, vector<16xf32>,
        %mul3A_1747 = arith.mulf %gather3A_1736, %get3A_1741 : vector<16xf32>
        %add3A_1748 = arith.addf %add3A_1696, %mul3A_1747 : vector<16xf32>
        %mul3A_1749 = arith.mulf %gather3A_1736, %get3A_1746 : vector<16xf32>
        %add3A_1750 = arith.addf %add3A_1698, %mul3A_1749 : vector<16xf32>
        %broadcast_in_dim3A_1751 = arith.constant 6 : i32
        %broadcast_in_dim3A_1752 = vector.broadcast %broadcast_in_dim3A_1751 : i32 to vector<16xi32>
        %lt3A_1753 = arith.constant 0 : i32
        %lt3A_1754 = vector.broadcast %lt3A_1753 : i32 to vector<16xi32>
        %lt3A_1755 = arith.cmpi slt, %broadcast_in_dim3A_1752, %lt3A_1754 : vector<16xi32>
        %add3A_1756 = arith.constant 16 : i32
        %add3A_1757 = vector.broadcast %add3A_1756 : i32 to vector<16xi32>
        %add3A_1758 = arith.addi %broadcast_in_dim3A_1752, %add3A_1757 : vector<16xi32>
        %select_n3A_1759 = arith.select %lt3A_1755, %add3A_1758, %broadcast_in_dim3A_1752 : vector<16xi1>, vector<16xi32>
        %broadcast_in_dim3A_1760 = vector.shape_cast %select_n3A_1759 : vector<16xi32> to vector<16x1xi32>
        %gather3A_1761 = vector.shape_cast %broadcast_in_dim3A_1760 : vector<16x1xi32> to vector<16xi32>
        %gather3A_1762 = tpu.dynamic_gather %get3A_746[%gather3A_1761] in [0] : vector<16xf32>, vector<16xi32> -> vector<16xf32>
        %add3A_1763 = arith.constant 38 : i32
        %add3A_1764 = arith.addi %mul3A_738, %add3A_1763 : i32
        %get3A_1765 = arith.index_cast %add3A_1764 : i32 to index
        %get3A_1766 = arith.constant 0 : index
        %get3A_1767 = tpu.vector_load %arg14[%get3A_1765, %get3A_1766] {strides = array<i32>} : memref<1600x32xf32, #tpu.memory_space<vmem>>, vector<16xf32>,
        %add3A_1768 = arith.constant 38 : i32
        %add3A_1769 = arith.addi %mul3A_738, %add3A_1768 : i32
        %get3A_1770 = arith.index_cast %add3A_1769 : i32 to index
        %get3A_1771 = arith.constant 16 : index
        %get3A_1772 = tpu.vector_load %arg14[%get3A_1770, %get3A_1771] {strides = array<i32>} : memref<1600x32xf32, #tpu.memory_space<vmem>>, vector<16xf32>,
        %mul3A_1773 = arith.mulf %gather3A_1762, %get3A_1767 : vector<16xf32>
        %add3A_1774 = arith.addf %add3A_1722, %mul3A_1773 : vector<16xf32>
        %mul3A_1775 = arith.mulf %gather3A_1762, %get3A_1772 : vector<16xf32>
        %add3A_1776 = arith.addf %add3A_1724, %mul3A_1775 : vector<16xf32>
        %broadcast_in_dim3A_1777 = arith.constant 7 : i32
        %broadcast_in_dim3A_1778 = vector.broadcast %broadcast_in_dim3A_1777 : i32 to vector<16xi32>
        %lt3A_1779 = arith.constant 0 : i32
        %lt3A_1780 = vector.broadcast %lt3A_1779 : i32 to vector<16xi32>
        %lt3A_1781 = arith.cmpi slt, %broadcast_in_dim3A_1778, %lt3A_1780 : vector<16xi32>
        %add3A_1782 = arith.constant 16 : i32
        %add3A_1783 = vector.broadcast %add3A_1782 : i32 to vector<16xi32>
        %add3A_1784 = arith.addi %broadcast_in_dim3A_1778, %add3A_1783 : vector<16xi32>
        %select_n3A_1785 = arith.select %lt3A_1781, %add3A_1784, %broadcast_in_dim3A_1778 : vector<16xi1>, vector<16xi32>
        %broadcast_in_dim3A_1786 = vector.shape_cast %select_n3A_1785 : vector<16xi32> to vector<16x1xi32>
        %gather3A_1787 = vector.shape_cast %broadcast_in_dim3A_1786 : vector<16x1xi32> to vector<16xi32>
        %gather3A_1788 = tpu.dynamic_gather %get3A_746[%gather3A_1787] in [0] : vector<16xf32>, vector<16xi32> -> vector<16xf32>
        %add3A_1789 = arith.constant 39 : i32
        %add3A_1790 = arith.addi %mul3A_738, %add3A_1789 : i32
        %get3A_1791 = arith.index_cast %add3A_1790 : i32 to index
        %get3A_1792 = arith.constant 0 : index
        %get3A_1793 = tpu.vector_load %arg14[%get3A_1791, %get3A_1792] {strides = array<i32>} : memref<1600x32xf32, #tpu.memory_space<vmem>>, vector<16xf32>,
        %add3A_1794 = arith.constant 39 : i32
        %add3A_1795 = arith.addi %mul3A_738, %add3A_1794 : i32
        %get3A_1796 = arith.index_cast %add3A_1795 : i32 to index
        %get3A_1797 = arith.constant 16 : index
        %get3A_1798 = tpu.vector_load %arg14[%get3A_1796, %get3A_1797] {strides = array<i32>} : memref<1600x32xf32, #tpu.memory_space<vmem>>, vector<16xf32>,
        %mul3A_1799 = arith.mulf %gather3A_1788, %get3A_1793 : vector<16xf32>
        %add3A_1800 = arith.addf %add3A_1748, %mul3A_1799 : vector<16xf32>
        %mul3A_1801 = arith.mulf %gather3A_1788, %get3A_1798 : vector<16xf32>
        %add3A_1802 = arith.addf %add3A_1750, %mul3A_1801 : vector<16xf32>
        %broadcast_in_dim3A_1803 = arith.constant 8 : i32
        %broadcast_in_dim3A_1804 = vector.broadcast %broadcast_in_dim3A_1803 : i32 to vector<16xi32>
        %lt3A_1805 = arith.constant 0 : i32
        %lt3A_1806 = vector.broadcast %lt3A_1805 : i32 to vector<16xi32>
        %lt3A_1807 = arith.cmpi slt, %broadcast_in_dim3A_1804, %lt3A_1806 : vector<16xi32>
        %add3A_1808 = arith.constant 16 : i32
        %add3A_1809 = vector.broadcast %add3A_1808 : i32 to vector<16xi32>
        %add3A_1810 = arith.addi %broadcast_in_dim3A_1804, %add3A_1809 : vector<16xi32>
        %select_n3A_1811 = arith.select %lt3A_1807, %add3A_1810, %broadcast_in_dim3A_1804 : vector<16xi1>, vector<16xi32>
        %broadcast_in_dim3A_1812 = vector.shape_cast %select_n3A_1811 : vector<16xi32> to vector<16x1xi32>
        %gather3A_1813 = vector.shape_cast %broadcast_in_dim3A_1812 : vector<16x1xi32> to vector<16xi32>
        %gather3A_1814 = tpu.dynamic_gather %get3A_746[%gather3A_1813] in [0] : vector<16xf32>, vector<16xi32> -> vector<16xf32>
        %add3A_1815 = arith.constant 40 : i32
        %add3A_1816 = arith.addi %mul3A_738, %add3A_1815 : i32
        %get3A_1817 = arith.index_cast %add3A_1816 : i32 to index
        %get3A_1818 = arith.constant 0 : index
        %get3A_1819 = tpu.vector_load %arg14[%get3A_1817, %get3A_1818] {strides = array<i32>} : memref<1600x32xf32, #tpu.memory_space<vmem>>, vector<16xf32>,
        %add3A_1820 = arith.constant 40 : i32
        %add3A_1821 = arith.addi %mul3A_738, %add3A_1820 : i32
        %get3A_1822 = arith.index_cast %add3A_1821 : i32 to index
        %get3A_1823 = arith.constant 16 : index
        %get3A_1824 = tpu.vector_load %arg14[%get3A_1822, %get3A_1823] {strides = array<i32>} : memref<1600x32xf32, #tpu.memory_space<vmem>>, vector<16xf32>,
        %mul3A_1825 = arith.mulf %gather3A_1814, %get3A_1819 : vector<16xf32>
        %add3A_1826 = arith.addf %add3A_1774, %mul3A_1825 : vector<16xf32>
        %mul3A_1827 = arith.mulf %gather3A_1814, %get3A_1824 : vector<16xf32>
        %add3A_1828 = arith.addf %add3A_1776, %mul3A_1827 : vector<16xf32>
        %broadcast_in_dim3A_1829 = arith.constant 9 : i32
        %broadcast_in_dim3A_1830 = vector.broadcast %broadcast_in_dim3A_1829 : i32 to vector<16xi32>
        %lt3A_1831 = arith.constant 0 : i32
        %lt3A_1832 = vector.broadcast %lt3A_1831 : i32 to vector<16xi32>
        %lt3A_1833 = arith.cmpi slt, %broadcast_in_dim3A_1830, %lt3A_1832 : vector<16xi32>
        %add3A_1834 = arith.constant 16 : i32
        %add3A_1835 = vector.broadcast %add3A_1834 : i32 to vector<16xi32>
        %add3A_1836 = arith.addi %broadcast_in_dim3A_1830, %add3A_1835 : vector<16xi32>
        %select_n3A_1837 = arith.select %lt3A_1833, %add3A_1836, %broadcast_in_dim3A_1830 : vector<16xi1>, vector<16xi32>
        %broadcast_in_dim3A_1838 = vector.shape_cast %select_n3A_1837 : vector<16xi32> to vector<16x1xi32>
        %gather3A_1839 = vector.shape_cast %broadcast_in_dim3A_1838 : vector<16x1xi32> to vector<16xi32>
        %gather3A_1840 = tpu.dynamic_gather %get3A_746[%gather3A_1839] in [0] : vector<16xf32>, vector<16xi32> -> vector<16xf32>
        %add3A_1841 = arith.constant 41 : i32
        %add3A_1842 = arith.addi %mul3A_738, %add3A_1841 : i32
        %get3A_1843 = arith.index_cast %add3A_1842 : i32 to index
        %get3A_1844 = arith.constant 0 : index
        %get3A_1845 = tpu.vector_load %arg14[%get3A_1843, %get3A_1844] {strides = array<i32>} : memref<1600x32xf32, #tpu.memory_space<vmem>>, vector<16xf32>,
        %add3A_1846 = arith.constant 41 : i32
        %add3A_1847 = arith.addi %mul3A_738, %add3A_1846 : i32
        %get3A_1848 = arith.index_cast %add3A_1847 : i32 to index
        %get3A_1849 = arith.constant 16 : index
        %get3A_1850 = tpu.vector_load %arg14[%get3A_1848, %get3A_1849] {strides = array<i32>} : memref<1600x32xf32, #tpu.memory_space<vmem>>, vector<16xf32>,
        %mul3A_1851 = arith.mulf %gather3A_1840, %get3A_1845 : vector<16xf32>
        %add3A_1852 = arith.addf %add3A_1800, %mul3A_1851 : vector<16xf32>
        %mul3A_1853 = arith.mulf %gather3A_1840, %get3A_1850 : vector<16xf32>
        %add3A_1854 = arith.addf %add3A_1802, %mul3A_1853 : vector<16xf32>
        %broadcast_in_dim3A_1855 = arith.constant 10 : i32
        %broadcast_in_dim3A_1856 = vector.broadcast %broadcast_in_dim3A_1855 : i32 to vector<16xi32>
        %lt3A_1857 = arith.constant 0 : i32
        %lt3A_1858 = vector.broadcast %lt3A_1857 : i32 to vector<16xi32>
        %lt3A_1859 = arith.cmpi slt, %broadcast_in_dim3A_1856, %lt3A_1858 : vector<16xi32>
        %add3A_1860 = arith.constant 16 : i32
        %add3A_1861 = vector.broadcast %add3A_1860 : i32 to vector<16xi32>
        %add3A_1862 = arith.addi %broadcast_in_dim3A_1856, %add3A_1861 : vector<16xi32>
        %select_n3A_1863 = arith.select %lt3A_1859, %add3A_1862, %broadcast_in_dim3A_1856 : vector<16xi1>, vector<16xi32>
        %broadcast_in_dim3A_1864 = vector.shape_cast %select_n3A_1863 : vector<16xi32> to vector<16x1xi32>
        %gather3A_1865 = vector.shape_cast %broadcast_in_dim3A_1864 : vector<16x1xi32> to vector<16xi32>
        %gather3A_1866 = tpu.dynamic_gather %get3A_746[%gather3A_1865] in [0] : vector<16xf32>, vector<16xi32> -> vector<16xf32>
        %add3A_1867 = arith.constant 42 : i32
        %add3A_1868 = arith.addi %mul3A_738, %add3A_1867 : i32
        %get3A_1869 = arith.index_cast %add3A_1868 : i32 to index
        %get3A_1870 = arith.constant 0 : index
        %get3A_1871 = tpu.vector_load %arg14[%get3A_1869, %get3A_1870] {strides = array<i32>} : memref<1600x32xf32, #tpu.memory_space<vmem>>, vector<16xf32>,
        %add3A_1872 = arith.constant 42 : i32
        %add3A_1873 = arith.addi %mul3A_738, %add3A_1872 : i32
        %get3A_1874 = arith.index_cast %add3A_1873 : i32 to index
        %get3A_1875 = arith.constant 16 : index
        %get3A_1876 = tpu.vector_load %arg14[%get3A_1874, %get3A_1875] {strides = array<i32>} : memref<1600x32xf32, #tpu.memory_space<vmem>>, vector<16xf32>,
        %mul3A_1877 = arith.mulf %gather3A_1866, %get3A_1871 : vector<16xf32>
        %add3A_1878 = arith.addf %add3A_1826, %mul3A_1877 : vector<16xf32>
        %mul3A_1879 = arith.mulf %gather3A_1866, %get3A_1876 : vector<16xf32>
        %add3A_1880 = arith.addf %add3A_1828, %mul3A_1879 : vector<16xf32>
        %broadcast_in_dim3A_1881 = arith.constant 11 : i32
        %broadcast_in_dim3A_1882 = vector.broadcast %broadcast_in_dim3A_1881 : i32 to vector<16xi32>
        %lt3A_1883 = arith.constant 0 : i32
        %lt3A_1884 = vector.broadcast %lt3A_1883 : i32 to vector<16xi32>
        %lt3A_1885 = arith.cmpi slt, %broadcast_in_dim3A_1882, %lt3A_1884 : vector<16xi32>
        %add3A_1886 = arith.constant 16 : i32
        %add3A_1887 = vector.broadcast %add3A_1886 : i32 to vector<16xi32>
        %add3A_1888 = arith.addi %broadcast_in_dim3A_1882, %add3A_1887 : vector<16xi32>
        %select_n3A_1889 = arith.select %lt3A_1885, %add3A_1888, %broadcast_in_dim3A_1882 : vector<16xi1>, vector<16xi32>
        %broadcast_in_dim3A_1890 = vector.shape_cast %select_n3A_1889 : vector<16xi32> to vector<16x1xi32>
        %gather3A_1891 = vector.shape_cast %broadcast_in_dim3A_1890 : vector<16x1xi32> to vector<16xi32>
        %gather3A_1892 = tpu.dynamic_gather %get3A_746[%gather3A_1891] in [0] : vector<16xf32>, vector<16xi32> -> vector<16xf32>
        %add3A_1893 = arith.constant 43 : i32
        %add3A_1894 = arith.addi %mul3A_738, %add3A_1893 : i32
        %get3A_1895 = arith.index_cast %add3A_1894 : i32 to index
        %get3A_1896 = arith.constant 0 : index
        %get3A_1897 = tpu.vector_load %arg14[%get3A_1895, %get3A_1896] {strides = array<i32>} : memref<1600x32xf32, #tpu.memory_space<vmem>>, vector<16xf32>,
        %add3A_1898 = arith.constant 43 : i32
        %add3A_1899 = arith.addi %mul3A_738, %add3A_1898 : i32
        %get3A_1900 = arith.index_cast %add3A_1899 : i32 to index
        %get3A_1901 = arith.constant 16 : index
        %get3A_1902 = tpu.vector_load %arg14[%get3A_1900, %get3A_1901] {strides = array<i32>} : memref<1600x32xf32, #tpu.memory_space<vmem>>, vector<16xf32>,
        %mul3A_1903 = arith.mulf %gather3A_1892, %get3A_1897 : vector<16xf32>
        %add3A_1904 = arith.addf %add3A_1852, %mul3A_1903 : vector<16xf32>
        %mul3A_1905 = arith.mulf %gather3A_1892, %get3A_1902 : vector<16xf32>
        %add3A_1906 = arith.addf %add3A_1854, %mul3A_1905 : vector<16xf32>
        %broadcast_in_dim3A_1907 = arith.constant 12 : i32
        %broadcast_in_dim3A_1908 = vector.broadcast %broadcast_in_dim3A_1907 : i32 to vector<16xi32>
        %lt3A_1909 = arith.constant 0 : i32
        %lt3A_1910 = vector.broadcast %lt3A_1909 : i32 to vector<16xi32>
        %lt3A_1911 = arith.cmpi slt, %broadcast_in_dim3A_1908, %lt3A_1910 : vector<16xi32>
        %add3A_1912 = arith.constant 16 : i32
        %add3A_1913 = vector.broadcast %add3A_1912 : i32 to vector<16xi32>
        %add3A_1914 = arith.addi %broadcast_in_dim3A_1908, %add3A_1913 : vector<16xi32>
        %select_n3A_1915 = arith.select %lt3A_1911, %add3A_1914, %broadcast_in_dim3A_1908 : vector<16xi1>, vector<16xi32>
        %broadcast_in_dim3A_1916 = vector.shape_cast %select_n3A_1915 : vector<16xi32> to vector<16x1xi32>
        %gather3A_1917 = vector.shape_cast %broadcast_in_dim3A_1916 : vector<16x1xi32> to vector<16xi32>
        %gather3A_1918 = tpu.dynamic_gather %get3A_746[%gather3A_1917] in [0] : vector<16xf32>, vector<16xi32> -> vector<16xf32>
        %add3A_1919 = arith.constant 44 : i32
        %add3A_1920 = arith.addi %mul3A_738, %add3A_1919 : i32
        %get3A_1921 = arith.index_cast %add3A_1920 : i32 to index
        %get3A_1922 = arith.constant 0 : index
        %get3A_1923 = tpu.vector_load %arg14[%get3A_1921, %get3A_1922] {strides = array<i32>} : memref<1600x32xf32, #tpu.memory_space<vmem>>, vector<16xf32>,
        %add3A_1924 = arith.constant 44 : i32
        %add3A_1925 = arith.addi %mul3A_738, %add3A_1924 : i32
        %get3A_1926 = arith.index_cast %add3A_1925 : i32 to index
        %get3A_1927 = arith.constant 16 : index
        %get3A_1928 = tpu.vector_load %arg14[%get3A_1926, %get3A_1927] {strides = array<i32>} : memref<1600x32xf32, #tpu.memory_space<vmem>>, vector<16xf32>,
        %mul3A_1929 = arith.mulf %gather3A_1918, %get3A_1923 : vector<16xf32>
        %add3A_1930 = arith.addf %add3A_1878, %mul3A_1929 : vector<16xf32>
        %mul3A_1931 = arith.mulf %gather3A_1918, %get3A_1928 : vector<16xf32>
        %add3A_1932 = arith.addf %add3A_1880, %mul3A_1931 : vector<16xf32>
        %broadcast_in_dim3A_1933 = arith.constant 13 : i32
        %broadcast_in_dim3A_1934 = vector.broadcast %broadcast_in_dim3A_1933 : i32 to vector<16xi32>
        %lt3A_1935 = arith.constant 0 : i32
        %lt3A_1936 = vector.broadcast %lt3A_1935 : i32 to vector<16xi32>
        %lt3A_1937 = arith.cmpi slt, %broadcast_in_dim3A_1934, %lt3A_1936 : vector<16xi32>
        %add3A_1938 = arith.constant 16 : i32
        %add3A_1939 = vector.broadcast %add3A_1938 : i32 to vector<16xi32>
        %add3A_1940 = arith.addi %broadcast_in_dim3A_1934, %add3A_1939 : vector<16xi32>
        %select_n3A_1941 = arith.select %lt3A_1937, %add3A_1940, %broadcast_in_dim3A_1934 : vector<16xi1>, vector<16xi32>
        %broadcast_in_dim3A_1942 = vector.shape_cast %select_n3A_1941 : vector<16xi32> to vector<16x1xi32>
        %gather3A_1943 = vector.shape_cast %broadcast_in_dim3A_1942 : vector<16x1xi32> to vector<16xi32>
        %gather3A_1944 = tpu.dynamic_gather %get3A_746[%gather3A_1943] in [0] : vector<16xf32>, vector<16xi32> -> vector<16xf32>
        %add3A_1945 = arith.constant 45 : i32
        %add3A_1946 = arith.addi %mul3A_738, %add3A_1945 : i32
        %get3A_1947 = arith.index_cast %add3A_1946 : i32 to index
        %get3A_1948 = arith.constant 0 : index
        %get3A_1949 = tpu.vector_load %arg14[%get3A_1947, %get3A_1948] {strides = array<i32>} : memref<1600x32xf32, #tpu.memory_space<vmem>>, vector<16xf32>,
        %add3A_1950 = arith.constant 45 : i32
        %add3A_1951 = arith.addi %mul3A_738, %add3A_1950 : i32
        %get3A_1952 = arith.index_cast %add3A_1951 : i32 to index
        %get3A_1953 = arith.constant 16 : index
        %get3A_1954 = tpu.vector_load %arg14[%get3A_1952, %get3A_1953] {strides = array<i32>} : memref<1600x32xf32, #tpu.memory_space<vmem>>, vector<16xf32>,
        %mul3A_1955 = arith.mulf %gather3A_1944, %get3A_1949 : vector<16xf32>
        %add3A_1956 = arith.addf %add3A_1904, %mul3A_1955 : vector<16xf32>
        %mul3A_1957 = arith.mulf %gather3A_1944, %get3A_1954 : vector<16xf32>
        %add3A_1958 = arith.addf %add3A_1906, %mul3A_1957 : vector<16xf32>
        %broadcast_in_dim3A_1959 = arith.constant 14 : i32
        %broadcast_in_dim3A_1960 = vector.broadcast %broadcast_in_dim3A_1959 : i32 to vector<16xi32>
        %lt3A_1961 = arith.constant 0 : i32
        %lt3A_1962 = vector.broadcast %lt3A_1961 : i32 to vector<16xi32>
        %lt3A_1963 = arith.cmpi slt, %broadcast_in_dim3A_1960, %lt3A_1962 : vector<16xi32>
        %add3A_1964 = arith.constant 16 : i32
        %add3A_1965 = vector.broadcast %add3A_1964 : i32 to vector<16xi32>
        %add3A_1966 = arith.addi %broadcast_in_dim3A_1960, %add3A_1965 : vector<16xi32>
        %select_n3A_1967 = arith.select %lt3A_1963, %add3A_1966, %broadcast_in_dim3A_1960 : vector<16xi1>, vector<16xi32>
        %broadcast_in_dim3A_1968 = vector.shape_cast %select_n3A_1967 : vector<16xi32> to vector<16x1xi32>
        %gather3A_1969 = vector.shape_cast %broadcast_in_dim3A_1968 : vector<16x1xi32> to vector<16xi32>
        %gather3A_1970 = tpu.dynamic_gather %get3A_746[%gather3A_1969] in [0] : vector<16xf32>, vector<16xi32> -> vector<16xf32>
        %add3A_1971 = arith.constant 46 : i32
        %add3A_1972 = arith.addi %mul3A_738, %add3A_1971 : i32
        %get3A_1973 = arith.index_cast %add3A_1972 : i32 to index
        %get3A_1974 = arith.constant 0 : index
        %get3A_1975 = tpu.vector_load %arg14[%get3A_1973, %get3A_1974] {strides = array<i32>} : memref<1600x32xf32, #tpu.memory_space<vmem>>, vector<16xf32>,
        %add3A_1976 = arith.constant 46 : i32
        %add3A_1977 = arith.addi %mul3A_738, %add3A_1976 : i32
        %get3A_1978 = arith.index_cast %add3A_1977 : i32 to index
        %get3A_1979 = arith.constant 16 : index
        %get3A_1980 = tpu.vector_load %arg14[%get3A_1978, %get3A_1979] {strides = array<i32>} : memref<1600x32xf32, #tpu.memory_space<vmem>>, vector<16xf32>,
        %mul3A_1981 = arith.mulf %gather3A_1970, %get3A_1975 : vector<16xf32>
        %add3A_1982 = arith.addf %add3A_1930, %mul3A_1981 : vector<16xf32>
        %mul3A_1983 = arith.mulf %gather3A_1970, %get3A_1980 : vector<16xf32>
        %add3A_1984 = arith.addf %add3A_1932, %mul3A_1983 : vector<16xf32>
        %broadcast_in_dim3A_1985 = arith.constant 15 : i32
        %broadcast_in_dim3A_1986 = vector.broadcast %broadcast_in_dim3A_1985 : i32 to vector<16xi32>
        %lt3A_1987 = arith.constant 0 : i32
        %lt3A_1988 = vector.broadcast %lt3A_1987 : i32 to vector<16xi32>
        %lt3A_1989 = arith.cmpi slt, %broadcast_in_dim3A_1986, %lt3A_1988 : vector<16xi32>
        %add3A_1990 = arith.constant 16 : i32
        %add3A_1991 = vector.broadcast %add3A_1990 : i32 to vector<16xi32>
        %add3A_1992 = arith.addi %broadcast_in_dim3A_1986, %add3A_1991 : vector<16xi32>
        %select_n3A_1993 = arith.select %lt3A_1989, %add3A_1992, %broadcast_in_dim3A_1986 : vector<16xi1>, vector<16xi32>
        %broadcast_in_dim3A_1994 = vector.shape_cast %select_n3A_1993 : vector<16xi32> to vector<16x1xi32>
        %gather3A_1995 = vector.shape_cast %broadcast_in_dim3A_1994 : vector<16x1xi32> to vector<16xi32>
        %gather3A_1996 = tpu.dynamic_gather %get3A_746[%gather3A_1995] in [0] : vector<16xf32>, vector<16xi32> -> vector<16xf32>
        %add3A_1997 = arith.constant 47 : i32
        %add3A_1998 = arith.addi %mul3A_738, %add3A_1997 : i32
        %get3A_1999 = arith.index_cast %add3A_1998 : i32 to index
        %get3A_2000 = arith.constant 0 : index
        %get3A_2001 = tpu.vector_load %arg14[%get3A_1999, %get3A_2000] {strides = array<i32>} : memref<1600x32xf32, #tpu.memory_space<vmem>>, vector<16xf32>,
        %add3A_2002 = arith.constant 47 : i32
        %add3A_2003 = arith.addi %mul3A_738, %add3A_2002 : i32
        %get3A_2004 = arith.index_cast %add3A_2003 : i32 to index
        %get3A_2005 = arith.constant 16 : index
        %get3A_2006 = tpu.vector_load %arg14[%get3A_2004, %get3A_2005] {strides = array<i32>} : memref<1600x32xf32, #tpu.memory_space<vmem>>, vector<16xf32>,
        %mul3A_2007 = arith.mulf %gather3A_1996, %get3A_2001 : vector<16xf32>
        %add3A_2008 = arith.addf %add3A_1956, %mul3A_2007 : vector<16xf32>
        %mul3A_2009 = arith.mulf %gather3A_1996, %get3A_2006 : vector<16xf32>
        %add3A_2010 = arith.addf %add3A_1958, %mul3A_2009 : vector<16xf32>
        %broadcast_in_dim3A_2011 = arith.constant 0 : i32
        %broadcast_in_dim3A_2012 = vector.broadcast %broadcast_in_dim3A_2011 : i32 to vector<16xi32>
        %lt3A_2013 = arith.constant 0 : i32
        %lt3A_2014 = vector.broadcast %lt3A_2013 : i32 to vector<16xi32>
        %lt3A_2015 = arith.cmpi slt, %broadcast_in_dim3A_2012, %lt3A_2014 : vector<16xi32>
        %add3A_2016 = arith.constant 16 : i32
        %add3A_2017 = vector.broadcast %add3A_2016 : i32 to vector<16xi32>
        %add3A_2018 = arith.addi %broadcast_in_dim3A_2012, %add3A_2017 : vector<16xi32>
        %select_n3A_2019 = arith.select %lt3A_2015, %add3A_2018, %broadcast_in_dim3A_2012 : vector<16xi1>, vector<16xi32>
        %broadcast_in_dim3A_2020 = vector.shape_cast %select_n3A_2019 : vector<16xi32> to vector<16x1xi32>
        %gather3A_2021 = vector.shape_cast %broadcast_in_dim3A_2020 : vector<16x1xi32> to vector<16xi32>
        %gather3A_2022 = tpu.dynamic_gather %get3A_749[%gather3A_2021] in [0] : vector<16xf32>, vector<16xi32> -> vector<16xf32>
        %add3A_2023 = arith.constant 48 : i32
        %add3A_2024 = arith.addi %mul3A_738, %add3A_2023 : i32
        %get3A_2025 = arith.index_cast %add3A_2024 : i32 to index
        %get3A_2026 = arith.constant 0 : index
        %get3A_2027 = tpu.vector_load %arg14[%get3A_2025, %get3A_2026] {strides = array<i32>} : memref<1600x32xf32, #tpu.memory_space<vmem>>, vector<16xf32>,
        %add3A_2028 = arith.constant 48 : i32
        %add3A_2029 = arith.addi %mul3A_738, %add3A_2028 : i32
        %get3A_2030 = arith.index_cast %add3A_2029 : i32 to index
        %get3A_2031 = arith.constant 16 : index
        %get3A_2032 = tpu.vector_load %arg14[%get3A_2030, %get3A_2031] {strides = array<i32>} : memref<1600x32xf32, #tpu.memory_space<vmem>>, vector<16xf32>,
        %mul3A_2033 = arith.mulf %gather3A_2022, %get3A_2027 : vector<16xf32>
        %add3A_2034 = arith.addf %add3A_1982, %mul3A_2033 : vector<16xf32>
        %mul3A_2035 = arith.mulf %gather3A_2022, %get3A_2032 : vector<16xf32>
        %add3A_2036 = arith.addf %add3A_1984, %mul3A_2035 : vector<16xf32>
        %broadcast_in_dim3A_2037 = arith.constant 1 : i32
        %broadcast_in_dim3A_2038 = vector.broadcast %broadcast_in_dim3A_2037 : i32 to vector<16xi32>
        %lt3A_2039 = arith.constant 0 : i32
        %lt3A_2040 = vector.broadcast %lt3A_2039 : i32 to vector<16xi32>
        %lt3A_2041 = arith.cmpi slt, %broadcast_in_dim3A_2038, %lt3A_2040 : vector<16xi32>
        %add3A_2042 = arith.constant 16 : i32
        %add3A_2043 = vector.broadcast %add3A_2042 : i32 to vector<16xi32>
        %add3A_2044 = arith.addi %broadcast_in_dim3A_2038, %add3A_2043 : vector<16xi32>
        %select_n3A_2045 = arith.select %lt3A_2041, %add3A_2044, %broadcast_in_dim3A_2038 : vector<16xi1>, vector<16xi32>
        %broadcast_in_dim3A_2046 = vector.shape_cast %select_n3A_2045 : vector<16xi32> to vector<16x1xi32>
        %gather3A_2047 = vector.shape_cast %broadcast_in_dim3A_2046 : vector<16x1xi32> to vector<16xi32>
        %gather3A_2048 = tpu.dynamic_gather %get3A_749[%gather3A_2047] in [0] : vector<16xf32>, vector<16xi32> -> vector<16xf32>
        %add3A_2049 = arith.constant 49 : i32
        %add3A_2050 = arith.addi %mul3A_738, %add3A_2049 : i32
        %get3A_2051 = arith.index_cast %add3A_2050 : i32 to index
        %get3A_2052 = arith.constant 0 : index
        %get3A_2053 = tpu.vector_load %arg14[%get3A_2051, %get3A_2052] {strides = array<i32>} : memref<1600x32xf32, #tpu.memory_space<vmem>>, vector<16xf32>,
        %add3A_2054 = arith.constant 49 : i32
        %add3A_2055 = arith.addi %mul3A_738, %add3A_2054 : i32
        %get3A_2056 = arith.index_cast %add3A_2055 : i32 to index
        %get3A_2057 = arith.constant 16 : index
        %get3A_2058 = tpu.vector_load %arg14[%get3A_2056, %get3A_2057] {strides = array<i32>} : memref<1600x32xf32, #tpu.memory_space<vmem>>, vector<16xf32>,
        %mul3A_2059 = arith.mulf %gather3A_2048, %get3A_2053 : vector<16xf32>
        %add3A_2060 = arith.addf %add3A_2008, %mul3A_2059 : vector<16xf32>
        %mul3A_2061 = arith.mulf %gather3A_2048, %get3A_2058 : vector<16xf32>
        %add3A_2062 = arith.addf %add3A_2010, %mul3A_2061 : vector<16xf32>
        %get3A_2063 = arith.index_cast %scan3A_736 : i32 to index
        %get3A_2064 = arith.constant 0 : index
        %get3A_2065 = tpu.vector_load %arg16[%get3A_2063, %get3A_2064] {strides = array<i32>} : memref<32x32xf32, #tpu.memory_space<vmem>>, vector<16xf32>,
        %swap3A = arith.index_cast %scan3A_736 : i32 to index
        %swap3A_2066 = arith.constant 0 : index
        %swap3A_2067 = tpu.vector_load %arg18[%swap3A, %swap3A_2066] {strides = array<i32>} : memref<32x64xf32, #tpu.memory_space<vmem>>, vector<16xf32>,
        tpu.vector_store %arg18[%swap3A, %swap3A_2066], %get3A_2065 {strides = array<i32>} : memref<32x64xf32, #tpu.memory_space<vmem>>, vector<16xf32>,
        %get3A_2068 = arith.index_cast %scan3A_736 : i32 to index
        %get3A_2069 = arith.constant 16 : index
        %get3A_2070 = tpu.vector_load %arg16[%get3A_2068, %get3A_2069] {strides = array<i32>} : memref<32x32xf32, #tpu.memory_space<vmem>>, vector<16xf32>,
        %swap3A_2071 = arith.index_cast %scan3A_736 : i32 to index
        %swap3A_2072 = arith.constant 16 : index
        %swap3A_2073 = tpu.vector_load %arg18[%swap3A_2071, %swap3A_2072] {strides = array<i32>} : memref<32x64xf32, #tpu.memory_space<vmem>>, vector<16xf32>,
        tpu.vector_store %arg18[%swap3A_2071, %swap3A_2072], %get3A_2070 {strides = array<i32>} : memref<32x64xf32, #tpu.memory_space<vmem>>, vector<16xf32>,
        %add3A_2074 = arith.addf %add3A_2034, %add3A_2060 : vector<16xf32>
        %div3A_2075 = arith.divf %add3A_2074, %broadcast_in_dim3A : vector<16xf32>
        %swap3A_2076 = arith.index_cast %scan3A_736 : i32 to index
        %swap3A_2077 = arith.constant 32 : index
        %swap3A_2078 = tpu.vector_load %arg18[%swap3A_2076, %swap3A_2077] {strides = array<i32>} : memref<32x64xf32, #tpu.memory_space<vmem>>, vector<16xf32>,
        tpu.vector_store %arg18[%swap3A_2076, %swap3A_2077], %div3A_2075 {strides = array<i32>} : memref<32x64xf32, #tpu.memory_space<vmem>>, vector<16xf32>,
        %add3A_2079 = arith.addf %add3A_2036, %add3A_2062 : vector<16xf32>
        %div3A_2080 = arith.divf %add3A_2079, %broadcast_in_dim3A : vector<16xf32>
        %swap3A_2081 = arith.index_cast %scan3A_736 : i32 to index
        %swap3A_2082 = arith.constant 48 : index
        %swap3A_2083 = tpu.vector_load %arg18[%swap3A_2081, %swap3A_2082] {strides = array<i32>} : memref<32x64xf32, #tpu.memory_space<vmem>>, vector<16xf32>,
        tpu.vector_store %arg18[%swap3A_2081, %swap3A_2082], %div3A_2080 {strides = array<i32>} : memref<32x64xf32, #tpu.memory_space<vmem>>, vector<16xf32>,
      }
      %scan3A_731 = arith.constant 32 : i32
      %mul3A_732 = arith.constant 32 : i32
      %mul3A_733 = arith.muli %add3A_725, %mul3A_732 : i32
      %add3A_734 = arith.addi %multiple_of3A, %mul3A_733 : i32
      %multiple_of3A_735 = tpu.assume_multiple %add3A_734, 32 : i32
      "tpu.region"() ({
        %run_scoped3A = tpu.sem_alloc : memref<!tpu.dma_semaphore, #tpu.memory_space<semaphore_mem>>
        %dma_start3A_736 = arith.constant 0 : i32
        %dma_start3A_737 = tpu.memref_slice %arg6[%multiple_of3A_735, %dma_start3A_736] : memref<16384x64xf32, #tpu.memory_space<hbm>> -> memref<32x64xf32, #tpu.memory_space<hbm>>
        %dma_start3A_738 = arith.constant 0 : i32
        %dma_start3A_739 = tpu.memref_slice %arg6[%multiple_of3A_735, %dma_start3A_738] : memref<16384x64xf32, #tpu.memory_space<hbm>> -> memref<32x64xf32, #tpu.memory_space<hbm>>
        tpu.enqueue_dma source(%arg18 : memref<32x64xf32, #tpu.memory_space<vmem>>) target(%dma_start3A_739 : memref<32x64xf32, #tpu.memory_space<hbm>>) target_semaphore(%run_scoped3A : memref<!tpu.dma_semaphore, #tpu.memory_space<semaphore_mem>>)
        %dma_wait3A_740 = arith.constant 0 : i32
        %dma_wait3A_741 = tpu.memref_slice %arg6[%multiple_of3A_735, %dma_wait3A_740] : memref<16384x64xf32, #tpu.memory_space<hbm>> -> memref<32x64xf32, #tpu.memory_space<hbm>>
        %dma_wait3A_742 = arith.constant 0 : i32
        %dma_wait3A_743 = tpu.memref_slice %arg6[%multiple_of3A_735, %dma_wait3A_742] : memref<16384x64xf32, #tpu.memory_space<hbm>> -> memref<32x64xf32, #tpu.memory_space<hbm>>
        tpu.wait_dma2 semaphore(%run_scoped3A : memref<!tpu.dma_semaphore, #tpu.memory_space<semaphore_mem>>) src(%arg18 : memref<32x64xf32, #tpu.memory_space<vmem>>) dst(%dma_wait3A_743 : memref<32x64xf32, #tpu.memory_space<hbm>>)
        tpu.yield
      }) : () -> ()
    }
    %scan3A_189 = arith.constant 8 : i32
    return
  }
}

</mosaic_0001>

<sc_bundles>
// kernel: _run.3.cloned.1.call-start
scs
__scs_entry_jumppad:
0x0: {  	(pc) =	sbr.rel $0x88, $3  }
0x1: {  	(tag) =	ssettag $0x0;
	lr =	simm.s32 $0x1  }
0x2: {  	[smem:$0x3F9D] =	sst lr;
	_ =	strace $0xD0000000  }
0x3: {  	_ = 	snop  }
0x4: {  	_ = 	snop  }
0x5: {  	_ = 	snop  }
0x6: {  	_ = 	snop  }
0x7: {  	_ = 	snop  }
__scs_overlays_trampoline_lowered:
0x8: {  	[smem:$0x3FAC] =	sst s0  }
0x9: {  	[smem:$0x3FAD] =	sst s1  }
0xa: {  	[smem:$0x3FAE] =	sst s2  }
0xb: {  	[smem:$0x3FAF] =	sst s3  }
0xc: {  	[smem:$0x3FB0] =	sst s4  }
0xd: {  	[smem:$0x3FB1] =	sst s5  }
0xe: {  	[smem:$0x3FB2] =	sst s6  }
0xf: {  	[smem:$0x3FB3] =	sst s7  }
0x10: {  	[smem:$0x3FB4] =	sst s8  }
0x11: {  	[smem:$0x3FB5] =	sst s9;
	s0 =	simm.s32 @!p0 $0x0  }
0x12: {  	s1 =	sld [smem:$0x3F9B];
	s0 =	simm.s32 @p0 $0x1  }
0x13: {  	[smem:$0x3FB6] =	sst s0;
	s0 =	simm.s32 @!p1 $0x0  }
0x14: {  	s2 =	sld [smem:$0x3F9A];
	s0 =	simm.s32 @p1 $0x1  }
0x15: {  	[smem:$0x3FB7] =	sst s0;
	s0 =	simm.s32 @!p2 $0x0  }
0x16: {  	s3 =	sld [smem:$0x3FDB];
	s0 =	simm.s32 @p2 $0x1  }
0x17: {  	s4 =	simm.s32 $0x1BF5;
	[smem:$0x3FB9] =	sst s0  }
0x18: {  	s0 =	sld [smem:$0x3F9C];
	_ =	swait.ge [sflag:s4], $0x0  }
0x19: {  	s7 =	sld [smem:$0x3F9D]  }
0x1a: {  	s8 =	sadd.s32 $0xFFFFE003, lr  }
0x1b: {  	s9 =	sadd.s32 $0xFFFFFEF7, lr;
	s5 =	simm.s32 $0xFFFFFFFF;
	p2 =	slt.u32 s8, $0xFFFFF086  }
0x1c: {  	p1 =	slt.u32 s9, $0xF7A;
	s5 =	simm.s32 @!p2 $0x0  }
0x1d: {  	s5 =	simm.s32 @p1 $0x1;
	p0 =	seq.s32 s7, s2  }
0x1e: {  	s7 =	smul.u32 @!p0 $0xF7A, s2;
	p2 =	seq.s32 @!p0 s5, $0x0  }
0x1f: {  	s9 =	smul.u32 $0xF7A, s1;
	s8 =	simm.s32 @!p0 $0x1BF5;
	p2 =	por !p2, p0  }
0x20: {  	[sflag:s8] =	ssyncset.s32 @!p0 $0xFFFFF086;
	s6 =	sadd.s32 @!p0 s3, s7;
	s7 =	simm.s32 @!p0 $0x108  }
0x21: {  	s3 =	sadd.s32 s3, s9;
	s6 =	sadd.s32 @!p0 $0x88, s6;
	s7 =	simm.s32 @p2 $0x1082  }
0x22: {  	[simem:s7], [sflag:s8] =	dma.local @!p0 [hbm:s6], $0xF7A  }
0x23: {  	s9 =	sor.u32 $0xD0000000, s2;
	s6 =	simm.s32 $0x108;
	_ =	swait.ge @!p0 [sflag:s8], $0x0  }
0x24: {  	s3 =	sadd.s32 $0x88, s3;
	s6 =	simm.s32 @!p1 $0x1082;
	[sflag:s4] =	ssyncset.s32 $0xFFFFF086  }
0x25: {  	[simem:s6], [sflag:s4] =	dma.local [hbm:s3], $0xF7A  }
0x26: {  	[smem:$0x3F9D] =	sst s1;
	(tag) =	ssettag s2;
	_ =	strace s9  }
0x27: {  	s1 =	sld [smem:$0x3FAD]  }
0x28: {  	s2 =	sld [smem:$0x3FAE]  }
0x29: {  	s4 =	sld [smem:$0x3FB0]  }
0x2a: {  	p0 =	seq.s32 s5, $0x0;
	s5 =	sld [smem:$0x3FB1]  }
0x2b: {  	s6 =	sld [smem:$0x3FB2]  }
0x2c: {  	s7 =	sld [smem:$0x3FB3]  }
0x2d: {  	s3 =	simm.s32 $0x108;
	s8 =	sld [smem:$0x3FB4]  }
0x2e: {  	s3 =	simm.s32 @!p0 $0x1082;
	s9 =	sld [smem:$0x3FB5]  }
0x2f: {  	lr =	sadd.s32 s0, s3;
	s0 =	sld [smem:$0x3FAC]  }
0x30: {  	s3 =	sld [smem:$0x3FAF]  }
0x31: {  	[smem:$0x3FB8] =	sst s10  }
0x32: {  	s10 =	sld [smem:$0x3FB6];
	_ =	sdelay $0x3  }
0x33: {  	p0 =	seq.s32 s10, $0x1;
	s10 =	sld [smem:$0x3FB8];
	_ =	sdelay $0x3  }
0x34: {  	[smem:$0x3FB8] =	sst s10  }
0x35: {  	s10 =	sld [smem:$0x3FB7];
	_ =	sdelay $0x3  }
0x36: {  	p1 =	seq.s32 s10, $0x1;
	s10 =	sld [smem:$0x3FB8];
	_ =	sdelay $0x3  }
0x37: {  	[smem:$0x3FB8] =	sst s10  }
0x38: {  	s10 =	sld [smem:$0x3FB9]  }
0x39: {  	_ = 	snop;
	(pc) =	sbr.ind lr, $3  }
0x3a: {  	_ = 	snop  }
0x3b: {  	_ = 	snop  }
0x3c: {  	p2 =	seq.s32 s10, $0x1;
	s10 =	sld [smem:$0x3FB8]  }
0x3d: {  	_ =	shalt  }
0x3e: {  	_ =	shalt  }
0x3f: {  	_ =	shalt  }
0x40: {  	_ =	shalt  }
0x41: {  	_ =	shalt  }
0x42: {  	_ =	shalt  }
0x43: {  	_ =	shalt  }
0x44: {  	_ =	shalt  }
0x45: {  	_ =	shalt  }
0x46: {  	_ =	shalt  }
0x47: {  	_ =	shalt  }
0x48: {  	_ =	shalt  }
0x49: {  	_ =	shalt  }
0x4a: {  	_ =	shalt  }
0x4b: {  	_ =	shalt  }
0x4c: {  	_ =	shalt  }
0x4d: {  	_ =	shalt  }
0x4e: {  	_ =	shalt  }
0x4f: {  	_ =	shalt  }
0x50: {  	_ =	shalt  }
0x51: {  	_ =	shalt  }
0x52: {  	_ =	shalt  }
0x53: {  	_ =	shalt  }
0x54: {  	_ =	shalt  }
0x55: {  	_ =	shalt  }
0x56: {  	_ =	shalt  }
0x57: {  	_ =	shalt  }
0x58: {  	_ =	shalt  }
0x59: {  	_ =	shalt  }
0x5a: {  	_ =	shalt  }
0x5b: {  	_ =	shalt  }
0x5c: {  	_ =	shalt  }
0x5d: {  	_ =	shalt  }
0x5e: {  	_ =	shalt  }
0x5f: {  	_ =	shalt  }
0x60: {  	_ =	shalt  }
0x61: {  	_ =	shalt  }
0x62: {  	_ =	shalt  }
0x63: {  	_ =	shalt  }
0x64: {  	_ =	shalt  }
0x65: {  	_ =	shalt  }
0x66: {  	_ =	shalt  }
0x67: {  	_ =	shalt  }
0x68: {  	_ =	shalt  }
0x69: {  	_ =	shalt  }
0x6a: {  	_ =	shalt  }
0x6b: {  	_ =	shalt  }
0x6c: {  	_ =	shalt  }
0x6d: {  	_ =	shalt  }
0x6e: {  	_ =	shalt  }
0x6f: {  	_ =	shalt  }
0x70: {  	_ =	shalt  }
0x71: {  	_ =	shalt  }
0x72: {  	_ =	shalt  }
0x73: {  	_ =	shalt  }
0x74: {  	_ =	shalt  }
0x75: {  	_ =	shalt  }
0x76: {  	_ =	shalt  }
0x77: {  	_ =	shalt  }
0x78: {  	_ =	shalt  }
0x79: {  	_ =	shalt  }
0x7a: {  	_ =	shalt  }
0x7b: {  	_ =	shalt  }
0x7c: {  	_ =	shalt  }
0x7d: {  	_ =	shalt  }
0x7e: {  	_ =	shalt  }
0x7f: {  	_ =	shalt  }
0x80: {  	_ =	shalt  }
0x81: {  	_ =	shalt  }
0x82: {  	_ =	shalt  }
0x83: {  	_ =	shalt  }
0x84: {  	_ =	shalt  }
0x85: {  	_ =	shalt  }
0x86: {  	_ =	shalt  }
0x87: {  	_ =	shalt  }
.Lfunc_end0:
.L_simem_size_0:
called_computation_lowered:
.L_overlay_start_0:
0x88: {  	s2 =	sld [smem:$0x3FD9]  }
0x89: {  	s3 =	sld [smem:$0x3FFE];
	_ =	sdelay $0x1  }
0x8a: {  	s1 =	srdreg.scid  }
0x8b: {  	s0 =	sand.u32 $0x1, s1  }
0x8c: {  	s17 =	sshll.u32 s0, $0xA;
	s2 =	sadd.s32 s3, s2  }
0x8d: {  	s2 =	sadd.s32 s2, s17  }
0x8e: {  	[smem:$0x3FC4] =	sst s2  }
0x8f: {  	_ = 	snop  }
0x90: {  	s2 =	sld [smem:$0x3FC9]  }
0x91: {  	s18 =	sld [smem:$0x3FD0];
	(tm) =	ssettm $0x1  }
0x92: {  	s4 =	sld [smem:$0x3FFB];
	_ =	sdelay $0x3  }
0x93: {  	_ =	strace s4  }
0x94: {  	s4 =	sld [smem:$0x3FFC];
	_ =	sdelay $0x3  }
0x95: {  	_ =	strace s4  }
0x96: {  	s4 =	sld [smem:$0x3FFD];
	_ =	sdelay $0x3  }
0x97: {  	_ =	strace s4  }
0x98: {  	_ =	strace $0x8FFFFFFF  }
0x99: {  	s19 =	sld [smem:$0x3FDB];
	_ =	sdelay $0x1  }
0x9a: {  	s5 =	simm.s32 $_scs_section_size  }
0x9b: {  	s6 =	simm.s32 $_size__tile_overlayer_lowered;
	s7 =	simm.s32 $_tile_overlayer_lowered  }
0x9c: {  	s22 =	simm.s32 $0x1BFF;
	s21 =	sshll.u32 s7, $0x1;
	s4 =	sadd.s32 s5, s19  }
0x9d: {  	s8 =	simm.s32 $0x0;
	s20 =	sshll.u32 s6, $0x1;
	s6 =	sadd.s32 s21, s4  }
0x9e: {  	[timem:s8], [sflag:s22] =	dma.local [hbm:s6], s20  }
0x9f: {  	_ =	swait.ge [sflag:s22], s20  }
0xa0: {  	s5 =	ssub.s32 $0x0, s20;
	[sflag:s22] =	ssyncset.done $0x0  }
0xa1: {  	[sflag:s22] =	ssyncadd.s32 s5;
	_ =	sdelay $0x1  }
0xa2: {  	s23 =	simm.s32 $0x1B8B  }
0xa3: {  	_ =	swait.ge [sflag:s23], $0x1  }
0xa4: {  	[sflag:s23] =	ssyncset.done $0x0  }
0xa5: {  	s25 =	simm.s32 $0x1B8E;
	s24 =	sld [smem:$0x3FFE];
	[sflag:s23] =	ssyncadd.s32 $0xFFFFFFFF  }
0xa6: {  	s26 =	simm.s32 $execute0_lowered;
	[smem:$0x3FD2] =	sst s25  }
0xa7: {  	s6 =	sshll.u32 s26, $0x1;
	_ =	strace $0x80000046;
	[dreg:$0x1] =	wrdreg $0xFFFFFFFF  }
0xa8: {  	s28 =	simm.s32 $_size_execute0_lowered;
	s4 =	sadd.s32 s4, s6;
	[dreg:$0x0] =	wrdreg $0x0  }
0xa9: {  	s6 =	sshll.u32 s28, $0x1;
	[dreg:$0x2] =	wrdreg s4  }
0xaa: {  	[dreg:$0x3] =	wrdreg s6  }
0xab: {  	[dreg:$0x4] =	wrdreg $0xC0  }
0xac: {  	_ =	task [dreg:s8], $0x5FFFF  }
0xad: {  	[dreg:$0x1] =	wrdreg $0xFFFFFFFF  }
0xae: {  	[dreg:$0x0] =	wrdreg $0x60  }
0xaf: {  	[dreg:$0x2] =	wrdreg s24  }
0xb0: {  	[dreg:$0x3] =	wrdreg s2  }
0xb1: {  	[dreg:$0x4] =	wrdreg s18  }
0xb2: {  	[dreg:$0x5] =	wrdreg $0x9  }
0xb3: {  	_ =	task.clear_ibuf [dreg:s8], $0x6FFFF;
	_ =	strace $0x90000046  }
0xb4: {  	s29 =	simm.s32 $0x9;
	_ =	strace $0x80000048  }
0xb5: {  	_ =	swait.ge [sflag:s29], $0x1  }
0xb6: {  	[sflag:s29] =	ssyncadd.s32 $0xFFFFFFFF  }
0xb7: {  	_ =	strace $0x90000048  }
0xb8: {  	_ =	sfence  }
0xb9: {  	s30 =	sld [smem:$0x0];
	_ =	sdelay $0x2  }
0xba: {  	s31 =	sshll.u32 s1, $0xD;
	s1 =	sshrl.u32 s1, $0x2  }
0xbb: {  	s3 =	sand.u32 $0x4000, s31;
	s1 =	sadd.s32 s1, s30  }
0xbc: {  	s0 =	sor.u32 s3, s0;
	s1 =	sshll.u32 s1, $0x11  }
0xbd: {  	s0 =	sor.u32 s1, s0  }
0xbe: {  	s0 =	sadd.s32 $0x8F2B, s0  }
0xbf: {  	[sflag:s0] =	ssyncadd.remote.s32 $0x1  }
0xc0: {  	_ =	sfence.sel $0xFFFF  }
0xc1: {  	[dreg:$0x0] =	wrdreg $0xFFFFFFFF;
	(pc) =	sbr.abs _section_cstart, $3  }
0xc2: {  	[dreg:$0x1] =	wrdreg $0xFFFFFFFF  }
0xc3: {  	_ =	task.clear_ibuf [dreg:s8], $0x2FFFF;
	_ =	strace $0x9FFFFFFF  }
0xc4: {  	(tm) =	ssettm $0x7FFFFFFF  }
0xc5: {  	_ =	shalt  }
tec
execute0_lowered:
.L_overlay_start_1:
0x0: {  	(tag) =	ssettag $0x1  }
0x1: {  	s0 =	rddreg [dreg:$0x0]  }
0x2: {  	s1 =	rddreg [dreg:$0x1]  }
0x3: {  	s3 =	rddreg [dreg:$0x2]  }
0x4: {  	s2 =	srdreg.scid;
	s4 =	simm.s32 $0x0;
	s5 =	stileid.u32  }
0x5: {  	s15 =	simm.s32 $0x3;
	s18 =	simm.s32 $0x64;
	s28 =	simm.s32 $0xC30  }
0x6: {  	s29 =	simm.s32 $0x19440;
	s30 =	simm.s32 $0xC98;
	s31 =	simm.s32 $0x1A0C0  }
0x7: {  	s12 =	simm.s32 $0x1;
	s13 =	simm.s32 $0x2;
	s17 =	simm.s32 $0x1BD40  }
0x8: {  	s19 =	simm.s32 $0x0;
	s2 =	sand.u32 $0x1, s2;
	[smem:$0x7FF] =	sst s4  }
0x9: {  	s6 =	sshll.u32 s5, $0xA;
	s5 =	sadd.s32 $0x800, s0;
	s7 =	sshll.u32 s2, $0x9  }
0xa: {  	_ =	strace $0x80000047;
	s2 =	ssub.s32 $0x2, s2;
	s8 =	sor.u32 s7, s6  }
0xb: {  	s6 =	sadd.s32 $0xF42C00, s0;
	s7 =	sadd.s32 $0x1A800, s0;
	s23 =	sshrl.u32 s2, $0x1  }
0xc: {  	s9 =	sshrl.u32 s8, $0x1;
	s0 =	ssub.s32 s2, s23;
	s24 =	sshrl.u32 s8, $0x3  }
0xd: {  	s10 =	sshll.u32 s8, $0x3;
	s26 =	sor.u32 $0x40, s8;
	s14 =	sor.u32 $0x20, s8  }
0xe: {  	v0 =	vimm.s32 $0x0;
	s8 =	simm.s32 $0x680;
	s2 =	sadd.s32 s1, s24;
	[dreg:$0x7] =	wrdreg s26  }
0xf: {  	v1 =	vimm.s32 $0x1;
	v2 =	vimm.s32 $0x2;
	v3 =	vimm.s32 $0x3;
	s9 =	smul.u32 $0xD, s9;
	s25 =	sadd.s32 s3, s10;
	[dreg:$0x5] =	wrdreg s2  }
0x10: {  	v4 =	vimm.s32 $0x4;
	v5 =	vimm.s32 $0x5;
	v6 =	vimm.s32 $0x6;
	s11 =	sadd.s32 s7, s10;
	s0 =	smax.u32 s0, $0x1;
	[dreg:$0x6] =	wrdreg s25  }
0x11: {  	v7 =	vimm.s32 $0x7;
	v8 =	vimm.s32 $0x8;
	v9 =	vimm.s32 $0x9;
	s26 =	simm.s32 $0x187C0;
	s10 =	simm.s32 $0x1B540;
	[dreg:$0x8] =	wrdreg s0  }
0x12: {  	v10 =	vimm.s32 $0xA;
	v11 =	vimm.s32 $0xB;
	v12 =	vimm.s32 $0xC;
	s0 =	simm.s32 $0x20;
	s25 =	simm.s32 $0xBC8;
	s9 =	sadd.s32 s5, s9  }
0x13: {  	v13 =	vimm.s32 $0xD;
	v14 =	vimm.s32 $0xE;
	v15 =	vimm.s32 $0xF;
	s2 =	simm.s32 $0x1B140;
	[dreg:$0x4] =	wrdreg s9;
	s9 =	simm.s32 $0xD20  }
.LBB2_1:
0x14: {  	[dreg:$0x9] =	wrdreg s19  }
0x15: {  	s16 =	rddreg [dreg:$0x4]  }
0x16: {  	[tilespmem:s4], [sflag:$0x3] =	stream.linear.gather [hbm4b:s16+s4], $0x680, $0x38;
	[tilespmem:$0x1C540] =	vst v63  }
0x17: {  	_ =	swait.ge [sflag:s15], $0x680  }
0x18: {  	[sflag:s15] =	ssyncset.done $0x0  }
0x19: {  	s19 =	simm.s32 $0xD00;
	s20 =	rddreg [dreg:$0x5];
	[sflag:s15] =	ssyncadd.s32 $0xFFFFF980  }
0x1a: {  	[tilespmem:s19], [sflag:$0x3] =	stream.linear.gather [hbm4b:s20+s4], $0x20, $0x38;
	[tilespmem:$0x1C540] =	vst v63  }
0x1b: {  	_ =	swait.ge [sflag:s15], $0x20  }
0x1c: {  	[sflag:s15] =	ssyncset.done $0x0  }
0x1d: {  	s20 =	simm.s32 $0xD40;
	s21 =	rddreg [dreg:$0x6];
	[sflag:s15] =	ssyncadd.s32 $0xFFFFFFE0  }
0x1e: {  	[tilespmem:s20], [sflag:$0x3] =	stream.linear.gather [hbm4b:s21+s4], $0x800, $0x38;
	[tilespmem:$0x1C540] =	vst v63  }
0x1f: {  	_ =	swait.ge [sflag:s15], $0x800  }
0x20: {  	[sflag:s15] =	ssyncset.done $0x0  }
0x21: {  	s22 =	simm.s32 $0x1D40;
	[sflag:s15] =	ssyncadd.s32 $0xFFFFF800  }
0x22: {  	[tilespmem:s22], [sflag:$0x1] =	stream.indirect.gather [hbm4b:s6+s18], $0x20, s4, s18, $0xb8;
	[tilespmem:$0x1C540] =	vst v63  }
0x23: {  	s23 =	simm.s32 $0x68;
	s24 =	simm.s32 $0x29C0  }
0x24: {  	[tilespmem:s24], [sflag:$0x1] =	stream.indirect.gather [hbm4b:s6+s18], $0x20, s23, s18, $0xb8;
	[tilespmem:$0x1C540] =	vst v63  }
0x25: {  	s21 =	simm.s32 $0xD0;
	s22 =	simm.s32 $0x3640  }
0x26: {  	[tilespmem:s22], [sflag:$0x1] =	stream.indirect.gather [hbm4b:s6+s18], $0x20, s21, s18, $0xb8;
	[tilespmem:$0x1C540] =	vst v63  }
0x27: {  	s23 =	simm.s32 $0x138;
	s24 =	simm.s32 $0x42C0  }
0x28: {  	[tilespmem:s24], [sflag:$0x1] =	stream.indirect.gather [hbm4b:s6+s18], $0x20, s23, s18, $0xb8;
	[tilespmem:$0x1C540] =	vst v63  }
0x29: {  	s21 =	simm.s32 $0x1A0;
	s22 =	simm.s32 $0x4F40  }
0x2a: {  	[tilespmem:s22], [sflag:$0x1] =	stream.indirect.gather [hbm4b:s6+s18], $0x20, s21, s18, $0xb8;
	[tilespmem:$0x1C540] =	vst v63  }
0x2b: {  	s23 =	simm.s32 $0x208;
	s24 =	simm.s32 $0x5BC0  }
0x2c: {  	[tilespmem:s24], [sflag:$0x1] =	stream.indirect.gather [hbm4b:s6+s18], $0x20, s23, s18, $0xb8;
	[tilespmem:$0x1C540] =	vst v63  }
0x2d: {  	s21 =	simm.s32 $0x270;
	s22 =	simm.s32 $0x6840  }
0x2e: {  	[tilespmem:s22], [sflag:$0x1] =	stream.indirect.gather [hbm4b:s6+s18], $0x20, s21, s18, $0xb8;
	[tilespmem:$0x1C540] =	vst v63  }
0x2f: {  	s23 =	simm.s32 $0x2D8;
	s24 =	simm.s32 $0x74C0  }
0x30: {  	[tilespmem:s24], [sflag:$0x1] =	stream.indirect.gather [hbm4b:s6+s18], $0x20, s23, s18, $0xb8;
	[tilespmem:$0x1C540] =	vst v63  }
0x31: {  	s21 =	simm.s32 $0x340;
	s22 =	simm.s32 $0x8140  }
0x32: {  	[tilespmem:s22], [sflag:$0x1] =	stream.indirect.gather [hbm4b:s6+s18], $0x20, s21, s18, $0xb8;
	[tilespmem:$0x1C540] =	vst v63  }
0x33: {  	s23 =	simm.s32 $0x3A8;
	s24 =	simm.s32 $0x8DC0  }
0x34: {  	[tilespmem:s24], [sflag:$0x1] =	stream.indirect.gather [hbm4b:s6+s18], $0x20, s23, s18, $0xb8;
	[tilespmem:$0x1C540] =	vst v63  }
0x35: {  	s21 =	simm.s32 $0x410;
	s22 =	simm.s32 $0x9A40  }
0x36: {  	[tilespmem:s22], [sflag:$0x1] =	stream.indirect.gather [hbm4b:s6+s18], $0x20, s21, s18, $0xb8;
	[tilespmem:$0x1C540] =	vst v63  }
0x37: {  	s23 =	simm.s32 $0x478;
	s24 =	simm.s32 $0xA6C0  }
0x38: {  	[tilespmem:s24], [sflag:$0x1] =	stream.indirect.gather [hbm4b:s6+s18], $0x20, s23, s18, $0xb8;
	[tilespmem:$0x1C540] =	vst v63  }
0x39: {  	s21 =	simm.s32 $0x4E0;
	s22 =	simm.s32 $0xB340  }
0x3a: {  	[tilespmem:s22], [sflag:$0x1] =	stream.indirect.gather [hbm4b:s6+s18], $0x20, s21, s18, $0xb8;
	[tilespmem:$0x1C540] =	vst v63  }
0x3b: {  	s23 =	simm.s32 $0x548;
	s24 =	simm.s32 $0xBFC0  }
0x3c: {  	[tilespmem:s24], [sflag:$0x1] =	stream.indirect.gather [hbm4b:s6+s18], $0x20, s23, s18, $0xb8;
	[tilespmem:$0x1C540] =	vst v63  }
0x3d: {  	s20 =	simm.s32 $0x5B0;
	s21 =	simm.s32 $0xCC40  }
0x3e: {  	[tilespmem:s21], [sflag:$0x1] =	stream.indirect.gather [hbm4b:s6+s18], $0x20, s20, s18, $0xb8;
	[tilespmem:$0x1C540] =	vst v63  }
0x3f: {  	s22 =	simm.s32 $0x618;
	s23 =	simm.s32 $0xD8C0  }
0x40: {  	[tilespmem:s23], [sflag:$0x1] =	stream.indirect.gather [hbm4b:s6+s18], $0x20, s22, s18, $0xb8;
	[tilespmem:$0x1C540] =	vst v63  }
0x41: {  	s24 =	simm.s32 $0x1AD40  }
0x42: {  	[tilespmem:s24], [sflag:$0x1] =	stream.indirect.gather [hbm4b:s6+s0], $0x20, s19, s0, $0xb8;
	[tilespmem:$0x1C540] =	vst v63  }
0x43: {  	s19 =	simm.s32 $0x0  }
.LBB2_2:
0x44: {  	s21 =	sshll.u32 s19, $0x6  }
0x45: {  	s16 =	sor.u32 s14, s21  }
0x46: {  	s20 =	sshrl.u32 s16, $0x1  }
0x47: {  	s20 =	smul.u32 $0xD, s20;
	_ =	sdelay $0x1  }
0x48: {  	s22 =	simm.s32 $0x0;
	s20 =	sadd.s32 s5, s20  }
0x49: {  	[tilespmem:s8], [sflag:$0x3] =	stream.linear.gather [hbm4b:s20+s22], $0x680, $0x38;
	[tilespmem:$0x1C540] =	vst v63  }
0x4a: {  	_ =	swait.ge [sflag:s15], $0x680  }
0x4b: {  	s23 =	sshrl.u32 s16, $0x3;
	[sflag:s15] =	ssyncset.done $0x0  }
0x4c: {  	s20 =	sadd.s32 s1, s23;
	[sflag:s15] =	ssyncadd.s32 $0xFFFFF980  }
0x4d: {  	[tilespmem:s9], [sflag:$0x3] =	stream.linear.gather [hbm4b:s20+s22], $0x20, $0x38;
	[tilespmem:$0x1C540] =	vst v63  }
0x4e: {  	_ =	swait.ge [sflag:s15], $0x20  }
0x4f: {  	s20 =	sshll.u32 s16, $0x3;
	[sflag:s15] =	ssyncset.done $0x0  }
0x50: {  	s23 =	simm.s32 $0x1540;
	s16 =	sadd.s32 s3, s20;
	[sflag:s15] =	ssyncadd.s32 $0xFFFFFFE0  }
0x51: {  	[tilespmem:s23], [sflag:$0x3] =	stream.linear.gather [hbm4b:s16+s22], $0x800, $0x38;
	[tilespmem:$0x1C540] =	vst v63  }
0x52: {  	_ =	swait.ge [sflag:s15], $0x800  }
0x53: {  	[sflag:s15] =	ssyncset.done $0x0  }
0x54: {  	s24 =	simm.s32 $0xE540;
	[sflag:s15] =	ssyncadd.s32 $0xFFFFF800  }
0x55: {  	[tilespmem:s24], [sflag:$0x2] =	stream.indirect.gather [hbm4b:s6+s18], $0x20, s8, s18, $0xb8;
	[tilespmem:$0x1C540] =	vst v63  }
0x56: {  	s23 =	simm.s32 $0x6E8;
	s24 =	simm.s32 $0xF1C0  }
0x57: {  	[tilespmem:s24], [sflag:$0x2] =	stream.indirect.gather [hbm4b:s6+s18], $0x20, s23, s18, $0xb8;
	[tilespmem:$0x1C540] =	vst v63  }
0x58: {  	s23 =	simm.s32 $0x750;
	s24 =	simm.s32 $0xFE40  }
0x59: {  	[tilespmem:s24], [sflag:$0x2] =	stream.indirect.gather [hbm4b:s6+s18], $0x20, s23, s18, $0xb8;
	[tilespmem:$0x1C540] =	vst v63  }
0x5a: {  	s23 =	simm.s32 $0x7B8;
	s24 =	simm.s32 $0x10AC0  }
0x5b: {  	[tilespmem:s24], [sflag:$0x2] =	stream.indirect.gather [hbm4b:s6+s18], $0x20, s23, s18, $0xb8;
	[tilespmem:$0x1C540] =	vst v63  }
0x5c: {  	s23 =	simm.s32 $0x820;
	s24 =	simm.s32 $0x11740  }
0x5d: {  	[tilespmem:s24], [sflag:$0x2] =	stream.indirect.gather [hbm4b:s6+s18], $0x20, s23, s18, $0xb8;
	[tilespmem:$0x1C540] =	vst v63  }
0x5e: {  	s23 =	simm.s32 $0x888;
	s24 =	simm.s32 $0x123C0  }
0x5f: {  	[tilespmem:s24], [sflag:$0x2] =	stream.indirect.gather [hbm4b:s6+s18], $0x20, s23, s18, $0xb8;
	[tilespmem:$0x1C540] =	vst v63  }
0x60: {  	s23 =	simm.s32 $0x8F0;
	s24 =	simm.s32 $0x13040  }
0x61: {  	[tilespmem:s24], [sflag:$0x2] =	stream.indirect.gather [hbm4b:s6+s18], $0x20, s23, s18, $0xb8;
	[tilespmem:$0x1C540] =	vst v63  }
0x62: {  	s23 =	simm.s32 $0x958;
	s24 =	simm.s32 $0x13CC0  }
0x63: {  	[tilespmem:s24], [sflag:$0x2] =	stream.indirect.gather [hbm4b:s6+s18], $0x20, s23, s18, $0xb8;
	[tilespmem:$0x1C540] =	vst v63  }
0x64: {  	s23 =	simm.s32 $0x9C0;
	s24 =	simm.s32 $0x14940  }
0x65: {  	[tilespmem:s24], [sflag:$0x2] =	stream.indirect.gather [hbm4b:s6+s18], $0x20, s23, s18, $0xb8;
	[tilespmem:$0x1C540] =	vst v63  }
0x66: {  	s23 =	simm.s32 $0xA28;
	s24 =	simm.s32 $0x155C0  }
0x67: {  	[tilespmem:s24], [sflag:$0x2] =	stream.indirect.gather [hbm4b:s6+s18], $0x20, s23, s18, $0xb8;
	[tilespmem:$0x1C540] =	vst v63  }
0x68: {  	s23 =	simm.s32 $0xA90;
	s24 =	simm.s32 $0x16240  }
0x69: {  	[tilespmem:s24], [sflag:$0x2] =	stream.indirect.gather [hbm4b:s6+s18], $0x20, s23, s18, $0xb8;
	[tilespmem:$0x1C540] =	vst v63  }
0x6a: {  	s23 =	simm.s32 $0xAF8;
	s24 =	simm.s32 $0x16EC0  }
0x6b: {  	[tilespmem:s24], [sflag:$0x2] =	stream.indirect.gather [hbm4b:s6+s18], $0x20, s23, s18, $0xb8;
	[tilespmem:$0x1C540] =	vst v63  }
0x6c: {  	s23 =	simm.s32 $0xB60;
	s24 =	simm.s32 $0x17B40  }
0x6d: {  	[tilespmem:s24], [sflag:$0x2] =	stream.indirect.gather [hbm4b:s6+s18], $0x20, s23, s18, $0xb8;
	[tilespmem:$0x1C540] =	vst v63  }
0x6e: {  	_ = 	snop  }
0x6f: {  	[tilespmem:s26], [sflag:$0x2] =	stream.indirect.gather [hbm4b:s6+s18], $0x20, s25, s18, $0xb8;
	[tilespmem:$0x1C540] =	vst v63  }
0x70: {  	_ = 	snop  }
0x71: {  	[tilespmem:s29], [sflag:$0x2] =	stream.indirect.gather [hbm4b:s6+s18], $0x20, s28, s18, $0xb8;
	[tilespmem:$0x1C540] =	vst v63  }
0x72: {  	_ = 	snop  }
0x73: {  	[tilespmem:s31], [sflag:$0x2] =	stream.indirect.gather [hbm4b:s6+s18], $0x20, s30, s18, $0xb8;
	[tilespmem:$0x1C540] =	vst v63  }
0x74: {  	_ = 	snop  }
0x75: {  	[tilespmem:s2], [sflag:$0x2] =	stream.indirect.gather [hbm4b:s6+s0], $0x20, s9, s0, $0xb8;
	[tilespmem:$0x1C540] =	vst v63  }
0x76: {  	_ =	swait.ge [sflag:s12], $0xC80  }
0x77: {  	[sflag:s12] =	ssyncset.done $0x0  }
0x78: {  	[sflag:s12] =	ssyncadd.s32 $0xFFFFF380  }
0x79: {  	_ =	swait.ge [sflag:s12], $0xC80  }
0x7a: {  	[sflag:s12] =	ssyncset.done $0x0  }
0x7b: {  	[sflag:s12] =	ssyncadd.s32 $0xFFFFF380  }
0x7c: {  	_ =	swait.ge [sflag:s12], $0xC80  }
0x7d: {  	[sflag:s12] =	ssyncset.done $0x0  }
0x7e: {  	[sflag:s12] =	ssyncadd.s32 $0xFFFFF380  }
0x7f: {  	_ =	swait.ge [sflag:s12], $0xC80  }
0x80: {  	[sflag:s12] =	ssyncset.done $0x0  }
0x81: {  	[sflag:s12] =	ssyncadd.s32 $0xFFFFF380  }
0x82: {  	_ =	swait.ge [sflag:s12], $0xC80  }
0x83: {  	[sflag:s12] =	ssyncset.done $0x0  }
0x84: {  	[sflag:s12] =	ssyncadd.s32 $0xFFFFF380  }
0x85: {  	_ =	swait.ge [sflag:s12], $0xC80  }
0x86: {  	[sflag:s12] =	ssyncset.done $0x0  }
0x87: {  	[sflag:s12] =	ssyncadd.s32 $0xFFFFF380  }
0x88: {  	_ =	swait.ge [sflag:s12], $0xC80  }
0x89: {  	[sflag:s12] =	ssyncset.done $0x0  }
0x8a: {  	[sflag:s12] =	ssyncadd.s32 $0xFFFFF380  }
0x8b: {  	_ =	swait.ge [sflag:s12], $0xC80  }
0x8c: {  	[sflag:s12] =	ssyncset.done $0x0  }
0x8d: {  	[sflag:s12] =	ssyncadd.s32 $0xFFFFF380  }
0x8e: {  	_ =	swait.ge [sflag:s12], $0xC80  }
0x8f: {  	[sflag:s12] =	ssyncset.done $0x0  }
0x90: {  	[sflag:s12] =	ssyncadd.s32 $0xFFFFF380  }
0x91: {  	_ =	swait.ge [sflag:s12], $0xC80  }
0x92: {  	[sflag:s12] =	ssyncset.done $0x0  }
0x93: {  	[sflag:s12] =	ssyncadd.s32 $0xFFFFF380  }
0x94: {  	_ =	swait.ge [sflag:s12], $0xC80  }
0x95: {  	[sflag:s12] =	ssyncset.done $0x0  }
0x96: {  	[sflag:s12] =	ssyncadd.s32 $0xFFFFF380  }
0x97: {  	_ =	swait.ge [sflag:s12], $0xC80  }
0x98: {  	[sflag:s12] =	ssyncset.done $0x0  }
0x99: {  	[sflag:s12] =	ssyncadd.s32 $0xFFFFF380  }
0x9a: {  	_ =	swait.ge [sflag:s12], $0xC80  }
0x9b: {  	[sflag:s12] =	ssyncset.done $0x0  }
0x9c: {  	[sflag:s12] =	ssyncadd.s32 $0xFFFFF380  }
0x9d: {  	_ =	swait.ge [sflag:s12], $0xC80  }
0x9e: {  	[sflag:s12] =	ssyncset.done $0x0  }
0x9f: {  	[sflag:s12] =	ssyncadd.s32 $0xFFFFF380  }
0xa0: {  	_ =	swait.ge [sflag:s12], $0xC80  }
0xa1: {  	[sflag:s12] =	ssyncset.done $0x0  }
0xa2: {  	[sflag:s12] =	ssyncadd.s32 $0xFFFFF380  }
0xa3: {  	_ =	swait.ge [sflag:s12], $0xC80  }
0xa4: {  	[sflag:s12] =	ssyncset.done $0x0  }
0xa5: {  	[sflag:s12] =	ssyncadd.s32 $0xFFFFF380  }
0xa6: {  	_ =	swait.ge [sflag:s12], $0x400  }
0xa7: {  	[sflag:s12] =	ssyncset.done $0x0  }
0xa8: {  	s16 =	simm.s32 $0x1AD50;
	s23 =	simm.s32 $0x2060;
	[sflag:s12] =	ssyncadd.s32 $0xFFFFFC00  }
.LBB2_3:
0xa9: {  	v20 =	vld [tilespmem:s23+$0xFFFFFCE0]  }
0xaa: {  	v21 =	vld [tilespmem:s23+$0xFFFFFCF0]  }
0xab: {  	v22 =	vld [tilespmem:s23+$0xFFFFFD00]  }
0xac: {  	v23 =	vld [tilespmem:s23+$0xFFFFFD10]  }
0xad: {  	v24 =	vld [tilespmem:s23+$0xFFFFFD20]  }
0xae: {  	v25 =	vld [tilespmem:s23+$0xFFFFFD30]  }
0xaf: {  	v26 =	vld [tilespmem:s23+$0xFFFFFD40]  }
0xb0: {  	v27 =	vld [tilespmem:s23+$0xFFFFFD50]  }
0xb1: {  	v28 =	vld [tilespmem:s23+$0xFFFFFD60]  }
0xb2: {  	v29 =	vld [tilespmem:s23+$0xFFFFFD70]  }
0xb3: {  	v30 =	vld [tilespmem:s23+$0xFFFFFD80]  }
0xb4: {  	v31 =	vld [tilespmem:s23+$0xFFFFFD90]  }
0xb5: {  	v32 =	vld [tilespmem:s23+$0xFFFFFDA0]  }
0xb6: {  	v33 =	vld [tilespmem:s23+$0xFFFFFDB0]  }
0xb7: {  	v34 =	vld [tilespmem:s23+$0xFFFFFDC0]  }
0xb8: {  	v35 =	vld [tilespmem:s23+$0xFFFFFDD0]  }
0xb9: {  	s24 =	sshra.s32 s22, $0x2;
	v36 =	vld [tilespmem:s23+$0xFFFFFDE0]  }
0xba: {  	v19 =	vld [tilespmem:s24+$0xD40]  }
0xbb: {  	v37 =	vld [tilespmem:s23+$0xFFFFFDF0]  }
0xbc: {  	v38 =	vld [tilespmem:s23+$0xFFFFFE00]  }
0xbd: {  	v39 =	vld [tilespmem:s23+$0xFFFFFE10]  }
0xbe: {  	v41 =	vld [tilespmem:s23+$0xFFFFFE20]  }
0xbf: {  	v42 =	vld [tilespmem:s23+$0xFFFFFE30];
	v40 =	vperm.xlane v19, v0;
	v43 =	vperm.xlane v19, v1  }
0xc0: {  	v44 =	vld [tilespmem:s23+$0xFFFFFE40];
	v55 =	vperm.xlane v19, v2;
	v46 =	vperm.xlane v19, v3  }
0xc1: {  	v45 =	vld [tilespmem:s23+$0xFFFFFE50];
	v57 =	vperm.xlane v19, v4;
	v59 =	vperm.xlane v19, v5  }
0xc2: {  	v47 =	vld [tilespmem:s23+$0xFFFFFE70];
	v62 =	vperm.xlane v19, v6;
	v50 =	vperm.xlane v19, v7  }
0xc3: {  	v48 =	vld [tilespmem:s23+$0xFFFFFE90];
	v52 =	vperm.xlane v19, v8;
	v20 =	vmul.f32 v20, v40  }
0xc4: {  	v18 =	vld [tilespmem:s24+$0xD50];
	v21 =	vmul.f32 v21, v40;
	v22 =	vmul.f32 v22, v43  }
0xc5: {  	v17 =	vld [tilespmem:s24+$0xD60];
	v23 =	vmul.f32 v23, v43;
	v24 =	vmul.f32 v24, v55  }
0xc6: {  	v16 =	vld [tilespmem:s24+$0xD70];
	v25 =	vmul.f32 v25, v55;
	v56 =	vmul.f32 v26, v46  }
0xc7: {  	v43 =	vld [tilespmem:s23+$0xFFFFFE60];
	v58 =	vmul.f32 v27, v46;
	v60 =	vmul.f32 v28, v57  }
0xc8: {  	v40 =	vld [tilespmem:s23+$0xFFFFFE80];
	v26 =	vmul.f32 v29, v57;
	v61 =	vmul.f32 v30, v59  }
0xc9: {  	v46 =	vld [tilespmem:s23+$0xFFFFFEA0];
	v63 =	vmul.f32 v31, v59;
	v49 =	vmul.f32 v32, v62  }
0xca: {  	v28 =	vld [tilespmem:s23+$0xFFFFFEB0];
	v51 =	vmul.f32 v33, v62;
	v53 =	vmul.f32 v34, v50  }
0xcb: {  	v30 =	vld [tilespmem:s23+$0xFFFFFEC0];
	v27 =	vmul.f32 v35, v50;
	v55 =	vperm.xlane v19, v9  }
0xcc: {  	v31 =	vld [tilespmem:s23+$0xFFFFFEE0];
	v54 =	vmul.f32 v36, v52;
	v50 =	vperm.xlane v19, v13;
	v20 =	vadd.f32 $0.0e+00, v20  }
0xcd: {  	v32 =	vld [tilespmem:s23+$0xFFFFFEF0];
	v21 =	vadd.f32 $0.0e+00, v21;
	v22 =	vadd.f32 $0.0e+00, v22;
	v57 =	vmul.f32 v38, v55  }
0xce: {  	v33 =	vld [tilespmem:s23+$0xFFFFFF00];
	v23 =	vadd.f32 $0.0e+00, v23;
	v59 =	vmul.f32 v39, v55;
	v34 =	vmul.f32 v48, v50  }
0xcf: {  	v35 =	vld [tilespmem:s23+$0xFFFFFF10];
	v55 =	vperm.xlane v19, v15;
	v20 =	vadd.f32 v24, v20;
	v21 =	vadd.f32 v25, v21  }
0xd0: {  	v36 =	vld [tilespmem:s23+$0xFFFFFF30];
	v22 =	vadd.f32 v56, v22;
	v23 =	vadd.f32 v58, v23;
	v56 =	vmul.f32 v37, v52  }
0xd1: {  	v38 =	vld [tilespmem:s23+$0xFFFFFF50];
	v58 =	vperm.xlane v19, v10;
	v52 =	vperm.xlane v19, v14;
	v20 =	vadd.f32 v60, v20  }
0xd2: {  	v39 =	vld [tilespmem:s23+$0xFFFFFFE0];
	v21 =	vadd.f32 v26, v21;
	v22 =	vadd.f32 v61, v22;
	v60 =	vperm.xlane v19, v11  }
0xd3: {  	v37 =	vld [tilespmem:s23+$0xFFFFFF40];
	v23 =	vadd.f32 v63, v23;
	v61 =	vmul.f32 v41, v58;
	v29 =	vmul.f32 v42, v58  }
0xd4: {  	v25 =	vld [tilespmem:s23+$0x120];
	v63 =	vperm.xlane v19, v12;
	v58 =	vperm.xlane v18, v0;
	v19 =	vadd.f32 v18, v19  }
0xd5: {  	v26 =	vld [tilespmem:s23+$0xFFFFFED0];
	v20 =	vadd.f32 v49, v20;
	v21 =	vadd.f32 v51, v21;
	v62 =	vmul.f32 v44, v60  }
0xd6: {  	v41 =	vld [tilespmem:s23+$0xFFFFFF60];
	v22 =	vadd.f32 v53, v22;
	v45 =	vmul.f32 v45, v60;
	v49 =	vmul.f32 v43, v63  }
0xd7: {  	v42 =	vld [tilespmem:s23+$0xFFFFFF80];
	v23 =	vadd.f32 v27, v23;
	v51 =	vmul.f32 v47, v63;
	v53 =	vmul.f32 v40, v50  }
0xd8: {  	v27 =	vld [tilespmem:s23+$0xFFFFFF20];
	v60 =	vperm.xlane v18, v1;
	v63 =	vperm.xlane v18, v2;
	v20 =	vadd.f32 v54, v20  }
0xd9: {  	v43 =	vld [tilespmem:s23+$0xFFFFFF90];
	v21 =	vadd.f32 v56, v21;
	v54 =	vmul.f32 v46, v52;
	v56 =	vmul.f32 v28, v52  }
0xda: {  	v40 =	vld [tilespmem:s23+$0xFFFFFFA0];
	v22 =	vadd.f32 v57, v22;
	v57 =	vmul.f32 v30, v55;
	v30 =	vmul.f32 v32, v58  }
0xdb: {  	v47 =	vld [tilespmem:s23+$0x20];
	v19 =	vadd.f32 v17, v19;
	v35 =	vmul.f32 v35, v60;
	v46 =	vperm.xlane v18, v3  }
0xdc: {  	v23 =	vadd.f32 v59, v23;
	v28 =	vld [tilespmem:s23+$0xFFFFFFC0];
	v48 =	vmul.f32 v36, v63;
	v52 =	vperm.xlane v18, v5  }
0xdd: {  	v36 =	vld [tilespmem:s23+$0x40];
	v19 =	vadd.f32 v16, v19;
	v59 =	vmul.f32 v26, v55;
	v55 =	vperm.xlane v18, v6  }
0xde: {  	v32 =	vld [tilespmem:s23+$0x70];
	v20 =	vadd.f32 v61, v20;
	v21 =	vadd.f32 v29, v21;
	v61 =	vmul.f32 v31, v58  }
0xdf: {  	v26 =	vld [tilespmem:s23+$0x10];
	v22 =	vadd.f32 v62, v22;
	v62 =	vmul.f32 v33, v60;
	v50 =	vmul.f32 v37, v46  }
0xe0: {  	v29 =	vld [tilespmem:s23+$0xFFFFFF70];
	v23 =	vadd.f32 v45, v23;
	v60 =	vperm.xlane v18, v8;
	v44 =	vmul.f32 v27, v63  }
0xe1: {  	v45 =	vld [tilespmem:s23+$0xFFFFFFB0];
	v27 =	vmul.f32 v38, v46;
	v58 =	vmul.f32 v40, v55;
	v20 =	vadd.f32 v49, v20  }
0xe2: {  	v31 =	vld [tilespmem:s23+$0xFFFFFFF0];
	v21 =	vadd.f32 v51, v21;
	v22 =	vadd.f32 v53, v22;
	v49 =	vperm.xlane v18, v4  }
0xe3: {  	v33 =	vld [tilespmem:s23+$0x0];
	v63 =	vperm.xlane v18, v9;
	v23 =	vadd.f32 v34, v23;
	v20 =	vadd.f32 v54, v20  }
0xe4: {  	v37 =	vld [tilespmem:s23+$0xC0];
	v21 =	vadd.f32 v56, v21;
	v51 =	vmul.f32 v41, v49;
	v54 =	vmul.f32 v42, v52  }
0xe5: {  	v34 =	vld [tilespmem:s23+$0xFFFFFFD0];
	v22 =	vadd.f32 v57, v22;
	v56 =	vmul.f32 v43, v52;
	v57 =	vperm.xlane v18, v7  }
0xe6: {  	v38 =	vld [tilespmem:s23+$0x50];
	v23 =	vadd.f32 v59, v23;
	v26 =	vmul.f32 v26, v63;
	v53 =	vmul.f32 v29, v49  }
0xe7: {  	v40 =	vld [tilespmem:s23+$0x90];
	v29 =	vmul.f32 v45, v55;
	v43 =	vmul.f32 v31, v60;
	v20 =	vadd.f32 v61, v20  }
0xe8: {  	v46 =	vld [tilespmem:s23+$0xE0];
	v45 =	vmul.f32 v33, v63;
	v21 =	vadd.f32 v30, v21;
	v22 =	vadd.f32 v62, v22  }
0xe9: {  	v41 =	vld [tilespmem:s23+$0x80];
	v23 =	vadd.f32 v35, v23;
	v59 =	vmul.f32 v28, v57;
	v62 =	vmul.f32 v39, v60  }
0xea: {  	v35 =	vld [tilespmem:s23+$0x30];
	v61 =	vmul.f32 v34, v57;
	v20 =	vadd.f32 v44, v20;
	v21 =	vadd.f32 v48, v21  }
0xeb: {  	v42 =	vld [tilespmem:s23+$0xA0];
	v22 =	vadd.f32 v50, v22;
	v23 =	vadd.f32 v27, v23;
	v44 =	vperm.xlane v18, v10  }
0xec: {  	v52 =	vld [tilespmem:s23+$0x100];
	v48 =	vperm.xlane v18, v11;
	v20 =	vadd.f32 v51, v20;
	v21 =	vadd.f32 v53, v21  }
0xed: {  	v27 =	vld [tilespmem:s23+$0x60];
	v22 =	vadd.f32 v54, v22;
	v47 =	vmul.f32 v47, v44;
	v51 =	vperm.xlane v18, v12  }
0xee: {  	v31 =	vld [tilespmem:s23+$0xD0];
	v23 =	vadd.f32 v56, v23;
	v53 =	vmul.f32 v36, v48;
	v30 =	vmul.f32 v38, v48  }
0xef: {  	v49 =	vld [tilespmem:s23+$0xF0];
	v56 =	vperm.xlane v18, v13;
	v50 =	vmul.f32 v35, v44;
	v20 =	vadd.f32 v58, v20  }
0xf0: {  	v60 =	vld [tilespmem:s23+$0x140];
	v22 =	vadd.f32 v59, v22;
	v58 =	vmul.f32 v32, v51;
	v59 =	vperm.xlane v18, v14  }
0xf1: {  	v57 =	vld [tilespmem:s23+$0x130];
	v23 =	vadd.f32 v61, v23;
	v61 =	vmul.f32 v41, v56;
	v18 =	vperm.xlane v18, v15  }
0xf2: {  	v39 =	vld [tilespmem:s23+$0x160];
	v21 =	vadd.f32 v29, v21;
	v55 =	vmul.f32 v27, v51;
	v51 =	vperm.xlane v17, v2  }
0xf3: {  	v54 =	vld [tilespmem:s23+$0x110];
	v20 =	vadd.f32 v62, v20;
	v23 =	vadd.f32 v26, v23;
	v26 =	vmul.f32 v40, v56  }
0xf4: {  	v29 =	vld [tilespmem:s23+$0xB0];
	v21 =	vadd.f32 v43, v21;
	v63 =	vmul.f32 v42, v59;
	v42 =	vmul.f32 v37, v18  }
0xf5: {  	v36 =	vld [tilespmem:s23+$0x2A0];
	v22 =	vadd.f32 v45, v22;
	v43 =	vperm.xlane v17, v0;
	v18 =	vmul.f32 v31, v18  }
0xf6: {  	v44 =	vld [tilespmem:s23+$0x180];
	v56 =	vmul.f32 v25, v51;
	v57 =	vmul.f32 v57, v51;
	v20 =	vadd.f32 v47, v20  }
0xf7: {  	v41 =	vld [tilespmem:s23+$0x170];
	v21 =	vadd.f32 v50, v21;
	v22 =	vadd.f32 v53, v22;
	v45 =	vmul.f32 v46, v43  }
0xf8: {  	v62 =	vld [tilespmem:s23+$0x150];
	v23 =	vadd.f32 v30, v23;
	v46 =	vperm.xlane v17, v1;
	v48 =	vmul.f32 v49, v43  }
0xf9: {  	v47 =	vld [tilespmem:s23+$0x1A0];
	v40 =	vmul.f32 v29, v59;
	v20 =	vadd.f32 v55, v20;
	v21 =	vadd.f32 v58, v21  }
0xfa: {  	v49 =	vld [tilespmem:s23+$0x1B0];
	v22 =	vadd.f32 v61, v22;
	v53 =	vmul.f32 v54, v46;
	v54 =	vperm.xlane v17, v3  }
0xfb: {  	v43 =	vld [tilespmem:s23+$0x220];
	v23 =	vadd.f32 v26, v23;
	v50 =	vmul.f32 v52, v46;
	v20 =	vadd.f32 v63, v20  }
0xfc: {  	v26 =	vld [tilespmem:s23+$0x190];
	v21 =	vadd.f32 v40, v21;
	v22 =	vadd.f32 v42, v22;
	v59 =	vmul.f32 v60, v54  }
0xfd: {  	v52 =	vld [tilespmem:s23+$0x1C0];
	v18 =	vadd.f32 v18, v23;
	v60 =	vperm.xlane v17, v4;
	v62 =	vmul.f32 v62, v54  }
0xfe: {  	v55 =	vld [tilespmem:s23+$0x1D0];
	v42 =	vperm.xlane v17, v6;
	v20 =	vadd.f32 v45, v20;
	v21 =	vadd.f32 v48, v21  }
0xff: {  	v58 =	vld [tilespmem:s23+$0x1E0];
	v22 =	vadd.f32 v50, v22;
	v38 =	vmul.f32 v39, v60;
	v39 =	vperm.xlane v17, v5  }
0x100: {  	v61 =	vld [tilespmem:s23+$0x1F0];
	v18 =	vadd.f32 v53, v18;
	v41 =	vmul.f32 v41, v60;
	v46 =	vmul.f32 v47, v42  }
0x101: {  	(xrf2) =	vadd.scan.msk.f32 $0xffff, v19;
	v63 =	vld [tilespmem:s23+$0x200];
	v47 =	vperm.xlane v17, v7;
	v49 =	vmul.f32 v49, v42;
	v20 =	vadd.f32 v56, v20  }
0x102: {  	v40 =	vld [tilespmem:s23+$0x210];
	v21 =	vadd.f32 v57, v21;
	v44 =	vmul.f32 v44, v39;
	v23 =	vmul.f32 v26, v39  }
0x103: {  	v50 =	vld [tilespmem:s23+$0x250];
	v37 =	vadd.f32 v59, v22;
	v51 =	vmul.f32 v52, v47;
	v52 =	vperm.xlane v17, v8  }
0x104: {  	v45 =	vld [tilespmem:s23+$0x230];
	v18 =	vadd.f32 v62, v18;
	v54 =	vmul.f32 v55, v47;
	v55 =	vperm.xlane v17, v9  }
0x105: {  	v48 =	vld [tilespmem:s23+$0x240];
	v39 =	vperm.xlane v17, v11;
	v20 =	vadd.f32 v38, v20;
	v57 =	vmul.f32 v58, v52  }
0x106: {  	v53 =	vld [tilespmem:s23+$0x260];
	v21 =	vadd.f32 v41, v21;
	v58 =	vmul.f32 v61, v52;
	v60 =	vmul.f32 v63, v55  }
0x107: {  	v56 =	vld [tilespmem:s23+$0x270];
	v19 =	vadd.f32 v44, v37;
	v61 =	vperm.xlane v17, v10;
	v63 =	vmul.f32 v40, v55  }
0x108: {  	v59 =	vld [tilespmem:s23+$0x280];
	v18 =	vadd.f32 v23, v18;
	v44 =	vperm.xlane v17, v12;
	v23 =	vmul.f32 v50, v39  }
0x109: {  	v62 =	vld [tilespmem:s23+$0x290];
	v20 =	vadd.f32 v46, v20;
	v38 =	vmul.f32 v43, v61;
	v41 =	vmul.f32 v45, v61  }
0x10a: {  	v42 =	vld [tilespmem:s23+$0x2C0];
	v21 =	vadd.f32 v49, v21;
	v43 =	vmul.f32 v48, v39;
	v46 =	vperm.xlane v17, v13  }
0x10b: {  	v47 =	vld [tilespmem:s23+$0x2E0];
	v19 =	vadd.f32 v51, v19;
	v37, _, _ =	vpop (xrf2);
	v48 =	vmul.f32 v53, v44;
	v51 =	vperm.xlane v17, v14  }
0x10c: {  	v40 =	vld [tilespmem:s23+$0x2B0];
	v18 =	vadd.f32 v54, v18;
	v17 =	vperm.xlane v17, v15;
	v31 =	vbroadcast v37, $0xF  }
0x10d: {  	v52 =	vld [tilespmem:s23+$0x300];
	v26 =	vmul.f32 v56, v44;
	v20 =	vadd.f32 v57, v20;
	v50 =	vmul.f32 v59, v46  }
0x10e: {  	v45 =	vld [tilespmem:s23+$0x2D0];
	v21 =	vadd.f32 v58, v21;
	v53 =	vmul.f32 v62, v46;
	v55 =	vmul.f32 v36, v51  }
0x10f: {  	v49 =	vld [tilespmem:s23+$0x2F0];
	v19 =	vadd.f32 v60, v19;
	v25 =	vmul.f32 v42, v17;
	v58 =	vperm.xlane v16, v0  }
0x110: {  	v54 =	vld [tilespmem:s23+$0x310];
	v18 =	vadd.f32 v63, v18;
	v16 =	vperm.xlane v16, v1;
	(erf) = vrcp.f32 v31  }
0x111: {  	v56 =	vld [tilespmem:s16+$0xFFFFFFF0];
	v57 =	vmul.f32 v40, v51;
	v20 =	vadd.f32 v38, v20;
	v19 =	vadd.f32 v43, v19  }
0x112: {  	v21 =	vadd.f32 v41, v21;
	v18 =	vadd.f32 v23, v18;
	v59 =	vmul.f32 v47, v58  }
0x113: {  	v60 =	vmul.f32 v52, v16;
	v20 =	vadd.f32 v48, v20;
	v19 =	vadd.f32 v50, v19  }
0x114: {  	v17 =	vmul.f32 v45, v17;
	v21 =	vadd.f32 v26, v21;
	v18 =	vadd.f32 v53, v18  }
0x115: {  	v61 =	vmul.f32 v49, v58;
	v20 =	vadd.f32 v55, v20;
	v19 =	vadd.f32 v25, v19  }
0x116: {  	v16 =	vmul.f32 v54, v16;
	[tilespmem:s24+$0x1B540] =	vst v56;
	v21 =	vadd.f32 v57, v21;
	v17 =	vadd.f32 v17, v18  }
0x117: {  	v62 =	vld [tilespmem:s16+$0x0];
	v20 =	vadd.f32 v59, v20;
	v19 =	vadd.f32 v60, v19  }
0x118: {  	v18 =	vadd.f32 v61, v21;
	v16 =	vadd.f32 v16, v17  }
0x119: {  	p0 =	sne.s32 s22, $0x1F00;
	v17 =	vadd.f32 v19, v20  }
.Ltmp0:
0x11a: {  	v63 =	vpop (erf);
	v16 =	vadd.f32 v16, v18;
	(pc) =	sbr.rel @p0 .LBB2_3-.Ltmp0, $4  }
0x11b: {  	v17 =	vmul.f32 v17, v63  }
0x11c: {  	[tilespmem:s24+$0x1B550] =	vst v62;
	v16 =	vmul.f32 v16, v63  }
0x11d: {  	[tilespmem:s24+$0x1B560] =	vst v17  }
0x11e: {  	s22 =	sadd.s32 $0x100, s22;
	s23 =	sadd.s32 $0x640, s23;
	s16 =	sadd.s32 $0x20, s16;
	[tilespmem:s24+$0x1B570] =	vst v16  }
0x11f: {  	s16 =	sshll.u32 s19, $0x9;
	p0 =	seq.s32 s19, $0x7  }
.Ltmp1:
0x120: {  	s16 =	sadd.s32 s16, s11;
	(pc) =	sbr.rel @p0 .LBB2_6-.Ltmp1, $4  }
0x121: {  	[hbm4b:s16+s4] =	stream.linear.scatter [tilespmem:s10], [sflag:$0x3], $0x800, $0x38;
	[tilespmem:$0x1C540] =	vst v63  }
0x122: {  	_ =	swait.ge [sflag:s15], $0x800  }
0x123: {  	[sflag:s15] =	ssyncset.done $0x0  }
0x124: {  	[sflag:s15] =	ssyncadd.s32 $0xFFFFF800  }
0x125: {  	s16 =	rddreg [dreg:$0x7]  }
0x126: {  	s16 =	sadd.s32 s21, s16  }
0x127: {  	s21 =	sshrl.u32 s16, $0x1  }
0x128: {  	s21 =	smul.u32 $0xD, s21;
	_ =	sdelay $0x1  }
0x129: {  	s21 =	sadd.s32 s5, s21  }
0x12a: {  	[tilespmem:s4], [sflag:$0x3] =	stream.linear.gather [hbm4b:s21+s4], $0x680, $0x38;
	[tilespmem:$0x1C540] =	vst v63  }
0x12b: {  	_ =	swait.ge [sflag:s15], $0x680  }
0x12c: {  	s23 =	sshrl.u32 s16, $0x3;
	[sflag:s15] =	ssyncset.done $0x0  }
0x12d: {  	s22 =	simm.s32 $0xD00;
	s21 =	sadd.s32 s1, s23;
	[sflag:s15] =	ssyncadd.s32 $0xFFFFF980  }
0x12e: {  	[tilespmem:s22], [sflag:$0x3] =	stream.linear.gather [hbm4b:s21+s4], $0x20, $0x38;
	[tilespmem:$0x1C540] =	vst v63  }
0x12f: {  	_ =	swait.ge [sflag:s15], $0x20  }
0x130: {  	s16 =	sshll.u32 s16, $0x3;
	[sflag:s15] =	ssyncset.done $0x0  }
0x131: {  	s24 =	simm.s32 $0xD40;
	s16 =	sadd.s32 s3, s16;
	[sflag:s15] =	ssyncadd.s32 $0xFFFFFFE0  }
0x132: {  	[tilespmem:s24], [sflag:$0x3] =	stream.linear.gather [hbm4b:s16+s4], $0x800, $0x38;
	[tilespmem:$0x1C540] =	vst v63  }
0x133: {  	_ =	swait.ge [sflag:s15], $0x800  }
0x134: {  	[sflag:s15] =	ssyncset.done $0x0  }
0x135: {  	s21 =	simm.s32 $0x1D40;
	[sflag:s15] =	ssyncadd.s32 $0xFFFFF800  }
0x136: {  	[tilespmem:s21], [sflag:$0x1] =	stream.indirect.gather [hbm4b:s6+s18], $0x20, s4, s18, $0xb8;
	[tilespmem:$0x1C540] =	vst v63  }
0x137: {  	s23 =	simm.s32 $0x68;
	s24 =	simm.s32 $0x29C0  }
0x138: {  	[tilespmem:s24], [sflag:$0x1] =	stream.indirect.gather [hbm4b:s6+s18], $0x20, s23, s18, $0xb8;
	[tilespmem:$0x1C540] =	vst v63  }
0x139: {  	s23 =	simm.s32 $0xD0;
	s24 =	simm.s32 $0x3640  }
0x13a: {  	[tilespmem:s24], [sflag:$0x1] =	stream.indirect.gather [hbm4b:s6+s18], $0x20, s23, s18, $0xb8;
	[tilespmem:$0x1C540] =	vst v63  }
0x13b: {  	s23 =	simm.s32 $0x138;
	s24 =	simm.s32 $0x42C0  }
0x13c: {  	[tilespmem:s24], [sflag:$0x1] =	stream.indirect.gather [hbm4b:s6+s18], $0x20, s23, s18, $0xb8;
	[tilespmem:$0x1C540] =	vst v63  }
0x13d: {  	s23 =	simm.s32 $0x1A0;
	s24 =	simm.s32 $0x4F40  }
0x13e: {  	[tilespmem:s24], [sflag:$0x1] =	stream.indirect.gather [hbm4b:s6+s18], $0x20, s23, s18, $0xb8;
	[tilespmem:$0x1C540] =	vst v63  }
0x13f: {  	s23 =	simm.s32 $0x208;
	s24 =	simm.s32 $0x5BC0  }
0x140: {  	[tilespmem:s24], [sflag:$0x1] =	stream.indirect.gather [hbm4b:s6+s18], $0x20, s23, s18, $0xb8;
	[tilespmem:$0x1C540] =	vst v63  }
0x141: {  	s23 =	simm.s32 $0x270;
	s24 =	simm.s32 $0x6840  }
0x142: {  	[tilespmem:s24], [sflag:$0x1] =	stream.indirect.gather [hbm4b:s6+s18], $0x20, s23, s18, $0xb8;
	[tilespmem:$0x1C540] =	vst v63  }
0x143: {  	s23 =	simm.s32 $0x2D8;
	s24 =	simm.s32 $0x74C0  }
0x144: {  	[tilespmem:s24], [sflag:$0x1] =	stream.indirect.gather [hbm4b:s6+s18], $0x20, s23, s18, $0xb8;
	[tilespmem:$0x1C540] =	vst v63  }
0x145: {  	s23 =	simm.s32 $0x340;
	s24 =	simm.s32 $0x8140  }
0x146: {  	[tilespmem:s24], [sflag:$0x1] =	stream.indirect.gather [hbm4b:s6+s18], $0x20, s23, s18, $0xb8;
	[tilespmem:$0x1C540] =	vst v63  }
0x147: {  	s23 =	simm.s32 $0x3A8;
	s24 =	simm.s32 $0x8DC0  }
0x148: {  	[tilespmem:s24], [sflag:$0x1] =	stream.indirect.gather [hbm4b:s6+s18], $0x20, s23, s18, $0xb8;
	[tilespmem:$0x1C540] =	vst v63  }
0x149: {  	s23 =	simm.s32 $0x410;
	s24 =	simm.s32 $0x9A40  }
0x14a: {  	[tilespmem:s24], [sflag:$0x1] =	stream.indirect.gather [hbm4b:s6+s18], $0x20, s23, s18, $0xb8;
	[tilespmem:$0x1C540] =	vst v63  }
0x14b: {  	s23 =	simm.s32 $0x478;
	s24 =	simm.s32 $0xA6C0  }
0x14c: {  	[tilespmem:s24], [sflag:$0x1] =	stream.indirect.gather [hbm4b:s6+s18], $0x20, s23, s18, $0xb8;
	[tilespmem:$0x1C540] =	vst v63  }
0x14d: {  	s23 =	simm.s32 $0x4E0;
	s24 =	simm.s32 $0xB340  }
0x14e: {  	[tilespmem:s24], [sflag:$0x1] =	stream.indirect.gather [hbm4b:s6+s18], $0x20, s23, s18, $0xb8;
	[tilespmem:$0x1C540] =	vst v63  }
0x14f: {  	s23 =	simm.s32 $0x548;
	s24 =	simm.s32 $0xBFC0  }
0x150: {  	[tilespmem:s24], [sflag:$0x1] =	stream.indirect.gather [hbm4b:s6+s18], $0x20, s23, s18, $0xb8;
	[tilespmem:$0x1C540] =	vst v63  }
0x151: {  	s23 =	simm.s32 $0x5B0;
	s24 =	simm.s32 $0xCC40  }
0x152: {  	[tilespmem:s24], [sflag:$0x1] =	stream.indirect.gather [hbm4b:s6+s18], $0x20, s23, s18, $0xb8;
	[tilespmem:$0x1C540] =	vst v63  }
0x153: {  	s21 =	simm.s32 $0x618;
	s23 =	simm.s32 $0xD8C0  }
0x154: {  	[tilespmem:s23], [sflag:$0x1] =	stream.indirect.gather [hbm4b:s6+s18], $0x20, s21, s18, $0xb8;
	[tilespmem:$0x1C540] =	vst v63  }
0x155: {  	s24 =	simm.s32 $0x1AD40  }
0x156: {  	[tilespmem:s24], [sflag:$0x1] =	stream.indirect.gather [hbm4b:s6+s0], $0x20, s22, s0, $0xb8;
	[tilespmem:$0x1C540] =	vst v63  }
.LBB2_6:
0x157: {  	_ =	swait.ge [sflag:s13], $0xC80  }
0x158: {  	[sflag:s13] =	ssyncset.done $0x0  }
0x159: {  	[sflag:s13] =	ssyncadd.s32 $0xFFFFF380  }
0x15a: {  	_ =	swait.ge [sflag:s13], $0xC80  }
0x15b: {  	[sflag:s13] =	ssyncset.done $0x0  }
0x15c: {  	[sflag:s13] =	ssyncadd.s32 $0xFFFFF380  }
0x15d: {  	_ =	swait.ge [sflag:s13], $0xC80  }
0x15e: {  	[sflag:s13] =	ssyncset.done $0x0  }
0x15f: {  	[sflag:s13] =	ssyncadd.s32 $0xFFFFF380  }
0x160: {  	_ =	swait.ge [sflag:s13], $0xC80  }
0x161: {  	[sflag:s13] =	ssyncset.done $0x0  }
0x162: {  	[sflag:s13] =	ssyncadd.s32 $0xFFFFF380  }
0x163: {  	_ =	swait.ge [sflag:s13], $0xC80  }
0x164: {  	[sflag:s13] =	ssyncset.done $0x0  }
0x165: {  	[sflag:s13] =	ssyncadd.s32 $0xFFFFF380  }
0x166: {  	_ =	swait.ge [sflag:s13], $0xC80  }
0x167: {  	[sflag:s13] =	ssyncset.done $0x0  }
0x168: {  	[sflag:s13] =	ssyncadd.s32 $0xFFFFF380  }
0x169: {  	_ =	swait.ge [sflag:s13], $0xC80  }
0x16a: {  	[sflag:s13] =	ssyncset.done $0x0  }
0x16b: {  	[sflag:s13] =	ssyncadd.s32 $0xFFFFF380  }
0x16c: {  	_ =	swait.ge [sflag:s13], $0xC80  }
0x16d: {  	[sflag:s13] =	ssyncset.done $0x0  }
0x16e: {  	[sflag:s13] =	ssyncadd.s32 $0xFFFFF380  }
0x16f: {  	_ =	swait.ge [sflag:s13], $0xC80  }
0x170: {  	[sflag:s13] =	ssyncset.done $0x0  }
0x171: {  	[sflag:s13] =	ssyncadd.s32 $0xFFFFF380  }
0x172: {  	_ =	swait.ge [sflag:s13], $0xC80  }
0x173: {  	[sflag:s13] =	ssyncset.done $0x0  }
0x174: {  	[sflag:s13] =	ssyncadd.s32 $0xFFFFF380  }
0x175: {  	_ =	swait.ge [sflag:s13], $0xC80  }
0x176: {  	[sflag:s13] =	ssyncset.done $0x0  }
0x177: {  	[sflag:s13] =	ssyncadd.s32 $0xFFFFF380  }
0x178: {  	_ =	swait.ge [sflag:s13], $0xC80  }
0x179: {  	[sflag:s13] =	ssyncset.done $0x0  }
0x17a: {  	[sflag:s13] =	ssyncadd.s32 $0xFFFFF380  }
0x17b: {  	_ =	swait.ge [sflag:s13], $0xC80  }
0x17c: {  	[sflag:s13] =	ssyncset.done $0x0  }
0x17d: {  	[sflag:s13] =	ssyncadd.s32 $0xFFFFF380  }
0x17e: {  	_ =	swait.ge [sflag:s13], $0xC80  }
0x17f: {  	[sflag:s13] =	ssyncset.done $0x0  }
0x180: {  	[sflag:s13] =	ssyncadd.s32 $0xFFFFF380  }
0x181: {  	_ =	swait.ge [sflag:s13], $0xC80  }
0x182: {  	[sflag:s13] =	ssyncset.done $0x0  }
0x183: {  	[sflag:s13] =	ssyncadd.s32 $0xFFFFF380  }
0x184: {  	_ =	swait.ge [sflag:s13], $0xC80  }
0x185: {  	[sflag:s13] =	ssyncset.done $0x0  }
0x186: {  	[sflag:s13] =	ssyncadd.s32 $0xFFFFF380  }
0x187: {  	_ =	swait.ge [sflag:s13], $0x400  }
0x188: {  	s21 =	simm.s32 $0x0;
	[sflag:s13] =	ssyncset.done $0x0  }
0x189: {  	s16 =	simm.s32 $0x1B150;
	s22 =	simm.s32 $0xE860;
	[sflag:s13] =	ssyncadd.s32 $0xFFFFFC00  }
.LBB2_7:
0x18a: {  	v20 =	vld [tilespmem:s22+$0xFFFFFCE0]  }
0x18b: {  	v21 =	vld [tilespmem:s22+$0xFFFFFCF0]  }
0x18c: {  	v22 =	vld [tilespmem:s22+$0xFFFFFD00]  }
0x18d: {  	v23 =	vld [tilespmem:s22+$0xFFFFFD10]  }
0x18e: {  	v24 =	vld [tilespmem:s22+$0xFFFFFD20]  }
0x18f: {  	v25 =	vld [tilespmem:s22+$0xFFFFFD30]  }
0x190: {  	v26 =	vld [tilespmem:s22+$0xFFFFFD40]  }
0x191: {  	v27 =	vld [tilespmem:s22+$0xFFFFFD50]  }
0x192: {  	v28 =	vld [tilespmem:s22+$0xFFFFFD60]  }
0x193: {  	v29 =	vld [tilespmem:s22+$0xFFFFFD70]  }
0x194: {  	v30 =	vld [tilespmem:s22+$0xFFFFFD80]  }
0x195: {  	v31 =	vld [tilespmem:s22+$0xFFFFFD90]  }
0x196: {  	v32 =	vld [tilespmem:s22+$0xFFFFFDA0]  }
0x197: {  	v33 =	vld [tilespmem:s22+$0xFFFFFDB0]  }
0x198: {  	v34 =	vld [tilespmem:s22+$0xFFFFFDC0]  }
0x199: {  	v35 =	vld [tilespmem:s22+$0xFFFFFDD0]  }
0x19a: {  	s23 =	sshra.s32 s21, $0x2;
	v36 =	vld [tilespmem:s22+$0xFFFFFDE0]  }
0x19b: {  	v19 =	vld [tilespmem:s23+$0x1540]  }
0x19c: {  	v37 =	vld [tilespmem:s22+$0xFFFFFDF0]  }
0x19d: {  	v38 =	vld [tilespmem:s22+$0xFFFFFE00]  }
0x19e: {  	v39 =	vld [tilespmem:s22+$0xFFFFFE10]  }
0x19f: {  	v41 =	vld [tilespmem:s22+$0xFFFFFE20]  }
0x1a0: {  	v42 =	vld [tilespmem:s22+$0xFFFFFE30];
	v40 =	vperm.xlane v19, v0;
	v43 =	vperm.xlane v19, v1  }
0x1a1: {  	v44 =	vld [tilespmem:s22+$0xFFFFFE40];
	v55 =	vperm.xlane v19, v2;
	v46 =	vperm.xlane v19, v3  }
0x1a2: {  	v45 =	vld [tilespmem:s22+$0xFFFFFE50];
	v57 =	vperm.xlane v19, v4;
	v59 =	vperm.xlane v19, v5  }
0x1a3: {  	v47 =	vld [tilespmem:s22+$0xFFFFFE70];
	v62 =	vperm.xlane v19, v6;
	v50 =	vperm.xlane v19, v7  }
0x1a4: {  	v48 =	vld [tilespmem:s22+$0xFFFFFE90];
	v52 =	vperm.xlane v19, v8;
	v20 =	vmul.f32 v20, v40  }
0x1a5: {  	v18 =	vld [tilespmem:s23+$0x1550];
	v21 =	vmul.f32 v21, v40;
	v22 =	vmul.f32 v22, v43  }
0x1a6: {  	v17 =	vld [tilespmem:s23+$0x1560];
	v23 =	vmul.f32 v23, v43;
	v24 =	vmul.f32 v24, v55  }
0x1a7: {  	v16 =	vld [tilespmem:s23+$0x1570];
	v25 =	vmul.f32 v25, v55;
	v56 =	vmul.f32 v26, v46  }
0x1a8: {  	v43 =	vld [tilespmem:s22+$0xFFFFFE60];
	v58 =	vmul.f32 v27, v46;
	v60 =	vmul.f32 v28, v57  }
0x1a9: {  	v40 =	vld [tilespmem:s22+$0xFFFFFE80];
	v26 =	vmul.f32 v29, v57;
	v61 =	vmul.f32 v30, v59  }
0x1aa: {  	v46 =	vld [tilespmem:s22+$0xFFFFFEA0];
	v63 =	vmul.f32 v31, v59;
	v49 =	vmul.f32 v32, v62  }
0x1ab: {  	v28 =	vld [tilespmem:s22+$0xFFFFFEB0];
	v51 =	vmul.f32 v33, v62;
	v53 =	vmul.f32 v34, v50  }
0x1ac: {  	v30 =	vld [tilespmem:s22+$0xFFFFFEC0];
	v27 =	vmul.f32 v35, v50;
	v55 =	vperm.xlane v19, v9  }
0x1ad: {  	v31 =	vld [tilespmem:s22+$0xFFFFFEE0];
	v54 =	vmul.f32 v36, v52;
	v50 =	vperm.xlane v19, v13;
	v20 =	vadd.f32 $0.0e+00, v20  }
0x1ae: {  	v32 =	vld [tilespmem:s22+$0xFFFFFEF0];
	v21 =	vadd.f32 $0.0e+00, v21;
	v22 =	vadd.f32 $0.0e+00, v22;
	v57 =	vmul.f32 v38, v55  }
0x1af: {  	v33 =	vld [tilespmem:s22+$0xFFFFFF00];
	v23 =	vadd.f32 $0.0e+00, v23;
	v59 =	vmul.f32 v39, v55;
	v34 =	vmul.f32 v48, v50  }
0x1b0: {  	v35 =	vld [tilespmem:s22+$0xFFFFFF10];
	v55 =	vperm.xlane v19, v15;
	v20 =	vadd.f32 v24, v20;
	v21 =	vadd.f32 v25, v21  }
0x1b1: {  	v36 =	vld [tilespmem:s22+$0xFFFFFF30];
	v22 =	vadd.f32 v56, v22;
	v23 =	vadd.f32 v58, v23;
	v56 =	vmul.f32 v37, v52  }
0x1b2: {  	v38 =	vld [tilespmem:s22+$0xFFFFFF50];
	v58 =	vperm.xlane v19, v10;
	v52 =	vperm.xlane v19, v14;
	v20 =	vadd.f32 v60, v20  }
0x1b3: {  	v39 =	vld [tilespmem:s22+$0xFFFFFFE0];
	v21 =	vadd.f32 v26, v21;
	v22 =	vadd.f32 v61, v22;
	v60 =	vperm.xlane v19, v11  }
0x1b4: {  	v37 =	vld [tilespmem:s22+$0xFFFFFF40];
	v23 =	vadd.f32 v63, v23;
	v61 =	vmul.f32 v41, v58;
	v29 =	vmul.f32 v42, v58  }
0x1b5: {  	v25 =	vld [tilespmem:s22+$0x120];
	v63 =	vperm.xlane v19, v12;
	v58 =	vperm.xlane v18, v0;
	v19 =	vadd.f32 v18, v19  }
0x1b6: {  	v26 =	vld [tilespmem:s22+$0xFFFFFED0];
	v20 =	vadd.f32 v49, v20;
	v21 =	vadd.f32 v51, v21;
	v62 =	vmul.f32 v44, v60  }
0x1b7: {  	v41 =	vld [tilespmem:s22+$0xFFFFFF60];
	v22 =	vadd.f32 v53, v22;
	v45 =	vmul.f32 v45, v60;
	v49 =	vmul.f32 v43, v63  }
0x1b8: {  	v42 =	vld [tilespmem:s22+$0xFFFFFF80];
	v23 =	vadd.f32 v27, v23;
	v51 =	vmul.f32 v47, v63;
	v53 =	vmul.f32 v40, v50  }
0x1b9: {  	v27 =	vld [tilespmem:s22+$0xFFFFFF20];
	v60 =	vperm.xlane v18, v1;
	v63 =	vperm.xlane v18, v2;
	v20 =	vadd.f32 v54, v20  }
0x1ba: {  	v43 =	vld [tilespmem:s22+$0xFFFFFF90];
	v21 =	vadd.f32 v56, v21;
	v54 =	vmul.f32 v46, v52;
	v56 =	vmul.f32 v28, v52  }
0x1bb: {  	v40 =	vld [tilespmem:s22+$0xFFFFFFA0];
	v22 =	vadd.f32 v57, v22;
	v57 =	vmul.f32 v30, v55;
	v30 =	vmul.f32 v32, v58  }
0x1bc: {  	v47 =	vld [tilespmem:s22+$0x20];
	v19 =	vadd.f32 v17, v19;
	v35 =	vmul.f32 v35, v60;
	v46 =	vperm.xlane v18, v3  }
0x1bd: {  	v23 =	vadd.f32 v59, v23;
	v28 =	vld [tilespmem:s22+$0xFFFFFFC0];
	v48 =	vmul.f32 v36, v63;
	v52 =	vperm.xlane v18, v5  }
0x1be: {  	v36 =	vld [tilespmem:s22+$0x40];
	v19 =	vadd.f32 v16, v19;
	v59 =	vmul.f32 v26, v55;
	v55 =	vperm.xlane v18, v6  }
0x1bf: {  	v32 =	vld [tilespmem:s22+$0x70];
	v20 =	vadd.f32 v61, v20;
	v21 =	vadd.f32 v29, v21;
	v61 =	vmul.f32 v31, v58  }
0x1c0: {  	v26 =	vld [tilespmem:s22+$0x10];
	v22 =	vadd.f32 v62, v22;
	v62 =	vmul.f32 v33, v60;
	v50 =	vmul.f32 v37, v46  }
0x1c1: {  	v29 =	vld [tilespmem:s22+$0xFFFFFF70];
	v23 =	vadd.f32 v45, v23;
	v60 =	vperm.xlane v18, v8;
	v44 =	vmul.f32 v27, v63  }
0x1c2: {  	v45 =	vld [tilespmem:s22+$0xFFFFFFB0];
	v27 =	vmul.f32 v38, v46;
	v58 =	vmul.f32 v40, v55;
	v20 =	vadd.f32 v49, v20  }
0x1c3: {  	v31 =	vld [tilespmem:s22+$0xFFFFFFF0];
	v21 =	vadd.f32 v51, v21;
	v22 =	vadd.f32 v53, v22;
	v49 =	vperm.xlane v18, v4  }
0x1c4: {  	v33 =	vld [tilespmem:s22+$0x0];
	v63 =	vperm.xlane v18, v9;
	v23 =	vadd.f32 v34, v23;
	v20 =	vadd.f32 v54, v20  }
0x1c5: {  	v37 =	vld [tilespmem:s22+$0xC0];
	v21 =	vadd.f32 v56, v21;
	v51 =	vmul.f32 v41, v49;
	v54 =	vmul.f32 v42, v52  }
0x1c6: {  	v34 =	vld [tilespmem:s22+$0xFFFFFFD0];
	v22 =	vadd.f32 v57, v22;
	v56 =	vmul.f32 v43, v52;
	v57 =	vperm.xlane v18, v7  }
0x1c7: {  	v38 =	vld [tilespmem:s22+$0x50];
	v23 =	vadd.f32 v59, v23;
	v26 =	vmul.f32 v26, v63;
	v53 =	vmul.f32 v29, v49  }
0x1c8: {  	v40 =	vld [tilespmem:s22+$0x90];
	v29 =	vmul.f32 v45, v55;
	v43 =	vmul.f32 v31, v60;
	v20 =	vadd.f32 v61, v20  }
0x1c9: {  	v46 =	vld [tilespmem:s22+$0xE0];
	v45 =	vmul.f32 v33, v63;
	v21 =	vadd.f32 v30, v21;
	v22 =	vadd.f32 v62, v22  }
0x1ca: {  	v41 =	vld [tilespmem:s22+$0x80];
	v23 =	vadd.f32 v35, v23;
	v59 =	vmul.f32 v28, v57;
	v62 =	vmul.f32 v39, v60  }
0x1cb: {  	v35 =	vld [tilespmem:s22+$0x30];
	v61 =	vmul.f32 v34, v57;
	v20 =	vadd.f32 v44, v20;
	v21 =	vadd.f32 v48, v21  }
0x1cc: {  	v42 =	vld [tilespmem:s22+$0xA0];
	v22 =	vadd.f32 v50, v22;
	v23 =	vadd.f32 v27, v23;
	v44 =	vperm.xlane v18, v10  }
0x1cd: {  	v52 =	vld [tilespmem:s22+$0x100];
	v48 =	vperm.xlane v18, v11;
	v20 =	vadd.f32 v51, v20;
	v21 =	vadd.f32 v53, v21  }
0x1ce: {  	v27 =	vld [tilespmem:s22+$0x60];
	v22 =	vadd.f32 v54, v22;
	v47 =	vmul.f32 v47, v44;
	v51 =	vperm.xlane v18, v12  }
0x1cf: {  	v31 =	vld [tilespmem:s22+$0xD0];
	v23 =	vadd.f32 v56, v23;
	v53 =	vmul.f32 v36, v48;
	v30 =	vmul.f32 v38, v48  }
0x1d0: {  	v49 =	vld [tilespmem:s22+$0xF0];
	v56 =	vperm.xlane v18, v13;
	v50 =	vmul.f32 v35, v44;
	v20 =	vadd.f32 v58, v20  }
0x1d1: {  	v60 =	vld [tilespmem:s22+$0x140];
	v22 =	vadd.f32 v59, v22;
	v58 =	vmul.f32 v32, v51;
	v59 =	vperm.xlane v18, v14  }
0x1d2: {  	v57 =	vld [tilespmem:s22+$0x130];
	v23 =	vadd.f32 v61, v23;
	v61 =	vmul.f32 v41, v56;
	v18 =	vperm.xlane v18, v15  }
0x1d3: {  	v39 =	vld [tilespmem:s22+$0x160];
	v21 =	vadd.f32 v29, v21;
	v55 =	vmul.f32 v27, v51;
	v51 =	vperm.xlane v17, v2  }
0x1d4: {  	v54 =	vld [tilespmem:s22+$0x110];
	v20 =	vadd.f32 v62, v20;
	v23 =	vadd.f32 v26, v23;
	v26 =	vmul.f32 v40, v56  }
0x1d5: {  	v29 =	vld [tilespmem:s22+$0xB0];
	v21 =	vadd.f32 v43, v21;
	v63 =	vmul.f32 v42, v59;
	v42 =	vmul.f32 v37, v18  }
0x1d6: {  	v36 =	vld [tilespmem:s22+$0x2A0];
	v22 =	vadd.f32 v45, v22;
	v43 =	vperm.xlane v17, v0;
	v18 =	vmul.f32 v31, v18  }
0x1d7: {  	v44 =	vld [tilespmem:s22+$0x180];
	v56 =	vmul.f32 v25, v51;
	v57 =	vmul.f32 v57, v51;
	v20 =	vadd.f32 v47, v20  }
0x1d8: {  	v41 =	vld [tilespmem:s22+$0x170];
	v21 =	vadd.f32 v50, v21;
	v22 =	vadd.f32 v53, v22;
	v45 =	vmul.f32 v46, v43  }
0x1d9: {  	v62 =	vld [tilespmem:s22+$0x150];
	v23 =	vadd.f32 v30, v23;
	v46 =	vperm.xlane v17, v1;
	v48 =	vmul.f32 v49, v43  }
0x1da: {  	v47 =	vld [tilespmem:s22+$0x1A0];
	v40 =	vmul.f32 v29, v59;
	v20 =	vadd.f32 v55, v20;
	v21 =	vadd.f32 v58, v21  }
0x1db: {  	v49 =	vld [tilespmem:s22+$0x1B0];
	v22 =	vadd.f32 v61, v22;
	v53 =	vmul.f32 v54, v46;
	v54 =	vperm.xlane v17, v3  }
0x1dc: {  	v43 =	vld [tilespmem:s22+$0x220];
	v23 =	vadd.f32 v26, v23;
	v50 =	vmul.f32 v52, v46;
	v20 =	vadd.f32 v63, v20  }
0x1dd: {  	v26 =	vld [tilespmem:s22+$0x190];
	v21 =	vadd.f32 v40, v21;
	v22 =	vadd.f32 v42, v22;
	v59 =	vmul.f32 v60, v54  }
0x1de: {  	v52 =	vld [tilespmem:s22+$0x1C0];
	v18 =	vadd.f32 v18, v23;
	v60 =	vperm.xlane v17, v4;
	v62 =	vmul.f32 v62, v54  }
0x1df: {  	v55 =	vld [tilespmem:s22+$0x1D0];
	v42 =	vperm.xlane v17, v6;
	v20 =	vadd.f32 v45, v20;
	v21 =	vadd.f32 v48, v21  }
0x1e0: {  	v58 =	vld [tilespmem:s22+$0x1E0];
	v22 =	vadd.f32 v50, v22;
	v38 =	vmul.f32 v39, v60;
	v39 =	vperm.xlane v17, v5  }
0x1e1: {  	v61 =	vld [tilespmem:s22+$0x1F0];
	v18 =	vadd.f32 v53, v18;
	v41 =	vmul.f32 v41, v60;
	v46 =	vmul.f32 v47, v42  }
0x1e2: {  	(xrf2) =	vadd.scan.msk.f32 $0xffff, v19;
	v63 =	vld [tilespmem:s22+$0x200];
	v47 =	vperm.xlane v17, v7;
	v49 =	vmul.f32 v49, v42;
	v20 =	vadd.f32 v56, v20  }
0x1e3: {  	v40 =	vld [tilespmem:s22+$0x210];
	v21 =	vadd.f32 v57, v21;
	v44 =	vmul.f32 v44, v39;
	v23 =	vmul.f32 v26, v39  }
0x1e4: {  	v50 =	vld [tilespmem:s22+$0x250];
	v37 =	vadd.f32 v59, v22;
	v51 =	vmul.f32 v52, v47;
	v52 =	vperm.xlane v17, v8  }
0x1e5: {  	v45 =	vld [tilespmem:s22+$0x230];
	v18 =	vadd.f32 v62, v18;
	v54 =	vmul.f32 v55, v47;
	v55 =	vperm.xlane v17, v9  }
0x1e6: {  	v48 =	vld [tilespmem:s22+$0x240];
	v39 =	vperm.xlane v17, v11;
	v20 =	vadd.f32 v38, v20;
	v57 =	vmul.f32 v58, v52  }
0x1e7: {  	v53 =	vld [tilespmem:s22+$0x260];
	v21 =	vadd.f32 v41, v21;
	v58 =	vmul.f32 v61, v52;
	v60 =	vmul.f32 v63, v55  }
0x1e8: {  	v56 =	vld [tilespmem:s22+$0x270];
	v19 =	vadd.f32 v44, v37;
	v61 =	vperm.xlane v17, v10;
	v63 =	vmul.f32 v40, v55  }
0x1e9: {  	v59 =	vld [tilespmem:s22+$0x280];
	v18 =	vadd.f32 v23, v18;
	v44 =	vperm.xlane v17, v12;
	v23 =	vmul.f32 v50, v39  }
0x1ea: {  	v62 =	vld [tilespmem:s22+$0x290];
	v20 =	vadd.f32 v46, v20;
	v38 =	vmul.f32 v43, v61;
	v41 =	vmul.f32 v45, v61  }
0x1eb: {  	v42 =	vld [tilespmem:s22+$0x2C0];
	v21 =	vadd.f32 v49, v21;
	v43 =	vmul.f32 v48, v39;
	v46 =	vperm.xlane v17, v13  }
0x1ec: {  	v47 =	vld [tilespmem:s22+$0x2E0];
	v19 =	vadd.f32 v51, v19;
	v37, _, _ =	vpop (xrf2);
	v48 =	vmul.f32 v53, v44;
	v51 =	vperm.xlane v17, v14  }
0x1ed: {  	v40 =	vld [tilespmem:s22+$0x2B0];
	v18 =	vadd.f32 v54, v18;
	v17 =	vperm.xlane v17, v15;
	v31 =	vbroadcast v37, $0xF  }
0x1ee: {  	v52 =	vld [tilespmem:s22+$0x300];
	v26 =	vmul.f32 v56, v44;
	v20 =	vadd.f32 v57, v20;
	v50 =	vmul.f32 v59, v46  }
0x1ef: {  	v45 =	vld [tilespmem:s22+$0x2D0];
	v21 =	vadd.f32 v58, v21;
	v53 =	vmul.f32 v62, v46;
	v55 =	vmul.f32 v36, v51  }
0x1f0: {  	v49 =	vld [tilespmem:s22+$0x2F0];
	v19 =	vadd.f32 v60, v19;
	v25 =	vmul.f32 v42, v17;
	v58 =	vperm.xlane v16, v0  }
0x1f1: {  	v54 =	vld [tilespmem:s22+$0x310];
	v18 =	vadd.f32 v63, v18;
	v16 =	vperm.xlane v16, v1;
	(erf) = vrcp.f32 v31  }
0x1f2: {  	v56 =	vld [tilespmem:s16+$0xFFFFFFF0];
	v57 =	vmul.f32 v40, v51;
	v20 =	vadd.f32 v38, v20;
	v19 =	vadd.f32 v43, v19  }
0x1f3: {  	v21 =	vadd.f32 v41, v21;
	v18 =	vadd.f32 v23, v18;
	v59 =	vmul.f32 v47, v58  }
0x1f4: {  	v60 =	vmul.f32 v52, v16;
	v20 =	vadd.f32 v48, v20;
	v19 =	vadd.f32 v50, v19  }
0x1f5: {  	v17 =	vmul.f32 v45, v17;
	v21 =	vadd.f32 v26, v21;
	v18 =	vadd.f32 v53, v18  }
0x1f6: {  	v61 =	vmul.f32 v49, v58;
	v20 =	vadd.f32 v55, v20;
	v19 =	vadd.f32 v25, v19  }
0x1f7: {  	v16 =	vmul.f32 v54, v16;
	[tilespmem:s23+$0x1BD40] =	vst v56;
	v21 =	vadd.f32 v57, v21;
	v17 =	vadd.f32 v17, v18  }
0x1f8: {  	v62 =	vld [tilespmem:s16+$0x0];
	v20 =	vadd.f32 v59, v20;
	v19 =	vadd.f32 v60, v19  }
0x1f9: {  	v18 =	vadd.f32 v61, v21;
	v16 =	vadd.f32 v16, v17  }
0x1fa: {  	p0 =	sne.s32 s21, $0x1F00;
	v17 =	vadd.f32 v19, v20  }
.Ltmp2:
0x1fb: {  	v63 =	vpop (erf);
	v16 =	vadd.f32 v16, v18;
	(pc) =	sbr.rel @p0 .LBB2_7-.Ltmp2, $4  }
0x1fc: {  	v17 =	vmul.f32 v17, v63  }
0x1fd: {  	[tilespmem:s23+$0x1BD50] =	vst v62;
	v16 =	vmul.f32 v16, v63  }
0x1fe: {  	[tilespmem:s23+$0x1BD60] =	vst v17  }
0x1ff: {  	s21 =	sadd.s32 $0x100, s21;
	s22 =	sadd.s32 $0x640, s22;
	s16 =	sadd.s32 $0x20, s16;
	[tilespmem:s23+$0x1BD70] =	vst v16  }
0x200: {  	s19 =	sadd.s32 $0x1, s19  }
0x201: {  	p0 =	sne.s32 s19, $0x8  }
.Ltmp3:
0x202: {  	s16 =	sadd.s32 s7, s20;
	(pc) =	sbr.rel @p0 .LBB2_2-.Ltmp3, $4  }
0x203: {  	[hbm4b:s16+s4] =	stream.linear.scatter [tilespmem:s17], [sflag:$0x3], $0x800, $0x38;
	[tilespmem:$0x1C540] =	vst v63  }
0x204: {  	_ =	swait.ge [sflag:s15], $0x800  }
0x205: {  	[sflag:s15] =	ssyncset.done $0x0  }
0x206: {  	[sflag:s15] =	ssyncadd.s32 $0xFFFFF800  }
0x207: {  	s19 =	rddreg [dreg:$0x9]  }
0x208: {  	s16 =	rddreg [dreg:$0x8];
	s19 =	sadd.s32 $0x1, s19  }
0x209: {  	p0 =	sne.s32 s19, s16  }
.Ltmp4:
0x20a: {  	_ = 	snop;
	(pc) =	sbr.rel @p0 .LBB2_1-.Ltmp4, $1  }
0x20b: {  	_ =	sdelay $0x3  }
0x20c: {  	_ =	sfence.sel $0x180000  }
0x20d: {  	[bflag:$0x0] =	sbarrier.arrive $0xFFFF  }
0x20e: {  	_ =	strace $0x90000047  }
0x20f: {  	s0 =	stileid.u32;
	[bflag:$0x2] =	sbarrier.arrive $0xFFFF  }
0x210: {  	p0 =	sne.s32 s0, $0x0;
	s0 =	rddreg [dreg:$0x3]  }
0x211: {  	s0 =	sadd.s32 @!p0 $0x100000, s0  }
0x212: {  	[sflag:s0] =	ssyncadd.tile.s32 @!p0 $0x1;
	_ =	shalt  }
.Lfunc_end2:
_tile_overlayer_lowered:
.L_overlay_start_2:
0x213: {  	(tag) =	ssettag $0x2  }
0x214: {  	s0 =	rddreg [dreg:$0x0];
	s2 =	stileid.u32  }
0x215: {  	s1 =	rddreg [dreg:$0x1];
	p0 =	sne.s32 s2, $0x0  }
0x216: {  	s3 =	rddreg [dreg:$0x2];
	[bflag:$0x3] =	sbarrier.arrive $0xFFFF;
	s2 =	simm.s32 @!p0 $0x1C03  }
0x217: {  	[timem:s3], [sflag:s2] =	dma.local @!p0 [hbm:s0], s1  }
0x218: {  	s0 =	simm.s32 @!p0 $0x3  }
0x219: {  	_ =	swait.ge @!p0 [sflag:s0], s1  }
0x21a: {  	s1 =	ssub.s32 @!p0 $0x0, s1;
	[sflag:s0] =	ssyncset.done @!p0 $0x0  }
0x21b: {  	[sflag:s0] =	ssyncadd.s32 @!p0 s1  }
0x21c: {  	[bflag:$0x3] =	sbarrier.arrive $0xFFFF  }
0x21d: {  	_ =	shalt  }

</sc_bundles>
